<compile_context>
chip_gen: v7x
topology: tpu7x:2x2x1
jax: 0.10.2.dev20260603
libtpu: 0.0.44.dev20260713+nightly
codegen_flags: <defaults>
</compile_context>

<pallas_src>
import functools

import jax
import jax.numpy as jnp
import numpy as np
from jax import lax
from jax.experimental import pallas as pl
from jax.experimental.pallas import tpu as pltpu
from jax.experimental.pallas import tpu_sc as plsc

_NC = 2
_NS = 16
_NW = _NC * _NS
_V = 1000000
_D = 64
_B = 4096
_L = 200
_VB_FULL = _V // 128
_VB_MAIN = (_VB_FULL // _NW) * _NW
_R_ROWS = _VB_FULL * 64 + 64


def _positional_encoding_np(max_len, dim):
    position = np.arange(max_len, dtype=np.float64)[:, None]
    i = np.arange(0, dim, 2, dtype=np.float64)[None, :] / dim
    exp_term = 10000.0 ** i
    enc = np.zeros((max_len, dim), dtype=np.float32)
    enc[:, 0::2] = np.sin(position / exp_term)
    enc[:, 1::2] = np.cos(position / exp_term)
    return enc


_CP = pltpu.CompilerParams(use_tc_tiling_on_sc=True, needs_layout_passes=False)
_MESH = dict(core_axis_name="c", subcore_axis_name="s", num_cores=_NC)


@jax.jit
def _pack_table(tt, tailp):
    mesh = plsc.VectorSubcoreMesh(**_MESH)

    @functools.partial(
        pl.kernel,
        out_type=jax.ShapeDtypeStruct((_R_ROWS, 128), jnp.float32),
        mesh=mesh,
        scratch_types=[
            pltpu.VMEM((64, 128), jnp.float32),
            pltpu.VMEM((64, 128), jnp.float32),
            pltpu.VMEM((64, 128), jnp.float32),
            pltpu.VMEM((64, 128), jnp.float32),
            pltpu.SemaphoreType.DMA,
            pltpu.SemaphoreType.DMA,
            pltpu.SemaphoreType.DMA,
            pltpu.SemaphoreType.DMA,
        ],
        compiler_params=_CP,
    )
    def k1(tt_hbm, tailp_hbm, r_hbm, s0, s1, d0, d1, rs0, rs1, ws0, ws1):
        src = (s0, s1)
        dst = (d0, d1)
        rsem = (rs0, rs1)
        wsem = (ws0, ws1)
        wid = lax.axis_index("s") * _NC + lax.axis_index("c")
        iot = lax.broadcasted_iota(jnp.int32, (16,), 0)
        par64 = lax.bitwise_and(iot, 1) * 64
        colj = [iot + g * 16 for g in range(8)]
        pvec = [lax.shift_right_logical(colj[g], 1) for g in range(8)]

        def transpose(sbuf, dbuf):
            @plsc.parallel_loop(0, 16)
            def _(k):
                dm = lax.bitwise_and(iot + k, 15)
                for d0 in range(4):
                    dmd = dm + d0 * 16
                    cs = par64 + dmd
                    for g in range(8):
                        v = plsc.load_gather(sbuf, [dmd, colj[g]])
                        plsc.store_scatter(dbuf, [pvec[g], cs], v)

        def fire_read(k, bu):
            vb = wid + k * _NW
            pltpu.async_copy(
                tt_hbm.at[:, pl.ds(vb * 128, 128)], src[bu], rsem[bu]
            )

        def wait_read(bu):
            pltpu.make_async_copy(
                tt_hbm.at[:, pl.ds(0, 128)], src[bu], rsem[bu]
            ).wait()

        def fire_write(k, bu):
            vb = wid + k * _NW
            pltpu.async_copy(
                dst[bu], r_hbm.at[pl.ds(vb * 64, 64)], wsem[bu]
            )

        def wait_write(bu):
            pltpu.make_async_copy(
                dst[bu], r_hbm.at[pl.ds(0, 64)], wsem[bu]
            ).wait()

        n = _VB_MAIN // _NW
        fire_read(0, 0)

        @pl.loop(0, n, step=2)
        def _(k0):
            for bu in range(2):
                k = k0 + bu
                nb = 1 - bu
                wait_read(bu)
                @pl.when(k + 1 < n)
                def _():
                    fire_read(k + 1, nb)
                @pl.when(k >= 2)
                def _():
                    wait_write(bu)
                transpose(src[bu], dst[bu])
                fire_write(k, bu)

        wait_write(0)
        wait_write(1)

        @pl.when(wid < _VB_FULL - _VB_MAIN)
        def _():
            vb = _VB_MAIN + wid
            pltpu.sync_copy(tt_hbm.at[:, pl.ds(vb * 128, 128)], s0)
            transpose(s0, d0)
            pltpu.sync_copy(d0, r_hbm.at[pl.ds(vb * 64, 64)])

        @pl.when(wid == _NW - 1)
        def _():
            pltpu.sync_copy(tailp_hbm, s1)
            transpose(s1, d1)
            pltpu.sync_copy(d1, r_hbm.at[pl.ds(_VB_FULL * 64, 64)])

    return k1(tt, tailp)


@jax.jit
def _gather_pe(xflat_t, r, pet):
    mesh = plsc.VectorSubcoreMesh(**_MESH)
    n_units = (_L // 8) * (_B // 128) // _NW

    @functools.partial(
        pl.kernel,
        out_type=jax.ShapeDtypeStruct((_L, _D, _B), jnp.float32),
        mesh=mesh,
        scratch_types=[
            pltpu.VMEM((1024,), jnp.int32),
            pltpu.VMEM((1024,), jnp.int32),
            pltpu.VMEM((8192,), jnp.float32),
            pltpu.VMEM((128, 128), jnp.float32),
            pltpu.VMEM((128, 128), jnp.float32),
            pltpu.VMEM((128, 128), jnp.float32),
            pltpu.VMEM((128, 128), jnp.float32),
            pltpu.VMEM((64, 128), jnp.float32),
            pltpu.VMEM((64, 128), jnp.float32),
            pltpu.SemaphoreType.DMA,
            pltpu.SemaphoreType.DMA,
            pltpu.SemaphoreType.DMA,
            pltpu.SemaphoreType.DMA,
            pltpu.SemaphoreType.DMA,
            pltpu.SemaphoreType.DMA,
            pltpu.SemaphoreType.DMA,
            pltpu.SemaphoreType.DMA,
        ],
        compiler_params=_CP,
    )
    def k2(x_hbm, r_hbm, pet_hbm, out_hbm, ti_v, pidx_v, pet_v,
           rows0, rows1, rows2, rows3, ob0, ob1, isem, psem,
           gs0, gs1, gs2, gs3, ws0, ws1):
        rows = (rows0, rows1, rows2, rows3)
        gsem = (gs0, gs1, gs2, gs3)
        obuf = (ob0, ob1)
        wsem = (ws0, ws1)
        wid = lax.axis_index("s") * _NC + lax.axis_index("c")
        iot = lax.broadcasted_iota(jnp.int32, (16,), 0)
        rowi = [iot + g * 16 for g in range(8)]

        def fire_gather(li):
            pltpu.async_copy(
                r_hbm.at[pidx_v.at[pl.ds(li * 128, 128)]],
                rows[li % 4],
                gsem[li % 4],
            )

        def wait_gather(li):
            pltpu.make_async_copy(
                r_hbm.at[pl.ds(0, 128)], rows[li % 4], gsem[li % 4]
            ).wait()

        def wait_store(bu, lg_bb_dummy=None):
            pltpu.make_async_copy(
                obuf[bu], out_hbm.at[0, :, pl.ds(0, 128)], wsem[bu]
            ).wait()

        @pl.loop(0, n_units)
        def _(t):
            u = wid * n_units + t
            lg = lax.div(u, jnp.int32(_B // 128))
            bb = lax.rem(u, jnp.int32(_B // 128))
            for li in range(8):
                pltpu.async_copy(
                    x_hbm.at[pl.ds((lg * 8 + li) * _B + bb * 128, 128)],
                    ti_v.at[pl.ds(li * 128, 128)],
                    isem,
                )
            pltpu.async_copy(
                pet_hbm.at[pl.ds(lg * 8192, 8192)], pet_v, psem
            )
            for li in range(8):
                pltpu.make_async_copy(
                    x_hbm.at[pl.ds(0, 128)],
                    ti_v.at[pl.ds(li * 128, 128)],
                    isem,
                ).wait()
            @plsc.parallel_loop(0, 64, unroll=4)
            def _(q):
                pidx_v[pl.ds(q * 16, 16)] = lax.shift_right_logical(
                    ti_v[pl.ds(q * 16, 16)], 1
                )
            pltpu.make_async_copy(
                pet_hbm.at[pl.ds(0, 8192)], pet_v, psem
            ).wait()
            fire_gather(0)
            fire_gather(1)
            fire_gather(2)

            for li in range(8):
                bu = li % 2
                rb = li % 4
                l = lg * 8 + li
                wait_gather(li)
                if li + 3 < 8:
                    fire_gather(li + 3)
                if li >= 2:
                    wait_store(bu)
                else:
                    @pl.when(t > 0)
                    def _():
                        wait_store(bu)
                parS = []
                for g in range(8):
                    tv = ti_v[pl.ds(li * 128 + g * 16, 16)]
                    parS.append(lax.bitwise_and(tv, 1) * 64)

                @plsc.parallel_loop(0, 16)
                def _(k):
                    dm = lax.bitwise_and(iot + k, 15)
                    for d0 in range(4):
                        dmd = dm + d0 * 16
                        pev = pet_v[pl.ds(li * 1024 + k * 64 + d0 * 16, 16)]
                        for g in range(8):
                            v = plsc.load_gather(
                                rows[rb], [rowi[g], parS[g] + dmd]
                            )
                            plsc.store_scatter(
                                obuf[bu], [dmd, rowi[g]], v + pev
                            )

                pltpu.async_copy(
                    obuf[bu],
                    out_hbm.at[l, :, pl.ds(bb * 128, 128)],
                    wsem[bu],
                )

        wait_store(0)
        wait_store(1)

    return k2(xflat_t, r, pet)


def kernel(x, table):
    b, l = x.shape
    v, d = table.shape
    pe = _positional_encoding_np(l, d)
    lane_k = (np.arange(16)[:, None] + np.arange(16)[None, :]) % 16
    didx = (np.arange(4)[:, None] * 16)[None, :, :] + lane_k[:, None, :]
    pet = jnp.asarray(pe[:, didx].reshape(-1))
    tt = jnp.swapaxes(table, 0, 1)
    tailp = jnp.pad(jnp.swapaxes(table[_VB_FULL * 128:, :], 0, 1),
                    ((0, 0), (0, 128 - (v - _VB_FULL * 128))))
    xflat_t = jnp.swapaxes(x, 0, 1).reshape(-1)
    r = _pack_table(tt, tailp)
    out5 = _gather_pe(xflat_t, r, pet)
    return jnp.transpose(out5, (2, 0, 1))

# --- scband reference (transcript-rebuilt; emitter-appended) ---
"""Pipeline reference for scband-transformer-embedding-75995151335490 (READ-ONLY COPY).

The authoritative reference and input builder live on the scoring server;
editing this copy changes nothing except your own understanding.
"""

import jax, jax.numpy as jnp
import numpy as np

VOCAB = 1000000
DIM = 64
MAX_LEN = 512
B = 4096
L = 200


def _positional_encoding(max_len, dim):
    position = np.arange(max_len, dtype=np.float64)[:, None]
    i = np.arange(0, dim, 2, dtype=np.float64)[None, :] / dim
    exp_term = 10000.0 ** i
    enc = np.zeros((max_len, dim), dtype=np.float32)
    enc[:, 0::2] = np.sin(position / exp_term)
    enc[:, 1::2] = np.cos(position / exp_term)
    return jnp.asarray(enc)


def setup_inputs(seed: int = 0) -> dict:
    key = jax.random.key(seed)
    k1, k2 = jax.random.split(key)
    x = jax.random.randint(k1, (B, L), 0, VOCAB, dtype=jnp.int32)
    table = jax.random.normal(k2, (VOCAB, DIM), dtype=jnp.float32) * 0.02
    return {"x": x, "table": table}


def reference(x, table):
    # TokenEmbedding: gather rows of the embedding table
    te = jnp.take(table, x, axis=0)  # [B, L, DIM]
    # PositionalEncoding: fixed sinusoidal encoding, sliced to seq_len, broadcast over batch
    seq_len = x.shape[1]
    pe = _positional_encoding(MAX_LEN, DIM)[:seq_len, :][None, :, :]  # [1, L, DIM]
    # Dropout with p=0.0 is the identity
    return te + pe

if __name__ == "__main__":
    import jax
    _d = setup_inputs()
    print(jax.jit(kernel)(*tuple(_d.values())))

</pallas_src>

<mosaic_0001>
#map = affine_map<(d0, d1) -> (0, 0)>
module attributes {stable_mosaic.version = 14 : i64} {
  func.func @k1(%arg0: i32, %arg1: i32, %arg2: memref<64x1000000xf32, #tpu.memory_space<hbm>>, %arg3: memref<64x128xf32, #tpu.memory_space<hbm>>, %arg4: memref<500032x128xf32, #tpu.memory_space<hbm>>, %arg5: memref<64x128xf32, #tpu.memory_space<vmem>>, %arg6: memref<64x128xf32, #tpu.memory_space<vmem>>, %arg7: memref<64x128xf32, #tpu.memory_space<vmem>>, %arg8: memref<64x128xf32, #tpu.memory_space<vmem>>, %arg9: memref<!tpu.dma_semaphore, #tpu.memory_space<semaphore_mem>>, %arg10: memref<!tpu.dma_semaphore, #tpu.memory_space<semaphore_mem>>, %arg11: memref<!tpu.dma_semaphore, #tpu.memory_space<semaphore_mem>>, %arg12: memref<!tpu.dma_semaphore, #tpu.memory_space<semaphore_mem>>) attributes {dimension_semantics = [#tpu.dimension_semantics<core_parallel>, #tpu.dimension_semantics<subcore_parallel>], iteration_bounds = array<i64: 2, 16>, scalar_prefetch = 0 : i64, scratch_operands = 8 : i64, tpu.core_type = #tpu.core_type<sc_vector_subcore>, window_params = [{transform_indices = #map}, {transform_indices = #map}, {transform_indices = #map}]} {
    %mul3A = arith.constant 2 : i32
    %mul3A_0 = arith.muli %arg1, %mul3A : i32
    %add3A = arith.addi %mul3A_0, %arg0 : i32
    %iota3A = tpu.iota {dimensions = array<i32: 0>} : vector<16xi32>
    %and3A = arith.constant 1 : i32
    %and3A_1 = vector.broadcast %and3A : i32 to vector<16xi32>
    %and3A_2 = arith.andi %iota3A, %and3A_1 : vector<16xi32>
    %mul3A_3 = arith.constant 64 : i32
    %mul3A_4 = vector.broadcast %mul3A_3 : i32 to vector<16xi32>
    %mul3A_5 = arith.muli %and3A_2, %mul3A_4 : vector<16xi32>
    %add3A_6 = arith.constant 0 : i32
    %add3A_7 = vector.broadcast %add3A_6 : i32 to vector<16xi32>
    %add3A_8 = arith.addi %iota3A, %add3A_7 : vector<16xi32>
    %add3A_9 = arith.constant 16 : i32
    %add3A_10 = vector.broadcast %add3A_9 : i32 to vector<16xi32>
    %add3A_11 = arith.addi %iota3A, %add3A_10 : vector<16xi32>
    %add3A_12 = arith.constant 32 : i32
    %add3A_13 = vector.broadcast %add3A_12 : i32 to vector<16xi32>
    %add3A_14 = arith.addi %iota3A, %add3A_13 : vector<16xi32>
    %add3A_15 = arith.constant 48 : i32
    %add3A_16 = vector.broadcast %add3A_15 : i32 to vector<16xi32>
    %add3A_17 = arith.addi %iota3A, %add3A_16 : vector<16xi32>
    %add3A_18 = arith.constant 64 : i32
    %add3A_19 = vector.broadcast %add3A_18 : i32 to vector<16xi32>
    %add3A_20 = arith.addi %iota3A, %add3A_19 : vector<16xi32>
    %add3A_21 = arith.constant 80 : i32
    %add3A_22 = vector.broadcast %add3A_21 : i32 to vector<16xi32>
    %add3A_23 = arith.addi %iota3A, %add3A_22 : vector<16xi32>
    %add3A_24 = arith.constant 96 : i32
    %add3A_25 = vector.broadcast %add3A_24 : i32 to vector<16xi32>
    %add3A_26 = arith.addi %iota3A, %add3A_25 : vector<16xi32>
    %add3A_27 = arith.constant 112 : i32
    %add3A_28 = vector.broadcast %add3A_27 : i32 to vector<16xi32>
    %add3A_29 = arith.addi %iota3A, %add3A_28 : vector<16xi32>
    %shift_right_logical3A = arith.constant 1 : i32
    %shift_right_logical3A_30 = vector.broadcast %shift_right_logical3A : i32 to vector<16xi32>
    %shift_right_logical3A_31 = arith.shrui %add3A_8, %shift_right_logical3A_30 : vector<16xi32>
    %shift_right_logical3A_32 = arith.constant 1 : i32
    %shift_right_logical3A_33 = vector.broadcast %shift_right_logical3A_32 : i32 to vector<16xi32>
    %shift_right_logical3A_34 = arith.shrui %add3A_11, %shift_right_logical3A_33 : vector<16xi32>
    %shift_right_logical3A_35 = arith.constant 1 : i32
    %shift_right_logical3A_36 = vector.broadcast %shift_right_logical3A_35 : i32 to vector<16xi32>
    %shift_right_logical3A_37 = arith.shrui %add3A_14, %shift_right_logical3A_36 : vector<16xi32>
    %shift_right_logical3A_38 = arith.constant 1 : i32
    %shift_right_logical3A_39 = vector.broadcast %shift_right_logical3A_38 : i32 to vector<16xi32>
    %shift_right_logical3A_40 = arith.shrui %add3A_17, %shift_right_logical3A_39 : vector<16xi32>
    %shift_right_logical3A_41 = arith.constant 1 : i32
    %shift_right_logical3A_42 = vector.broadcast %shift_right_logical3A_41 : i32 to vector<16xi32>
    %shift_right_logical3A_43 = arith.shrui %add3A_20, %shift_right_logical3A_42 : vector<16xi32>
    %shift_right_logical3A_44 = arith.constant 1 : i32
    %shift_right_logical3A_45 = vector.broadcast %shift_right_logical3A_44 : i32 to vector<16xi32>
    %shift_right_logical3A_46 = arith.shrui %add3A_23, %shift_right_logical3A_45 : vector<16xi32>
    %shift_right_logical3A_47 = arith.constant 1 : i32
    %shift_right_logical3A_48 = vector.broadcast %shift_right_logical3A_47 : i32 to vector<16xi32>
    %shift_right_logical3A_49 = arith.shrui %add3A_26, %shift_right_logical3A_48 : vector<16xi32>
    %shift_right_logical3A_50 = arith.constant 1 : i32
    %shift_right_logical3A_51 = vector.broadcast %shift_right_logical3A_50 : i32 to vector<16xi32>
    %shift_right_logical3A_52 = arith.shrui %add3A_29, %shift_right_logical3A_51 : vector<16xi32>
    %add3A_53 = arith.constant 0 : i32
    %add3A_54 = arith.addi %add3A, %add3A_53 : i32
    %mul3A_55 = arith.constant 128 : i32
    %mul3A_56 = arith.muli %add3A_54, %mul3A_55 : i32
    %dma_start3A = arith.constant 0 : i32
    %dma_start3A_57 = tpu.memref_slice %arg2[%dma_start3A, %mul3A_56] : memref<64x1000000xf32, #tpu.memory_space<hbm>> -> memref<64x128xf32, #tpu.memory_space<hbm>>
    %dma_start3A_58 = arith.constant 0 : i32
    %dma_start3A_59 = tpu.memref_slice %arg2[%dma_start3A_58, %mul3A_56] : memref<64x1000000xf32, #tpu.memory_space<hbm>> -> memref<64x128xf32, #tpu.memory_space<hbm>>
    tpu.enqueue_dma source(%dma_start3A_59 : memref<64x128xf32, #tpu.memory_space<hbm>>) target(%arg5 : memref<64x128xf32, #tpu.memory_space<vmem>>) target_semaphore(%arg9 : memref<!tpu.dma_semaphore, #tpu.memory_space<semaphore_mem>>)
    %scan3A = arith.constant 0 : i32
    %scan3A_60 = arith.constant 122 : i32
    %scan3A_61 = arith.addi %scan3A, %scan3A_60 : i32
    %scan3A_62 = arith.constant 1 : i32
    scf.for %scan3A_81 = %scan3A to %scan3A_61 step %scan3A_62  : i32 {
      %mul3A_82 = arith.constant 2 : i32
      %mul3A_83 = arith.muli %scan3A_81, %mul3A_82 : i32
      %add3A_84 = arith.constant 0 : i32
      %add3A_85 = arith.addi %add3A_84, %mul3A_83 : i32
      %add3A_86 = arith.constant 0 : i32
      %add3A_87 = arith.addi %add3A_85, %add3A_86 : i32
      %dma_wait3A_88 = arith.constant 0 : i32
      %dma_wait3A_89 = arith.constant 0 : i32
      %dma_wait3A_90 = tpu.memref_slice %arg2[%dma_wait3A_88, %dma_wait3A_89] : memref<64x1000000xf32, #tpu.memory_space<hbm>> -> memref<64x128xf32, #tpu.memory_space<hbm>>
      %dma_wait3A_91 = arith.constant 0 : i32
      %dma_wait3A_92 = arith.constant 0 : i32
      %dma_wait3A_93 = tpu.memref_slice %arg2[%dma_wait3A_91, %dma_wait3A_92] : memref<64x1000000xf32, #tpu.memory_space<hbm>> -> memref<64x128xf32, #tpu.memory_space<hbm>>
      tpu.wait_dma2 semaphore(%arg9 : memref<!tpu.dma_semaphore, #tpu.memory_space<semaphore_mem>>) src(%dma_wait3A_93 : memref<64x128xf32, #tpu.memory_space<hbm>>) dst(%arg5 : memref<64x128xf32, #tpu.memory_space<vmem>>)
      %add3A_94 = arith.constant 1 : i32
      %add3A_95 = arith.addi %add3A_87, %add3A_94 : i32
      %lt3A_96 = arith.constant 244 : i32
      %lt3A_97 = arith.cmpi slt, %add3A_95, %lt3A_96 : i32
      %convert_element_type3A_98 = arith.extui %lt3A_97 : i1 to i32
      %cond3A_99 = arith.constant 0 : i32
      %cond3A_100 = arith.cmpi ne, %convert_element_type3A_98, %cond3A_99 : i32
      scf.if %cond3A_100 {
        %add3A_148 = arith.constant 1 : i32
        %add3A_149 = arith.addi %add3A_87, %add3A_148 : i32
        %mul3A_150 = arith.constant 32 : i32
        %mul3A_151 = arith.muli %add3A_149, %mul3A_150 : i32
        %add3A_152 = arith.addi %add3A, %mul3A_151 : i32
        %mul3A_153 = arith.constant 128 : i32
        %mul3A_154 = arith.muli %add3A_152, %mul3A_153 : i32
        %dma_start3A_155 = arith.constant 0 : i32
        %dma_start3A_156 = tpu.memref_slice %arg2[%dma_start3A_155, %mul3A_154] : memref<64x1000000xf32, #tpu.memory_space<hbm>> -> memref<64x128xf32, #tpu.memory_space<hbm>>
        %dma_start3A_157 = arith.constant 0 : i32
        %dma_start3A_158 = tpu.memref_slice %arg2[%dma_start3A_157, %mul3A_154] : memref<64x1000000xf32, #tpu.memory_space<hbm>> -> memref<64x128xf32, #tpu.memory_space<hbm>>
        tpu.enqueue_dma source(%dma_start3A_158 : memref<64x128xf32, #tpu.memory_space<hbm>>) target(%arg6 : memref<64x128xf32, #tpu.memory_space<vmem>>) target_semaphore(%arg10 : memref<!tpu.dma_semaphore, #tpu.memory_space<semaphore_mem>>)
      } else {
      }
      %ge3A = arith.constant 2 : i32
      %ge3A_101 = arith.cmpi sge, %add3A_87, %ge3A : i32
      %convert_element_type3A_102 = arith.extui %ge3A_101 : i1 to i32
      %cond3A_103 = arith.constant 0 : i32
      %cond3A_104 = arith.cmpi ne, %convert_element_type3A_102, %cond3A_103 : i32
      scf.if %cond3A_104 {
        %dma_wait3A_148 = arith.constant 0 : i32
        %dma_wait3A_149 = arith.constant 0 : i32
        %dma_wait3A_150 = tpu.memref_slice %arg4[%dma_wait3A_148, %dma_wait3A_149] : memref<500032x128xf32, #tpu.memory_space<hbm>> -> memref<64x128xf32, #tpu.memory_space<hbm>>
        %dma_wait3A_151 = arith.constant 0 : i32
        %dma_wait3A_152 = arith.constant 0 : i32
        %dma_wait3A_153 = tpu.memref_slice %arg4[%dma_wait3A_151, %dma_wait3A_152] : memref<500032x128xf32, #tpu.memory_space<hbm>> -> memref<64x128xf32, #tpu.memory_space<hbm>>
        tpu.wait_dma2 semaphore(%arg11 : memref<!tpu.dma_semaphore, #tpu.memory_space<semaphore_mem>>) src(%arg7 : memref<64x128xf32, #tpu.memory_space<vmem>>) dst(%dma_wait3A_153 : memref<64x128xf32, #tpu.memory_space<hbm>>)
      } else {
      }
      %parallel_loop3A = arith.constant 0 : i32
      %parallel_loop3A_105 = arith.constant 16 : i32
      %parallel_loop3A_106 = arith.constant 1 : i32
      scf.for %parallel_loop3A_148 = %parallel_loop3A to %parallel_loop3A_105 step %parallel_loop3A_106  : i32 {
        %parallel_loop3A_149 = vector.broadcast %parallel_loop3A_148 : i32 to vector<16xi32>
        %parallel_loop3A_150 = arith.addi %iota3A, %parallel_loop3A_149 : vector<16xi32>
        %parallel_loop3A_151 = arith.constant 15 : i32
        %parallel_loop3A_152 = vector.broadcast %parallel_loop3A_151 : i32 to vector<16xi32>
        %parallel_loop3A_153 = arith.andi %parallel_loop3A_150, %parallel_loop3A_152 : vector<16xi32>
        %parallel_loop3A_154 = arith.constant 0 : i32
        %parallel_loop3A_155 = vector.broadcast %parallel_loop3A_154 : i32 to vector<16xi32>
        %parallel_loop3A_156 = arith.addi %parallel_loop3A_153, %parallel_loop3A_155 : vector<16xi32>
        %parallel_loop3A_157 = arith.addi %mul3A_5, %parallel_loop3A_156 : vector<16xi32>
        %parallel_loop3A_158 = tpu.vector_load_idx %arg5[%parallel_loop3A_156, %add3A_8] : memref<64x128xf32, #tpu.memory_space<vmem>>[vector<16xi32>, vector<16xi32>], vector<16xf32>,
        tpu.vector_store_idx %arg7[%shift_right_logical3A_31, %parallel_loop3A_157], %parallel_loop3A_158 : memref<64x128xf32, #tpu.memory_space<vmem>>[vector<16xi32>, vector<16xi32>], vector<16xf32>,
        %parallel_loop3A_159 = tpu.vector_load_idx %arg5[%parallel_loop3A_156, %add3A_11] : memref<64x128xf32, #tpu.memory_space<vmem>>[vector<16xi32>, vector<16xi32>], vector<16xf32>,
        tpu.vector_store_idx %arg7[%shift_right_logical3A_34, %parallel_loop3A_157], %parallel_loop3A_159 : memref<64x128xf32, #tpu.memory_space<vmem>>[vector<16xi32>, vector<16xi32>], vector<16xf32>,
        %parallel_loop3A_160 = tpu.vector_load_idx %arg5[%parallel_loop3A_156, %add3A_14] : memref<64x128xf32, #tpu.memory_space<vmem>>[vector<16xi32>, vector<16xi32>], vector<16xf32>,
        tpu.vector_store_idx %arg7[%shift_right_logical3A_37, %parallel_loop3A_157], %parallel_loop3A_160 : memref<64x128xf32, #tpu.memory_space<vmem>>[vector<16xi32>, vector<16xi32>], vector<16xf32>,
        %parallel_loop3A_161 = tpu.vector_load_idx %arg5[%parallel_loop3A_156, %add3A_17] : memref<64x128xf32, #tpu.memory_space<vmem>>[vector<16xi32>, vector<16xi32>], vector<16xf32>,
        tpu.vector_store_idx %arg7[%shift_right_logical3A_40, %parallel_loop3A_157], %parallel_loop3A_161 : memref<64x128xf32, #tpu.memory_space<vmem>>[vector<16xi32>, vector<16xi32>], vector<16xf32>,
        %parallel_loop3A_162 = tpu.vector_load_idx %arg5[%parallel_loop3A_156, %add3A_20] : memref<64x128xf32, #tpu.memory_space<vmem>>[vector<16xi32>, vector<16xi32>], vector<16xf32>,
        tpu.vector_store_idx %arg7[%shift_right_logical3A_43, %parallel_loop3A_157], %parallel_loop3A_162 : memref<64x128xf32, #tpu.memory_space<vmem>>[vector<16xi32>, vector<16xi32>], vector<16xf32>,
        %parallel_loop3A_163 = tpu.vector_load_idx %arg5[%parallel_loop3A_156, %add3A_23] : memref<64x128xf32, #tpu.memory_space<vmem>>[vector<16xi32>, vector<16xi32>], vector<16xf32>,
        tpu.vector_store_idx %arg7[%shift_right_logical3A_46, %parallel_loop3A_157], %parallel_loop3A_163 : memref<64x128xf32, #tpu.memory_space<vmem>>[vector<16xi32>, vector<16xi32>], vector<16xf32>,
        %parallel_loop3A_164 = tpu.vector_load_idx %arg5[%parallel_loop3A_156, %add3A_26] : memref<64x128xf32, #tpu.memory_space<vmem>>[vector<16xi32>, vector<16xi32>], vector<16xf32>,
        tpu.vector_store_idx %arg7[%shift_right_logical3A_49, %parallel_loop3A_157], %parallel_loop3A_164 : memref<64x128xf32, #tpu.memory_space<vmem>>[vector<16xi32>, vector<16xi32>], vector<16xf32>,
        %parallel_loop3A_165 = tpu.vector_load_idx %arg5[%parallel_loop3A_156, %add3A_29] : memref<64x128xf32, #tpu.memory_space<vmem>>[vector<16xi32>, vector<16xi32>], vector<16xf32>,
        tpu.vector_store_idx %arg7[%shift_right_logical3A_52, %parallel_loop3A_157], %parallel_loop3A_165 : memref<64x128xf32, #tpu.memory_space<vmem>>[vector<16xi32>, vector<16xi32>], vector<16xf32>,
        %parallel_loop3A_166 = arith.constant 16 : i32
        %parallel_loop3A_167 = vector.broadcast %parallel_loop3A_166 : i32 to vector<16xi32>
        %parallel_loop3A_168 = arith.addi %parallel_loop3A_153, %parallel_loop3A_167 : vector<16xi32>
        %parallel_loop3A_169 = arith.addi %mul3A_5, %parallel_loop3A_168 : vector<16xi32>
        %parallel_loop3A_170 = tpu.vector_load_idx %arg5[%parallel_loop3A_168, %add3A_8] : memref<64x128xf32, #tpu.memory_space<vmem>>[vector<16xi32>, vector<16xi32>], vector<16xf32>,
        tpu.vector_store_idx %arg7[%shift_right_logical3A_31, %parallel_loop3A_169], %parallel_loop3A_170 : memref<64x128xf32, #tpu.memory_space<vmem>>[vector<16xi32>, vector<16xi32>], vector<16xf32>,
        %parallel_loop3A_171 = tpu.vector_load_idx %arg5[%parallel_loop3A_168, %add3A_11] : memref<64x128xf32, #tpu.memory_space<vmem>>[vector<16xi32>, vector<16xi32>], vector<16xf32>,
        tpu.vector_store_idx %arg7[%shift_right_logical3A_34, %parallel_loop3A_169], %parallel_loop3A_171 : memref<64x128xf32, #tpu.memory_space<vmem>>[vector<16xi32>, vector<16xi32>], vector<16xf32>,
        %parallel_loop3A_172 = tpu.vector_load_idx %arg5[%parallel_loop3A_168, %add3A_14] : memref<64x128xf32, #tpu.memory_space<vmem>>[vector<16xi32>, vector<16xi32>], vector<16xf32>,
        tpu.vector_store_idx %arg7[%shift_right_logical3A_37, %parallel_loop3A_169], %parallel_loop3A_172 : memref<64x128xf32, #tpu.memory_space<vmem>>[vector<16xi32>, vector<16xi32>], vector<16xf32>,
        %parallel_loop3A_173 = tpu.vector_load_idx %arg5[%parallel_loop3A_168, %add3A_17] : memref<64x128xf32, #tpu.memory_space<vmem>>[vector<16xi32>, vector<16xi32>], vector<16xf32>,
        tpu.vector_store_idx %arg7[%shift_right_logical3A_40, %parallel_loop3A_169], %parallel_loop3A_173 : memref<64x128xf32, #tpu.memory_space<vmem>>[vector<16xi32>, vector<16xi32>], vector<16xf32>,
        %parallel_loop3A_174 = tpu.vector_load_idx %arg5[%parallel_loop3A_168, %add3A_20] : memref<64x128xf32, #tpu.memory_space<vmem>>[vector<16xi32>, vector<16xi32>], vector<16xf32>,
        tpu.vector_store_idx %arg7[%shift_right_logical3A_43, %parallel_loop3A_169], %parallel_loop3A_174 : memref<64x128xf32, #tpu.memory_space<vmem>>[vector<16xi32>, vector<16xi32>], vector<16xf32>,
        %parallel_loop3A_175 = tpu.vector_load_idx %arg5[%parallel_loop3A_168, %add3A_23] : memref<64x128xf32, #tpu.memory_space<vmem>>[vector<16xi32>, vector<16xi32>], vector<16xf32>,
        tpu.vector_store_idx %arg7[%shift_right_logical3A_46, %parallel_loop3A_169], %parallel_loop3A_175 : memref<64x128xf32, #tpu.memory_space<vmem>>[vector<16xi32>, vector<16xi32>], vector<16xf32>,
        %parallel_loop3A_176 = tpu.vector_load_idx %arg5[%parallel_loop3A_168, %add3A_26] : memref<64x128xf32, #tpu.memory_space<vmem>>[vector<16xi32>, vector<16xi32>], vector<16xf32>,
        tpu.vector_store_idx %arg7[%shift_right_logical3A_49, %parallel_loop3A_169], %parallel_loop3A_176 : memref<64x128xf32, #tpu.memory_space<vmem>>[vector<16xi32>, vector<16xi32>], vector<16xf32>,
        %parallel_loop3A_177 = tpu.vector_load_idx %arg5[%parallel_loop3A_168, %add3A_29] : memref<64x128xf32, #tpu.memory_space<vmem>>[vector<16xi32>, vector<16xi32>], vector<16xf32>,
        tpu.vector_store_idx %arg7[%shift_right_logical3A_52, %parallel_loop3A_169], %parallel_loop3A_177 : memref<64x128xf32, #tpu.memory_space<vmem>>[vector<16xi32>, vector<16xi32>], vector<16xf32>,
        %parallel_loop3A_178 = arith.constant 32 : i32
        %parallel_loop3A_179 = vector.broadcast %parallel_loop3A_178 : i32 to vector<16xi32>
        %parallel_loop3A_180 = arith.addi %parallel_loop3A_153, %parallel_loop3A_179 : vector<16xi32>
        %parallel_loop3A_181 = arith.addi %mul3A_5, %parallel_loop3A_180 : vector<16xi32>
        %parallel_loop3A_182 = tpu.vector_load_idx %arg5[%parallel_loop3A_180, %add3A_8] : memref<64x128xf32, #tpu.memory_space<vmem>>[vector<16xi32>, vector<16xi32>], vector<16xf32>,
        tpu.vector_store_idx %arg7[%shift_right_logical3A_31, %parallel_loop3A_181], %parallel_loop3A_182 : memref<64x128xf32, #tpu.memory_space<vmem>>[vector<16xi32>, vector<16xi32>], vector<16xf32>,
        %parallel_loop3A_183 = tpu.vector_load_idx %arg5[%parallel_loop3A_180, %add3A_11] : memref<64x128xf32, #tpu.memory_space<vmem>>[vector<16xi32>, vector<16xi32>], vector<16xf32>,
        tpu.vector_store_idx %arg7[%shift_right_logical3A_34, %parallel_loop3A_181], %parallel_loop3A_183 : memref<64x128xf32, #tpu.memory_space<vmem>>[vector<16xi32>, vector<16xi32>], vector<16xf32>,
        %parallel_loop3A_184 = tpu.vector_load_idx %arg5[%parallel_loop3A_180, %add3A_14] : memref<64x128xf32, #tpu.memory_space<vmem>>[vector<16xi32>, vector<16xi32>], vector<16xf32>,
        tpu.vector_store_idx %arg7[%shift_right_logical3A_37, %parallel_loop3A_181], %parallel_loop3A_184 : memref<64x128xf32, #tpu.memory_space<vmem>>[vector<16xi32>, vector<16xi32>], vector<16xf32>,
        %parallel_loop3A_185 = tpu.vector_load_idx %arg5[%parallel_loop3A_180, %add3A_17] : memref<64x128xf32, #tpu.memory_space<vmem>>[vector<16xi32>, vector<16xi32>], vector<16xf32>,
        tpu.vector_store_idx %arg7[%shift_right_logical3A_40, %parallel_loop3A_181], %parallel_loop3A_185 : memref<64x128xf32, #tpu.memory_space<vmem>>[vector<16xi32>, vector<16xi32>], vector<16xf32>,
        %parallel_loop3A_186 = tpu.vector_load_idx %arg5[%parallel_loop3A_180, %add3A_20] : memref<64x128xf32, #tpu.memory_space<vmem>>[vector<16xi32>, vector<16xi32>], vector<16xf32>,
        tpu.vector_store_idx %arg7[%shift_right_logical3A_43, %parallel_loop3A_181], %parallel_loop3A_186 : memref<64x128xf32, #tpu.memory_space<vmem>>[vector<16xi32>, vector<16xi32>], vector<16xf32>,
        %parallel_loop3A_187 = tpu.vector_load_idx %arg5[%parallel_loop3A_180, %add3A_23] : memref<64x128xf32, #tpu.memory_space<vmem>>[vector<16xi32>, vector<16xi32>], vector<16xf32>,
        tpu.vector_store_idx %arg7[%shift_right_logical3A_46, %parallel_loop3A_181], %parallel_loop3A_187 : memref<64x128xf32, #tpu.memory_space<vmem>>[vector<16xi32>, vector<16xi32>], vector<16xf32>,
        %parallel_loop3A_188 = tpu.vector_load_idx %arg5[%parallel_loop3A_180, %add3A_26] : memref<64x128xf32, #tpu.memory_space<vmem>>[vector<16xi32>, vector<16xi32>], vector<16xf32>,
        tpu.vector_store_idx %arg7[%shift_right_logical3A_49, %parallel_loop3A_181], %parallel_loop3A_188 : memref<64x128xf32, #tpu.memory_space<vmem>>[vector<16xi32>, vector<16xi32>], vector<16xf32>,
        %parallel_loop3A_189 = tpu.vector_load_idx %arg5[%parallel_loop3A_180, %add3A_29] : memref<64x128xf32, #tpu.memory_space<vmem>>[vector<16xi32>, vector<16xi32>], vector<16xf32>,
        tpu.vector_store_idx %arg7[%shift_right_logical3A_52, %parallel_loop3A_181], %parallel_loop3A_189 : memref<64x128xf32, #tpu.memory_space<vmem>>[vector<16xi32>, vector<16xi32>], vector<16xf32>,
        %parallel_loop3A_190 = arith.constant 48 : i32
        %parallel_loop3A_191 = vector.broadcast %parallel_loop3A_190 : i32 to vector<16xi32>
        %parallel_loop3A_192 = arith.addi %parallel_loop3A_153, %parallel_loop3A_191 : vector<16xi32>
        %parallel_loop3A_193 = arith.addi %mul3A_5, %parallel_loop3A_192 : vector<16xi32>
        %parallel_loop3A_194 = tpu.vector_load_idx %arg5[%parallel_loop3A_192, %add3A_8] : memref<64x128xf32, #tpu.memory_space<vmem>>[vector<16xi32>, vector<16xi32>], vector<16xf32>,
        tpu.vector_store_idx %arg7[%shift_right_logical3A_31, %parallel_loop3A_193], %parallel_loop3A_194 : memref<64x128xf32, #tpu.memory_space<vmem>>[vector<16xi32>, vector<16xi32>], vector<16xf32>,
        %parallel_loop3A_195 = tpu.vector_load_idx %arg5[%parallel_loop3A_192, %add3A_11] : memref<64x128xf32, #tpu.memory_space<vmem>>[vector<16xi32>, vector<16xi32>], vector<16xf32>,
        tpu.vector_store_idx %arg7[%shift_right_logical3A_34, %parallel_loop3A_193], %parallel_loop3A_195 : memref<64x128xf32, #tpu.memory_space<vmem>>[vector<16xi32>, vector<16xi32>], vector<16xf32>,
        %parallel_loop3A_196 = tpu.vector_load_idx %arg5[%parallel_loop3A_192, %add3A_14] : memref<64x128xf32, #tpu.memory_space<vmem>>[vector<16xi32>, vector<16xi32>], vector<16xf32>,
        tpu.vector_store_idx %arg7[%shift_right_logical3A_37, %parallel_loop3A_193], %parallel_loop3A_196 : memref<64x128xf32, #tpu.memory_space<vmem>>[vector<16xi32>, vector<16xi32>], vector<16xf32>,
        %parallel_loop3A_197 = tpu.vector_load_idx %arg5[%parallel_loop3A_192, %add3A_17] : memref<64x128xf32, #tpu.memory_space<vmem>>[vector<16xi32>, vector<16xi32>], vector<16xf32>,
        tpu.vector_store_idx %arg7[%shift_right_logical3A_40, %parallel_loop3A_193], %parallel_loop3A_197 : memref<64x128xf32, #tpu.memory_space<vmem>>[vector<16xi32>, vector<16xi32>], vector<16xf32>,
        %parallel_loop3A_198 = tpu.vector_load_idx %arg5[%parallel_loop3A_192, %add3A_20] : memref<64x128xf32, #tpu.memory_space<vmem>>[vector<16xi32>, vector<16xi32>], vector<16xf32>,
        tpu.vector_store_idx %arg7[%shift_right_logical3A_43, %parallel_loop3A_193], %parallel_loop3A_198 : memref<64x128xf32, #tpu.memory_space<vmem>>[vector<16xi32>, vector<16xi32>], vector<16xf32>,
        %parallel_loop3A_199 = tpu.vector_load_idx %arg5[%parallel_loop3A_192, %add3A_23] : memref<64x128xf32, #tpu.memory_space<vmem>>[vector<16xi32>, vector<16xi32>], vector<16xf32>,
        tpu.vector_store_idx %arg7[%shift_right_logical3A_46, %parallel_loop3A_193], %parallel_loop3A_199 : memref<64x128xf32, #tpu.memory_space<vmem>>[vector<16xi32>, vector<16xi32>], vector<16xf32>,
        %parallel_loop3A_200 = tpu.vector_load_idx %arg5[%parallel_loop3A_192, %add3A_26] : memref<64x128xf32, #tpu.memory_space<vmem>>[vector<16xi32>, vector<16xi32>], vector<16xf32>,
        tpu.vector_store_idx %arg7[%shift_right_logical3A_49, %parallel_loop3A_193], %parallel_loop3A_200 : memref<64x128xf32, #tpu.memory_space<vmem>>[vector<16xi32>, vector<16xi32>], vector<16xf32>,
        %parallel_loop3A_201 = tpu.vector_load_idx %arg5[%parallel_loop3A_192, %add3A_29] : memref<64x128xf32, #tpu.memory_space<vmem>>[vector<16xi32>, vector<16xi32>], vector<16xf32>,
        tpu.vector_store_idx %arg7[%shift_right_logical3A_52, %parallel_loop3A_193], %parallel_loop3A_201 : memref<64x128xf32, #tpu.memory_space<vmem>>[vector<16xi32>, vector<16xi32>], vector<16xf32>,
      } {sc.loop_unroll_factor = 1 : i64, sc.parallel_access}
      %mul3A_107 = arith.constant 32 : i32
      %mul3A_108 = arith.muli %add3A_87, %mul3A_107 : i32
      %add3A_109 = arith.addi %add3A, %mul3A_108 : i32
      %mul3A_110 = arith.constant 64 : i32
      %mul3A_111 = arith.muli %add3A_109, %mul3A_110 : i32
      %dma_start3A_112 = arith.constant 0 : i32
      %dma_start3A_113 = tpu.memref_slice %arg4[%mul3A_111, %dma_start3A_112] : memref<500032x128xf32, #tpu.memory_space<hbm>> -> memref<64x128xf32, #tpu.memory_space<hbm>>
      %dma_start3A_114 = arith.constant 0 : i32
      %dma_start3A_115 = tpu.memref_slice %arg4[%mul3A_111, %dma_start3A_114] : memref<500032x128xf32, #tpu.memory_space<hbm>> -> memref<64x128xf32, #tpu.memory_space<hbm>>
      tpu.enqueue_dma source(%arg7 : memref<64x128xf32, #tpu.memory_space<vmem>>) target(%dma_start3A_115 : memref<64x128xf32, #tpu.memory_space<hbm>>) target_semaphore(%arg11 : memref<!tpu.dma_semaphore, #tpu.memory_space<semaphore_mem>>)
      %add3A_116 = arith.constant 1 : i32
      %add3A_117 = arith.addi %add3A_85, %add3A_116 : i32
      %dma_wait3A_118 = arith.constant 0 : i32
      %dma_wait3A_119 = arith.constant 0 : i32
      %dma_wait3A_120 = tpu.memref_slice %arg2[%dma_wait3A_118, %dma_wait3A_119] : memref<64x1000000xf32, #tpu.memory_space<hbm>> -> memref<64x128xf32, #tpu.memory_space<hbm>>
      %dma_wait3A_121 = arith.constant 0 : i32
      %dma_wait3A_122 = arith.constant 0 : i32
      %dma_wait3A_123 = tpu.memref_slice %arg2[%dma_wait3A_121, %dma_wait3A_122] : memref<64x1000000xf32, #tpu.memory_space<hbm>> -> memref<64x128xf32, #tpu.memory_space<hbm>>
      tpu.wait_dma2 semaphore(%arg10 : memref<!tpu.dma_semaphore, #tpu.memory_space<semaphore_mem>>) src(%dma_wait3A_123 : memref<64x128xf32, #tpu.memory_space<hbm>>) dst(%arg6 : memref<64x128xf32, #tpu.memory_space<vmem>>)
      %add3A_124 = arith.constant 1 : i32
      %add3A_125 = arith.addi %add3A_117, %add3A_124 : i32
      %lt3A_126 = arith.constant 244 : i32
      %lt3A_127 = arith.cmpi slt, %add3A_125, %lt3A_126 : i32
      %convert_element_type3A_128 = arith.extui %lt3A_127 : i1 to i32
      %cond3A_129 = arith.constant 0 : i32
      %cond3A_130 = arith.cmpi ne, %convert_element_type3A_128, %cond3A_129 : i32
      scf.if %cond3A_130 {
        %add3A_148 = arith.constant 1 : i32
        %add3A_149 = arith.addi %add3A_117, %add3A_148 : i32
        %mul3A_150 = arith.constant 32 : i32
        %mul3A_151 = arith.muli %add3A_149, %mul3A_150 : i32
        %add3A_152 = arith.addi %add3A, %mul3A_151 : i32
        %mul3A_153 = arith.constant 128 : i32
        %mul3A_154 = arith.muli %add3A_152, %mul3A_153 : i32
        %dma_start3A_155 = arith.constant 0 : i32
        %dma_start3A_156 = tpu.memref_slice %arg2[%dma_start3A_155, %mul3A_154] : memref<64x1000000xf32, #tpu.memory_space<hbm>> -> memref<64x128xf32, #tpu.memory_space<hbm>>
        %dma_start3A_157 = arith.constant 0 : i32
        %dma_start3A_158 = tpu.memref_slice %arg2[%dma_start3A_157, %mul3A_154] : memref<64x1000000xf32, #tpu.memory_space<hbm>> -> memref<64x128xf32, #tpu.memory_space<hbm>>
        tpu.enqueue_dma source(%dma_start3A_158 : memref<64x128xf32, #tpu.memory_space<hbm>>) target(%arg5 : memref<64x128xf32, #tpu.memory_space<vmem>>) target_semaphore(%arg9 : memref<!tpu.dma_semaphore, #tpu.memory_space<semaphore_mem>>)
      } else {
      }
      %ge3A_131 = arith.constant 2 : i32
      %ge3A_132 = arith.cmpi sge, %add3A_117, %ge3A_131 : i32
      %convert_element_type3A_133 = arith.extui %ge3A_132 : i1 to i32
      %cond3A_134 = arith.constant 0 : i32
      %cond3A_135 = arith.cmpi ne, %convert_element_type3A_133, %cond3A_134 : i32
      scf.if %cond3A_135 {
        %dma_wait3A_148 = arith.constant 0 : i32
        %dma_wait3A_149 = arith.constant 0 : i32
        %dma_wait3A_150 = tpu.memref_slice %arg4[%dma_wait3A_148, %dma_wait3A_149] : memref<500032x128xf32, #tpu.memory_space<hbm>> -> memref<64x128xf32, #tpu.memory_space<hbm>>
        %dma_wait3A_151 = arith.constant 0 : i32
        %dma_wait3A_152 = arith.constant 0 : i32
        %dma_wait3A_153 = tpu.memref_slice %arg4[%dma_wait3A_151, %dma_wait3A_152] : memref<500032x128xf32, #tpu.memory_space<hbm>> -> memref<64x128xf32, #tpu.memory_space<hbm>>
        tpu.wait_dma2 semaphore(%arg12 : memref<!tpu.dma_semaphore, #tpu.memory_space<semaphore_mem>>) src(%arg8 : memref<64x128xf32, #tpu.memory_space<vmem>>) dst(%dma_wait3A_153 : memref<64x128xf32, #tpu.memory_space<hbm>>)
      } else {
      }
      %parallel_loop3A_136 = arith.constant 0 : i32
      %parallel_loop3A_137 = arith.constant 16 : i32
      %parallel_loop3A_138 = arith.constant 1 : i32
      scf.for %parallel_loop3A_148 = %parallel_loop3A_136 to %parallel_loop3A_137 step %parallel_loop3A_138  : i32 {
        %parallel_loop3A_149 = vector.broadcast %parallel_loop3A_148 : i32 to vector<16xi32>
        %parallel_loop3A_150 = arith.addi %iota3A, %parallel_loop3A_149 : vector<16xi32>
        %parallel_loop3A_151 = arith.constant 15 : i32
        %parallel_loop3A_152 = vector.broadcast %parallel_loop3A_151 : i32 to vector<16xi32>
        %parallel_loop3A_153 = arith.andi %parallel_loop3A_150, %parallel_loop3A_152 : vector<16xi32>
        %parallel_loop3A_154 = arith.constant 0 : i32
        %parallel_loop3A_155 = vector.broadcast %parallel_loop3A_154 : i32 to vector<16xi32>
        %parallel_loop3A_156 = arith.addi %parallel_loop3A_153, %parallel_loop3A_155 : vector<16xi32>
        %parallel_loop3A_157 = arith.addi %mul3A_5, %parallel_loop3A_156 : vector<16xi32>
        %parallel_loop3A_158 = tpu.vector_load_idx %arg6[%parallel_loop3A_156, %add3A_8] : memref<64x128xf32, #tpu.memory_space<vmem>>[vector<16xi32>, vector<16xi32>], vector<16xf32>,
        tpu.vector_store_idx %arg8[%shift_right_logical3A_31, %parallel_loop3A_157], %parallel_loop3A_158 : memref<64x128xf32, #tpu.memory_space<vmem>>[vector<16xi32>, vector<16xi32>], vector<16xf32>,
        %parallel_loop3A_159 = tpu.vector_load_idx %arg6[%parallel_loop3A_156, %add3A_11] : memref<64x128xf32, #tpu.memory_space<vmem>>[vector<16xi32>, vector<16xi32>], vector<16xf32>,
        tpu.vector_store_idx %arg8[%shift_right_logical3A_34, %parallel_loop3A_157], %parallel_loop3A_159 : memref<64x128xf32, #tpu.memory_space<vmem>>[vector<16xi32>, vector<16xi32>], vector<16xf32>,
        %parallel_loop3A_160 = tpu.vector_load_idx %arg6[%parallel_loop3A_156, %add3A_14] : memref<64x128xf32, #tpu.memory_space<vmem>>[vector<16xi32>, vector<16xi32>], vector<16xf32>,
        tpu.vector_store_idx %arg8[%shift_right_logical3A_37, %parallel_loop3A_157], %parallel_loop3A_160 : memref<64x128xf32, #tpu.memory_space<vmem>>[vector<16xi32>, vector<16xi32>], vector<16xf32>,
        %parallel_loop3A_161 = tpu.vector_load_idx %arg6[%parallel_loop3A_156, %add3A_17] : memref<64x128xf32, #tpu.memory_space<vmem>>[vector<16xi32>, vector<16xi32>], vector<16xf32>,
        tpu.vector_store_idx %arg8[%shift_right_logical3A_40, %parallel_loop3A_157], %parallel_loop3A_161 : memref<64x128xf32, #tpu.memory_space<vmem>>[vector<16xi32>, vector<16xi32>], vector<16xf32>,
        %parallel_loop3A_162 = tpu.vector_load_idx %arg6[%parallel_loop3A_156, %add3A_20] : memref<64x128xf32, #tpu.memory_space<vmem>>[vector<16xi32>, vector<16xi32>], vector<16xf32>,
        tpu.vector_store_idx %arg8[%shift_right_logical3A_43, %parallel_loop3A_157], %parallel_loop3A_162 : memref<64x128xf32, #tpu.memory_space<vmem>>[vector<16xi32>, vector<16xi32>], vector<16xf32>,
        %parallel_loop3A_163 = tpu.vector_load_idx %arg6[%parallel_loop3A_156, %add3A_23] : memref<64x128xf32, #tpu.memory_space<vmem>>[vector<16xi32>, vector<16xi32>], vector<16xf32>,
        tpu.vector_store_idx %arg8[%shift_right_logical3A_46, %parallel_loop3A_157], %parallel_loop3A_163 : memref<64x128xf32, #tpu.memory_space<vmem>>[vector<16xi32>, vector<16xi32>], vector<16xf32>,
        %parallel_loop3A_164 = tpu.vector_load_idx %arg6[%parallel_loop3A_156, %add3A_26] : memref<64x128xf32, #tpu.memory_space<vmem>>[vector<16xi32>, vector<16xi32>], vector<16xf32>,
        tpu.vector_store_idx %arg8[%shift_right_logical3A_49, %parallel_loop3A_157], %parallel_loop3A_164 : memref<64x128xf32, #tpu.memory_space<vmem>>[vector<16xi32>, vector<16xi32>], vector<16xf32>,
        %parallel_loop3A_165 = tpu.vector_load_idx %arg6[%parallel_loop3A_156, %add3A_29] : memref<64x128xf32, #tpu.memory_space<vmem>>[vector<16xi32>, vector<16xi32>], vector<16xf32>,
        tpu.vector_store_idx %arg8[%shift_right_logical3A_52, %parallel_loop3A_157], %parallel_loop3A_165 : memref<64x128xf32, #tpu.memory_space<vmem>>[vector<16xi32>, vector<16xi32>], vector<16xf32>,
        %parallel_loop3A_166 = arith.constant 16 : i32
        %parallel_loop3A_167 = vector.broadcast %parallel_loop3A_166 : i32 to vector<16xi32>
        %parallel_loop3A_168 = arith.addi %parallel_loop3A_153, %parallel_loop3A_167 : vector<16xi32>
        %parallel_loop3A_169 = arith.addi %mul3A_5, %parallel_loop3A_168 : vector<16xi32>
        %parallel_loop3A_170 = tpu.vector_load_idx %arg6[%parallel_loop3A_168, %add3A_8] : memref<64x128xf32, #tpu.memory_space<vmem>>[vector<16xi32>, vector<16xi32>], vector<16xf32>,
        tpu.vector_store_idx %arg8[%shift_right_logical3A_31, %parallel_loop3A_169], %parallel_loop3A_170 : memref<64x128xf32, #tpu.memory_space<vmem>>[vector<16xi32>, vector<16xi32>], vector<16xf32>,
        %parallel_loop3A_171 = tpu.vector_load_idx %arg6[%parallel_loop3A_168, %add3A_11] : memref<64x128xf32, #tpu.memory_space<vmem>>[vector<16xi32>, vector<16xi32>], vector<16xf32>,
        tpu.vector_store_idx %arg8[%shift_right_logical3A_34, %parallel_loop3A_169], %parallel_loop3A_171 : memref<64x128xf32, #tpu.memory_space<vmem>>[vector<16xi32>, vector<16xi32>], vector<16xf32>,
        %parallel_loop3A_172 = tpu.vector_load_idx %arg6[%parallel_loop3A_168, %add3A_14] : memref<64x128xf32, #tpu.memory_space<vmem>>[vector<16xi32>, vector<16xi32>], vector<16xf32>,
        tpu.vector_store_idx %arg8[%shift_right_logical3A_37, %parallel_loop3A_169], %parallel_loop3A_172 : memref<64x128xf32, #tpu.memory_space<vmem>>[vector<16xi32>, vector<16xi32>], vector<16xf32>,
        %parallel_loop3A_173 = tpu.vector_load_idx %arg6[%parallel_loop3A_168, %add3A_17] : memref<64x128xf32, #tpu.memory_space<vmem>>[vector<16xi32>, vector<16xi32>], vector<16xf32>,
        tpu.vector_store_idx %arg8[%shift_right_logical3A_40, %parallel_loop3A_169], %parallel_loop3A_173 : memref<64x128xf32, #tpu.memory_space<vmem>>[vector<16xi32>, vector<16xi32>], vector<16xf32>,
        %parallel_loop3A_174 = tpu.vector_load_idx %arg6[%parallel_loop3A_168, %add3A_20] : memref<64x128xf32, #tpu.memory_space<vmem>>[vector<16xi32>, vector<16xi32>], vector<16xf32>,
        tpu.vector_store_idx %arg8[%shift_right_logical3A_43, %parallel_loop3A_169], %parallel_loop3A_174 : memref<64x128xf32, #tpu.memory_space<vmem>>[vector<16xi32>, vector<16xi32>], vector<16xf32>,
        %parallel_loop3A_175 = tpu.vector_load_idx %arg6[%parallel_loop3A_168, %add3A_23] : memref<64x128xf32, #tpu.memory_space<vmem>>[vector<16xi32>, vector<16xi32>], vector<16xf32>,
        tpu.vector_store_idx %arg8[%shift_right_logical3A_46, %parallel_loop3A_169], %parallel_loop3A_175 : memref<64x128xf32, #tpu.memory_space<vmem>>[vector<16xi32>, vector<16xi32>], vector<16xf32>,
        %parallel_loop3A_176 = tpu.vector_load_idx %arg6[%parallel_loop3A_168, %add3A_26] : memref<64x128xf32, #tpu.memory_space<vmem>>[vector<16xi32>, vector<16xi32>], vector<16xf32>,
        tpu.vector_store_idx %arg8[%shift_right_logical3A_49, %parallel_loop3A_169], %parallel_loop3A_176 : memref<64x128xf32, #tpu.memory_space<vmem>>[vector<16xi32>, vector<16xi32>], vector<16xf32>,
        %parallel_loop3A_177 = tpu.vector_load_idx %arg6[%parallel_loop3A_168, %add3A_29] : memref<64x128xf32, #tpu.memory_space<vmem>>[vector<16xi32>, vector<16xi32>], vector<16xf32>,
        tpu.vector_store_idx %arg8[%shift_right_logical3A_52, %parallel_loop3A_169], %parallel_loop3A_177 : memref<64x128xf32, #tpu.memory_space<vmem>>[vector<16xi32>, vector<16xi32>], vector<16xf32>,
        %parallel_loop3A_178 = arith.constant 32 : i32
        %parallel_loop3A_179 = vector.broadcast %parallel_loop3A_178 : i32 to vector<16xi32>
        %parallel_loop3A_180 = arith.addi %parallel_loop3A_153, %parallel_loop3A_179 : vector<16xi32>
        %parallel_loop3A_181 = arith.addi %mul3A_5, %parallel_loop3A_180 : vector<16xi32>
        %parallel_loop3A_182 = tpu.vector_load_idx %arg6[%parallel_loop3A_180, %add3A_8] : memref<64x128xf32, #tpu.memory_space<vmem>>[vector<16xi32>, vector<16xi32>], vector<16xf32>,
        tpu.vector_store_idx %arg8[%shift_right_logical3A_31, %parallel_loop3A_181], %parallel_loop3A_182 : memref<64x128xf32, #tpu.memory_space<vmem>>[vector<16xi32>, vector<16xi32>], vector<16xf32>,
        %parallel_loop3A_183 = tpu.vector_load_idx %arg6[%parallel_loop3A_180, %add3A_11] : memref<64x128xf32, #tpu.memory_space<vmem>>[vector<16xi32>, vector<16xi32>], vector<16xf32>,
        tpu.vector_store_idx %arg8[%shift_right_logical3A_34, %parallel_loop3A_181], %parallel_loop3A_183 : memref<64x128xf32, #tpu.memory_space<vmem>>[vector<16xi32>, vector<16xi32>], vector<16xf32>,
        %parallel_loop3A_184 = tpu.vector_load_idx %arg6[%parallel_loop3A_180, %add3A_14] : memref<64x128xf32, #tpu.memory_space<vmem>>[vector<16xi32>, vector<16xi32>], vector<16xf32>,
        tpu.vector_store_idx %arg8[%shift_right_logical3A_37, %parallel_loop3A_181], %parallel_loop3A_184 : memref<64x128xf32, #tpu.memory_space<vmem>>[vector<16xi32>, vector<16xi32>], vector<16xf32>,
        %parallel_loop3A_185 = tpu.vector_load_idx %arg6[%parallel_loop3A_180, %add3A_17] : memref<64x128xf32, #tpu.memory_space<vmem>>[vector<16xi32>, vector<16xi32>], vector<16xf32>,
        tpu.vector_store_idx %arg8[%shift_right_logical3A_40, %parallel_loop3A_181], %parallel_loop3A_185 : memref<64x128xf32, #tpu.memory_space<vmem>>[vector<16xi32>, vector<16xi32>], vector<16xf32>,
        %parallel_loop3A_186 = tpu.vector_load_idx %arg6[%parallel_loop3A_180, %add3A_20] : memref<64x128xf32, #tpu.memory_space<vmem>>[vector<16xi32>, vector<16xi32>], vector<16xf32>,
        tpu.vector_store_idx %arg8[%shift_right_logical3A_43, %parallel_loop3A_181], %parallel_loop3A_186 : memref<64x128xf32, #tpu.memory_space<vmem>>[vector<16xi32>, vector<16xi32>], vector<16xf32>,
        %parallel_loop3A_187 = tpu.vector_load_idx %arg6[%parallel_loop3A_180, %add3A_23] : memref<64x128xf32, #tpu.memory_space<vmem>>[vector<16xi32>, vector<16xi32>], vector<16xf32>,
        tpu.vector_store_idx %arg8[%shift_right_logical3A_46, %parallel_loop3A_181], %parallel_loop3A_187 : memref<64x128xf32, #tpu.memory_space<vmem>>[vector<16xi32>, vector<16xi32>], vector<16xf32>,
        %parallel_loop3A_188 = tpu.vector_load_idx %arg6[%parallel_loop3A_180, %add3A_26] : memref<64x128xf32, #tpu.memory_space<vmem>>[vector<16xi32>, vector<16xi32>], vector<16xf32>,
        tpu.vector_store_idx %arg8[%shift_right_logical3A_49, %parallel_loop3A_181], %parallel_loop3A_188 : memref<64x128xf32, #tpu.memory_space<vmem>>[vector<16xi32>, vector<16xi32>], vector<16xf32>,
        %parallel_loop3A_189 = tpu.vector_load_idx %arg6[%parallel_loop3A_180, %add3A_29] : memref<64x128xf32, #tpu.memory_space<vmem>>[vector<16xi32>, vector<16xi32>], vector<16xf32>,
        tpu.vector_store_idx %arg8[%shift_right_logical3A_52, %parallel_loop3A_181], %parallel_loop3A_189 : memref<64x128xf32, #tpu.memory_space<vmem>>[vector<16xi32>, vector<16xi32>], vector<16xf32>,
        %parallel_loop3A_190 = arith.constant 48 : i32
        %parallel_loop3A_191 = vector.broadcast %parallel_loop3A_190 : i32 to vector<16xi32>
        %parallel_loop3A_192 = arith.addi %parallel_loop3A_153, %parallel_loop3A_191 : vector<16xi32>
        %parallel_loop3A_193 = arith.addi %mul3A_5, %parallel_loop3A_192 : vector<16xi32>
        %parallel_loop3A_194 = tpu.vector_load_idx %arg6[%parallel_loop3A_192, %add3A_8] : memref<64x128xf32, #tpu.memory_space<vmem>>[vector<16xi32>, vector<16xi32>], vector<16xf32>,
        tpu.vector_store_idx %arg8[%shift_right_logical3A_31, %parallel_loop3A_193], %parallel_loop3A_194 : memref<64x128xf32, #tpu.memory_space<vmem>>[vector<16xi32>, vector<16xi32>], vector<16xf32>,
        %parallel_loop3A_195 = tpu.vector_load_idx %arg6[%parallel_loop3A_192, %add3A_11] : memref<64x128xf32, #tpu.memory_space<vmem>>[vector<16xi32>, vector<16xi32>], vector<16xf32>,
        tpu.vector_store_idx %arg8[%shift_right_logical3A_34, %parallel_loop3A_193], %parallel_loop3A_195 : memref<64x128xf32, #tpu.memory_space<vmem>>[vector<16xi32>, vector<16xi32>], vector<16xf32>,
        %parallel_loop3A_196 = tpu.vector_load_idx %arg6[%parallel_loop3A_192, %add3A_14] : memref<64x128xf32, #tpu.memory_space<vmem>>[vector<16xi32>, vector<16xi32>], vector<16xf32>,
        tpu.vector_store_idx %arg8[%shift_right_logical3A_37, %parallel_loop3A_193], %parallel_loop3A_196 : memref<64x128xf32, #tpu.memory_space<vmem>>[vector<16xi32>, vector<16xi32>], vector<16xf32>,
        %parallel_loop3A_197 = tpu.vector_load_idx %arg6[%parallel_loop3A_192, %add3A_17] : memref<64x128xf32, #tpu.memory_space<vmem>>[vector<16xi32>, vector<16xi32>], vector<16xf32>,
        tpu.vector_store_idx %arg8[%shift_right_logical3A_40, %parallel_loop3A_193], %parallel_loop3A_197 : memref<64x128xf32, #tpu.memory_space<vmem>>[vector<16xi32>, vector<16xi32>], vector<16xf32>,
        %parallel_loop3A_198 = tpu.vector_load_idx %arg6[%parallel_loop3A_192, %add3A_20] : memref<64x128xf32, #tpu.memory_space<vmem>>[vector<16xi32>, vector<16xi32>], vector<16xf32>,
        tpu.vector_store_idx %arg8[%shift_right_logical3A_43, %parallel_loop3A_193], %parallel_loop3A_198 : memref<64x128xf32, #tpu.memory_space<vmem>>[vector<16xi32>, vector<16xi32>], vector<16xf32>,
        %parallel_loop3A_199 = tpu.vector_load_idx %arg6[%parallel_loop3A_192, %add3A_23] : memref<64x128xf32, #tpu.memory_space<vmem>>[vector<16xi32>, vector<16xi32>], vector<16xf32>,
        tpu.vector_store_idx %arg8[%shift_right_logical3A_46, %parallel_loop3A_193], %parallel_loop3A_199 : memref<64x128xf32, #tpu.memory_space<vmem>>[vector<16xi32>, vector<16xi32>], vector<16xf32>,
        %parallel_loop3A_200 = tpu.vector_load_idx %arg6[%parallel_loop3A_192, %add3A_26] : memref<64x128xf32, #tpu.memory_space<vmem>>[vector<16xi32>, vector<16xi32>], vector<16xf32>,
        tpu.vector_store_idx %arg8[%shift_right_logical3A_49, %parallel_loop3A_193], %parallel_loop3A_200 : memref<64x128xf32, #tpu.memory_space<vmem>>[vector<16xi32>, vector<16xi32>], vector<16xf32>,
        %parallel_loop3A_201 = tpu.vector_load_idx %arg6[%parallel_loop3A_192, %add3A_29] : memref<64x128xf32, #tpu.memory_space<vmem>>[vector<16xi32>, vector<16xi32>], vector<16xf32>,
        tpu.vector_store_idx %arg8[%shift_right_logical3A_52, %parallel_loop3A_193], %parallel_loop3A_201 : memref<64x128xf32, #tpu.memory_space<vmem>>[vector<16xi32>, vector<16xi32>], vector<16xf32>,
      } {sc.loop_unroll_factor = 1 : i64, sc.parallel_access}
      %mul3A_139 = arith.constant 32 : i32
      %mul3A_140 = arith.muli %add3A_117, %mul3A_139 : i32
      %add3A_141 = arith.addi %add3A, %mul3A_140 : i32
      %mul3A_142 = arith.constant 64 : i32
      %mul3A_143 = arith.muli %add3A_141, %mul3A_142 : i32
      %dma_start3A_144 = arith.constant 0 : i32
      %dma_start3A_145 = tpu.memref_slice %arg4[%mul3A_143, %dma_start3A_144] : memref<500032x128xf32, #tpu.memory_space<hbm>> -> memref<64x128xf32, #tpu.memory_space<hbm>>
      %dma_start3A_146 = arith.constant 0 : i32
      %dma_start3A_147 = tpu.memref_slice %arg4[%mul3A_143, %dma_start3A_146] : memref<500032x128xf32, #tpu.memory_space<hbm>> -> memref<64x128xf32, #tpu.memory_space<hbm>>
      tpu.enqueue_dma source(%arg8 : memref<64x128xf32, #tpu.memory_space<vmem>>) target(%dma_start3A_147 : memref<64x128xf32, #tpu.memory_space<hbm>>) target_semaphore(%arg12 : memref<!tpu.dma_semaphore, #tpu.memory_space<semaphore_mem>>)
    }
    %scan3A_63 = arith.constant 122 : i32
    %dma_wait3A = arith.constant 0 : i32
    %dma_wait3A_64 = arith.constant 0 : i32
    %dma_wait3A_65 = tpu.memref_slice %arg4[%dma_wait3A, %dma_wait3A_64] : memref<500032x128xf32, #tpu.memory_space<hbm>> -> memref<64x128xf32, #tpu.memory_space<hbm>>
    %dma_wait3A_66 = arith.constant 0 : i32
    %dma_wait3A_67 = arith.constant 0 : i32
    %dma_wait3A_68 = tpu.memref_slice %arg4[%dma_wait3A_66, %dma_wait3A_67] : memref<500032x128xf32, #tpu.memory_space<hbm>> -> memref<64x128xf32, #tpu.memory_space<hbm>>
    tpu.wait_dma2 semaphore(%arg11 : memref<!tpu.dma_semaphore, #tpu.memory_space<semaphore_mem>>) src(%arg7 : memref<64x128xf32, #tpu.memory_space<vmem>>) dst(%dma_wait3A_68 : memref<64x128xf32, #tpu.memory_space<hbm>>)
    %dma_wait3A_69 = arith.constant 0 : i32
    %dma_wait3A_70 = arith.constant 0 : i32
    %dma_wait3A_71 = tpu.memref_slice %arg4[%dma_wait3A_69, %dma_wait3A_70] : memref<500032x128xf32, #tpu.memory_space<hbm>> -> memref<64x128xf32, #tpu.memory_space<hbm>>
    %dma_wait3A_72 = arith.constant 0 : i32
    %dma_wait3A_73 = arith.constant 0 : i32
    %dma_wait3A_74 = tpu.memref_slice %arg4[%dma_wait3A_72, %dma_wait3A_73] : memref<500032x128xf32, #tpu.memory_space<hbm>> -> memref<64x128xf32, #tpu.memory_space<hbm>>
    tpu.wait_dma2 semaphore(%arg12 : memref<!tpu.dma_semaphore, #tpu.memory_space<semaphore_mem>>) src(%arg8 : memref<64x128xf32, #tpu.memory_space<vmem>>) dst(%dma_wait3A_74 : memref<64x128xf32, #tpu.memory_space<hbm>>)
    %lt3A = arith.constant 4 : i32
    %lt3A_75 = arith.cmpi slt, %add3A, %lt3A : i32
    %convert_element_type3A = arith.extui %lt3A_75 : i1 to i32
    %cond3A = arith.constant 0 : i32
    %cond3A_76 = arith.cmpi ne, %convert_element_type3A, %cond3A : i32
    scf.if %cond3A_76 {
      %add3A_81 = arith.constant 7808 : i32
      %add3A_82 = arith.addi %add3A_81, %add3A : i32
      %mul3A_83 = arith.constant 128 : i32
      %mul3A_84 = arith.muli %add3A_82, %mul3A_83 : i32
      "tpu.region"() ({
        %run_scoped3A = tpu.sem_alloc : memref<!tpu.dma_semaphore, #tpu.memory_space<semaphore_mem>>
        %dma_start3A_89 = arith.constant 0 : i32
        %dma_start3A_90 = tpu.memref_slice %arg2[%dma_start3A_89, %mul3A_84] : memref<64x1000000xf32, #tpu.memory_space<hbm>> -> memref<64x128xf32, #tpu.memory_space<hbm>>
        %dma_start3A_91 = arith.constant 0 : i32
        %dma_start3A_92 = tpu.memref_slice %arg2[%dma_start3A_91, %mul3A_84] : memref<64x1000000xf32, #tpu.memory_space<hbm>> -> memref<64x128xf32, #tpu.memory_space<hbm>>
        tpu.enqueue_dma source(%dma_start3A_92 : memref<64x128xf32, #tpu.memory_space<hbm>>) target(%arg5 : memref<64x128xf32, #tpu.memory_space<vmem>>) target_semaphore(%run_scoped3A : memref<!tpu.dma_semaphore, #tpu.memory_space<semaphore_mem>>)
        %dma_wait3A_93 = arith.constant 0 : i32
        %dma_wait3A_94 = tpu.memref_slice %arg2[%dma_wait3A_93, %mul3A_84] : memref<64x1000000xf32, #tpu.memory_space<hbm>> -> memref<64x128xf32, #tpu.memory_space<hbm>>
        %dma_wait3A_95 = arith.constant 0 : i32
        %dma_wait3A_96 = tpu.memref_slice %arg2[%dma_wait3A_95, %mul3A_84] : memref<64x1000000xf32, #tpu.memory_space<hbm>> -> memref<64x128xf32, #tpu.memory_space<hbm>>
        tpu.wait_dma2 semaphore(%run_scoped3A : memref<!tpu.dma_semaphore, #tpu.memory_space<semaphore_mem>>) src(%dma_wait3A_96 : memref<64x128xf32, #tpu.memory_space<hbm>>) dst(%arg5 : memref<64x128xf32, #tpu.memory_space<vmem>>)
        tpu.yield
      }) : () -> ()
      %parallel_loop3A = arith.constant 0 : i32
      %parallel_loop3A_85 = arith.constant 16 : i32
      %parallel_loop3A_86 = arith.constant 1 : i32
      scf.for %parallel_loop3A_89 = %parallel_loop3A to %parallel_loop3A_85 step %parallel_loop3A_86  : i32 {
        %parallel_loop3A_90 = vector.broadcast %parallel_loop3A_89 : i32 to vector<16xi32>
        %parallel_loop3A_91 = arith.addi %iota3A, %parallel_loop3A_90 : vector<16xi32>
        %parallel_loop3A_92 = arith.constant 15 : i32
        %parallel_loop3A_93 = vector.broadcast %parallel_loop3A_92 : i32 to vector<16xi32>
        %parallel_loop3A_94 = arith.andi %parallel_loop3A_91, %parallel_loop3A_93 : vector<16xi32>
        %parallel_loop3A_95 = arith.constant 0 : i32
        %parallel_loop3A_96 = vector.broadcast %parallel_loop3A_95 : i32 to vector<16xi32>
        %parallel_loop3A_97 = arith.addi %parallel_loop3A_94, %parallel_loop3A_96 : vector<16xi32>
        %parallel_loop3A_98 = arith.addi %mul3A_5, %parallel_loop3A_97 : vector<16xi32>
        %parallel_loop3A_99 = tpu.vector_load_idx %arg5[%parallel_loop3A_97, %add3A_8] : memref<64x128xf32, #tpu.memory_space<vmem>>[vector<16xi32>, vector<16xi32>], vector<16xf32>,
        tpu.vector_store_idx %arg7[%shift_right_logical3A_31, %parallel_loop3A_98], %parallel_loop3A_99 : memref<64x128xf32, #tpu.memory_space<vmem>>[vector<16xi32>, vector<16xi32>], vector<16xf32>,
        %parallel_loop3A_100 = tpu.vector_load_idx %arg5[%parallel_loop3A_97, %add3A_11] : memref<64x128xf32, #tpu.memory_space<vmem>>[vector<16xi32>, vector<16xi32>], vector<16xf32>,
        tpu.vector_store_idx %arg7[%shift_right_logical3A_34, %parallel_loop3A_98], %parallel_loop3A_100 : memref<64x128xf32, #tpu.memory_space<vmem>>[vector<16xi32>, vector<16xi32>], vector<16xf32>,
        %parallel_loop3A_101 = tpu.vector_load_idx %arg5[%parallel_loop3A_97, %add3A_14] : memref<64x128xf32, #tpu.memory_space<vmem>>[vector<16xi32>, vector<16xi32>], vector<16xf32>,
        tpu.vector_store_idx %arg7[%shift_right_logical3A_37, %parallel_loop3A_98], %parallel_loop3A_101 : memref<64x128xf32, #tpu.memory_space<vmem>>[vector<16xi32>, vector<16xi32>], vector<16xf32>,
        %parallel_loop3A_102 = tpu.vector_load_idx %arg5[%parallel_loop3A_97, %add3A_17] : memref<64x128xf32, #tpu.memory_space<vmem>>[vector<16xi32>, vector<16xi32>], vector<16xf32>,
        tpu.vector_store_idx %arg7[%shift_right_logical3A_40, %parallel_loop3A_98], %parallel_loop3A_102 : memref<64x128xf32, #tpu.memory_space<vmem>>[vector<16xi32>, vector<16xi32>], vector<16xf32>,
        %parallel_loop3A_103 = tpu.vector_load_idx %arg5[%parallel_loop3A_97, %add3A_20] : memref<64x128xf32, #tpu.memory_space<vmem>>[vector<16xi32>, vector<16xi32>], vector<16xf32>,
        tpu.vector_store_idx %arg7[%shift_right_logical3A_43, %parallel_loop3A_98], %parallel_loop3A_103 : memref<64x128xf32, #tpu.memory_space<vmem>>[vector<16xi32>, vector<16xi32>], vector<16xf32>,
        %parallel_loop3A_104 = tpu.vector_load_idx %arg5[%parallel_loop3A_97, %add3A_23] : memref<64x128xf32, #tpu.memory_space<vmem>>[vector<16xi32>, vector<16xi32>], vector<16xf32>,
        tpu.vector_store_idx %arg7[%shift_right_logical3A_46, %parallel_loop3A_98], %parallel_loop3A_104 : memref<64x128xf32, #tpu.memory_space<vmem>>[vector<16xi32>, vector<16xi32>], vector<16xf32>,
        %parallel_loop3A_105 = tpu.vector_load_idx %arg5[%parallel_loop3A_97, %add3A_26] : memref<64x128xf32, #tpu.memory_space<vmem>>[vector<16xi32>, vector<16xi32>], vector<16xf32>,
        tpu.vector_store_idx %arg7[%shift_right_logical3A_49, %parallel_loop3A_98], %parallel_loop3A_105 : memref<64x128xf32, #tpu.memory_space<vmem>>[vector<16xi32>, vector<16xi32>], vector<16xf32>,
        %parallel_loop3A_106 = tpu.vector_load_idx %arg5[%parallel_loop3A_97, %add3A_29] : memref<64x128xf32, #tpu.memory_space<vmem>>[vector<16xi32>, vector<16xi32>], vector<16xf32>,
        tpu.vector_store_idx %arg7[%shift_right_logical3A_52, %parallel_loop3A_98], %parallel_loop3A_106 : memref<64x128xf32, #tpu.memory_space<vmem>>[vector<16xi32>, vector<16xi32>], vector<16xf32>,
        %parallel_loop3A_107 = arith.constant 16 : i32
        %parallel_loop3A_108 = vector.broadcast %parallel_loop3A_107 : i32 to vector<16xi32>
        %parallel_loop3A_109 = arith.addi %parallel_loop3A_94, %parallel_loop3A_108 : vector<16xi32>
        %parallel_loop3A_110 = arith.addi %mul3A_5, %parallel_loop3A_109 : vector<16xi32>
        %parallel_loop3A_111 = tpu.vector_load_idx %arg5[%parallel_loop3A_109, %add3A_8] : memref<64x128xf32, #tpu.memory_space<vmem>>[vector<16xi32>, vector<16xi32>], vector<16xf32>,
        tpu.vector_store_idx %arg7[%shift_right_logical3A_31, %parallel_loop3A_110], %parallel_loop3A_111 : memref<64x128xf32, #tpu.memory_space<vmem>>[vector<16xi32>, vector<16xi32>], vector<16xf32>,
        %parallel_loop3A_112 = tpu.vector_load_idx %arg5[%parallel_loop3A_109, %add3A_11] : memref<64x128xf32, #tpu.memory_space<vmem>>[vector<16xi32>, vector<16xi32>], vector<16xf32>,
        tpu.vector_store_idx %arg7[%shift_right_logical3A_34, %parallel_loop3A_110], %parallel_loop3A_112 : memref<64x128xf32, #tpu.memory_space<vmem>>[vector<16xi32>, vector<16xi32>], vector<16xf32>,
        %parallel_loop3A_113 = tpu.vector_load_idx %arg5[%parallel_loop3A_109, %add3A_14] : memref<64x128xf32, #tpu.memory_space<vmem>>[vector<16xi32>, vector<16xi32>], vector<16xf32>,
        tpu.vector_store_idx %arg7[%shift_right_logical3A_37, %parallel_loop3A_110], %parallel_loop3A_113 : memref<64x128xf32, #tpu.memory_space<vmem>>[vector<16xi32>, vector<16xi32>], vector<16xf32>,
        %parallel_loop3A_114 = tpu.vector_load_idx %arg5[%parallel_loop3A_109, %add3A_17] : memref<64x128xf32, #tpu.memory_space<vmem>>[vector<16xi32>, vector<16xi32>], vector<16xf32>,
        tpu.vector_store_idx %arg7[%shift_right_logical3A_40, %parallel_loop3A_110], %parallel_loop3A_114 : memref<64x128xf32, #tpu.memory_space<vmem>>[vector<16xi32>, vector<16xi32>], vector<16xf32>,
        %parallel_loop3A_115 = tpu.vector_load_idx %arg5[%parallel_loop3A_109, %add3A_20] : memref<64x128xf32, #tpu.memory_space<vmem>>[vector<16xi32>, vector<16xi32>], vector<16xf32>,
        tpu.vector_store_idx %arg7[%shift_right_logical3A_43, %parallel_loop3A_110], %parallel_loop3A_115 : memref<64x128xf32, #tpu.memory_space<vmem>>[vector<16xi32>, vector<16xi32>], vector<16xf32>,
        %parallel_loop3A_116 = tpu.vector_load_idx %arg5[%parallel_loop3A_109, %add3A_23] : memref<64x128xf32, #tpu.memory_space<vmem>>[vector<16xi32>, vector<16xi32>], vector<16xf32>,
        tpu.vector_store_idx %arg7[%shift_right_logical3A_46, %parallel_loop3A_110], %parallel_loop3A_116 : memref<64x128xf32, #tpu.memory_space<vmem>>[vector<16xi32>, vector<16xi32>], vector<16xf32>,
        %parallel_loop3A_117 = tpu.vector_load_idx %arg5[%parallel_loop3A_109, %add3A_26] : memref<64x128xf32, #tpu.memory_space<vmem>>[vector<16xi32>, vector<16xi32>], vector<16xf32>,
        tpu.vector_store_idx %arg7[%shift_right_logical3A_49, %parallel_loop3A_110], %parallel_loop3A_117 : memref<64x128xf32, #tpu.memory_space<vmem>>[vector<16xi32>, vector<16xi32>], vector<16xf32>,
        %parallel_loop3A_118 = tpu.vector_load_idx %arg5[%parallel_loop3A_109, %add3A_29] : memref<64x128xf32, #tpu.memory_space<vmem>>[vector<16xi32>, vector<16xi32>], vector<16xf32>,
        tpu.vector_store_idx %arg7[%shift_right_logical3A_52, %parallel_loop3A_110], %parallel_loop3A_118 : memref<64x128xf32, #tpu.memory_space<vmem>>[vector<16xi32>, vector<16xi32>], vector<16xf32>,
        %parallel_loop3A_119 = arith.constant 32 : i32
        %parallel_loop3A_120 = vector.broadcast %parallel_loop3A_119 : i32 to vector<16xi32>
        %parallel_loop3A_121 = arith.addi %parallel_loop3A_94, %parallel_loop3A_120 : vector<16xi32>
        %parallel_loop3A_122 = arith.addi %mul3A_5, %parallel_loop3A_121 : vector<16xi32>
        %parallel_loop3A_123 = tpu.vector_load_idx %arg5[%parallel_loop3A_121, %add3A_8] : memref<64x128xf32, #tpu.memory_space<vmem>>[vector<16xi32>, vector<16xi32>], vector<16xf32>,
        tpu.vector_store_idx %arg7[%shift_right_logical3A_31, %parallel_loop3A_122], %parallel_loop3A_123 : memref<64x128xf32, #tpu.memory_space<vmem>>[vector<16xi32>, vector<16xi32>], vector<16xf32>,
        %parallel_loop3A_124 = tpu.vector_load_idx %arg5[%parallel_loop3A_121, %add3A_11] : memref<64x128xf32, #tpu.memory_space<vmem>>[vector<16xi32>, vector<16xi32>], vector<16xf32>,
        tpu.vector_store_idx %arg7[%shift_right_logical3A_34, %parallel_loop3A_122], %parallel_loop3A_124 : memref<64x128xf32, #tpu.memory_space<vmem>>[vector<16xi32>, vector<16xi32>], vector<16xf32>,
        %parallel_loop3A_125 = tpu.vector_load_idx %arg5[%parallel_loop3A_121, %add3A_14] : memref<64x128xf32, #tpu.memory_space<vmem>>[vector<16xi32>, vector<16xi32>], vector<16xf32>,
        tpu.vector_store_idx %arg7[%shift_right_logical3A_37, %parallel_loop3A_122], %parallel_loop3A_125 : memref<64x128xf32, #tpu.memory_space<vmem>>[vector<16xi32>, vector<16xi32>], vector<16xf32>,
        %parallel_loop3A_126 = tpu.vector_load_idx %arg5[%parallel_loop3A_121, %add3A_17] : memref<64x128xf32, #tpu.memory_space<vmem>>[vector<16xi32>, vector<16xi32>], vector<16xf32>,
        tpu.vector_store_idx %arg7[%shift_right_logical3A_40, %parallel_loop3A_122], %parallel_loop3A_126 : memref<64x128xf32, #tpu.memory_space<vmem>>[vector<16xi32>, vector<16xi32>], vector<16xf32>,
        %parallel_loop3A_127 = tpu.vector_load_idx %arg5[%parallel_loop3A_121, %add3A_20] : memref<64x128xf32, #tpu.memory_space<vmem>>[vector<16xi32>, vector<16xi32>], vector<16xf32>,
        tpu.vector_store_idx %arg7[%shift_right_logical3A_43, %parallel_loop3A_122], %parallel_loop3A_127 : memref<64x128xf32, #tpu.memory_space<vmem>>[vector<16xi32>, vector<16xi32>], vector<16xf32>,
        %parallel_loop3A_128 = tpu.vector_load_idx %arg5[%parallel_loop3A_121, %add3A_23] : memref<64x128xf32, #tpu.memory_space<vmem>>[vector<16xi32>, vector<16xi32>], vector<16xf32>,
        tpu.vector_store_idx %arg7[%shift_right_logical3A_46, %parallel_loop3A_122], %parallel_loop3A_128 : memref<64x128xf32, #tpu.memory_space<vmem>>[vector<16xi32>, vector<16xi32>], vector<16xf32>,
        %parallel_loop3A_129 = tpu.vector_load_idx %arg5[%parallel_loop3A_121, %add3A_26] : memref<64x128xf32, #tpu.memory_space<vmem>>[vector<16xi32>, vector<16xi32>], vector<16xf32>,
        tpu.vector_store_idx %arg7[%shift_right_logical3A_49, %parallel_loop3A_122], %parallel_loop3A_129 : memref<64x128xf32, #tpu.memory_space<vmem>>[vector<16xi32>, vector<16xi32>], vector<16xf32>,
        %parallel_loop3A_130 = tpu.vector_load_idx %arg5[%parallel_loop3A_121, %add3A_29] : memref<64x128xf32, #tpu.memory_space<vmem>>[vector<16xi32>, vector<16xi32>], vector<16xf32>,
        tpu.vector_store_idx %arg7[%shift_right_logical3A_52, %parallel_loop3A_122], %parallel_loop3A_130 : memref<64x128xf32, #tpu.memory_space<vmem>>[vector<16xi32>, vector<16xi32>], vector<16xf32>,
        %parallel_loop3A_131 = arith.constant 48 : i32
        %parallel_loop3A_132 = vector.broadcast %parallel_loop3A_131 : i32 to vector<16xi32>
        %parallel_loop3A_133 = arith.addi %parallel_loop3A_94, %parallel_loop3A_132 : vector<16xi32>
        %parallel_loop3A_134 = arith.addi %mul3A_5, %parallel_loop3A_133 : vector<16xi32>
        %parallel_loop3A_135 = tpu.vector_load_idx %arg5[%parallel_loop3A_133, %add3A_8] : memref<64x128xf32, #tpu.memory_space<vmem>>[vector<16xi32>, vector<16xi32>], vector<16xf32>,
        tpu.vector_store_idx %arg7[%shift_right_logical3A_31, %parallel_loop3A_134], %parallel_loop3A_135 : memref<64x128xf32, #tpu.memory_space<vmem>>[vector<16xi32>, vector<16xi32>], vector<16xf32>,
        %parallel_loop3A_136 = tpu.vector_load_idx %arg5[%parallel_loop3A_133, %add3A_11] : memref<64x128xf32, #tpu.memory_space<vmem>>[vector<16xi32>, vector<16xi32>], vector<16xf32>,
        tpu.vector_store_idx %arg7[%shift_right_logical3A_34, %parallel_loop3A_134], %parallel_loop3A_136 : memref<64x128xf32, #tpu.memory_space<vmem>>[vector<16xi32>, vector<16xi32>], vector<16xf32>,
        %parallel_loop3A_137 = tpu.vector_load_idx %arg5[%parallel_loop3A_133, %add3A_14] : memref<64x128xf32, #tpu.memory_space<vmem>>[vector<16xi32>, vector<16xi32>], vector<16xf32>,
        tpu.vector_store_idx %arg7[%shift_right_logical3A_37, %parallel_loop3A_134], %parallel_loop3A_137 : memref<64x128xf32, #tpu.memory_space<vmem>>[vector<16xi32>, vector<16xi32>], vector<16xf32>,
        %parallel_loop3A_138 = tpu.vector_load_idx %arg5[%parallel_loop3A_133, %add3A_17] : memref<64x128xf32, #tpu.memory_space<vmem>>[vector<16xi32>, vector<16xi32>], vector<16xf32>,
        tpu.vector_store_idx %arg7[%shift_right_logical3A_40, %parallel_loop3A_134], %parallel_loop3A_138 : memref<64x128xf32, #tpu.memory_space<vmem>>[vector<16xi32>, vector<16xi32>], vector<16xf32>,
        %parallel_loop3A_139 = tpu.vector_load_idx %arg5[%parallel_loop3A_133, %add3A_20] : memref<64x128xf32, #tpu.memory_space<vmem>>[vector<16xi32>, vector<16xi32>], vector<16xf32>,
        tpu.vector_store_idx %arg7[%shift_right_logical3A_43, %parallel_loop3A_134], %parallel_loop3A_139 : memref<64x128xf32, #tpu.memory_space<vmem>>[vector<16xi32>, vector<16xi32>], vector<16xf32>,
        %parallel_loop3A_140 = tpu.vector_load_idx %arg5[%parallel_loop3A_133, %add3A_23] : memref<64x128xf32, #tpu.memory_space<vmem>>[vector<16xi32>, vector<16xi32>], vector<16xf32>,
        tpu.vector_store_idx %arg7[%shift_right_logical3A_46, %parallel_loop3A_134], %parallel_loop3A_140 : memref<64x128xf32, #tpu.memory_space<vmem>>[vector<16xi32>, vector<16xi32>], vector<16xf32>,
        %parallel_loop3A_141 = tpu.vector_load_idx %arg5[%parallel_loop3A_133, %add3A_26] : memref<64x128xf32, #tpu.memory_space<vmem>>[vector<16xi32>, vector<16xi32>], vector<16xf32>,
        tpu.vector_store_idx %arg7[%shift_right_logical3A_49, %parallel_loop3A_134], %parallel_loop3A_141 : memref<64x128xf32, #tpu.memory_space<vmem>>[vector<16xi32>, vector<16xi32>], vector<16xf32>,
        %parallel_loop3A_142 = tpu.vector_load_idx %arg5[%parallel_loop3A_133, %add3A_29] : memref<64x128xf32, #tpu.memory_space<vmem>>[vector<16xi32>, vector<16xi32>], vector<16xf32>,
        tpu.vector_store_idx %arg7[%shift_right_logical3A_52, %parallel_loop3A_134], %parallel_loop3A_142 : memref<64x128xf32, #tpu.memory_space<vmem>>[vector<16xi32>, vector<16xi32>], vector<16xf32>,
      } {sc.loop_unroll_factor = 1 : i64, sc.parallel_access}
      %mul3A_87 = arith.constant 64 : i32
      %mul3A_88 = arith.muli %add3A_82, %mul3A_87 : i32
      "tpu.region"() ({
        %run_scoped3A = tpu.sem_alloc : memref<!tpu.dma_semaphore, #tpu.memory_space<semaphore_mem>>
        %dma_start3A_89 = arith.constant 0 : i32
        %dma_start3A_90 = tpu.memref_slice %arg4[%mul3A_88, %dma_start3A_89] : memref<500032x128xf32, #tpu.memory_space<hbm>> -> memref<64x128xf32, #tpu.memory_space<hbm>>
        %dma_start3A_91 = arith.constant 0 : i32
        %dma_start3A_92 = tpu.memref_slice %arg4[%mul3A_88, %dma_start3A_91] : memref<500032x128xf32, #tpu.memory_space<hbm>> -> memref<64x128xf32, #tpu.memory_space<hbm>>
        tpu.enqueue_dma source(%arg7 : memref<64x128xf32, #tpu.memory_space<vmem>>) target(%dma_start3A_92 : memref<64x128xf32, #tpu.memory_space<hbm>>) target_semaphore(%run_scoped3A : memref<!tpu.dma_semaphore, #tpu.memory_space<semaphore_mem>>)
        %dma_wait3A_93 = arith.constant 0 : i32
        %dma_wait3A_94 = tpu.memref_slice %arg4[%mul3A_88, %dma_wait3A_93] : memref<500032x128xf32, #tpu.memory_space<hbm>> -> memref<64x128xf32, #tpu.memory_space<hbm>>
        %dma_wait3A_95 = arith.constant 0 : i32
        %dma_wait3A_96 = tpu.memref_slice %arg4[%mul3A_88, %dma_wait3A_95] : memref<500032x128xf32, #tpu.memory_space<hbm>> -> memref<64x128xf32, #tpu.memory_space<hbm>>
        tpu.wait_dma2 semaphore(%run_scoped3A : memref<!tpu.dma_semaphore, #tpu.memory_space<semaphore_mem>>) src(%arg7 : memref<64x128xf32, #tpu.memory_space<vmem>>) dst(%dma_wait3A_96 : memref<64x128xf32, #tpu.memory_space<hbm>>)
        tpu.yield
      }) : () -> ()
    } else {
    }
    %eq3A = arith.constant 31 : i32
    %eq3A_77 = arith.cmpi eq, %add3A, %eq3A : i32
    %convert_element_type3A_78 = arith.extui %eq3A_77 : i1 to i32
    %cond3A_79 = arith.constant 0 : i32
    %cond3A_80 = arith.cmpi ne, %convert_element_type3A_78, %cond3A_79 : i32
    scf.if %cond3A_80 {
      "tpu.region"() ({
        %run_scoped3A = tpu.sem_alloc : memref<!tpu.dma_semaphore, #tpu.memory_space<semaphore_mem>>
        tpu.enqueue_dma source(%arg3 : memref<64x128xf32, #tpu.memory_space<hbm>>) target(%arg6 : memref<64x128xf32, #tpu.memory_space<vmem>>) target_semaphore(%run_scoped3A : memref<!tpu.dma_semaphore, #tpu.memory_space<semaphore_mem>>)
        tpu.wait_dma2 semaphore(%run_scoped3A : memref<!tpu.dma_semaphore, #tpu.memory_space<semaphore_mem>>) src(%arg3 : memref<64x128xf32, #tpu.memory_space<hbm>>) dst(%arg6 : memref<64x128xf32, #tpu.memory_space<vmem>>)
        tpu.yield
      }) : () -> ()
      %parallel_loop3A = arith.constant 0 : i32
      %parallel_loop3A_81 = arith.constant 16 : i32
      %parallel_loop3A_82 = arith.constant 1 : i32
      scf.for %parallel_loop3A_83 = %parallel_loop3A to %parallel_loop3A_81 step %parallel_loop3A_82  : i32 {
        %parallel_loop3A_84 = vector.broadcast %parallel_loop3A_83 : i32 to vector<16xi32>
        %parallel_loop3A_85 = arith.addi %iota3A, %parallel_loop3A_84 : vector<16xi32>
        %parallel_loop3A_86 = arith.constant 15 : i32
        %parallel_loop3A_87 = vector.broadcast %parallel_loop3A_86 : i32 to vector<16xi32>
        %parallel_loop3A_88 = arith.andi %parallel_loop3A_85, %parallel_loop3A_87 : vector<16xi32>
        %parallel_loop3A_89 = arith.constant 0 : i32
        %parallel_loop3A_90 = vector.broadcast %parallel_loop3A_89 : i32 to vector<16xi32>
        %parallel_loop3A_91 = arith.addi %parallel_loop3A_88, %parallel_loop3A_90 : vector<16xi32>
        %parallel_loop3A_92 = arith.addi %mul3A_5, %parallel_loop3A_91 : vector<16xi32>
        %parallel_loop3A_93 = tpu.vector_load_idx %arg6[%parallel_loop3A_91, %add3A_8] : memref<64x128xf32, #tpu.memory_space<vmem>>[vector<16xi32>, vector<16xi32>], vector<16xf32>,
        tpu.vector_store_idx %arg8[%shift_right_logical3A_31, %parallel_loop3A_92], %parallel_loop3A_93 : memref<64x128xf32, #tpu.memory_space<vmem>>[vector<16xi32>, vector<16xi32>], vector<16xf32>,
        %parallel_loop3A_94 = tpu.vector_load_idx %arg6[%parallel_loop3A_91, %add3A_11] : memref<64x128xf32, #tpu.memory_space<vmem>>[vector<16xi32>, vector<16xi32>], vector<16xf32>,
        tpu.vector_store_idx %arg8[%shift_right_logical3A_34, %parallel_loop3A_92], %parallel_loop3A_94 : memref<64x128xf32, #tpu.memory_space<vmem>>[vector<16xi32>, vector<16xi32>], vector<16xf32>,
        %parallel_loop3A_95 = tpu.vector_load_idx %arg6[%parallel_loop3A_91, %add3A_14] : memref<64x128xf32, #tpu.memory_space<vmem>>[vector<16xi32>, vector<16xi32>], vector<16xf32>,
        tpu.vector_store_idx %arg8[%shift_right_logical3A_37, %parallel_loop3A_92], %parallel_loop3A_95 : memref<64x128xf32, #tpu.memory_space<vmem>>[vector<16xi32>, vector<16xi32>], vector<16xf32>,
        %parallel_loop3A_96 = tpu.vector_load_idx %arg6[%parallel_loop3A_91, %add3A_17] : memref<64x128xf32, #tpu.memory_space<vmem>>[vector<16xi32>, vector<16xi32>], vector<16xf32>,
        tpu.vector_store_idx %arg8[%shift_right_logical3A_40, %parallel_loop3A_92], %parallel_loop3A_96 : memref<64x128xf32, #tpu.memory_space<vmem>>[vector<16xi32>, vector<16xi32>], vector<16xf32>,
        %parallel_loop3A_97 = tpu.vector_load_idx %arg6[%parallel_loop3A_91, %add3A_20] : memref<64x128xf32, #tpu.memory_space<vmem>>[vector<16xi32>, vector<16xi32>], vector<16xf32>,
        tpu.vector_store_idx %arg8[%shift_right_logical3A_43, %parallel_loop3A_92], %parallel_loop3A_97 : memref<64x128xf32, #tpu.memory_space<vmem>>[vector<16xi32>, vector<16xi32>], vector<16xf32>,
        %parallel_loop3A_98 = tpu.vector_load_idx %arg6[%parallel_loop3A_91, %add3A_23] : memref<64x128xf32, #tpu.memory_space<vmem>>[vector<16xi32>, vector<16xi32>], vector<16xf32>,
        tpu.vector_store_idx %arg8[%shift_right_logical3A_46, %parallel_loop3A_92], %parallel_loop3A_98 : memref<64x128xf32, #tpu.memory_space<vmem>>[vector<16xi32>, vector<16xi32>], vector<16xf32>,
        %parallel_loop3A_99 = tpu.vector_load_idx %arg6[%parallel_loop3A_91, %add3A_26] : memref<64x128xf32, #tpu.memory_space<vmem>>[vector<16xi32>, vector<16xi32>], vector<16xf32>,
        tpu.vector_store_idx %arg8[%shift_right_logical3A_49, %parallel_loop3A_92], %parallel_loop3A_99 : memref<64x128xf32, #tpu.memory_space<vmem>>[vector<16xi32>, vector<16xi32>], vector<16xf32>,
        %parallel_loop3A_100 = tpu.vector_load_idx %arg6[%parallel_loop3A_91, %add3A_29] : memref<64x128xf32, #tpu.memory_space<vmem>>[vector<16xi32>, vector<16xi32>], vector<16xf32>,
        tpu.vector_store_idx %arg8[%shift_right_logical3A_52, %parallel_loop3A_92], %parallel_loop3A_100 : memref<64x128xf32, #tpu.memory_space<vmem>>[vector<16xi32>, vector<16xi32>], vector<16xf32>,
        %parallel_loop3A_101 = arith.constant 16 : i32
        %parallel_loop3A_102 = vector.broadcast %parallel_loop3A_101 : i32 to vector<16xi32>
        %parallel_loop3A_103 = arith.addi %parallel_loop3A_88, %parallel_loop3A_102 : vector<16xi32>
        %parallel_loop3A_104 = arith.addi %mul3A_5, %parallel_loop3A_103 : vector<16xi32>
        %parallel_loop3A_105 = tpu.vector_load_idx %arg6[%parallel_loop3A_103, %add3A_8] : memref<64x128xf32, #tpu.memory_space<vmem>>[vector<16xi32>, vector<16xi32>], vector<16xf32>,
        tpu.vector_store_idx %arg8[%shift_right_logical3A_31, %parallel_loop3A_104], %parallel_loop3A_105 : memref<64x128xf32, #tpu.memory_space<vmem>>[vector<16xi32>, vector<16xi32>], vector<16xf32>,
        %parallel_loop3A_106 = tpu.vector_load_idx %arg6[%parallel_loop3A_103, %add3A_11] : memref<64x128xf32, #tpu.memory_space<vmem>>[vector<16xi32>, vector<16xi32>], vector<16xf32>,
        tpu.vector_store_idx %arg8[%shift_right_logical3A_34, %parallel_loop3A_104], %parallel_loop3A_106 : memref<64x128xf32, #tpu.memory_space<vmem>>[vector<16xi32>, vector<16xi32>], vector<16xf32>,
        %parallel_loop3A_107 = tpu.vector_load_idx %arg6[%parallel_loop3A_103, %add3A_14] : memref<64x128xf32, #tpu.memory_space<vmem>>[vector<16xi32>, vector<16xi32>], vector<16xf32>,
        tpu.vector_store_idx %arg8[%shift_right_logical3A_37, %parallel_loop3A_104], %parallel_loop3A_107 : memref<64x128xf32, #tpu.memory_space<vmem>>[vector<16xi32>, vector<16xi32>], vector<16xf32>,
        %parallel_loop3A_108 = tpu.vector_load_idx %arg6[%parallel_loop3A_103, %add3A_17] : memref<64x128xf32, #tpu.memory_space<vmem>>[vector<16xi32>, vector<16xi32>], vector<16xf32>,
        tpu.vector_store_idx %arg8[%shift_right_logical3A_40, %parallel_loop3A_104], %parallel_loop3A_108 : memref<64x128xf32, #tpu.memory_space<vmem>>[vector<16xi32>, vector<16xi32>], vector<16xf32>,
        %parallel_loop3A_109 = tpu.vector_load_idx %arg6[%parallel_loop3A_103, %add3A_20] : memref<64x128xf32, #tpu.memory_space<vmem>>[vector<16xi32>, vector<16xi32>], vector<16xf32>,
        tpu.vector_store_idx %arg8[%shift_right_logical3A_43, %parallel_loop3A_104], %parallel_loop3A_109 : memref<64x128xf32, #tpu.memory_space<vmem>>[vector<16xi32>, vector<16xi32>], vector<16xf32>,
        %parallel_loop3A_110 = tpu.vector_load_idx %arg6[%parallel_loop3A_103, %add3A_23] : memref<64x128xf32, #tpu.memory_space<vmem>>[vector<16xi32>, vector<16xi32>], vector<16xf32>,
        tpu.vector_store_idx %arg8[%shift_right_logical3A_46, %parallel_loop3A_104], %parallel_loop3A_110 : memref<64x128xf32, #tpu.memory_space<vmem>>[vector<16xi32>, vector<16xi32>], vector<16xf32>,
        %parallel_loop3A_111 = tpu.vector_load_idx %arg6[%parallel_loop3A_103, %add3A_26] : memref<64x128xf32, #tpu.memory_space<vmem>>[vector<16xi32>, vector<16xi32>], vector<16xf32>,
        tpu.vector_store_idx %arg8[%shift_right_logical3A_49, %parallel_loop3A_104], %parallel_loop3A_111 : memref<64x128xf32, #tpu.memory_space<vmem>>[vector<16xi32>, vector<16xi32>], vector<16xf32>,
        %parallel_loop3A_112 = tpu.vector_load_idx %arg6[%parallel_loop3A_103, %add3A_29] : memref<64x128xf32, #tpu.memory_space<vmem>>[vector<16xi32>, vector<16xi32>], vector<16xf32>,
        tpu.vector_store_idx %arg8[%shift_right_logical3A_52, %parallel_loop3A_104], %parallel_loop3A_112 : memref<64x128xf32, #tpu.memory_space<vmem>>[vector<16xi32>, vector<16xi32>], vector<16xf32>,
        %parallel_loop3A_113 = arith.constant 32 : i32
        %parallel_loop3A_114 = vector.broadcast %parallel_loop3A_113 : i32 to vector<16xi32>
        %parallel_loop3A_115 = arith.addi %parallel_loop3A_88, %parallel_loop3A_114 : vector<16xi32>
        %parallel_loop3A_116 = arith.addi %mul3A_5, %parallel_loop3A_115 : vector<16xi32>
        %parallel_loop3A_117 = tpu.vector_load_idx %arg6[%parallel_loop3A_115, %add3A_8] : memref<64x128xf32, #tpu.memory_space<vmem>>[vector<16xi32>, vector<16xi32>], vector<16xf32>,
        tpu.vector_store_idx %arg8[%shift_right_logical3A_31, %parallel_loop3A_116], %parallel_loop3A_117 : memref<64x128xf32, #tpu.memory_space<vmem>>[vector<16xi32>, vector<16xi32>], vector<16xf32>,
        %parallel_loop3A_118 = tpu.vector_load_idx %arg6[%parallel_loop3A_115, %add3A_11] : memref<64x128xf32, #tpu.memory_space<vmem>>[vector<16xi32>, vector<16xi32>], vector<16xf32>,
        tpu.vector_store_idx %arg8[%shift_right_logical3A_34, %parallel_loop3A_116], %parallel_loop3A_118 : memref<64x128xf32, #tpu.memory_space<vmem>>[vector<16xi32>, vector<16xi32>], vector<16xf32>,
        %parallel_loop3A_119 = tpu.vector_load_idx %arg6[%parallel_loop3A_115, %add3A_14] : memref<64x128xf32, #tpu.memory_space<vmem>>[vector<16xi32>, vector<16xi32>], vector<16xf32>,
        tpu.vector_store_idx %arg8[%shift_right_logical3A_37, %parallel_loop3A_116], %parallel_loop3A_119 : memref<64x128xf32, #tpu.memory_space<vmem>>[vector<16xi32>, vector<16xi32>], vector<16xf32>,
        %parallel_loop3A_120 = tpu.vector_load_idx %arg6[%parallel_loop3A_115, %add3A_17] : memref<64x128xf32, #tpu.memory_space<vmem>>[vector<16xi32>, vector<16xi32>], vector<16xf32>,
        tpu.vector_store_idx %arg8[%shift_right_logical3A_40, %parallel_loop3A_116], %parallel_loop3A_120 : memref<64x128xf32, #tpu.memory_space<vmem>>[vector<16xi32>, vector<16xi32>], vector<16xf32>,
        %parallel_loop3A_121 = tpu.vector_load_idx %arg6[%parallel_loop3A_115, %add3A_20] : memref<64x128xf32, #tpu.memory_space<vmem>>[vector<16xi32>, vector<16xi32>], vector<16xf32>,
        tpu.vector_store_idx %arg8[%shift_right_logical3A_43, %parallel_loop3A_116], %parallel_loop3A_121 : memref<64x128xf32, #tpu.memory_space<vmem>>[vector<16xi32>, vector<16xi32>], vector<16xf32>,
        %parallel_loop3A_122 = tpu.vector_load_idx %arg6[%parallel_loop3A_115, %add3A_23] : memref<64x128xf32, #tpu.memory_space<vmem>>[vector<16xi32>, vector<16xi32>], vector<16xf32>,
        tpu.vector_store_idx %arg8[%shift_right_logical3A_46, %parallel_loop3A_116], %parallel_loop3A_122 : memref<64x128xf32, #tpu.memory_space<vmem>>[vector<16xi32>, vector<16xi32>], vector<16xf32>,
        %parallel_loop3A_123 = tpu.vector_load_idx %arg6[%parallel_loop3A_115, %add3A_26] : memref<64x128xf32, #tpu.memory_space<vmem>>[vector<16xi32>, vector<16xi32>], vector<16xf32>,
        tpu.vector_store_idx %arg8[%shift_right_logical3A_49, %parallel_loop3A_116], %parallel_loop3A_123 : memref<64x128xf32, #tpu.memory_space<vmem>>[vector<16xi32>, vector<16xi32>], vector<16xf32>,
        %parallel_loop3A_124 = tpu.vector_load_idx %arg6[%parallel_loop3A_115, %add3A_29] : memref<64x128xf32, #tpu.memory_space<vmem>>[vector<16xi32>, vector<16xi32>], vector<16xf32>,
        tpu.vector_store_idx %arg8[%shift_right_logical3A_52, %parallel_loop3A_116], %parallel_loop3A_124 : memref<64x128xf32, #tpu.memory_space<vmem>>[vector<16xi32>, vector<16xi32>], vector<16xf32>,
        %parallel_loop3A_125 = arith.constant 48 : i32
        %parallel_loop3A_126 = vector.broadcast %parallel_loop3A_125 : i32 to vector<16xi32>
        %parallel_loop3A_127 = arith.addi %parallel_loop3A_88, %parallel_loop3A_126 : vector<16xi32>
        %parallel_loop3A_128 = arith.addi %mul3A_5, %parallel_loop3A_127 : vector<16xi32>
        %parallel_loop3A_129 = tpu.vector_load_idx %arg6[%parallel_loop3A_127, %add3A_8] : memref<64x128xf32, #tpu.memory_space<vmem>>[vector<16xi32>, vector<16xi32>], vector<16xf32>,
        tpu.vector_store_idx %arg8[%shift_right_logical3A_31, %parallel_loop3A_128], %parallel_loop3A_129 : memref<64x128xf32, #tpu.memory_space<vmem>>[vector<16xi32>, vector<16xi32>], vector<16xf32>,
        %parallel_loop3A_130 = tpu.vector_load_idx %arg6[%parallel_loop3A_127, %add3A_11] : memref<64x128xf32, #tpu.memory_space<vmem>>[vector<16xi32>, vector<16xi32>], vector<16xf32>,
        tpu.vector_store_idx %arg8[%shift_right_logical3A_34, %parallel_loop3A_128], %parallel_loop3A_130 : memref<64x128xf32, #tpu.memory_space<vmem>>[vector<16xi32>, vector<16xi32>], vector<16xf32>,
        %parallel_loop3A_131 = tpu.vector_load_idx %arg6[%parallel_loop3A_127, %add3A_14] : memref<64x128xf32, #tpu.memory_space<vmem>>[vector<16xi32>, vector<16xi32>], vector<16xf32>,
        tpu.vector_store_idx %arg8[%shift_right_logical3A_37, %parallel_loop3A_128], %parallel_loop3A_131 : memref<64x128xf32, #tpu.memory_space<vmem>>[vector<16xi32>, vector<16xi32>], vector<16xf32>,
        %parallel_loop3A_132 = tpu.vector_load_idx %arg6[%parallel_loop3A_127, %add3A_17] : memref<64x128xf32, #tpu.memory_space<vmem>>[vector<16xi32>, vector<16xi32>], vector<16xf32>,
        tpu.vector_store_idx %arg8[%shift_right_logical3A_40, %parallel_loop3A_128], %parallel_loop3A_132 : memref<64x128xf32, #tpu.memory_space<vmem>>[vector<16xi32>, vector<16xi32>], vector<16xf32>,
        %parallel_loop3A_133 = tpu.vector_load_idx %arg6[%parallel_loop3A_127, %add3A_20] : memref<64x128xf32, #tpu.memory_space<vmem>>[vector<16xi32>, vector<16xi32>], vector<16xf32>,
        tpu.vector_store_idx %arg8[%shift_right_logical3A_43, %parallel_loop3A_128], %parallel_loop3A_133 : memref<64x128xf32, #tpu.memory_space<vmem>>[vector<16xi32>, vector<16xi32>], vector<16xf32>,
        %parallel_loop3A_134 = tpu.vector_load_idx %arg6[%parallel_loop3A_127, %add3A_23] : memref<64x128xf32, #tpu.memory_space<vmem>>[vector<16xi32>, vector<16xi32>], vector<16xf32>,
        tpu.vector_store_idx %arg8[%shift_right_logical3A_46, %parallel_loop3A_128], %parallel_loop3A_134 : memref<64x128xf32, #tpu.memory_space<vmem>>[vector<16xi32>, vector<16xi32>], vector<16xf32>,
        %parallel_loop3A_135 = tpu.vector_load_idx %arg6[%parallel_loop3A_127, %add3A_26] : memref<64x128xf32, #tpu.memory_space<vmem>>[vector<16xi32>, vector<16xi32>], vector<16xf32>,
        tpu.vector_store_idx %arg8[%shift_right_logical3A_49, %parallel_loop3A_128], %parallel_loop3A_135 : memref<64x128xf32, #tpu.memory_space<vmem>>[vector<16xi32>, vector<16xi32>], vector<16xf32>,
        %parallel_loop3A_136 = tpu.vector_load_idx %arg6[%parallel_loop3A_127, %add3A_29] : memref<64x128xf32, #tpu.memory_space<vmem>>[vector<16xi32>, vector<16xi32>], vector<16xf32>,
        tpu.vector_store_idx %arg8[%shift_right_logical3A_52, %parallel_loop3A_128], %parallel_loop3A_136 : memref<64x128xf32, #tpu.memory_space<vmem>>[vector<16xi32>, vector<16xi32>], vector<16xf32>,
      } {sc.loop_unroll_factor = 1 : i64, sc.parallel_access}
      "tpu.region"() ({
        %run_scoped3A = tpu.sem_alloc : memref<!tpu.dma_semaphore, #tpu.memory_space<semaphore_mem>>
        %dma_start3A_83 = arith.constant 499968 : i32
        %dma_start3A_84 = arith.constant 0 : i32
        %dma_start3A_85 = tpu.memref_slice %arg4[%dma_start3A_83, %dma_start3A_84] : memref<500032x128xf32, #tpu.memory_space<hbm>> -> memref<64x128xf32, #tpu.memory_space<hbm>>
        %dma_start3A_86 = arith.constant 499968 : i32
        %dma_start3A_87 = arith.constant 0 : i32
        %dma_start3A_88 = tpu.memref_slice %arg4[%dma_start3A_86, %dma_start3A_87] : memref<500032x128xf32, #tpu.memory_space<hbm>> -> memref<64x128xf32, #tpu.memory_space<hbm>>
        tpu.enqueue_dma source(%arg8 : memref<64x128xf32, #tpu.memory_space<vmem>>) target(%dma_start3A_88 : memref<64x128xf32, #tpu.memory_space<hbm>>) target_semaphore(%run_scoped3A : memref<!tpu.dma_semaphore, #tpu.memory_space<semaphore_mem>>)
        %dma_wait3A_89 = arith.constant 499968 : i32
        %dma_wait3A_90 = arith.constant 0 : i32
        %dma_wait3A_91 = tpu.memref_slice %arg4[%dma_wait3A_89, %dma_wait3A_90] : memref<500032x128xf32, #tpu.memory_space<hbm>> -> memref<64x128xf32, #tpu.memory_space<hbm>>
        %dma_wait3A_92 = arith.constant 499968 : i32
        %dma_wait3A_93 = arith.constant 0 : i32
        %dma_wait3A_94 = tpu.memref_slice %arg4[%dma_wait3A_92, %dma_wait3A_93] : memref<500032x128xf32, #tpu.memory_space<hbm>> -> memref<64x128xf32, #tpu.memory_space<hbm>>
        tpu.wait_dma2 semaphore(%run_scoped3A : memref<!tpu.dma_semaphore, #tpu.memory_space<semaphore_mem>>) src(%arg8 : memref<64x128xf32, #tpu.memory_space<vmem>>) dst(%dma_wait3A_94 : memref<64x128xf32, #tpu.memory_space<hbm>>)
        tpu.yield
      }) : () -> ()
    } else {
    }
    return
  }
}

</mosaic_0001>

<sc_bundles>
// kernel: _pack_table.3.cloned.1.call-start
scs
__scs_entry_jumppad:
0x0: {  	(pc) =	sbr.rel $0x88, $3  }
0x1: {  	(tag) =	ssettag $0x0;
	lr =	simm.s32 $0x1  }
0x2: {  	[smem:$0x3F9F] =	sst lr;
	_ =	strace $0xD0000000  }
0x3: {  	_ = 	snop  }
0x4: {  	_ = 	snop  }
0x5: {  	_ = 	snop  }
0x6: {  	_ = 	snop  }
0x7: {  	_ = 	snop  }
__scs_overlays_trampoline_lowered:
0x8: {  	[smem:$0x3FAE] =	sst s0  }
0x9: {  	[smem:$0x3FAF] =	sst s1  }
0xa: {  	[smem:$0x3FB0] =	sst s2  }
0xb: {  	[smem:$0x3FB1] =	sst s3  }
0xc: {  	[smem:$0x3FB2] =	sst s4  }
0xd: {  	[smem:$0x3FB3] =	sst s5  }
0xe: {  	[smem:$0x3FB4] =	sst s6  }
0xf: {  	[smem:$0x3FB5] =	sst s7  }
0x10: {  	[smem:$0x3FB6] =	sst s8  }
0x11: {  	[smem:$0x3FB7] =	sst s9;
	s0 =	simm.s32 @!p0 $0x0  }
0x12: {  	s1 =	sld [smem:$0x3F9D];
	s0 =	simm.s32 @p0 $0x1  }
0x13: {  	[smem:$0x3FB8] =	sst s0;
	s0 =	simm.s32 @!p1 $0x0  }
0x14: {  	s2 =	sld [smem:$0x3F9C];
	s0 =	simm.s32 @p1 $0x1  }
0x15: {  	[smem:$0x3FB9] =	sst s0;
	s0 =	simm.s32 @!p2 $0x0  }
0x16: {  	s3 =	sld [smem:$0x3FDB];
	s0 =	simm.s32 @p2 $0x1  }
0x17: {  	s4 =	simm.s32 $0x1BF5;
	[smem:$0x3FBB] =	sst s0  }
0x18: {  	s0 =	sld [smem:$0x3F9E];
	_ =	swait.ge [sflag:s4], $0x0  }
0x19: {  	s7 =	sld [smem:$0x3F9F]  }
0x1a: {  	s8 =	sadd.s32 $0xFFFFE003, lr  }
0x1b: {  	s9 =	sadd.s32 $0xFFFFFEF7, lr;
	s5 =	simm.s32 $0xFFFFFFFF;
	p2 =	slt.u32 s8, $0xFFFFF086  }
0x1c: {  	p1 =	slt.u32 s9, $0xF7A;
	s5 =	simm.s32 @!p2 $0x0  }
0x1d: {  	s5 =	simm.s32 @p1 $0x1;
	p0 =	seq.s32 s7, s2  }
0x1e: {  	s7 =	smul.u32 @!p0 $0xF7A, s2;
	p2 =	seq.s32 @!p0 s5, $0x0  }
0x1f: {  	s9 =	smul.u32 $0xF7A, s1;
	s8 =	simm.s32 @!p0 $0x1BF5;
	p2 =	por !p2, p0  }
0x20: {  	[sflag:s8] =	ssyncset.s32 @!p0 $0xFFFFF086;
	s6 =	sadd.s32 @!p0 s3, s7;
	s7 =	simm.s32 @!p0 $0x108  }
0x21: {  	s3 =	sadd.s32 s3, s9;
	s6 =	sadd.s32 @!p0 $0x88, s6;
	s7 =	simm.s32 @p2 $0x1082  }
0x22: {  	[simem:s7], [sflag:s8] =	dma.local @!p0 [hbm:s6], $0xF7A  }
0x23: {  	s9 =	sor.u32 $0xD0000000, s2;
	s6 =	simm.s32 $0x108;
	_ =	swait.ge @!p0 [sflag:s8], $0x0  }
0x24: {  	s3 =	sadd.s32 $0x88, s3;
	s6 =	simm.s32 @!p1 $0x1082;
	[sflag:s4] =	ssyncset.s32 $0xFFFFF086  }
0x25: {  	[simem:s6], [sflag:s4] =	dma.local [hbm:s3], $0xF7A  }
0x26: {  	[smem:$0x3F9F] =	sst s1;
	(tag) =	ssettag s2;
	_ =	strace s9  }
0x27: {  	s1 =	sld [smem:$0x3FAF]  }
0x28: {  	s2 =	sld [smem:$0x3FB0]  }
0x29: {  	s4 =	sld [smem:$0x3FB2]  }
0x2a: {  	p0 =	seq.s32 s5, $0x0;
	s5 =	sld [smem:$0x3FB3]  }
0x2b: {  	s6 =	sld [smem:$0x3FB4]  }
0x2c: {  	s7 =	sld [smem:$0x3FB5]  }
0x2d: {  	s3 =	simm.s32 $0x108;
	s8 =	sld [smem:$0x3FB6]  }
0x2e: {  	s3 =	simm.s32 @!p0 $0x1082;
	s9 =	sld [smem:$0x3FB7]  }
0x2f: {  	lr =	sadd.s32 s0, s3;
	s0 =	sld [smem:$0x3FAE]  }
0x30: {  	s3 =	sld [smem:$0x3FB1]  }
0x31: {  	[smem:$0x3FBA] =	sst s10  }
0x32: {  	s10 =	sld [smem:$0x3FB8];
	_ =	sdelay $0x3  }
0x33: {  	p0 =	seq.s32 s10, $0x1;
	s10 =	sld [smem:$0x3FBA];
	_ =	sdelay $0x3  }
0x34: {  	[smem:$0x3FBA] =	sst s10  }
0x35: {  	s10 =	sld [smem:$0x3FB9];
	_ =	sdelay $0x3  }
0x36: {  	p1 =	seq.s32 s10, $0x1;
	s10 =	sld [smem:$0x3FBA];
	_ =	sdelay $0x3  }
0x37: {  	[smem:$0x3FBA] =	sst s10  }
0x38: {  	s10 =	sld [smem:$0x3FBB]  }
0x39: {  	_ = 	snop;
	(pc) =	sbr.ind lr, $3  }
0x3a: {  	_ = 	snop  }
0x3b: {  	_ = 	snop  }
0x3c: {  	p2 =	seq.s32 s10, $0x1;
	s10 =	sld [smem:$0x3FBA]  }
0x3d: {  	_ =	shalt  }
0x3e: {  	_ =	shalt  }
0x3f: {  	_ =	shalt  }
0x40: {  	_ =	shalt  }
0x41: {  	_ =	shalt  }
0x42: {  	_ =	shalt  }
0x43: {  	_ =	shalt  }
0x44: {  	_ =	shalt  }
0x45: {  	_ =	shalt  }
0x46: {  	_ =	shalt  }
0x47: {  	_ =	shalt  }
0x48: {  	_ =	shalt  }
0x49: {  	_ =	shalt  }
0x4a: {  	_ =	shalt  }
0x4b: {  	_ =	shalt  }
0x4c: {  	_ =	shalt  }
0x4d: {  	_ =	shalt  }
0x4e: {  	_ =	shalt  }
0x4f: {  	_ =	shalt  }
0x50: {  	_ =	shalt  }
0x51: {  	_ =	shalt  }
0x52: {  	_ =	shalt  }
0x53: {  	_ =	shalt  }
0x54: {  	_ =	shalt  }
0x55: {  	_ =	shalt  }
0x56: {  	_ =	shalt  }
0x57: {  	_ =	shalt  }
0x58: {  	_ =	shalt  }
0x59: {  	_ =	shalt  }
0x5a: {  	_ =	shalt  }
0x5b: {  	_ =	shalt  }
0x5c: {  	_ =	shalt  }
0x5d: {  	_ =	shalt  }
0x5e: {  	_ =	shalt  }
0x5f: {  	_ =	shalt  }
0x60: {  	_ =	shalt  }
0x61: {  	_ =	shalt  }
0x62: {  	_ =	shalt  }
0x63: {  	_ =	shalt  }
0x64: {  	_ =	shalt  }
0x65: {  	_ =	shalt  }
0x66: {  	_ =	shalt  }
0x67: {  	_ =	shalt  }
0x68: {  	_ =	shalt  }
0x69: {  	_ =	shalt  }
0x6a: {  	_ =	shalt  }
0x6b: {  	_ =	shalt  }
0x6c: {  	_ =	shalt  }
0x6d: {  	_ =	shalt  }
0x6e: {  	_ =	shalt  }
0x6f: {  	_ =	shalt  }
0x70: {  	_ =	shalt  }
0x71: {  	_ =	shalt  }
0x72: {  	_ =	shalt  }
0x73: {  	_ =	shalt  }
0x74: {  	_ =	shalt  }
0x75: {  	_ =	shalt  }
0x76: {  	_ =	shalt  }
0x77: {  	_ =	shalt  }
0x78: {  	_ =	shalt  }
0x79: {  	_ =	shalt  }
0x7a: {  	_ =	shalt  }
0x7b: {  	_ =	shalt  }
0x7c: {  	_ =	shalt  }
0x7d: {  	_ =	shalt  }
0x7e: {  	_ =	shalt  }
0x7f: {  	_ =	shalt  }
0x80: {  	_ =	shalt  }
0x81: {  	_ =	shalt  }
0x82: {  	_ =	shalt  }
0x83: {  	_ =	shalt  }
0x84: {  	_ =	shalt  }
0x85: {  	_ =	shalt  }
0x86: {  	_ =	shalt  }
0x87: {  	_ =	shalt  }
.Lfunc_end0:
.L_simem_size_0:
called_computation_lowered:
.L_overlay_start_0:
0x88: {  	s2 =	sld [smem:$0x3FD9]  }
0x89: {  	s3 =	sld [smem:$0x3FFE];
	_ =	sdelay $0x1  }
0x8a: {  	s1 =	srdreg.scid  }
0x8b: {  	s0 =	sand.u32 $0x1, s1  }
0x8c: {  	s18 =	sshll.u32 s0, $0xA;
	s2 =	sadd.s32 s3, s2  }
0x8d: {  	s2 =	sadd.s32 s2, s18  }
0x8e: {  	[smem:$0x3FC6] =	sst s2  }
0x8f: {  	_ = 	snop  }
0x90: {  	s2 =	sld [smem:$0x3FC9]  }
0x91: {  	s19 =	sld [smem:$0x3FC8]  }
0x92: {  	s4 =	sld [smem:$0x3FD0];
	(tm) =	ssettm $0x1  }
0x93: {  	s5 =	sld [smem:$0x3FFB];
	_ =	sdelay $0x3  }
0x94: {  	_ =	strace s5  }
0x95: {  	s5 =	sld [smem:$0x3FFC];
	_ =	sdelay $0x3  }
0x96: {  	_ =	strace s5  }
0x97: {  	s5 =	sld [smem:$0x3FFD];
	_ =	sdelay $0x3  }
0x98: {  	_ =	strace s5  }
0x99: {  	_ =	strace $0x8FFFFFFF  }
0x9a: {  	s20 =	sld [smem:$0x3FDB];
	_ =	sdelay $0x1  }
0x9b: {  	s6 =	simm.s32 $_scs_section_size  }
0x9c: {  	s7 =	simm.s32 $_size__tile_overlayer_lowered;
	s8 =	simm.s32 $_tile_overlayer_lowered  }
0x9d: {  	s23 =	simm.s32 $0x1BFF;
	s22 =	sshll.u32 s8, $0x1;
	s5 =	sadd.s32 s6, s20  }
0x9e: {  	s9 =	simm.s32 $0x0;
	s21 =	sshll.u32 s7, $0x1;
	s7 =	sadd.s32 s22, s5  }
0x9f: {  	[timem:s9], [sflag:s23] =	dma.local [hbm:s7], s21  }
0xa0: {  	_ =	swait.ge [sflag:s23], s21  }
0xa1: {  	s6 =	ssub.s32 $0x0, s21;
	[sflag:s23] =	ssyncset.done $0x0  }
0xa2: {  	[sflag:s23] =	ssyncadd.s32 s6;
	_ =	sdelay $0x1  }
0xa3: {  	s24 =	simm.s32 $0x1B8B  }
0xa4: {  	_ =	swait.ge [sflag:s24], $0x1  }
0xa5: {  	[sflag:s24] =	ssyncset.done $0x0  }
0xa6: {  	s25 =	simm.s32 $0x1B8E;
	[sflag:s24] =	ssyncadd.s32 $0xFFFFFFFF  }
0xa7: {  	s26 =	simm.s32 $execute0_lowered;
	[smem:$0x3FD2] =	sst s25  }
0xa8: {  	s6 =	sshll.u32 s26, $0x1;
	_ =	strace $0x80000046;
	[dreg:$0x1] =	wrdreg $0xFFFFFFFF  }
0xa9: {  	s28 =	simm.s32 $_size_execute0_lowered;
	s5 =	sadd.s32 s5, s6;
	[dreg:$0x0] =	wrdreg $0x0  }
0xaa: {  	s6 =	sshll.u32 s28, $0x1;
	[dreg:$0x2] =	wrdreg s5  }
0xab: {  	[dreg:$0x3] =	wrdreg s6  }
0xac: {  	[dreg:$0x4] =	wrdreg $0xC0  }
0xad: {  	_ =	task [dreg:s9], $0x5FFFF  }
0xae: {  	[dreg:$0x1] =	wrdreg $0xFFFFFFFF  }
0xaf: {  	[dreg:$0x0] =	wrdreg $0x60  }
0xb0: {  	[dreg:$0x2] =	wrdreg s2  }
0xb1: {  	[dreg:$0x3] =	wrdreg s19  }
0xb2: {  	[dreg:$0x4] =	wrdreg s4  }
0xb3: {  	[dreg:$0x5] =	wrdreg $0x9  }
0xb4: {  	_ =	task.clear_ibuf [dreg:s9], $0x6FFFF;
	_ =	strace $0x90000046  }
0xb5: {  	s29 =	simm.s32 $0x9;
	_ =	strace $0x80000048  }
0xb6: {  	_ =	swait.ge [sflag:s29], $0x1  }
0xb7: {  	[sflag:s29] =	ssyncadd.s32 $0xFFFFFFFF  }
0xb8: {  	_ =	strace $0x90000048  }
0xb9: {  	_ =	sfence  }
0xba: {  	s30 =	sld [smem:$0x0];
	_ =	sdelay $0x2  }
0xbb: {  	s31 =	sshll.u32 s1, $0xD;
	s1 =	sshrl.u32 s1, $0x2  }
0xbc: {  	s3 =	sand.u32 $0x4000, s31;
	s1 =	sadd.s32 s1, s30  }
0xbd: {  	s0 =	sor.u32 s3, s0;
	s1 =	sshll.u32 s1, $0x11  }
0xbe: {  	s0 =	sor.u32 s1, s0  }
0xbf: {  	s0 =	sadd.s32 $0x8F2B, s0  }
0xc0: {  	[sflag:s0] =	ssyncadd.remote.s32 $0x1  }
0xc1: {  	_ =	sfence.sel $0xFFFF  }
0xc2: {  	[dreg:$0x0] =	wrdreg $0xFFFFFFFF;
	(pc) =	sbr.abs _section_cstart, $3  }
0xc3: {  	[dreg:$0x1] =	wrdreg $0xFFFFFFFF  }
0xc4: {  	_ =	task.clear_ibuf [dreg:s9], $0x2FFFF;
	_ =	strace $0x9FFFFFFF  }
0xc5: {  	(tm) =	ssettm $0x7FFFFFFF  }
tec
execute0_lowered:
.L_overlay_start_1:
0x0: {  	(tag) =	ssettag $0x1  }
0x1: {  	v10 =	vlaneseq.u32  }
0x2: {  	v38 =	vmul.u32 $0x40, v10  }
0x3: {  	v0 =	vor.u32 $0x50, v10  }
0x4: {  	[tilespmem:$0x1FC50] =	vst v0;
	v0 =	vor.u32 $0x1810, v38  }
0x5: {  	[tilespmem:$0x1FC60] =	vst v0;
	v0 =	vor.u32 $0x870, v10  }
0x6: {  	[tilespmem:$0x1FC70] =	vst v0;
	v0 =	vor.u32 $0x1000, v10  }
0x7: {  	[tilespmem:$0x1FC80] =	vst v0;
	v0 =	vor.u32 $0x20, v38  }
0x8: {  	s7 =	rddreg [dreg:$0x0];
	[tilespmem:$0x1FC90] =	vst v0;
	v0 =	vor.u32 $0x1010, v10  }
0x9: {  	s0 =	rddreg [dreg:$0x1];
	s3 =	srdreg.scid;
	[tilespmem:$0x1FCA0] =	vst v0;
	v0 =	vor.u32 $0x420, v38  }
0xa: {  	s9 =	rddreg [dreg:$0x2];
	s4 =	sand.u32 $0x1, s3;
	s3 =	simm.s32 $0x0;
	[tilespmem:$0x1FCB0] =	vst v0;
	v0 =	vor.u32 $0x1020, v10  }
0xb: {  	[smem:$0x7FF] =	sst s3;
	[tilespmem:$0x1FCC0] =	vst v0;
	v0 =	vor.u32 $0xC20, v38  }
0xc: {  	s1 =	rddreg [dreg:$0x3];
	v14 =	vor.u32 $0x820, v10;
	_ =	strace $0x80000047;
	[tilespmem:$0x1FCD0] =	vst v0  }
0xd: {  	v21 =	vor.u32 $0x860, v10;
	[tilespmem:$0x1FD20] =	vst v14  }
0xe: {  	[tilespmem:$0x1FD30] =	vst v21  }
0xf: {  	v58 =	vor.u32 $0x1C10, v38;
	[tilespmem:$0x1FD40] =	vst v38  }
0x10: {  	v39 =	vor.u32 $0x10, v10;
	[tilespmem:$0x1FD50] =	vst v58  }
0x11: {  	v15 =	vor.u32 $0x820, v38;
	[tilespmem:$0x1FD60] =	vst v39  }
0x12: {  	v16 =	vor.u32 $0x1030, v10;
	[tilespmem:$0x1FD70] =	vst v15  }
0x13: {  	v12 =	vor.u32 $0x1040, v10;
	[tilespmem:$0x1FD80] =	vst v16  }
0x14: {  	v44 =	vor.u32 $0x1020, v38;
	[tilespmem:$0x1FD90] =	vst v12  }
0x15: {  	v42 =	vor.u32 $0x1050, v10;
	[tilespmem:$0x1FDA0] =	vst v44  }
0x16: {  	v2 =	vor.u32 $0x1060, v10;
	[tilespmem:$0x1FDB0] =	vst v42  }
0x17: {  	v26 =	vor.u32 $0x810, v38;
	[tilespmem:$0x1FDC0] =	vst v2  }
0x18: {  	v19 =	vor.u32 $0x840, v10;
	[tilespmem:$0x1FDD0] =	vst v26  }
0x19: {  	v17 =	vor.u32 $0x830, v10;
	[tilespmem:$0x1FDE0] =	vst v19  }
0x1a: {  	v22 =	vor.u32 $0x1410, v38;
	[tilespmem:$0x1FDF0] =	vst v17  }
0x1b: {  	v18 =	vor.u32 $0xC10, v38;
	[tilespmem:$0x1FE00] =	vst v22  }
0x1c: {  	v45 =	vor.u32 $0x1820, v38;
	[tilespmem:$0x1FE10] =	vst v18  }
0x1d: {  	v20 =	vor.u32 $0x850, v10;
	[tilespmem:$0x1FE20] =	vst v45  }
0x1e: {  	v60 =	vor.u32 $0x1030, v38;
	[tilespmem:$0x1FE30] =	vst v20  }
0x1f: {  	v29 =	vor.u32 $0x1850, v10;
	[tilespmem:$0x1FE40] =	vst v60  }
0x20: {  	v59 =	vor.u32 $0x1430, v38;
	[tilespmem:$0x1FE50] =	vst v29  }
0x21: {  	v8 =	vor.u32 $0x1860, v10;
	[tilespmem:$0x1FE60] =	vst v59  }
0x22: {  	v9 =	vor.u32 $0x1830, v38;
	[tilespmem:$0x1FE70] =	vst v8  }
0x23: {  	v61 =	vor.u32 $0x1C20, v38;
	[tilespmem:$0x1FE80] =	vst v9  }
0x24: {  	v11 =	vor.u32 $0x1010, v38;
	[tilespmem:$0x1FEA0] =	vst v61  }
0x25: {  	v1 =	vor.u32 $0x1070, v10;
	[tilespmem:$0x1FEB0] =	vst v11  }
0x26: {  	v28 =	vor.u32 $0x1C30, v38;
	[tilespmem:$0x1FEC0] =	vst v1  }
0x27: {  	v4 =	vor.u32 $0x430, v38;
	[tilespmem:$0x1FED0] =	vst v28  }
0x28: {  	v63 =	vor.u32 $0xC30, v38;
	[tilespmem:$0x1FEE0] =	vst v4  }
0x29: {  	v36 =	vor.u32 $0x1820, v10;
	[tilespmem:$0x1FEF0] =	vst v63  }
0x2a: {  	v30 =	vor.u32 $0x830, v38;
	[tilespmem:$0x1FF00] =	vst v36  }
0x2b: {  	v33 =	vor.u32 $0x1840, v10;
	[tilespmem:$0x1FF10] =	vst v30  }
0x2c: {  	v13 =	vor.u32 $0x1000, v38;
	[tilespmem:$0x1FF20] =	vst v33  }
0x2d: {  	v57 =	vor.u32 $0x810, v10;
	[tilespmem:$0x1FF30] =	vst v13  }
0x2e: {  	v7 =	vor.u32 $0x1810, v10;
	[tilespmem:$0x1FF40] =	vst v57  }
0x2f: {  	v43 =	vor.u32 $0x400, v38;
	[tilespmem:$0x1FF50] =	vst v7  }
0x30: {  	v5 =	vor.u32 $0x20, v10;
	[tilespmem:$0x1FF60] =	vst v43  }
0x31: {  	v3 =	vor.u32 $0x800, v38;
	[tilespmem:$0x1FF70] =	vst v5  }
0x32: {  	v46 =	vor.u32 $0x30, v10;
	[tilespmem:$0x1FF80] =	vst v3  }
0x33: {  	v47 =	vor.u32 $0xC00, v38;
	[tilespmem:$0x1FF90] =	vst v46  }
0x34: {  	s2 =	stileid.u32;
	s12 =	simm.s32 $0x7A1400;
	v37 =	vor.u32 $0x40, v10;
	[tilespmem:$0x1FFA0] =	vst v47  }
0x35: {  	s13 =	simm.s32 $0x1;
	s14 =	simm.s32 $0x2000;
	s15 =	simm.s32 $0x4000;
	v54 =	vor.u32 $0x1C00, v38;
	[tilespmem:$0x1FFB0] =	vst v37  }
0x36: {  	s16 =	simm.s32 $0x2;
	s17 =	simm.s32 $0x6000;
	s18 =	simm.s32 $0x3;
	v55 =	vor.u32 $0x800, v10;
	[tilespmem:$0x1FFC0] =	vst v54  }
0x37: {  	s19 =	simm.s32 $0x4;
	s20 =	simm.s32 $0x5;
	s6 =	sshll.u32 s2, $0x1;
	v23 =	vor.u32 $0x410, v38;
	[tilespmem:$0x1FFD0] =	vst v55  }
0x38: {  	p0 =	sgt.u32 s2, $0x1;
	s5 =	ssub.s32 $0x2, s4;
	s21 =	sor.u32 s4, s6;
	v56 =	vor.u32 $0x10, v38;
	[tilespmem:$0x1FFE0] =	vst v23  }
0x39: {  	s8 =	sshrl.u32 s5, $0x1;
	s4 =	sshll.u32 s21, $0x7;
	s30 =	sshll.u32 s21, $0xA;
	v0 =	vor.u32 $0x1420, v38;
	[tilespmem:$0x1FFF0] =	vst v56  }
.Ltmp0:
0x3a: {  	s6 =	sor.u32 $0x1E80, s21;
	p1 =	sne.s32 s21, $0x1F;
	[tilespmem:$0x1FCE0] =	vst v0;
	v0 =	vor.u32 $0x1800, v10;
	(pc) =	sbr.rel .LBB2_1-.Ltmp0, $4  }
0x3b: {  	s21 =	simm.s32 $0x0;
	s10 =	ssub.s32 s5, s8;
	s4 =	sadd.s32 s7, s4;
	[tilespmem:$0x1FCF0] =	vst v0;
	v0 =	vor.u32 $0x30, v38  }
0x3c: {  	s5 =	sadd.s32 s9, s30;
	s31 =	sshll.u32 s6, $0x7;
	s11 =	sshll.u32 s6, $0xA;
	[tilespmem:$0x1FD00] =	vst v0;
	v0 =	vor.u32 $0x1830, v10  }
0x3d: {  	v51 =	vor.u32 $0x60, v10;
	v53 =	vor.u32 $0x70, v10;
	s6 =	sadd.s32 $0x2000, s4;
	s7 =	sadd.s32 s7, s31;
	s8 =	sadd.s32 s9, s11;
	v10 =	vor.u32 $0x1870, v10;
	[tilespmem:$0x1FD10] =	vst v0  }
0x3e: {  	v48 =	vor.u32 $0x1400, v38;
	v52 =	vor.u32 $0x1800, v38;
	s9 =	sadd.s32 $0x7A1000, s9;
	s10 =	smax.u32 s10, $0x1;
	s11 =	simm.s32 $0x400;
	[tilespmem:$0x1FE90] =	vst v10  }
.LBB2_15:
0x3f: {  	s21 =	sadd.s32 $0x1, s21  }
0x40: {  	p2 =	sne.s32 s21, s10  }
.Ltmp1:
0x41: {  	_ = 	snop;
	(pc) =	sbr.rel @!p2 .LBB2_16-.Ltmp1, $1  }
0x42: {  	_ =	sdelay $0x3  }
.LBB2_1:
0x43: {  	[tilespmem:s3], [sflag:$0x1] =	stream.strided.gather [hbm4b:s4+s11], $0x2000, s12, s11, $0x38;
	[tilespmem:$0x8000] =	vst v63  }
0x44: {  	s22 =	simm.s32 $0x0  }
.LBB2_2:
0x45: {  	s24 =	simm.s32 $0x0;
	v25 =	vlaneseq.u32  }
0x46: {  	_ =	swait.ge [sflag:s13], $0x2000;
	s23 =	sshllo.u32 s22, $0x1;
	v4 =	vadd.s32 s24, v25  }
0x47: {  	[sflag:s13] =	ssyncset.done $0x0;
	s31 =	sshll.u32 s23, $0xC;
	v12 =	vand.u32 $0xF, v4  }
0x48: {  	p2 =	seq.s32 s22, $0x0;
	[sflag:s13] =	ssyncadd.s32 $0xFFFFE000;
	s24 =	sadd.s32 s31, s4;
	v7 =	vshll.u32 v12, $0x7  }
0x49: {  	[tilespmem:s14], [sflag:$0x2] =	stream.strided.gather [hbm4b:s24+s11], $0x2000, s12, s11, $0x38;
	v0 =	vor.u32 v25, v7;
	[tilespmem:$0x8000] =	vst v63  }
0x4a: {  	s24 =	simm.s32 @!p2 $0x3  }
0x4b: {  	_ =	swait.ge @!p2 [sflag:s24], $0x2000  }
0x4c: {  	[sflag:s24] =	ssyncset.done @!p2 $0x0  }
0x4d: {  	[sflag:s24] =	ssyncadd.s32 @!p2 $0xFFFFE000  }
0x4e: {  	v1 =	vor.u32 v38, v12;
	v0 =	vld.idx.msk [tilespmem:v0+s3+$0x0], $0xffff  }
0x4f: {  	v2 =	vor.u32 v39, v7;
	_ =	sdelay $0x3  }
0x50: {  	[tilespmem:v1+s15+$0x0] =	vst.idx.msk $0xffff, v0  }
0x51: {  	v1 =	vor.u32 v43, v12;
	v0 =	vld.idx.msk [tilespmem:v2+s3+$0x0], $0xffff  }
0x52: {  	v2 =	vor.u32 v5, v7;
	_ =	sdelay $0x3  }
0x53: {  	[tilespmem:v1+s15+$0x0] =	vst.idx.msk $0xffff, v0  }
0x54: {  	v1 =	vor.u32 v3, v12;
	v0 =	vld.idx.msk [tilespmem:v2+s3+$0x0], $0xffff  }
0x55: {  	v2 =	vor.u32 v46, v7;
	_ =	sdelay $0x3  }
0x56: {  	[tilespmem:v1+s15+$0x0] =	vst.idx.msk $0xffff, v0  }
0x57: {  	v1 =	vld.idx.msk [tilespmem:v2+s3+$0x0], $0xffff;
	v2 =	vor.u32 v47, v12;
	_ =	sdelay $0x4  }
0x58: {  	v11 =	vmov v5;
	v5 =	vor.u32 v37, v7;
	[tilespmem:v2+s15+$0x0] =	vst.idx.msk $0xffff, v1  }
0x59: {  	s25 =	simm.s32 $0x1;
	v34 =	vld [tilespmem:$0x1FC50]  }
0x5a: {  	v0 =	vadd.s32 s25, v25  }
0x5b: {  	v16 =	vand.u32 $0xF, v0  }
0x5c: {  	v62 =	vmov v3;
	v3 =	vshll.u32 v16, $0x7  }
0x5d: {  	v1 =	vor.u32 v25, v3;
	v2 =	vld.idx.msk [tilespmem:v5+s3+$0x0], $0xffff;
	v5 =	vor.u32 v13, v12  }
0x5e: {  	v6 =	vor.u32 v34, v7;
	_ =	sdelay $0x3  }
0x5f: {  	v8 =	vor.u32 v38, v16;
	v1 =	vld.idx.msk [tilespmem:v1+s3+$0x0], $0xffff;
	[tilespmem:v5+s15+$0x0] =	vst.idx.msk $0xffff, v2  }
0x60: {  	v2 =	vor.u32 v39, v3;
	v5 =	vld.idx.msk [tilespmem:v6+s3+$0x0], $0xffff;
	v6 =	vor.u32 v48, v12  }
0x61: {  	v9 =	vor.u32 v51, v7;
	_ =	sdelay $0x2  }
0x62: {  	[tilespmem:v8+s15+$0x0] =	vst.idx.msk $0xffff, v1  }
0x63: {  	v1 =	vld.idx.msk [tilespmem:v2+s3+$0x0], $0xffff;
	v2 =	vor.u32 v43, v16;
	[tilespmem:v6+s15+$0x0] =	vst.idx.msk $0xffff, v5  }
0x64: {  	v8 =	vor.u32 v52, v12;
	v5 =	vor.u32 v11, v3;
	v6 =	vld.idx.msk [tilespmem:v9+s3+$0x0], $0xffff  }
0x65: {  	v9 =	vor.u32 v53, v7;
	_ =	sdelay $0x2  }
0x66: {  	[tilespmem:v2+s15+$0x0] =	vst.idx.msk $0xffff, v1  }
0x67: {  	v2 =	vor.u32 v62, v16;
	v1 =	vld.idx.msk [tilespmem:v5+s3+$0x0], $0xffff;
	[tilespmem:v8+s15+$0x0] =	vst.idx.msk $0xffff, v6  }
0x68: {  	v5 =	vor.u32 v46, v3;
	v8 =	vor.u32 v54, v12;
	v6 =	vld.idx.msk [tilespmem:v9+s3+$0x0], $0xffff  }
0x69: {  	v9 =	vor.u32 v55, v7;
	_ =	sdelay $0x2  }
0x6a: {  	[tilespmem:v2+s15+$0x0] =	vst.idx.msk $0xffff, v1  }
0x6b: {  	v2 =	vld.idx.msk [tilespmem:v5+s3+$0x0], $0xffff;
	v5 =	vor.u32 v47, v16;
	[tilespmem:v8+s15+$0x0] =	vst.idx.msk $0xffff, v6  }
0x6c: {  	v6 =	vor.u32 v37, v3;
	v8 =	vld.idx.msk [tilespmem:v9+s3+$0x0], $0xffff;
	v9 =	vor.u32 v56, v4  }
0x6d: {  	s26 =	simm.s32 $0x2;
	v41 =	vmov v11;
	v11 =	vor.u32 v57, v7  }
0x6e: {  	v1 =	vadd.s32 s26, v25  }
0x6f: {  	v10 =	vand.u32 $0xF, v1  }
0x70: {  	v60 =	vmov v13;
	[tilespmem:v5+s15+$0x0] =	vst.idx.msk $0xffff, v2;
	v2 =	vshll.u32 v10, $0x7  }
0x71: {  	v13 =	vor.u32 v13, v16;
	v5 =	vld.idx.msk [tilespmem:v6+s3+$0x0], $0xffff;
	v6 =	vor.u32 v25, v2;
	[tilespmem:v9+s15+$0x0] =	vst.idx.msk $0xffff, v8  }
0x72: {  	v8 =	vor.u32 v34, v3;
	v9 =	vld.idx.msk [tilespmem:v11+s3+$0x0], $0xffff;
	v11 =	vor.u32 v23, v4  }
0x73: {  	v50 =	vmov v14;
	v14 =	vor.u32 v14, v7;
	_ =	sdelay $0x2  }
0x74: {  	v30 =	vmov v15;
	v6 =	vld.idx.msk [tilespmem:v6+s3+$0x0], $0xffff;
	[tilespmem:v13+s15+$0x0] =	vst.idx.msk $0xffff, v5;
	v5 =	vor.u32 v38, v10  }
0x75: {  	v15 =	vor.u32 v48, v16;
	v13 =	vor.u32 v39, v2;
	v8 =	vld.idx.msk [tilespmem:v8+s3+$0x0], $0xffff;
	[tilespmem:v11+s15+$0x0] =	vst.idx.msk $0xffff, v9  }
0x76: {  	v9 =	vor.u32 v51, v3;
	v11 =	vld.idx.msk [tilespmem:v14+s3+$0x0], $0xffff;
	v14 =	vor.u32 v26, v4  }
0x77: {  	v35 =	vmov v17;
	v17 =	vor.u32 v17, v7;
	_ =	sdelay $0x1  }
0x78: {  	[tilespmem:v5+s15+$0x0] =	vst.idx.msk $0xffff, v6  }
0x79: {  	v6 =	vor.u32 v43, v10;
	v5 =	vld.idx.msk [tilespmem:v13+s3+$0x0], $0xffff;
	[tilespmem:v15+s15+$0x0] =	vst.idx.msk $0xffff, v8  }
0x7a: {  	v8 =	vld.idx.msk [tilespmem:v9+s3+$0x0], $0xffff;
	v9 =	vor.u32 v52, v16;
	[tilespmem:v14+s15+$0x0] =	vst.idx.msk $0xffff, v11  }
0x7b: {  	v15 =	vor.u32 v18, v4;
	v14 =	vld.idx.msk [tilespmem:v17+s3+$0x0], $0xffff;
	_ =	sdelay $0x2  }
0x7c: {  	[tilespmem:v6+s15+$0x0] =	vst.idx.msk $0xffff, v5  }
0x7d: {  	v13 =	vor.u32 v41, v2;
	[tilespmem:v9+s15+$0x0] =	vst.idx.msk $0xffff, v8  }
0x7e: {  	v11 =	vor.u32 v53, v3;
	[tilespmem:v15+s15+$0x0] =	vst.idx.msk $0xffff, v14  }
0x7f: {  	v17 =	vor.u32 v19, v7;
	v63 =	vld [tilespmem:$0x1FEB0];
	_ =	sdelay $0x2  }
0x80: {  	v6 =	vor.u32 v62, v10;
	v5 =	vld.idx.msk [tilespmem:v13+s3+$0x0], $0xffff  }
0x81: {  	v9 =	vor.u32 v46, v2;
	v8 =	vld.idx.msk [tilespmem:v11+s3+$0x0], $0xffff;
	v11 =	vor.u32 v54, v16  }
0x82: {  	v13 =	vor.u32 v55, v3;
	v14 =	vld.idx.msk [tilespmem:v17+s3+$0x0], $0xffff;
	v15 =	vor.u32 v63, v4  }
0x83: {  	v17 =	vor.u32 v20, v7;
	_ =	sdelay $0x1  }
0x84: {  	[tilespmem:v6+s15+$0x0] =	vst.idx.msk $0xffff, v5  }
0x85: {  	v6 =	vld.idx.msk [tilespmem:v9+s3+$0x0], $0xffff;
	[tilespmem:v11+s15+$0x0] =	vst.idx.msk $0xffff, v8;
	v8 =	vor.u32 v47, v10  }
0x86: {  	v40 =	vmov v18;
	v18 =	vor.u32 v56, v0;
	v9 =	vld.idx.msk [tilespmem:v13+s3+$0x0], $0xffff;
	[tilespmem:v15+s15+$0x0] =	vst.idx.msk $0xffff, v14  }
0x87: {  	v15 =	vld.idx.msk [tilespmem:v17+s3+$0x0], $0xffff;
	v17 =	vor.u32 v22, v4;
	_ =	sdelay $0x2  }
0x88: {  	[tilespmem:v8+s15+$0x0] =	vst.idx.msk $0xffff, v6  }
0x89: {  	v11 =	vor.u32 v37, v2;
	[tilespmem:v18+s15+$0x0] =	vst.idx.msk $0xffff, v9  }
0x8a: {  	s28 =	simm.s32 $0x3;
	v14 =	vor.u32 v57, v3;
	[tilespmem:v17+s15+$0x0] =	vst.idx.msk $0xffff, v15  }
0x8b: {  	v49 =	vmov v19;
	v19 =	vor.u32 v21, v7;
	v5 =	vadd.s32 s28, v25;
	v45 =	vld [tilespmem:$0x1FC60]  }
0x8c: {  	v13 =	vand.u32 $0xF, v5;
	v31 =	vld [tilespmem:$0x1FC70]  }
0x8d: {  	v6 =	vshll.u32 v13, $0x7  }
0x8e: {  	v8 =	vld.idx.msk [tilespmem:v11+s3+$0x0], $0xffff;
	v9 =	vor.u32 v25, v6;
	v11 =	vor.u32 v60, v10  }
0x8f: {  	v59 =	vmov v20;
	v20 =	vor.u32 v23, v0;
	v18 =	vor.u32 v34, v2;
	v14 =	vld.idx.msk [tilespmem:v14+s3+$0x0], $0xffff  }
0x90: {  	v15 =	vor.u32 v50, v3;
	v17 =	vld.idx.msk [tilespmem:v19+s3+$0x0], $0xffff;
	v19 =	vor.u32 v45, v4  }
0x91: {  	v36 =	vmov v21;
	v21 =	vor.u32 v31, v7;
	_ =	sdelay $0x1  }
0x92: {  	v9 =	vld.idx.msk [tilespmem:v9+s3+$0x0], $0xffff;
	[tilespmem:v11+s15+$0x0] =	vst.idx.msk $0xffff, v8;
	v8 =	vor.u32 v38, v13  }
0x93: {  	v11 =	vld.idx.msk [tilespmem:v18+s3+$0x0], $0xffff;
	v18 =	vor.u32 v48, v10;
	[tilespmem:v20+s15+$0x0] =	vst.idx.msk $0xffff, v14  }
0x94: {  	v29 =	vmov v22;
	v22 =	vor.u32 v26, v0;
	v15 =	vld.idx.msk [tilespmem:v15+s3+$0x0], $0xffff;
	[tilespmem:v19+s15+$0x0] =	vst.idx.msk $0xffff, v17  }
0x95: {  	v14 =	vor.u32 v39, v6;
	v19 =	vld.idx.msk [tilespmem:v21+s3+$0x0], $0xffff;
	v21 =	vor.u32 v58, v4  }
0x96: {  	v32 =	vld [tilespmem:$0x1FC80]  }
0x97: {  	[tilespmem:v8+s15+$0x0] =	vst.idx.msk $0xffff, v9  }
0x98: {  	[tilespmem:v18+s15+$0x0] =	vst.idx.msk $0xffff, v11  }
0x99: {  	v20 =	vor.u32 v51, v2;
	[tilespmem:v22+s15+$0x0] =	vst.idx.msk $0xffff, v15  }
0x9a: {  	v17 =	vor.u32 v35, v3;
	v8 =	vld.idx.msk [tilespmem:v14+s3+$0x0], $0xffff;
	[tilespmem:v21+s15+$0x0] =	vst.idx.msk $0xffff, v19  }
0x9b: {  	v33 =	vmovc v26;
	v27 =	vmov v23;
	v9 =	vor.u32 v43, v13;
	v23 =	vor.u32 v32, v7;
	v26 =	vld [tilespmem:$0x1FC90];
	_ =	sdelay $0x2  }
0x9c: {  	v11 =	vld.idx.msk [tilespmem:v20+s3+$0x0], $0xffff;
	v14 =	vor.u32 v52, v10  }
0x9d: {  	v18 =	vor.u32 v40, v0;
	v17 =	vld.idx.msk [tilespmem:v17+s3+$0x0], $0xffff  }
0x9e: {  	[tilespmem:v9+s15+$0x0] =	vst.idx.msk $0xffff, v8;
	v21 =	vld.idx.msk [tilespmem:v23+s3+$0x0], $0xffff;
	v22 =	vor.u32 v26, v12  }
0x9f: {  	v42 =	vld [tilespmem:$0x1FCA0];
	_ =	sdelay $0x1  }
0xa0: {  	v15 =	vor.u32 v41, v6;
	[tilespmem:v14+s15+$0x0] =	vst.idx.msk $0xffff, v11  }
0xa1: {  	v20 =	vor.u32 v53, v2;
	[tilespmem:v18+s15+$0x0] =	vst.idx.msk $0xffff, v17  }
0xa2: {  	v19 =	vor.u32 v49, v3;
	[tilespmem:v22+s15+$0x0] =	vst.idx.msk $0xffff, v21  }
0xa3: {  	v61 =	vmovc v41;
	v41 =	vmov v62;
	v11 =	vor.u32 v62, v13;
	v8 =	vor.u32 v42, v7;
	v62 =	vld [tilespmem:$0x1FCB0]  }
0xa4: {  	v44 =	vld [tilespmem:$0x1FCC0]  }
0xa5: {  	v9 =	vld.idx.msk [tilespmem:v15+s3+$0x0], $0xffff  }
0xa6: {  	v15 =	vor.u32 v46, v6;
	v14 =	vld.idx.msk [tilespmem:v20+s3+$0x0], $0xffff;
	v17 =	vor.u32 v54, v10  }
0xa7: {  	v20 =	vor.u32 v63, v0;
	v18 =	vld.idx.msk [tilespmem:v19+s3+$0x0], $0xffff;
	v19 =	vor.u32 v55, v2  }
0xa8: {  	v21 =	vor.u32 v59, v3;
	v8 =	vld.idx.msk [tilespmem:v8+s3+$0x0], $0xffff;
	v22 =	vor.u32 v62, v12  }
0xa9: {  	v23 =	vor.u32 v44, v7  }
0xaa: {  	[tilespmem:v11+s15+$0x0] =	vst.idx.msk $0xffff, v9  }
0xab: {  	[tilespmem:v17+s15+$0x0] =	vst.idx.msk $0xffff, v14;
	v11 =	vor.u32 v47, v13;
	v9 =	vld.idx.msk [tilespmem:v15+s3+$0x0], $0xffff  }
0xac: {  	[tilespmem:v20+s15+$0x0] =	vst.idx.msk $0xffff, v18;
	v18 =	vor.u32 v56, v1;
	v15 =	vld.idx.msk [tilespmem:v19+s3+$0x0], $0xffff  }
0xad: {  	v19 =	vld.idx.msk [tilespmem:v21+s3+$0x0], $0xffff;
	v21 =	vor.u32 v29, v0;
	[tilespmem:v22+s15+$0x0] =	vst.idx.msk $0xffff, v8  }
0xae: {  	v24 =	vor.u32 v30, v12;
	v17 =	vor.u32 v37, v6;
	v23 =	vld.idx.msk [tilespmem:v23+s3+$0x0], $0xffff  }
0xaf: {  	v22 =	vor.u32 v36, v3;
	v36 =	vld [tilespmem:$0x1FD80]  }
0xb0: {  	[tilespmem:v11+s15+$0x0] =	vst.idx.msk $0xffff, v9  }
0xb1: {  	[tilespmem:v18+s15+$0x0] =	vst.idx.msk $0xffff, v15  }
0xb2: {  	[tilespmem:v21+s15+$0x0] =	vst.idx.msk $0xffff, v19  }
0xb3: {  	s29 =	simm.s32 $0x4;
	v20 =	vor.u32 v57, v2;
	v11 =	vld.idx.msk [tilespmem:v17+s3+$0x0], $0xffff;
	[tilespmem:v24+s15+$0x0] =	vst.idx.msk $0xffff, v23  }
0xb4: {  	v8 =	vadd.s32 s29, v25;
	v17 =	vor.u32 v60, v13;
	v25 =	vor.u32 v36, v7;
	v60 =	vld [tilespmem:$0x1FCD0]  }
0xb5: {  	v29 =	vmov v26;
	v26 =	vor.u32 v45, v0;
	v45 =	vld [tilespmem:$0x1FD90];
	_ =	sdelay $0x1  }
0xb6: {  	v14 =	vand.u32 $0xF, v8  }
0xb7: {  	v28 =	vlaneseq.u32;
	v9 =	vshll.u32 v14, $0x7;
	v18 =	vld.idx.msk [tilespmem:v20+s3+$0x0], $0xffff;
	v20 =	vor.u32 v27, v1  }
0xb8: {  	v15 =	vor.u32 v28, v9;
	v24 =	vld.idx.msk [tilespmem:v25+s3+$0x0], $0xffff;
	v25 =	vor.u32 v60, v12  }
0xb9: {  	v21 =	vld.idx.msk [tilespmem:v22+s3+$0x0], $0xffff;
	v27 =	vor.u32 v45, v7;
	_ =	sdelay $0x1  }
0xba: {  	[tilespmem:v17+s15+$0x0] =	vst.idx.msk $0xffff, v11  }
0xbb: {  	v19 =	vor.u32 v34, v6;
	[tilespmem:v20+s15+$0x0] =	vst.idx.msk $0xffff, v18  }
0xbc: {  	v22 =	vor.u32 v50, v2;
	v15 =	vld.idx.msk [tilespmem:v15+s3+$0x0], $0xffff;
	[tilespmem:v25+s15+$0x0] =	vst.idx.msk $0xffff, v24  }
0xbd: {  	v23 =	vor.u32 v31, v3;
	[tilespmem:v26+s15+$0x0] =	vst.idx.msk $0xffff, v21;
	v25 =	vld.idx.msk [tilespmem:v27+s3+$0x0], $0xffff  }
0xbe: {  	v11 =	vor.u32 v38, v14;
	v27 =	vld [tilespmem:$0x1FDA0];
	_ =	sdelay $0x1  }
0xbf: {  	v17 =	vld.idx.msk [tilespmem:v19+s3+$0x0], $0xffff;
	v19 =	vor.u32 v48, v13  }
0xc0: {  	v20 =	vld.idx.msk [tilespmem:v22+s3+$0x0], $0xffff;
	v22 =	vor.u32 v33, v1  }
0xc1: {  	v28 =	vor.u32 v58, v0;
	v18 =	vor.u32 v39, v9;
	v23 =	vld.idx.msk [tilespmem:v23+s3+$0x0], $0xffff  }
0xc2: {  	v21 =	vor.u32 v51, v6;
	[tilespmem:v11+s15+$0x0] =	vst.idx.msk $0xffff, v15;
	v27 =	vor.u32 v27, v12  }
0xc3: {  	v11 =	vld [tilespmem:$0x1FDB0]  }
0xc4: {  	[tilespmem:v19+s15+$0x0] =	vst.idx.msk $0xffff, v17  }
0xc5: {  	[tilespmem:v22+s15+$0x0] =	vst.idx.msk $0xffff, v20  }
0xc6: {  	v26 =	vor.u32 v35, v2;
	v15 =	vld.idx.msk [tilespmem:v18+s3+$0x0], $0xffff;
	[tilespmem:v28+s15+$0x0] =	vst.idx.msk $0xffff, v23  }
0xc7: {  	v24 =	vor.u32 v32, v3;
	v17 =	vor.u32 v43, v14;
	v18 =	vld.idx.msk [tilespmem:v21+s3+$0x0], $0xffff;
	[tilespmem:v27+s15+$0x0] =	vst.idx.msk $0xffff, v25  }
0xc8: {  	v19 =	vor.u32 v52, v13;
	v20 =	vor.u32 v61, v9;
	v11 =	vor.u32 v11, v7;
	v61 =	vld [tilespmem:$0x1FCE0];
	_ =	sdelay $0x2  }
0xc9: {  	v22 =	vor.u32 v40, v1;
	v21 =	vld.idx.msk [tilespmem:v26+s3+$0x0], $0xffff  }
0xca: {  	v26 =	vor.u32 v29, v16;
	v24 =	vld.idx.msk [tilespmem:v24+s3+$0x0], $0xffff;
	[tilespmem:v17+s15+$0x0] =	vst.idx.msk $0xffff, v15  }
0xcb: {  	v23 =	vor.u32 v53, v6;
	v11 =	vld.idx.msk [tilespmem:v11+s3+$0x0], $0xffff;
	[tilespmem:v19+s15+$0x0] =	vst.idx.msk $0xffff, v18;
	v27 =	vor.u32 v61, v12  }
0xcc: {  	v33 =	vld [tilespmem:$0x1FDC0]  }
0xcd: {  	v28 =	vor.u32 v49, v2  }
0xce: {  	v25 =	vor.u32 v42, v3;
	v18 =	vor.u32 v41, v14;
	v17 =	vld.idx.msk [tilespmem:v20+s3+$0x0], $0xffff;
	[tilespmem:v22+s15+$0x0] =	vst.idx.msk $0xffff, v21  }
0xcf: {  	[tilespmem:v26+s15+$0x0] =	vst.idx.msk $0xffff, v24  }
0xd0: {  	v19 =	vld.idx.msk [tilespmem:v23+s3+$0x0], $0xffff;
	[tilespmem:v27+s15+$0x0] =	vst.idx.msk $0xffff, v11  }
0xd1: {  	v21 =	vor.u32 v54, v13;
	v15 =	vor.u32 v33, v7;
	v27 =	vld [tilespmem:$0x1FE20]  }
0xd2: {  	v20 =	vor.u32 v46, v9;
	v24 =	vor.u32 v63, v1;
	v22 =	vld.idx.msk [tilespmem:v28+s3+$0x0], $0xffff  }
0xd3: {  	v23 =	vor.u32 v55, v6;
	v28 =	vor.u32 v62, v16;
	v25 =	vld.idx.msk [tilespmem:v25+s3+$0x0], $0xffff;
	[tilespmem:v18+s15+$0x0] =	vst.idx.msk $0xffff, v17  }
0xd4: {  	v40 =	vld [tilespmem:$0x1FEC0]  }
0xd5: {  	v26 =	vor.u32 v59, v2  }
0xd6: {  	v11 =	vor.u32 v44, v3;
	v15 =	vld.idx.msk [tilespmem:v15+s3+$0x0], $0xffff;
	[tilespmem:v21+s15+$0x0] =	vst.idx.msk $0xffff, v19;
	v27 =	vor.u32 v27, v12  }
0xd7: {  	v18 =	vld.idx.msk [tilespmem:v20+s3+$0x0], $0xffff;
	[tilespmem:v24+s15+$0x0] =	vst.idx.msk $0xffff, v22  }
0xd8: {  	[tilespmem:v28+s15+$0x0] =	vst.idx.msk $0xffff, v25;
	v20 =	vld.idx.msk [tilespmem:v23+s3+$0x0], $0xffff  }
0xd9: {  	v25 =	vld [tilespmem:$0x1FE00];
	v17 =	vor.u32 v40, v7  }
0xda: {  	v23 =	vld.idx.msk [tilespmem:v26+s3+$0x0], $0xffff  }
0xdb: {  	v19 =	vor.u32 v47, v14;
	v26 =	vld.idx.msk [tilespmem:v11+s3+$0x0], $0xffff;
	[tilespmem:v27+s15+$0x0] =	vst.idx.msk $0xffff, v15  }
0xdc: {  	v22 =	vor.u32 v56, v5;
	v11 =	vld [tilespmem:$0x1FD30]  }
0xdd: {  	v41 =	vld [tilespmem:$0x1FEA0]  }
0xde: {  	v21 =	vor.u32 v37, v9;
	v25 =	vor.u32 v25, v1;
	v28 =	vld.idx.msk [tilespmem:v17+s3+$0x0], $0xffff  }
0xdf: {  	v27 =	vor.u32 v30, v16;
	v32 =	vld [tilespmem:$0x1FF00]  }
0xe0: {  	v49 =	vld [tilespmem:$0x1FF10];
	[tilespmem:v19+s15+$0x0] =	vst.idx.msk $0xffff, v18  }
0xe1: {  	v24 =	vor.u32 v57, v6;
	v58 =	vld [tilespmem:$0x1FCF0];
	[tilespmem:v22+s15+$0x0] =	vst.idx.msk $0xffff, v20  }
0xe2: {  	v29 =	vor.u32 v36, v3;
	v63 =	vld [tilespmem:$0x1FF30];
	v30 =	vor.u32 v41, v12  }
0xe3: {  	s30 =	simm.s32 $0x5;
	v31 =	vlaneseq.u32;
	v19 =	vld.idx.msk [tilespmem:v21+s3+$0x0], $0xffff;
	[tilespmem:v25+s15+$0x0] =	vst.idx.msk $0xffff, v23  }
0xe4: {  	v36 =	vld [tilespmem:$0x1FFE0];
	[tilespmem:v27+s15+$0x0] =	vst.idx.msk $0xffff, v26;
	v15 =	vor.u32 v11, v2;
	v11 =	vadd.s32 s30, v31  }
0xe5: {  	v35 =	vld [tilespmem:$0x1FC60];
	v17 =	vand.u32 $0xF, v11  }
0xe6: {  	v22 =	vld.idx.msk [tilespmem:v24+s3+$0x0], $0xffff;
	v18 =	vor.u32 v58, v7;
	v12 =	vshll.u32 v17, $0x7  }
0xe7: {  	v27 =	vld.idx.msk [tilespmem:v29+s3+$0x0], $0xffff;
	v21 =	vor.u32 v63, v14;
	v20 =	vor.u32 v31, v12;
	[tilespmem:v30+s15+$0x0] =	vst.idx.msk $0xffff, v28  }
0xe8: {  	v31 =	vld [tilespmem:$0x1FD00]  }
0xe9: {  	v23 =	vor.u32 v34, v9;
	v24 =	vor.u32 v36, v5;
	v15 =	vld.idx.msk [tilespmem:v15+s3+$0x0], $0xffff  }
0xea: {  	v25 =	vor.u32 v50, v6;
	v26 =	vor.u32 v35, v1;
	v28 =	vld [tilespmem:$0x1FC70]  }
0xeb: {  	v29 =	vor.u32 v60, v16;
	v18 =	vld.idx.msk [tilespmem:v18+s3+$0x0], $0xffff  }
0xec: {  	[tilespmem:v21+s15+$0x0] =	vst.idx.msk $0xffff, v19;
	v20 =	vld.idx.msk [tilespmem:v20+s3+$0x0], $0xffff  }
0xed: {  	v19 =	vld [tilespmem:$0x1FF50];
	v31 =	vor.u32 v31, v4  }
0xee: {  	v23 =	vld.idx.msk [tilespmem:v23+s3+$0x0], $0xffff;
	[tilespmem:v24+s15+$0x0] =	vst.idx.msk $0xffff, v22  }
0xef: {  	v30 =	vor.u32 v45, v3;
	v25 =	vld.idx.msk [tilespmem:v25+s3+$0x0], $0xffff;
	[tilespmem:v26+s15+$0x0] =	vst.idx.msk $0xffff, v15  }
0xf0: {  	v28 =	vor.u32 v28, v2;
	v26 =	vld [tilespmem:$0x1FDD0];
	[tilespmem:v29+s15+$0x0] =	vst.idx.msk $0xffff, v27  }
0xf1: {  	v21 =	vor.u32 v38, v17;
	v34 =	vld [tilespmem:$0x1FDF0]  }
0xf2: {  	v42 =	vld [tilespmem:$0x1FD50];
	[tilespmem:v31+s15+$0x0] =	vst.idx.msk $0xffff, v18  }
0xf3: {  	v19 =	vor.u32 v19, v7;
	v31 =	vld [tilespmem:$0x1FDA0]  }
0xf4: {  	v30 =	vld.idx.msk [tilespmem:v30+s3+$0x0], $0xffff  }
0xf5: {  	v22 =	vor.u32 v39, v12;
	v24 =	vor.u32 v48, v14;
	v28 =	vld.idx.msk [tilespmem:v28+s3+$0x0], $0xffff  }
0xf6: {  	v15 =	vor.u32 v51, v9;
	v26 =	vor.u32 v26, v5;
	v18 =	vld [tilespmem:$0x1FC80];
	[tilespmem:v21+s15+$0x0] =	vst.idx.msk $0xffff, v20  }
0xf7: {  	v29 =	vor.u32 v42, v1;
	v21 =	vld [tilespmem:$0x1FEE0]  }
0xf8: {  	v19 =	vld.idx.msk [tilespmem:v19+s3+$0x0], $0xffff;
	v31 =	vor.u32 v31, v16  }
0xf9: {  	v20 =	vld [tilespmem:$0x1FDB0]  }
0xfa: {  	v22 =	vld.idx.msk [tilespmem:v22+s3+$0x0], $0xffff;
	[tilespmem:v24+s15+$0x0] =	vst.idx.msk $0xffff, v23  }
0xfb: {  	v27 =	vor.u32 v34, v6;
	v15 =	vld.idx.msk [tilespmem:v15+s3+$0x0], $0xffff;
	[tilespmem:v26+s15+$0x0] =	vst.idx.msk $0xffff, v25  }
0xfc: {  	v18 =	vor.u32 v18, v2;
	v45 =	vld [tilespmem:$0x1FF70];
	[tilespmem:v29+s15+$0x0] =	vst.idx.msk $0xffff, v28;
	v21 =	vor.u32 v21, v4  }
0xfd: {  	v59 =	vld [tilespmem:$0x1FE10];
	[tilespmem:v31+s15+$0x0] =	vst.idx.msk $0xffff, v30  }
0xfe: {  	v24 =	vor.u32 v43, v17;
	v20 =	vor.u32 v20, v3;
	v30 =	vld [tilespmem:$0x1FC90]  }
0xff: {  	v23 =	vor.u32 v32, v7;
	v25 =	vor.u32 v52, v14;
	v44 =	vld [tilespmem:$0x1FDE0]  }
0x100: {  	v27 =	vld.idx.msk [tilespmem:v27+s3+$0x0], $0xffff  }
0x101: {  	v18 =	vld.idx.msk [tilespmem:v18+s3+$0x0], $0xffff;
	[tilespmem:v21+s15+$0x0] =	vst.idx.msk $0xffff, v19  }
0x102: {  	v26 =	vor.u32 v45, v12;
	v21 =	vld [tilespmem:$0x1FCA0]  }
0x103: {  	v29 =	vor.u32 v53, v9;
	v28 =	vor.u32 v59, v5;
	v20 =	vld.idx.msk [tilespmem:v20+s3+$0x0], $0xffff;
	[tilespmem:v24+s15+$0x0] =	vst.idx.msk $0xffff, v22  }
0x104: {  	v23 =	vld.idx.msk [tilespmem:v23+s3+$0x0], $0xffff;
	[tilespmem:v25+s15+$0x0] =	vst.idx.msk $0xffff, v15;
	v30 =	vor.u32 v30, v10;
	v31 =	vor.u32 v44, v6  }
0x105: {  	v19 =	vor.u32 v61, v16;
	v25 =	vld [tilespmem:$0x1FD10]  }
0x106: {  	v61 =	vld [tilespmem:$0x1FF80]  }
0x107: {  	v15 =	vld.idx.msk [tilespmem:v26+s3+$0x0], $0xffff;
	v21 =	vor.u32 v21, v2  }
0x108: {  	v22 =	vor.u32 v49, v4;
	v24 =	vor.u32 v33, v3;
	[tilespmem:v28+s15+$0x0] =	vst.idx.msk $0xffff, v27;
	v27 =	vld.idx.msk [tilespmem:v29+s3+$0x0], $0xffff  }
0x109: {  	[tilespmem:v30+s15+$0x0] =	vst.idx.msk $0xffff, v18;
	v18 =	vld.idx.msk [tilespmem:v31+s3+$0x0], $0xffff  }
0x10a: {  	v50 =	vld [tilespmem:$0x1FEB0];
	[tilespmem:v19+s15+$0x0] =	vst.idx.msk $0xffff, v20  }
0x10b: {  	v25 =	vor.u32 v25, v7;
	v26 =	vor.u32 v61, v17;
	v20 =	vld [tilespmem:$0x1FE30]  }
0x10c: {  	v19 =	vld.idx.msk [tilespmem:v21+s3+$0x0], $0xffff  }
0x10d: {  	v28 =	vor.u32 v46, v12;
	v29 =	vor.u32 v54, v14;
	[tilespmem:v22+s15+$0x0] =	vst.idx.msk $0xffff, v23;
	v22 =	vld.idx.msk [tilespmem:v24+s3+$0x0], $0xffff  }
0x10e: {  	v23 =	vld [tilespmem:$0x1FCC0]  }
0x10f: {  	v30 =	vor.u32 v55, v9;
	v24 =	vld [tilespmem:$0x1FE20];
	v31 =	vor.u32 v50, v5  }
0x110: {  	v21 =	vor.u32 v62, v10;
	v25 =	vld.idx.msk [tilespmem:v25+s3+$0x0], $0xffff;
	[tilespmem:v26+s15+$0x0] =	vst.idx.msk $0xffff, v15;
	v20 =	vor.u32 v20, v6  }
0x111: {  	v26 =	vld [tilespmem:$0x1FEF0]  }
0x112: {  	v49 =	vld.idx.msk [tilespmem:v28+s3+$0x0], $0xffff;
	[tilespmem:v29+s15+$0x0] =	vst.idx.msk $0xffff, v27  }
0x113: {  	v27 =	vld [tilespmem:$0x1FF20]  }
0x114: {  	v30 =	vld.idx.msk [tilespmem:v30+s3+$0x0], $0xffff;
	[tilespmem:v31+s15+$0x0] =	vst.idx.msk $0xffff, v18  }
0x115: {  	[tilespmem:v21+s15+$0x0] =	vst.idx.msk $0xffff, v19;
	v18 =	vor.u32 v57, v9;
	v28 =	vld.idx.msk [tilespmem:v20+s3+$0x0], $0xffff  }
0x116: {  	v23 =	vor.u32 v23, v2;
	v24 =	vor.u32 v24, v16;
	[tilespmem:$0x1FC30] =	vst v18;
	v18 =	vld [tilespmem:$0x1FD30];
	_ =	sdelay $0x3  }
0x117: {  	v19 =	vld [tilespmem:$0x1FE00]  }
0x118: {  	v23 =	vld.idx.msk [tilespmem:v23+s3+$0x0], $0xffff;
	[tilespmem:v24+s15+$0x0] =	vst.idx.msk $0xffff, v22;
	v18 =	vor.u32 v18, v6  }
0x119: {  	v15 =	vor.u32 v40, v3;
	v26 =	vor.u32 v26, v4;
	[tilespmem:$0x1FC40] =	vst v18;
	v18 =	vld [tilespmem:$0x1FD70]  }
0x11a: {  	v29 =	vor.u32 v47, v17;
	_ =	sdelay $0x1  }
0x11b: {  	v32 =	vor.u32 v56, v8;
	v27 =	vor.u32 v27, v7  }
0x11c: {  	v33 =	vor.u32 v19, v5  }
0x11d: {  	v21 =	vld.idx.msk [tilespmem:v15+s3+$0x0], $0xffff;
	[tilespmem:v26+s15+$0x0] =	vst.idx.msk $0xffff, v25;
	v24 =	vor.u32 v18, v10  }
0x11e: {  	v18 =	vld [tilespmem:$0x1FD80];
	[tilespmem:v29+s15+$0x0] =	vst.idx.msk $0xffff, v49  }
0x11f: {  	v26 =	vor.u32 v41, v16;
	v16 =	vld [tilespmem:$0x1FE40]  }
0x120: {  	v22 =	vld.idx.msk [tilespmem:v27+s3+$0x0], $0xffff;
	[tilespmem:v32+s15+$0x0] =	vst.idx.msk $0xffff, v30  }
0x121: {  	v19 =	vld [tilespmem:$0x1FE50];
	[tilespmem:v33+s15+$0x0] =	vst.idx.msk $0xffff, v28  }
0x122: {  	v27 =	vld [tilespmem:$0x1FC30];
	[tilespmem:v24+s15+$0x0] =	vst.idx.msk $0xffff, v23  }
0x123: {  	v23 =	vld [tilespmem:$0x1FC50]  }
0x124: {  	v20 =	vor.u32 v16, v4;
	_ =	sdelay $0x2  }
0x125: {  	v31 =	vor.u32 v37, v12  }
0x126: {  	v32 =	vor.u32 v23, v12;
	v23 =	vld [tilespmem:$0x1FC40];
	[tilespmem:v26+s15+$0x0] =	vst.idx.msk $0xffff, v21  }
0x127: {  	v49 =	vor.u32 v58, v3;
	v25 =	vor.u32 v18, v2;
	v58 =	vld [tilespmem:$0x1FD20];
	[tilespmem:v20+s15+$0x0] =	vst.idx.msk $0xffff, v22  }
0x128: {  	v20 =	vld [tilespmem:$0x1FC70];
	_ =	sdelay $0x1  }
0x129: {  	s31 =	simm.s32 $0x6;
	v62 =	vmovc v34;
	v34 =	vmov v35;
	v35 =	vmov v36;
	v36 =	vlaneseq.u32;
	v30 =	vld.idx.msk [tilespmem:v31+s3+$0x0], $0xffff  }
0x12a: {  	v15 =	vadd.s32 s31, v36;
	v27 =	vld.idx.msk [tilespmem:v27+s3+$0x0], $0xffff  }
0x12b: {  	v31 =	vor.u32 v63, v17;
	v28 =	vor.u32 v35, v8;
	v18 =	vand.u32 $0xF, v15;
	v21 =	vld.idx.msk [tilespmem:v25+s3+$0x0], $0xffff  }
0x12c: {  	v24 =	vor.u32 v34, v5;
	v16 =	vshll.u32 v18, $0x7;
	v26 =	vor.u32 v20, v6;
	v20 =	vld.idx.msk [tilespmem:v49+s3+$0x0], $0xffff  }
0x12d: {  	v19 =	vor.u32 v19, v7;
	v33 =	vor.u32 v36, v16;
	v49 =	vmovc v63;
	v63 =	vmovc v45;
	v45 =	vmov v61;
	v61 =	vld [tilespmem:$0x1FDD0]  }
0x12e: {  	s24 =	simm.s32 $0x7;
	v40 =	vlaneseq.u32;
	v41 =	vmovc v35;
	v22 =	vor.u32 v60, v10;
	v29 =	vor.u32 v58, v9;
	v60 =	vmovc v58;
	v23 =	vld.idx.msk [tilespmem:v23+s3+$0x0], $0xffff  }
.LBB2_3:
0x12f: {  	v25 =	vld [tilespmem:$0x1FD90];
	_ =	sdelay $0x4  }
0x130: {  	v34 =	vor.u32 v25, v2;
	v25 =	vld [tilespmem:$0x1FD00];
	_ =	sdelay $0x3  }
0x131: {  	v19 =	vld.idx.msk [tilespmem:v19+s3+$0x0], $0xffff  }
0x132: {  	v35 =	vor.u32 v25, v0;
	v25 =	vmov v14;
	v14 =	vmov v17;
	v17 =	vld.idx.msk [tilespmem:v33+s3+$0x0], $0xffff  }
0x133: {  	[tilespmem:v31+s15+$0x0] =	vst.idx.msk $0xffff, v30;
	v30 =	vld [tilespmem:$0x1FF50]  }
0x134: {  	v31 =	vld [tilespmem:$0x1FE60];
	_ =	sdelay $0x4  }
0x135: {  	v30 =	vor.u32 v30, v3;
	v31 =	vor.u32 v31, v4  }
0x136: {  	v58 =	vor.u32 v38, v18;
	v32 =	vld.idx.msk [tilespmem:v32+s3+$0x0], $0xffff;
	[tilespmem:v28+s15+$0x0] =	vst.idx.msk $0xffff, v27  }
0x137: {  	v29 =	vld.idx.msk [tilespmem:v29+s3+$0x0], $0xffff;
	[tilespmem:v24+s15+$0x0] =	vst.idx.msk $0xffff, v23  }
0x138: {  	v26 =	vld.idx.msk [tilespmem:v26+s3+$0x0], $0xffff;
	[tilespmem:v22+s15+$0x0] =	vst.idx.msk $0xffff, v21  }
0x139: {  	v34 =	vld.idx.msk [tilespmem:v34+s3+$0x0], $0xffff;
	[tilespmem:v35+s15+$0x0] =	vst.idx.msk $0xffff, v20  }
0x13a: {  	v30 =	vld.idx.msk [tilespmem:v30+s3+$0x0], $0xffff;
	[tilespmem:v31+s15+$0x0] =	vst.idx.msk $0xffff, v19  }
0x13b: {  	[tilespmem:v58+s15+$0x0] =	vst.idx.msk $0xffff, v17;
	v17 =	vld [tilespmem:$0x1FDB0];
	_ =	sdelay $0x2  }
0x13c: {  	v27 =	vld [tilespmem:$0x1FE70];
	_ =	sdelay $0x1  }
0x13d: {  	v19 =	vor.u32 v17, v2;
	v17 =	vld [tilespmem:$0x1FEE0];
	_ =	sdelay $0x2  }
0x13e: {  	v27 =	vor.u32 v27, v7  }
0x13f: {  	v28 =	vor.u32 v39, v16  }
0x140: {  	v36 =	vor.u32 v48, v14;
	v31 =	vor.u32 v17, v0;
	v17 =	vld [tilespmem:$0x1FF00];
	_ =	sdelay $0x1  }
0x141: {  	v39 =	vld [tilespmem:$0x1FDA0]  }
0x142: {  	v27 =	vld.idx.msk [tilespmem:v27+s3+$0x0], $0xffff  }
0x143: {  	v28 =	vld.idx.msk [tilespmem:v28+s3+$0x0], $0xffff  }
0x144: {  	[tilespmem:v36+s15+$0x0] =	vst.idx.msk $0xffff, v32;
	v32 =	vor.u32 v17, v3;
	v17 =	vld [tilespmem:$0x1FE80]  }
0x145: {  	v20 =	vld [tilespmem:$0x1FC80];
	_ =	sdelay $0x2  }
0x146: {  	v23 =	vor.u32 v51, v12;
	v24 =	vor.u32 v61, v8  }
0x147: {  	v21 =	vor.u32 v62, v9;
	v22 =	vor.u32 v42, v5;
	v33 =	vor.u32 v17, v4;
	v17 =	vld [tilespmem:$0x1FE90]  }
0x148: {  	v35 =	vor.u32 v39, v10;
	v20 =	vor.u32 v20, v6;
	_ =	sdelay $0x2  }
0x149: {  	v58 =	vor.u32 v43, v18;
	v23 =	vld.idx.msk [tilespmem:v23+s3+$0x0], $0xffff;
	[tilespmem:v24+s15+$0x0] =	vst.idx.msk $0xffff, v29  }
0x14a: {  	v21 =	vld.idx.msk [tilespmem:v21+s3+$0x0], $0xffff;
	[tilespmem:v22+s15+$0x0] =	vst.idx.msk $0xffff, v26;
	v24 =	vor.u32 v17, v7  }
0x14b: {  	v29 =	vor.u32 v52, v14;
	v20 =	vld.idx.msk [tilespmem:v20+s3+$0x0], $0xffff;
	[tilespmem:v35+s15+$0x0] =	vst.idx.msk $0xffff, v34  }
0x14c: {  	v19 =	vld.idx.msk [tilespmem:v19+s3+$0x0], $0xffff;
	[tilespmem:v31+s15+$0x0] =	vst.idx.msk $0xffff, v30  }
0x14d: {  	v32 =	vld.idx.msk [tilespmem:v32+s3+$0x0], $0xffff;
	[tilespmem:v33+s15+$0x0] =	vst.idx.msk $0xffff, v27  }
0x14e: {  	[tilespmem:v58+s15+$0x0] =	vst.idx.msk $0xffff, v28;
	v28 =	vld [tilespmem:$0x1FF10]  }
0x14f: {  	v24 =	vld.idx.msk [tilespmem:v24+s3+$0x0], $0xffff  }
0x150: {  	[tilespmem:v29+s15+$0x0] =	vst.idx.msk $0xffff, v23;
	v29 =	vld [tilespmem:$0x1FED0];
	_ =	sdelay $0x1  }
0x151: {  	v26 =	vld [tilespmem:$0x1FC90]  }
0x152: {  	v31 =	vld [tilespmem:$0x1FCE0]  }
0x153: {  	v7 =	vmov v3;
	v3 =	vor.u32 v63, v16;
	v27 =	vld [tilespmem:$0x1FCA0]  }
0x154: {  	v28 =	vor.u32 v28, v0;
	v29 =	vor.u32 v29, v4;
	v4 =	vmov v0;
	v0 =	vld [tilespmem:$0x1FD10]  }
0x155: {  	v17 =	vmov v18;
	v18 =	vor.u32 v59, v8  }
0x156: {  	v22 =	vor.u32 v53, v12;
	v26 =	vor.u32 v26, v13  }
0x157: {  	v30 =	vor.u32 v44, v9;
	v31 =	vor.u32 v31, v10  }
0x158: {  	v27 =	vor.u32 v27, v6;
	v33 =	vld.idx.msk [tilespmem:v3+s3+$0x0], $0xffff  }
0x159: {  	v3 =	vor.u32 v0, v7;
	v0 =	vmovc v1;
	v1 =	vmovc v5;
	v5 =	vmov v8;
	v8 =	vmov v11;
	v11 =	vld [tilespmem:$0x1FE30]  }
0x15a: {  	v23 =	vld [tilespmem:$0x1FDC0];
	[tilespmem:v18+s15+$0x0] =	vst.idx.msk $0xffff, v21  }
0x15b: {  	v21 =	vld.idx.msk [tilespmem:v22+s3+$0x0], $0xffff;
	[tilespmem:v26+s15+$0x0] =	vst.idx.msk $0xffff, v20  }
0x15c: {  	v26 =	vld.idx.msk [tilespmem:v30+s3+$0x0], $0xffff;
	[tilespmem:v31+s15+$0x0] =	vst.idx.msk $0xffff, v19  }
0x15d: {  	v27 =	vld.idx.msk [tilespmem:v27+s3+$0x0], $0xffff  }
0x15e: {  	[tilespmem:v28+s15+$0x0] =	vst.idx.msk $0xffff, v32;
	v28 =	vor.u32 v11, v9;
	v11 =	vld [tilespmem:$0x1FCB0];
	_ =	sdelay $0x1  }
0x15f: {  	v23 =	vor.u32 v23, v2;
	_ =	sdelay $0x2  }
0x160: {  	v31 =	vor.u32 v11, v13;
	v11 =	vld [tilespmem:$0x1FCC0];
	_ =	sdelay $0x1  }
0x161: {  	v23 =	vld.idx.msk [tilespmem:v23+s3+$0x0], $0xffff;
	[tilespmem:v29+s15+$0x0] =	vst.idx.msk $0xffff, v24  }
0x162: {  	v32 =	vld.idx.msk [tilespmem:v3+s3+$0x0], $0xffff  }
0x163: {  	v3 =	vmov v2;
	v2 =	vld [tilespmem:$0x1FEC0]  }
0x164: {  	v24 =	vor.u32 v11, v6;
	v11 =	vld [tilespmem:$0x1FE20];
	_ =	sdelay $0x4  }
0x165: {  	v18 =	vor.u32 v45, v17;
	v29 =	vor.u32 v11, v10;
	v11 =	vmovc v15;
	v15 =	vor.u32 v2, v3;
	v2 =	vld [tilespmem:$0x1FEF0];
	_ =	sdelay $0x3  }
0x166: {  	v20 =	vor.u32 v46, v16  }
0x167: {  	v22 =	vor.u32 v54, v14;
	[tilespmem:v18+s15+$0x0] =	vst.idx.msk $0xffff, v33;
	v18 =	vor.u32 v2, v4;
	v2 =	vmov v6;
	v6 =	vld [tilespmem:$0x1FF20];
	_ =	sdelay $0x3  }
0x168: {  	v19 =	vor.u32 v55, v12;
	v20 =	vld.idx.msk [tilespmem:v20+s3+$0x0], $0xffff  }
0x169: {  	[tilespmem:v22+s15+$0x0] =	vst.idx.msk $0xffff, v21;
	v21 =	vor.u32 v6, v7;
	v6 =	vmovc v9;
	v9 =	vmov v12;
	v12 =	vmov v16;
	v16 =	vld [tilespmem:$0x1FE00];
	_ =	sdelay $0x1  }
0x16a: {  	v30 =	vor.u32 v50, v5;
	_ =	sdelay $0x2  }
0x16b: {  	v34 =	vor.u32 v16, v5;
	v16 =	vld [tilespmem:$0x1FD30];
	_ =	sdelay $0x1  }
0x16c: {  	v19 =	vld.idx.msk [tilespmem:v19+s3+$0x0], $0xffff;
	[tilespmem:v30+s15+$0x0] =	vst.idx.msk $0xffff, v26  }
0x16d: {  	v28 =	vld.idx.msk [tilespmem:v28+s3+$0x0], $0xffff;
	[tilespmem:v31+s15+$0x0] =	vst.idx.msk $0xffff, v27  }
0x16e: {  	v24 =	vld.idx.msk [tilespmem:v24+s3+$0x0], $0xffff  }
0x16f: {  	[tilespmem:v29+s15+$0x0] =	vst.idx.msk $0xffff, v23;
	v23 =	vor.u32 v16, v6;
	v16 =	vld [tilespmem:$0x1FD70];
	_ =	sdelay $0x4  }
0x170: {  	v29 =	vor.u32 v16, v13;
	v16 =	vld [tilespmem:$0x1FD80];
	_ =	sdelay $0x4  }
0x171: {  	v36 =	vor.u32 v16, v2;
	v16 =	vld [tilespmem:$0x1FEA0];
	_ =	sdelay $0x1  }
0x172: {  	v33 =	vor.u32 v56, v8  }
0x173: {  	v58 =	vmovc v57;
	v22 =	vor.u32 v47, v17;
	v26 =	vor.u32 v37, v12;
	v27 =	vor.u32 v57, v9  }
0x174: {  	v57 =	vmovc v56;
	v56 =	vmovc v55;
	v55 =	vmov v54;
	v54 =	vmov v53;
	v53 =	vmov v52  }
0x175: {  	v52 =	vmovc v51;
	v51 =	vmovc v48;
	v48 =	vmov v37;
	v37 =	vor.u32 v16, v10;
	v10 =	vmov v13;
	v13 =	vld [tilespmem:$0x1FCF0]  }
0x176: {  	v35 =	vld.idx.msk [tilespmem:v15+s3+$0x0], $0xffff;
	[tilespmem:v18+s15+$0x0] =	vst.idx.msk $0xffff, v32  }
0x177: {  	v38 =	vld.idx.msk [tilespmem:v21+s3+$0x0], $0xffff  }
0x178: {  	v21 =	vld [tilespmem:$0x1FC50]  }
0x179: {  	[tilespmem:v22+s15+$0x0] =	vst.idx.msk $0xffff, v20;
	v22 =	vld [tilespmem:$0x1FC70]  }
0x17a: {  	v20 =	vor.u32 v13, v3;
	v13 =	vld [tilespmem:$0x1FE40];
	_ =	sdelay $0x1  }
0x17b: {  	v30 =	vld.idx.msk [tilespmem:v26+s3+$0x0], $0xffff  }
0x17c: {  	v32 =	vor.u32 v21, v12;
	v21 =	vld [tilespmem:$0x1FC60]  }
0x17d: {  	[tilespmem:v33+s15+$0x0] =	vst.idx.msk $0xffff, v19;
	v26 =	vor.u32 v22, v6;
	v22 =	vld [tilespmem:$0x1FCD0]  }
0x17e: {  	v15 =	vadd.s32 s24, v40;
	v27 =	vld.idx.msk [tilespmem:v27+s3+$0x0], $0xffff;
	v39 =	vor.u32 v13, v4  }
0x17f: {  	p2 =	sne.s32 s24, $0xF;
	v31 =	vor.u32 v49, v17;
	v18 =	vand.u32 $0xF, v15;
	[tilespmem:v34+s15+$0x0] =	vst.idx.msk $0xffff, v28;
	v13 =	vld [tilespmem:$0x1FE50]  }
.Ltmp2:
0x180: {  	v28 =	vor.u32 v41, v8;
	v23 =	vld.idx.msk [tilespmem:v23+s3+$0x0], $0xffff;
	[tilespmem:v29+s15+$0x0] =	vst.idx.msk $0xffff, v24;
	v29 =	vor.u32 v60, v9;
	(pc) =	sbr.rel @p2 .LBB2_3-.Ltmp2, $4  }
0x181: {  	v24 =	vor.u32 v21, v5;
	v16 =	vshll.u32 v18, $0x7;
	v21 =	vld.idx.msk [tilespmem:v36+s3+$0x0], $0xffff;
	[tilespmem:v37+s15+$0x0] =	vst.idx.msk $0xffff, v35  }
0x182: {  	v33 =	vor.u32 v40, v16;
	v22 =	vor.u32 v22, v10;
	v37 =	vmov v48;
	v20 =	vld.idx.msk [tilespmem:v20+s3+$0x0], $0xffff  }
0x183: {  	v48 =	vmovc v51;
	v51 =	vmovc v52;
	v52 =	vmov v53;
	v53 =	vmov v54;
	v54 =	vmov v55;
	[tilespmem:v39+s15+$0x0] =	vst.idx.msk $0xffff, v38;
	v39 =	vld [tilespmem:$0x1FD60]  }
0x184: {  	s24 =	sadd.s32 $0x1, s24;
	v55 =	vmovc v56;
	v56 =	vmovc v57;
	v57 =	vmov v58;
	v19 =	vor.u32 v13, v7;
	v13 =	vmov v25;
	v38 =	vld [tilespmem:$0x1FD40]  }
0x185: {  	_ =	sdelay $0x3  }
0x186: {  	v25 =	vld.idx.msk [tilespmem:v33+s3+$0x0], $0xffff;
	v40 =	vor.u32 v38, v18  }
0x187: {  	v34 =	vor.u32 v39, v16;
	_ =	sdelay $0x3  }
0x188: {  	[tilespmem:v40+s15+$0x0] =	vst.idx.msk $0xffff, v25  }
0x189: {  	v58 =	vor.u32 v43, v18;
	v25 =	vld.idx.msk [tilespmem:v34+s3+$0x0], $0xffff  }
0x18a: {  	v36 =	vor.u32 v63, v16;
	_ =	sdelay $0x3  }
0x18b: {  	[tilespmem:v58+s15+$0x0] =	vst.idx.msk $0xffff, v25  }
0x18c: {  	v40 =	vor.u32 v45, v18;
	v25 =	vld.idx.msk [tilespmem:v36+s3+$0x0], $0xffff  }
0x18d: {  	v58 =	vor.u32 v46, v16;
	_ =	sdelay $0x3  }
0x18e: {  	[tilespmem:v40+s15+$0x0] =	vst.idx.msk $0xffff, v25  }
0x18f: {  	v36 =	vor.u32 v47, v18;
	v25 =	vld.idx.msk [tilespmem:v58+s3+$0x0], $0xffff;
	_ =	sdelay $0x1  }
0x190: {  	v40 =	vor.u32 v37, v16;
	_ =	sdelay $0x2  }
0x191: {  	[tilespmem:v36+s15+$0x0] =	vst.idx.msk $0xffff, v25  }
0x192: {  	v36 =	vld [tilespmem:$0x1FC50]  }
0x193: {  	v49 =	vor.u32 v49, v18;
	v25 =	vld.idx.msk [tilespmem:v40+s3+$0x0], $0xffff;
	_ =	sdelay $0x2  }
0x194: {  	[tilespmem:v31+s15+$0x0] =	vst.idx.msk $0xffff, v30  }
0x195: {  	v31 =	vor.u32 v48, v17;
	v30 =	vld.idx.msk [tilespmem:v32+s3+$0x0], $0xffff;
	v58 =	vor.u32 v36, v16  }
0x196: {  	[tilespmem:v49+s15+$0x0] =	vst.idx.msk $0xffff, v25;
	v25 =	vor.u32 v51, v12;
	_ =	sdelay $0x3  }
0x197: {  	v49 =	vor.u32 v48, v18;
	[tilespmem:v31+s15+$0x0] =	vst.idx.msk $0xffff, v30;
	v40 =	vld.idx.msk [tilespmem:v58+s3+$0x0], $0xffff  }
0x198: {  	v30 =	vor.u32 v52, v17;
	v58 =	vor.u32 v51, v16;
	v25 =	vld.idx.msk [tilespmem:v25+s3+$0x0], $0xffff  }
0x199: {  	v31 =	vor.u32 v53, v12;
	_ =	sdelay $0x2  }
0x19a: {  	[tilespmem:v49+s15+$0x0] =	vst.idx.msk $0xffff, v40  }
0x19b: {  	v40 =	vor.u32 v52, v18;
	[tilespmem:v30+s15+$0x0] =	vst.idx.msk $0xffff, v25;
	v32 =	vld.idx.msk [tilespmem:v58+s3+$0x0], $0xffff  }
0x19c: {  	v49 =	vor.u32 v53, v16;
	v30 =	vor.u32 v54, v17;
	v25 =	vld.idx.msk [tilespmem:v31+s3+$0x0], $0xffff  }
0x19d: {  	v31 =	vor.u32 v55, v12;
	_ =	sdelay $0x2  }
0x19e: {  	[tilespmem:v40+s15+$0x0] =	vst.idx.msk $0xffff, v32  }
0x19f: {  	v58 =	vor.u32 v54, v18;
	[tilespmem:v30+s15+$0x0] =	vst.idx.msk $0xffff, v25;
	v32 =	vld.idx.msk [tilespmem:v49+s3+$0x0], $0xffff  }
0x1a0: {  	v40 =	vor.u32 v55, v16;
	v30 =	vor.u32 v56, v11;
	v25 =	vld.idx.msk [tilespmem:v31+s3+$0x0], $0xffff  }
0x1a1: {  	v31 =	vor.u32 v57, v12;
	_ =	sdelay $0x2  }
0x1a2: {  	[tilespmem:v58+s15+$0x0] =	vst.idx.msk $0xffff, v32  }
0x1a3: {  	v49 =	vor.u32 v56, v15;
	[tilespmem:v30+s15+$0x0] =	vst.idx.msk $0xffff, v25;
	v32 =	vld.idx.msk [tilespmem:v40+s3+$0x0], $0xffff  }
0x1a4: {  	v58 =	vor.u32 v57, v16;
	v30 =	vor.u32 v41, v11;
	v25 =	vld.idx.msk [tilespmem:v31+s3+$0x0], $0xffff  }
0x1a5: {  	v31 =	vor.u32 v60, v12;
	_ =	sdelay $0x1  }
0x1a6: {  	[tilespmem:v28+s15+$0x0] =	vst.idx.msk $0xffff, v27  }
0x1a7: {  	v28 =	vor.u32 v61, v8;
	v27 =	vld.idx.msk [tilespmem:v29+s3+$0x0], $0xffff;
	[tilespmem:v49+s15+$0x0] =	vst.idx.msk $0xffff, v32  }
0x1a8: {  	v40 =	vor.u32 v41, v15;
	[tilespmem:v30+s15+$0x0] =	vst.idx.msk $0xffff, v25;
	v25 =	vor.u32 v62, v9;
	v32 =	vld.idx.msk [tilespmem:v58+s3+$0x0], $0xffff  }
0x1a9: {  	v49 =	vor.u32 v60, v16;
	v30 =	vor.u32 v61, v11;
	v29 =	vld.idx.msk [tilespmem:v31+s3+$0x0], $0xffff  }
0x1aa: {  	v31 =	vor.u32 v62, v12;
	_ =	sdelay $0x1  }
0x1ab: {  	[tilespmem:v28+s15+$0x0] =	vst.idx.msk $0xffff, v27;
	v27 =	vor.u32 v59, v8  }
0x1ac: {  	v35 =	vmov v54;
	v28 =	vor.u32 v44, v9;
	v54 =	vmov v55;
	v25 =	vld.idx.msk [tilespmem:v25+s3+$0x0], $0xffff;
	[tilespmem:v40+s15+$0x0] =	vst.idx.msk $0xffff, v32  }
0x1ad: {  	v55 =	vmov v56;
	v56 =	vmov v57;
	v57 =	vor.u32 v61, v15;
	[tilespmem:v30+s15+$0x0] =	vst.idx.msk $0xffff, v29;
	v32 =	vld.idx.msk [tilespmem:v49+s3+$0x0], $0xffff  }
0x1ae: {  	v58 =	vor.u32 v62, v16;
	v30 =	vor.u32 v59, v11;
	v29 =	vld.idx.msk [tilespmem:v31+s3+$0x0], $0xffff;
	_ =	sdelay $0x2  }
0x1af: {  	[tilespmem:v27+s15+$0x0] =	vst.idx.msk $0xffff, v25  }
0x1b0: {  	v31 =	vor.u32 v44, v12;
	v27 =	vor.u32 v50, v8;
	v25 =	vld.idx.msk [tilespmem:v28+s3+$0x0], $0xffff;
	[tilespmem:v57+s15+$0x0] =	vst.idx.msk $0xffff, v32  }
0x1b1: {  	v60 =	vor.u32 v59, v15;
	[tilespmem:v30+s15+$0x0] =	vst.idx.msk $0xffff, v29;
	v32 =	vld.idx.msk [tilespmem:v58+s3+$0x0], $0xffff  }
0x1b2: {  	v40 =	vld [tilespmem:$0x1FE30];
	_ =	sdelay $0x2  }
0x1b3: {  	v61 =	vor.u32 v44, v16;
	v30 =	vor.u32 v50, v11;
	v29 =	vld.idx.msk [tilespmem:v31+s3+$0x0], $0xffff;
	[tilespmem:v27+s15+$0x0] =	vst.idx.msk $0xffff, v25  }
0x1b4: {  	[tilespmem:v60+s15+$0x0] =	vst.idx.msk $0xffff, v32  }
0x1b5: {  	v62 =	vor.u32 v50, v15;
	v28 =	vor.u32 v40, v9;
	v50 =	vld [tilespmem:$0x1FE00];
	_ =	sdelay $0x2  }
0x1b6: {  	v32 =	vld.idx.msk [tilespmem:v61+s3+$0x0], $0xffff;
	[tilespmem:v30+s15+$0x0] =	vst.idx.msk $0xffff, v29  }
0x1b7: {  	v57 =	vld [tilespmem:$0x1FD30]  }
0x1b8: {  	v31 =	vor.u32 v40, v12;
	v25 =	vld.idx.msk [tilespmem:v28+s3+$0x0], $0xffff;
	v27 =	vor.u32 v50, v8;
	_ =	sdelay $0x3  }
0x1b9: {  	v49 =	vor.u32 v40, v16;
	[tilespmem:v62+s15+$0x0] =	vst.idx.msk $0xffff, v32  }
0x1ba: {  	v29 =	vld.idx.msk [tilespmem:v31+s3+$0x0], $0xffff;
	v30 =	vor.u32 v50, v11;
	v28 =	vor.u32 v57, v9;
	[tilespmem:v27+s15+$0x0] =	vst.idx.msk $0xffff, v25  }
0x1bb: {  	v60 =	vld [tilespmem:$0x1FC60];
	_ =	sdelay $0x2  }
0x1bc: {  	v58 =	vor.u32 v50, v15;
	v31 =	vor.u32 v57, v12;
	v32 =	vld.idx.msk [tilespmem:v49+s3+$0x0], $0xffff  }
0x1bd: {  	v59 =	vor.u32 v57, v16;
	v25 =	vld.idx.msk [tilespmem:v28+s3+$0x0], $0xffff;
	[tilespmem:v30+s15+$0x0] =	vst.idx.msk $0xffff, v29  }
0x1be: {  	v44 =	vld [tilespmem:$0x1FC70];
	v27 =	vor.u32 v60, v8;
	_ =	sdelay $0x2  }
0x1bf: {  	v29 =	vld.idx.msk [tilespmem:v31+s3+$0x0], $0xffff;
	[tilespmem:v58+s15+$0x0] =	vst.idx.msk $0xffff, v32;
	v30 =	vor.u32 v60, v11  }
0x1c0: {  	[tilespmem:v24+s15+$0x0] =	vst.idx.msk $0xffff, v23;
	v32 =	vld.idx.msk [tilespmem:v59+s3+$0x0], $0xffff;
	v49 =	vor.u32 v60, v15  }
0x1c1: {  	v24 =	vor.u32 v42, v5;
	v23 =	vld.idx.msk [tilespmem:v26+s3+$0x0], $0xffff;
	v28 =	vor.u32 v44, v9;
	[tilespmem:v27+s15+$0x0] =	vst.idx.msk $0xffff, v25  }
0x1c2: {  	v31 =	vor.u32 v44, v12;
	v50 =	vor.u32 v44, v16;
	v44 =	vld [tilespmem:$0x1FC80];
	_ =	sdelay $0x1  }
0x1c3: {  	[tilespmem:v30+s15+$0x0] =	vst.idx.msk $0xffff, v29  }
0x1c4: {  	[tilespmem:v49+s15+$0x0] =	vst.idx.msk $0xffff, v32  }
0x1c5: {  	v26 =	vld.idx.msk [tilespmem:v28+s3+$0x0], $0xffff;
	[tilespmem:v24+s15+$0x0] =	vst.idx.msk $0xffff, v23  }
0x1c6: {  	v27 =	vor.u32 v42, v8;
	v59 =	vld [tilespmem:$0x1FC90];
	v25 =	vor.u32 v44, v6;
	_ =	sdelay $0x2  }
0x1c7: {  	v30 =	vor.u32 v42, v11;
	v29 =	vld.idx.msk [tilespmem:v31+s3+$0x0], $0xffff  }
0x1c8: {  	v57 =	vor.u32 v42, v15;
	v32 =	vld.idx.msk [tilespmem:v50+s3+$0x0], $0xffff;
	v28 =	vor.u32 v44, v9  }
0x1c9: {  	v58 =	vor.u32 v44, v16;
	[tilespmem:v27+s15+$0x0] =	vst.idx.msk $0xffff, v26;
	v24 =	vor.u32 v59, v13;
	v23 =	vld.idx.msk [tilespmem:v25+s3+$0x0], $0xffff  }
0x1ca: {  	v61 =	vld [tilespmem:$0x1FCA0];
	_ =	sdelay $0x1  }
0x1cb: {  	[tilespmem:v30+s15+$0x0] =	vst.idx.msk $0xffff, v29  }
0x1cc: {  	v31 =	vor.u32 v44, v12;
	[tilespmem:v57+s15+$0x0] =	vst.idx.msk $0xffff, v32;
	v26 =	vld.idx.msk [tilespmem:v28+s3+$0x0], $0xffff  }
0x1cd: {  	v32 =	vld.idx.msk [tilespmem:v58+s3+$0x0], $0xffff;
	[tilespmem:v24+s15+$0x0] =	vst.idx.msk $0xffff, v23  }
0x1ce: {  	v27 =	vor.u32 v59, v14;
	v25 =	vor.u32 v61, v6;
	v58 =	vld [tilespmem:$0x1FCB0];
	_ =	sdelay $0x2  }
0x1cf: {  	v30 =	vor.u32 v59, v17;
	v29 =	vld.idx.msk [tilespmem:v31+s3+$0x0], $0xffff  }
0x1d0: {  	v62 =	vor.u32 v59, v18;
	v28 =	vor.u32 v61, v9  }
0x1d1: {  	v57 =	vor.u32 v61, v16;
	v23 =	vld.idx.msk [tilespmem:v25+s3+$0x0], $0xffff;
	[tilespmem:v27+s15+$0x0] =	vst.idx.msk $0xffff, v26;
	v24 =	vor.u32 v58, v13  }
0x1d2: {  	v59 =	vld [tilespmem:$0x1FCC0];
	_ =	sdelay $0x1  }
0x1d3: {  	[tilespmem:v30+s15+$0x0] =	vst.idx.msk $0xffff, v29  }
0x1d4: {  	v31 =	vor.u32 v61, v12;
	v26 =	vld.idx.msk [tilespmem:v28+s3+$0x0], $0xffff;
	[tilespmem:v62+s15+$0x0] =	vst.idx.msk $0xffff, v32  }
0x1d5: {  	v32 =	vld.idx.msk [tilespmem:v57+s3+$0x0], $0xffff;
	[tilespmem:v24+s15+$0x0] =	vst.idx.msk $0xffff, v23  }
0x1d6: {  	v27 =	vor.u32 v58, v14;
	v25 =	vor.u32 v59, v6;
	v57 =	vld [tilespmem:$0x1FD70];
	_ =	sdelay $0x2  }
0x1d7: {  	v29 =	vld.idx.msk [tilespmem:v31+s3+$0x0], $0xffff;
	v30 =	vor.u32 v58, v17;
	v28 =	vor.u32 v59, v9  }
0x1d8: {  	v61 =	vor.u32 v58, v18;
	v31 =	vor.u32 v59, v12  }
0x1d9: {  	v62 =	vor.u32 v59, v16;
	v23 =	vld.idx.msk [tilespmem:v25+s3+$0x0], $0xffff;
	[tilespmem:v27+s15+$0x0] =	vst.idx.msk $0xffff, v26;
	v24 =	vor.u32 v57, v13  }
0x1da: {  	v58 =	vld [tilespmem:$0x1FD80];
	_ =	sdelay $0x1  }
0x1db: {  	v26 =	vld.idx.msk [tilespmem:v28+s3+$0x0], $0xffff;
	[tilespmem:v30+s15+$0x0] =	vst.idx.msk $0xffff, v29;
	v27 =	vor.u32 v57, v14  }
0x1dc: {  	[tilespmem:v61+s15+$0x0] =	vst.idx.msk $0xffff, v32;
	v29 =	vld.idx.msk [tilespmem:v31+s3+$0x0], $0xffff;
	v30 =	vor.u32 v57, v17  }
0x1dd: {  	v32 =	vld.idx.msk [tilespmem:v62+s3+$0x0], $0xffff;
	v59 =	vor.u32 v57, v18;
	[tilespmem:v24+s15+$0x0] =	vst.idx.msk $0xffff, v23  }
0x1de: {  	v25 =	vor.u32 v58, v6;
	v62 =	vld [tilespmem:$0x1FD90]  }
0x1df: {  	v50 =	vld [tilespmem:$0x1FCD0]  }
0x1e0: {  	[tilespmem:v27+s15+$0x0] =	vst.idx.msk $0xffff, v26  }
0x1e1: {  	v28 =	vor.u32 v58, v9;
	[tilespmem:v30+s15+$0x0] =	vst.idx.msk $0xffff, v29  }
0x1e2: {  	v31 =	vor.u32 v58, v12;
	[tilespmem:v59+s15+$0x0] =	vst.idx.msk $0xffff, v32  }
0x1e3: {  	v61 =	vor.u32 v58, v16;
	v24 =	vld.idx.msk [tilespmem:v25+s3+$0x0], $0xffff;
	[tilespmem:v22+s15+$0x0] =	vst.idx.msk $0xffff, v21  }
0x1e4: {  	v59 =	vld [tilespmem:$0x1FDA0];
	v23 =	vor.u32 v62, v2;
	v25 =	vor.u32 v50, v13  }
0x1e5: {  	v26 =	vor.u32 v62, v6  }
0x1e6: {  	v27 =	vld.idx.msk [tilespmem:v28+s3+$0x0], $0xffff;
	v28 =	vor.u32 v50, v14  }
0x1e7: {  	v30 =	vld.idx.msk [tilespmem:v31+s3+$0x0], $0xffff;
	v31 =	vor.u32 v50, v17  }
0x1e8: {  	v33 =	vld.idx.msk [tilespmem:v61+s3+$0x0], $0xffff;
	v58 =	vor.u32 v50, v18  }
0x1e9: {  	v29 =	vor.u32 v62, v9;
	v22 =	vld.idx.msk [tilespmem:v23+s3+$0x0], $0xffff;
	v23 =	vor.u32 v59, v10;
	[tilespmem:v25+s15+$0x0] =	vst.idx.msk $0xffff, v24  }
0x1ea: {  	v25 =	vld.idx.msk [tilespmem:v26+s3+$0x0], $0xffff;
	v26 =	vor.u32 v59, v13  }
0x1eb: {  	v61 =	vld [tilespmem:$0x1FDB0];
	[tilespmem:v28+s15+$0x0] =	vst.idx.msk $0xffff, v27  }
0x1ec: {  	[tilespmem:v31+s15+$0x0] =	vst.idx.msk $0xffff, v30  }
0x1ed: {  	v57 =	vor.u32 v62, v12;
	[tilespmem:v58+s15+$0x0] =	vst.idx.msk $0xffff, v33  }
0x1ee: {  	v21 =	vor.u32 v62, v16;
	v28 =	vld.idx.msk [tilespmem:v29+s3+$0x0], $0xffff;
	v29 =	vor.u32 v59, v14;
	[tilespmem:v23+s15+$0x0] =	vst.idx.msk $0xffff, v22  }
0x1ef: {  	v40 =	vld [tilespmem:$0x1FD00];
	[tilespmem:v26+s15+$0x0] =	vst.idx.msk $0xffff, v25  }
0x1f0: {  	v62 =	vor.u32 v59, v17;
	v58 =	vor.u32 v59, v18;
	v24 =	vor.u32 v61, v2;
	v59 =	vld [tilespmem:$0x1FCE0]  }
0x1f1: {  	v27 =	vor.u32 v61, v6  }
0x1f2: {  	v31 =	vld.idx.msk [tilespmem:v57+s3+$0x0], $0xffff  }
0x1f3: {  	v21 =	vld.idx.msk [tilespmem:v21+s3+$0x0], $0xffff;
	v30 =	vor.u32 v61, v9;
	[tilespmem:v29+s15+$0x0] =	vst.idx.msk $0xffff, v28  }
0x1f4: {  	v57 =	vor.u32 v61, v12;
	v23 =	vor.u32 v61, v16;
	v61 =	vld [tilespmem:$0x1FDC0];
	v22 =	vor.u32 v40, v0  }
0x1f5: {  	v24 =	vld.idx.msk [tilespmem:v24+s3+$0x0], $0xffff;
	v25 =	vor.u32 v59, v10  }
0x1f6: {  	v27 =	vld.idx.msk [tilespmem:v27+s3+$0x0], $0xffff;
	v28 =	vor.u32 v59, v13  }
0x1f7: {  	[tilespmem:v62+s15+$0x0] =	vst.idx.msk $0xffff, v31  }
0x1f8: {  	[tilespmem:v58+s15+$0x0] =	vst.idx.msk $0xffff, v21  }
0x1f9: {  	v19 =	vld.idx.msk [tilespmem:v19+s3+$0x0], $0xffff;
	[tilespmem:v22+s15+$0x0] =	vst.idx.msk $0xffff, v20  }
0x1fa: {  	v30 =	vld.idx.msk [tilespmem:v30+s3+$0x0], $0xffff;
	v26 =	vor.u32 v61, v2;
	[tilespmem:v25+s15+$0x0] =	vst.idx.msk $0xffff, v24  }
0x1fb: {  	v31 =	vor.u32 v59, v14;
	v50 =	vld [tilespmem:$0x1FE60];
	[tilespmem:v28+s15+$0x0] =	vst.idx.msk $0xffff, v27  }
0x1fc: {  	v34 =	vld [tilespmem:$0x1FE20]  }
0x1fd: {  	v32 =	vld.idx.msk [tilespmem:v57+s3+$0x0], $0xffff;
	v29 =	vor.u32 v61, v6  }
0x1fe: {  	v62 =	vor.u32 v59, v17;
	v22 =	vld.idx.msk [tilespmem:v23+s3+$0x0], $0xffff  }
0x1ff: {  	v23 =	vor.u32 v59, v18;
	v26 =	vld.idx.msk [tilespmem:v26+s3+$0x0], $0xffff  }
0x200: {  	v21 =	vor.u32 v61, v9;
	v59 =	vld [tilespmem:$0x1FF50];
	[tilespmem:v31+s15+$0x0] =	vst.idx.msk $0xffff, v30;
	v24 =	vor.u32 v50, v4  }
0x201: {  	v20 =	vor.u32 v61, v12;
	v25 =	vor.u32 v61, v16;
	v61 =	vld [tilespmem:$0x1FEC0];
	v28 =	vor.u32 v34, v10  }
0x202: {  	v29 =	vld.idx.msk [tilespmem:v29+s3+$0x0], $0xffff;
	v31 =	vor.u32 v34, v13  }
0x203: {  	[tilespmem:v62+s15+$0x0] =	vst.idx.msk $0xffff, v32  }
0x204: {  	[tilespmem:v23+s15+$0x0] =	vst.idx.msk $0xffff, v22  }
0x205: {  	v21 =	vld.idx.msk [tilespmem:v21+s3+$0x0], $0xffff;
	v27 =	vor.u32 v59, v3;
	[tilespmem:v24+s15+$0x0] =	vst.idx.msk $0xffff, v19  }
0x206: {  	v20 =	vld.idx.msk [tilespmem:v20+s3+$0x0], $0xffff;
	v30 =	vor.u32 v61, v2;
	[tilespmem:v28+s15+$0x0] =	vst.idx.msk $0xffff, v26  }
0x207: {  	v42 =	vor.u32 v34, v14;
	v62 =	vor.u32 v61, v6;
	v57 =	vld [tilespmem:$0x1FEE0];
	[tilespmem:v31+s15+$0x0] =	vst.idx.msk $0xffff, v29  }
0x208: {  	v22 =	vor.u32 v61, v9;
	v19 =	vor.u32 v61, v12;
	v28 =	vor.u32 v61, v16;
	v61 =	vld [tilespmem:$0x1FEA0]  }
0x209: {  	v24 =	vld.idx.msk [tilespmem:v25+s3+$0x0], $0xffff  }
0x20a: {  	v23 =	vor.u32 v34, v17;
	v27 =	vld.idx.msk [tilespmem:v27+s3+$0x0], $0xffff  }
0x20b: {  	v25 =	vor.u32 v34, v18;
	v30 =	vld.idx.msk [tilespmem:v30+s3+$0x0], $0xffff  }
0x20c: {  	v58 =	vld [tilespmem:$0x1FE70];
	[tilespmem:v42+s15+$0x0] =	vst.idx.msk $0xffff, v21;
	v26 =	vor.u32 v57, v0  }
0x20d: {  	v33 =	vld [tilespmem:$0x1FCF0];
	v10 =	vor.u32 v61, v10;
	_ =	sdelay $0x1  }
0x20e: {  	[tilespmem:v23+s15+$0x0] =	vst.idx.msk $0xffff, v20  }
0x20f: {  	[tilespmem:v25+s15+$0x0] =	vst.idx.msk $0xffff, v24  }
0x210: {  	v31 =	vld.idx.msk [tilespmem:v62+s3+$0x0], $0xffff;
	v29 =	vor.u32 v58, v7;
	[tilespmem:v26+s15+$0x0] =	vst.idx.msk $0xffff, v27  }
0x211: {  	v22 =	vld.idx.msk [tilespmem:v22+s3+$0x0], $0xffff;
	v13 =	vor.u32 v61, v13;
	v21 =	vor.u32 v33, v2;
	[tilespmem:v10+s15+$0x0] =	vst.idx.msk $0xffff, v30  }
0x212: {  	v62 =	vld [tilespmem:$0x1FE80]  }
0x213: {  	v19 =	vld.idx.msk [tilespmem:v19+s3+$0x0], $0xffff;
	v14 =	vor.u32 v61, v14  }
0x214: {  	v25 =	vld.idx.msk [tilespmem:v28+s3+$0x0], $0xffff;
	v17 =	vor.u32 v61, v17  }
0x215: {  	v18 =	vor.u32 v61, v18;
	v26 =	vld.idx.msk [tilespmem:v29+s3+$0x0], $0xffff  }
0x216: {  	v28 =	vor.u32 v40, v1;
	v20 =	vor.u32 v33, v6;
	[tilespmem:v13+s15+$0x0] =	vst.idx.msk $0xffff, v31;
	v21 =	vld.idx.msk [tilespmem:v21+s3+$0x0], $0xffff  }
0x217: {  	v23 =	vor.u32 v33, v9;
	v29 =	vld [tilespmem:$0x1FF00];
	v10 =	vor.u32 v62, v4  }
0x218: {  	[tilespmem:v14+s15+$0x0] =	vst.idx.msk $0xffff, v22  }
0x219: {  	v24 =	vor.u32 v33, v12;
	[tilespmem:v17+s15+$0x0] =	vst.idx.msk $0xffff, v19  }
0x21a: {  	v14 =	vor.u32 v59, v2;
	[tilespmem:v18+s15+$0x0] =	vst.idx.msk $0xffff, v25  }
0x21b: {  	v27 =	vor.u32 v33, v16;
	v20 =	vld.idx.msk [tilespmem:v20+s3+$0x0], $0xffff;
	[tilespmem:v28+s15+$0x0] =	vst.idx.msk $0xffff, v21  }
0x21c: {  	v22 =	vor.u32 v40, v5;
	v19 =	vld.idx.msk [tilespmem:v23+s3+$0x0], $0xffff;
	v13 =	vor.u32 v29, v3;
	[tilespmem:v10+s15+$0x0] =	vst.idx.msk $0xffff, v26  }
0x21d: {  	v30 =	vld [tilespmem:$0x1FF10]  }
0x21e: {  	v23 =	vor.u32 v40, v8;
	v24 =	vld.idx.msk [tilespmem:v24+s3+$0x0], $0xffff  }
0x21f: {  	v25 =	vor.u32 v40, v11;
	v14 =	vld.idx.msk [tilespmem:v14+s3+$0x0], $0xffff  }
0x220: {  	v26 =	vld.idx.msk [tilespmem:v27+s3+$0x0], $0xffff;
	v27 =	vor.u32 v40, v15  }
0x221: {  	v17 =	vor.u32 v59, v6;
	v13 =	vld.idx.msk [tilespmem:v13+s3+$0x0], $0xffff;
	[tilespmem:v22+s15+$0x0] =	vst.idx.msk $0xffff, v20;
	v20 =	vor.u32 v57, v1  }
0x222: {  	v18 =	vor.u32 v59, v9;
	v42 =	vld [tilespmem:$0x1FE90];
	v21 =	vor.u32 v30, v0  }
0x223: {  	[tilespmem:v23+s15+$0x0] =	vst.idx.msk $0xffff, v19  }
0x224: {  	v10 =	vor.u32 v59, v12;
	[tilespmem:v25+s15+$0x0] =	vst.idx.msk $0xffff, v24  }
0x225: {  	v19 =	vor.u32 v29, v2;
	[tilespmem:v27+s15+$0x0] =	vst.idx.msk $0xffff, v26  }
0x226: {  	v28 =	vor.u32 v59, v16;
	v17 =	vld.idx.msk [tilespmem:v17+s3+$0x0], $0xffff;
	[tilespmem:v20+s15+$0x0] =	vst.idx.msk $0xffff, v14  }
0x227: {  	v22 =	vor.u32 v57, v5;
	v18 =	vld.idx.msk [tilespmem:v18+s3+$0x0], $0xffff;
	v7 =	vor.u32 v42, v7;
	[tilespmem:v21+s15+$0x0] =	vst.idx.msk $0xffff, v13  }
0x228: {  	v31 =	vld [tilespmem:$0x1FED0]  }
0x229: {  	v24 =	vor.u32 v57, v8;
	v10 =	vld.idx.msk [tilespmem:v10+s3+$0x0], $0xffff  }
0x22a: {  	v26 =	vor.u32 v57, v11;
	v19 =	vld.idx.msk [tilespmem:v19+s3+$0x0], $0xffff  }
0x22b: {  	v23 =	vor.u32 v29, v6;
	v20 =	vor.u32 v30, v1;
	v21 =	vld.idx.msk [tilespmem:v28+s3+$0x0], $0xffff  }
0x22c: {  	v25 =	vor.u32 v29, v9;
	v27 =	vor.u32 v57, v15;
	v7 =	vld.idx.msk [tilespmem:v7+s3+$0x0], $0xffff;
	[tilespmem:v22+s15+$0x0] =	vst.idx.msk $0xffff, v17  }
0x22d: {  	v14 =	vor.u32 v29, v16;
	v13 =	vor.u32 v29, v12;
	v29 =	vld [tilespmem:$0x1FD10];
	v4 =	vor.u32 v31, v4  }
0x22e: {  	[tilespmem:v24+s15+$0x0] =	vst.idx.msk $0xffff, v18  }
0x22f: {  	[tilespmem:v26+s15+$0x0] =	vst.idx.msk $0xffff, v10  }
0x230: {  	[tilespmem:v20+s15+$0x0] =	vst.idx.msk $0xffff, v19  }
0x231: {  	[tilespmem:v27+s15+$0x0] =	vst.idx.msk $0xffff, v21  }
0x232: {  	v22 =	vld.idx.msk [tilespmem:v23+s3+$0x0], $0xffff;
	v17 =	vor.u32 v29, v3;
	[tilespmem:v4+s15+$0x0] =	vst.idx.msk $0xffff, v7  }
0x233: {  	v23 =	vor.u32 v30, v5;
	v18 =	vor.u32 v29, v2;
	v28 =	vld [tilespmem:$0x1FEF0]  }
0x234: {  	v24 =	vld.idx.msk [tilespmem:v25+s3+$0x0], $0xffff  }
0x235: {  	v25 =	vor.u32 v30, v8;
	v13 =	vld.idx.msk [tilespmem:v13+s3+$0x0], $0xffff;
	v10 =	vor.u32 v29, v6  }
0x236: {  	v26 =	vor.u32 v30, v11;
	v7 =	vld.idx.msk [tilespmem:v14+s3+$0x0], $0xffff  }
0x237: {  	v14 =	vor.u32 v30, v15;
	v17 =	vld.idx.msk [tilespmem:v17+s3+$0x0], $0xffff  }
0x238: {  	[tilespmem:v23+s15+$0x0] =	vst.idx.msk $0xffff, v22;
	v18 =	vld.idx.msk [tilespmem:v18+s3+$0x0], $0xffff;
	v19 =	vor.u32 v28, v0  }
0x239: {  	v20 =	vor.u32 v29, v16;
	v27 =	vld [tilespmem:$0x1FF20];
	v23 =	vor.u32 v28, v1  }
0x23a: {  	[tilespmem:v25+s15+$0x0] =	vst.idx.msk $0xffff, v24;
	v10 =	vld.idx.msk [tilespmem:v10+s3+$0x0], $0xffff;
	v25 =	vor.u32 v28, v5  }
0x23b: {  	[tilespmem:v26+s15+$0x0] =	vst.idx.msk $0xffff, v13  }
0x23c: {  	v21 =	vor.u32 v29, v9;
	v4 =	vor.u32 v29, v12;
	[tilespmem:v14+s15+$0x0] =	vst.idx.msk $0xffff, v7  }
0x23d: {  	v26 =	vor.u32 v28, v8;
	v14 =	vor.u32 v28, v11;
	[tilespmem:v19+s15+$0x0] =	vst.idx.msk $0xffff, v17  }
0x23e: {  	v22 =	vor.u32 v27, v3;
	v24 =	vor.u32 v27, v2;
	v19 =	vld.idx.msk [tilespmem:v20+s3+$0x0], $0xffff;
	[tilespmem:v23+s15+$0x0] =	vst.idx.msk $0xffff, v18  }
0x23f: {  	v13 =	vor.u32 v27, v6;
	v20 =	vor.u32 v28, v15;
	v28 =	vld [tilespmem:$0x1FE40];
	[tilespmem:v25+s15+$0x0] =	vst.idx.msk $0xffff, v10  }
0x240: {  	v7 =	vor.u32 v27, v9;
	v17 =	vor.u32 v27, v12;
	v23 =	vor.u32 v27, v16;
	v27 =	vld [tilespmem:$0x1FE50]  }
0x241: {  	v21 =	vld.idx.msk [tilespmem:v21+s3+$0x0], $0xffff  }
0x242: {  	v4 =	vld.idx.msk [tilespmem:v4+s3+$0x0], $0xffff;
	_ =	sdelay $0x1  }
0x243: {  	v22 =	vld.idx.msk [tilespmem:v22+s3+$0x0], $0xffff;
	v18 =	vor.u32 v28, v0  }
0x244: {  	v24 =	vld.idx.msk [tilespmem:v24+s3+$0x0], $0xffff;
	v25 =	vor.u32 v28, v1;
	v10 =	vor.u32 v27, v3  }
0x245: {  	[tilespmem:v26+s15+$0x0] =	vst.idx.msk $0xffff, v21;
	v13 =	vld.idx.msk [tilespmem:v13+s3+$0x0], $0xffff;
	v26 =	vor.u32 v28, v5;
	v21 =	vor.u32 v27, v2  }
0x246: {  	[tilespmem:v14+s15+$0x0] =	vst.idx.msk $0xffff, v4;
	v7 =	vld.idx.msk [tilespmem:v7+s3+$0x0], $0xffff;
	v14 =	vor.u32 v28, v8;
	v4 =	vor.u32 v27, v6  }
0x247: {  	[tilespmem:v20+s15+$0x0] =	vst.idx.msk $0xffff, v19;
	v17 =	vld.idx.msk [tilespmem:v17+s3+$0x0], $0xffff;
	v20 =	vor.u32 v28, v11;
	v19 =	vor.u32 v27, v9  }
0x248: {  	[tilespmem:v18+s15+$0x0] =	vst.idx.msk $0xffff, v22;
	v18 =	vor.u32 v27, v12;
	v22 =	vld.idx.msk [tilespmem:v23+s3+$0x0], $0xffff;
	v23 =	vor.u32 v28, v15  }
0x249: {  	[tilespmem:v25+s15+$0x0] =	vst.idx.msk $0xffff, v24;
	v24 =	vor.u32 v50, v0;
	v25 =	vor.u32 v27, v16;
	v10 =	vld.idx.msk [tilespmem:v10+s3+$0x0], $0xffff  }
0x24a: {  	[tilespmem:v26+s15+$0x0] =	vst.idx.msk $0xffff, v13;
	v13 =	vor.u32 v58, v3;
	v26 =	vor.u32 v50, v1;
	v21 =	vld.idx.msk [tilespmem:v21+s3+$0x0], $0xffff  }
0x24b: {  	[tilespmem:v14+s15+$0x0] =	vst.idx.msk $0xffff, v7;
	v7 =	vor.u32 v58, v2;
	v14 =	vor.u32 v50, v5;
	v4 =	vld.idx.msk [tilespmem:v4+s3+$0x0], $0xffff  }
0x24c: {  	[tilespmem:v20+s15+$0x0] =	vst.idx.msk $0xffff, v17;
	v17 =	vor.u32 v58, v6;
	v20 =	vor.u32 v50, v8;
	v19 =	vld.idx.msk [tilespmem:v19+s3+$0x0], $0xffff  }
0x24d: {  	[tilespmem:v23+s15+$0x0] =	vst.idx.msk $0xffff, v22;
	v22 =	vor.u32 v58, v9;
	v18 =	vld.idx.msk [tilespmem:v18+s3+$0x0], $0xffff;
	v23 =	vor.u32 v50, v11  }
0x24e: {  	[tilespmem:v24+s15+$0x0] =	vst.idx.msk $0xffff, v10;
	v10 =	vor.u32 v58, v12;
	v24 =	vld.idx.msk [tilespmem:v25+s3+$0x0], $0xffff;
	v25 =	vor.u32 v50, v15  }
0x24f: {  	[tilespmem:v26+s15+$0x0] =	vst.idx.msk $0xffff, v21;
	v21 =	vor.u32 v62, v0;
	v26 =	vor.u32 v58, v16;
	v13 =	vld.idx.msk [tilespmem:v13+s3+$0x0], $0xffff  }
0x250: {  	v3 =	vor.u32 v42, v3;
	[tilespmem:v14+s15+$0x0] =	vst.idx.msk $0xffff, v4;
	v4 =	vld.idx.msk [tilespmem:v7+s3+$0x0], $0xffff;
	v7 =	vor.u32 v62, v1  }
0x251: {  	v2 =	vor.u32 v42, v2;
	[tilespmem:v20+s15+$0x0] =	vst.idx.msk $0xffff, v19;
	v14 =	vld.idx.msk [tilespmem:v17+s3+$0x0], $0xffff;
	v17 =	vor.u32 v62, v5  }
0x252: {  	v6 =	vor.u32 v42, v6;
	v19 =	vor.u32 v62, v8;
	[tilespmem:v23+s15+$0x0] =	vst.idx.msk $0xffff, v18;
	v18 =	vld.idx.msk [tilespmem:v22+s3+$0x0], $0xffff  }
0x253: {  	v9 =	vor.u32 v42, v9;
	v20 =	vor.u32 v62, v11;
	[tilespmem:v25+s15+$0x0] =	vst.idx.msk $0xffff, v24;
	v10 =	vld.idx.msk [tilespmem:v10+s3+$0x0], $0xffff  }
0x254: {  	v12 =	vor.u32 v42, v12;
	[tilespmem:v21+s15+$0x0] =	vst.idx.msk $0xffff, v13;
	v13 =	vld.idx.msk [tilespmem:v26+s3+$0x0], $0xffff;
	v21 =	vor.u32 v62, v15  }
0x255: {  	v0 =	vor.u32 v31, v0;
	[tilespmem:v7+s15+$0x0] =	vst.idx.msk $0xffff, v4;
	v4 =	vor.u32 v42, v16;
	v3 =	vld.idx.msk [tilespmem:v3+s3+$0x0], $0xffff  }
0x256: {  	v1 =	vor.u32 v31, v1;
	[tilespmem:v17+s15+$0x0] =	vst.idx.msk $0xffff, v14;
	v2 =	vld.idx.msk [tilespmem:v2+s3+$0x0], $0xffff  }
0x257: {  	v5 =	vor.u32 v31, v5;
	v6 =	vld.idx.msk [tilespmem:v6+s3+$0x0], $0xffff;
	[tilespmem:v19+s15+$0x0] =	vst.idx.msk $0xffff, v18  }
0x258: {  	v8 =	vor.u32 v31, v8;
	[tilespmem:v20+s15+$0x0] =	vst.idx.msk $0xffff, v10;
	v7 =	vld.idx.msk [tilespmem:v9+s3+$0x0], $0xffff  }
0x259: {  	v10 =	vor.u32 v31, v11;
	[tilespmem:v21+s15+$0x0] =	vst.idx.msk $0xffff, v13;
	v9 =	vld.idx.msk [tilespmem:v12+s3+$0x0], $0xffff  }
0x25a: {  	[tilespmem:v0+s15+$0x0] =	vst.idx.msk $0xffff, v3;
	v0 =	vld.idx.msk [tilespmem:v4+s3+$0x0], $0xffff;
	v3 =	vor.u32 v31, v15  }
0x25b: {  	[tilespmem:v1+s15+$0x0] =	vst.idx.msk $0xffff, v2  }
0x25c: {  	[tilespmem:v5+s15+$0x0] =	vst.idx.msk $0xffff, v6  }
0x25d: {  	[tilespmem:v8+s15+$0x0] =	vst.idx.msk $0xffff, v7  }
0x25e: {  	s24 =	sshll.u32 s22, $0x10;
	[tilespmem:v10+s15+$0x0] =	vst.idx.msk $0xffff, v9  }
0x25f: {  	p2 =	seq.s32 s22, $0x79;
	s31 =	simm.s32 $0x0;
	s24 =	sadd.s32 s24, s5;
	[tilespmem:v3+s15+$0x0] =	vst.idx.msk $0xffff, v0  }
0x260: {  	v0 =	vlaneseq.u32;
	[hbm4b:s24+s3] =	stream.linear.scatter [tilespmem:s15], [sflag:$0x3], $0x2000, $0x38;
	[tilespmem:$0x8000] =	vst v63  }
0x261: {  	p3 =	seq.s32 @!p2 s22, $0x0;
	s25 =	simm.s32 @!p2 $0x400;
	v5 =	vadd.s32 s31, v0;
	_ =	swait.ge [sflag:s16], $0x2000  }
0x262: {  	s26 =	simm.s32 @!p2 $0x7A1400;
	s24 =	sshll.u32 @!p2 s22, $0xD;
	v12 =	vand.u32 $0xF, v5;
	[sflag:s16] =	ssyncset.done $0x0  }
0x263: {  	s28 =	simm.s32 @!p2 $0x0;
	s24 =	sadd.s32 @!p2 s24, s6;
	v7 =	vshll.u32 v12, $0x7;
	[sflag:s16] =	ssyncadd.s32 $0xFFFFE000  }
0x264: {  	v0 =	vor.u32 v0, v7;
	[tilespmem:s28], [sflag:$0x1] =	stream.strided.gather @!p2 [hbm4b:s24+s25], $0x2000, s26, s25, $0x38;
	[tilespmem:$0x8000] =	vst v63  }
0x265: {  	p2 =	por p2, !p3  }
0x266: {  	_ =	swait.ge @p2 [sflag:s19], $0x2000  }
0x267: {  	[sflag:s19] =	ssyncset.done @p2 $0x0  }
0x268: {  	[sflag:s19] =	ssyncadd.s32 @p2 $0xFFFFE000  }
0x269: {  	v1 =	vor.u32 v38, v12;
	v0 =	vld.idx.msk [tilespmem:v0+s14+$0x0], $0xffff  }
0x26a: {  	v2 =	vor.u32 v39, v7;
	_ =	sdelay $0x3  }
0x26b: {  	[tilespmem:v1+s17+$0x0] =	vst.idx.msk $0xffff, v0  }
0x26c: {  	v1 =	vor.u32 v43, v12;
	v0 =	vld.idx.msk [tilespmem:v2+s14+$0x0], $0xffff  }
0x26d: {  	v2 =	vor.u32 v63, v7;
	_ =	sdelay $0x3  }
0x26e: {  	v50 =	vmov v45;
	[tilespmem:v1+s17+$0x0] =	vst.idx.msk $0xffff, v0  }
0x26f: {  	v1 =	vor.u32 v50, v12;
	v0 =	vld.idx.msk [tilespmem:v2+s14+$0x0], $0xffff  }
0x270: {  	v2 =	vor.u32 v46, v7;
	_ =	sdelay $0x3  }
0x271: {  	[tilespmem:v1+s17+$0x0] =	vst.idx.msk $0xffff, v0  }
0x272: {  	v1 =	vld.idx.msk [tilespmem:v2+s14+$0x0], $0xffff;
	v2 =	vor.u32 v47, v12;
	_ =	sdelay $0x4  }
0x273: {  	[tilespmem:v2+s17+$0x0] =	vst.idx.msk $0xffff, v1  }
0x274: {  	v4 =	vor.u32 v37, v7;
	v21 =	vld [tilespmem:$0x1FF30]  }
0x275: {  	v6 =	vlaneseq.u32;
	s25 =	simm.s32 $0x1  }
0x276: {  	v0 =	vadd.s32 s25, v6  }
0x277: {  	v16 =	vand.u32 $0xF, v0  }
0x278: {  	v3 =	vshll.u32 v16, $0x7  }
0x279: {  	v1 =	vor.u32 v6, v3;
	v2 =	vld.idx.msk [tilespmem:v4+s14+$0x0], $0xffff;
	v4 =	vor.u32 v21, v12  }
0x27a: {  	v6 =	vor.u32 v36, v7;
	_ =	sdelay $0x3  }
0x27b: {  	v8 =	vor.u32 v38, v16;
	v1 =	vld.idx.msk [tilespmem:v1+s14+$0x0], $0xffff;
	[tilespmem:v4+s17+$0x0] =	vst.idx.msk $0xffff, v2  }
0x27c: {  	v2 =	vor.u32 v39, v3;
	v4 =	vld.idx.msk [tilespmem:v6+s14+$0x0], $0xffff;
	v6 =	vor.u32 v48, v12  }
0x27d: {  	v9 =	vor.u32 v51, v7;
	_ =	sdelay $0x2  }
0x27e: {  	[tilespmem:v8+s17+$0x0] =	vst.idx.msk $0xffff, v1  }
0x27f: {  	v1 =	vld.idx.msk [tilespmem:v2+s14+$0x0], $0xffff;
	v2 =	vor.u32 v43, v16;
	[tilespmem:v6+s17+$0x0] =	vst.idx.msk $0xffff, v4  }
0x280: {  	v8 =	vor.u32 v52, v12;
	v4 =	vor.u32 v63, v3;
	v6 =	vld.idx.msk [tilespmem:v9+s14+$0x0], $0xffff  }
0x281: {  	v9 =	vor.u32 v53, v7;
	_ =	sdelay $0x2  }
0x282: {  	[tilespmem:v2+s17+$0x0] =	vst.idx.msk $0xffff, v1  }
0x283: {  	v2 =	vor.u32 v50, v16;
	v1 =	vld.idx.msk [tilespmem:v4+s14+$0x0], $0xffff;
	[tilespmem:v8+s17+$0x0] =	vst.idx.msk $0xffff, v6  }
0x284: {  	v4 =	vor.u32 v46, v3;
	v8 =	vor.u32 v35, v12;
	v6 =	vld.idx.msk [tilespmem:v9+s14+$0x0], $0xffff  }
0x285: {  	v9 =	vor.u32 v54, v7;
	_ =	sdelay $0x2  }
0x286: {  	[tilespmem:v2+s17+$0x0] =	vst.idx.msk $0xffff, v1  }
0x287: {  	v2 =	vld.idx.msk [tilespmem:v4+s14+$0x0], $0xffff;
	v4 =	vor.u32 v47, v16;
	[tilespmem:v8+s17+$0x0] =	vst.idx.msk $0xffff, v6  }
0x288: {  	v6 =	vor.u32 v37, v3;
	v8 =	vld.idx.msk [tilespmem:v9+s14+$0x0], $0xffff;
	v9 =	vor.u32 v55, v5  }
0x289: {  	v13 =	vlaneseq.u32;
	v11 =	vor.u32 v56, v7;
	s26 =	simm.s32 $0x2  }
0x28a: {  	v1 =	vadd.s32 s26, v13  }
0x28b: {  	v10 =	vand.u32 $0xF, v1  }
0x28c: {  	[tilespmem:v4+s17+$0x0] =	vst.idx.msk $0xffff, v2;
	v2 =	vshll.u32 v10, $0x7  }
0x28d: {  	v4 =	vld.idx.msk [tilespmem:v6+s14+$0x0], $0xffff;
	v6 =	vor.u32 v13, v2;
	v13 =	vor.u32 v21, v16;
	[tilespmem:v9+s17+$0x0] =	vst.idx.msk $0xffff, v8  }
0x28e: {  	v9 =	vld.idx.msk [tilespmem:v11+s14+$0x0], $0xffff;
	v11 =	vor.u32 v41, v5  }
0x28f: {  	v33 =	vld [tilespmem:$0x1FD20];
	_ =	sdelay $0x2  }
0x290: {  	[tilespmem:v13+s17+$0x0] =	vst.idx.msk $0xffff, v4  }
0x291: {  	v8 =	vor.u32 v36, v3;
	[tilespmem:v11+s17+$0x0] =	vst.idx.msk $0xffff, v9  }
0x292: {  	v14 =	vor.u32 v33, v7;
	v28 =	vld [tilespmem:$0x1FDD0];
	_ =	sdelay $0x2  }
0x293: {  	v6 =	vld.idx.msk [tilespmem:v6+s14+$0x0], $0xffff;
	v4 =	vor.u32 v38, v10  }
0x294: {  	v15 =	vor.u32 v48, v16;
	v8 =	vld.idx.msk [tilespmem:v8+s14+$0x0], $0xffff  }
0x295: {  	v11 =	vld.idx.msk [tilespmem:v14+s14+$0x0], $0xffff;
	v14 =	vor.u32 v28, v5  }
0x296: {  	v61 =	vld [tilespmem:$0x1FDF0];
	_ =	sdelay $0x1  }
0x297: {  	[tilespmem:v4+s17+$0x0] =	vst.idx.msk $0xffff, v6  }
0x298: {  	v13 =	vor.u32 v39, v2;
	[tilespmem:v15+s17+$0x0] =	vst.idx.msk $0xffff, v8  }
0x299: {  	v9 =	vor.u32 v51, v3;
	[tilespmem:v14+s17+$0x0] =	vst.idx.msk $0xffff, v11  }
0x29a: {  	v17 =	vor.u32 v61, v7;
	v57 =	vld [tilespmem:$0x1FE10];
	_ =	sdelay $0x2  }
0x29b: {  	v6 =	vor.u32 v43, v10;
	v4 =	vld.idx.msk [tilespmem:v13+s14+$0x0], $0xffff  }
0x29c: {  	v8 =	vld.idx.msk [tilespmem:v9+s14+$0x0], $0xffff;
	v9 =	vor.u32 v52, v16  }
0x29d: {  	v14 =	vld.idx.msk [tilespmem:v17+s14+$0x0], $0xffff;
	v15 =	vor.u32 v57, v5  }
0x29e: {  	v49 =	vld [tilespmem:$0x1FDE0];
	_ =	sdelay $0x1  }
0x29f: {  	[tilespmem:v6+s17+$0x0] =	vst.idx.msk $0xffff, v4  }
0x2a0: {  	v13 =	vor.u32 v63, v2;
	[tilespmem:v9+s17+$0x0] =	vst.idx.msk $0xffff, v8  }
0x2a1: {  	v11 =	vor.u32 v53, v3;
	[tilespmem:v15+s17+$0x0] =	vst.idx.msk $0xffff, v14  }
0x2a2: {  	v42 =	vmov v44;
	v17 =	vor.u32 v49, v7;
	v44 =	vld [tilespmem:$0x1FEB0];
	_ =	sdelay $0x2  }
0x2a3: {  	v6 =	vor.u32 v50, v10;
	v4 =	vld.idx.msk [tilespmem:v13+s14+$0x0], $0xffff  }
0x2a4: {  	v8 =	vld.idx.msk [tilespmem:v11+s14+$0x0], $0xffff;
	v11 =	vor.u32 v35, v16  }
0x2a5: {  	v14 =	vld.idx.msk [tilespmem:v17+s14+$0x0], $0xffff;
	v15 =	vor.u32 v44, v5  }
0x2a6: {  	v31 =	vld [tilespmem:$0x1FE30];
	_ =	sdelay $0x1  }
0x2a7: {  	[tilespmem:v6+s17+$0x0] =	vst.idx.msk $0xffff, v4  }
0x2a8: {  	v9 =	vor.u32 v46, v2;
	[tilespmem:v11+s17+$0x0] =	vst.idx.msk $0xffff, v8  }
0x2a9: {  	v13 =	vor.u32 v54, v3;
	[tilespmem:v15+s17+$0x0] =	vst.idx.msk $0xffff, v14  }
0x2aa: {  	v17 =	vor.u32 v31, v7;
	v26 =	vld [tilespmem:$0x1FE00]  }
0x2ab: {  	v25 =	vld [tilespmem:$0x1FD30];
	_ =	sdelay $0x1  }
0x2ac: {  	v27 =	vmov v60;
	v60 =	vmov v55;
	v8 =	vor.u32 v47, v10;
	v6 =	vld.idx.msk [tilespmem:v9+s14+$0x0], $0xffff  }
0x2ad: {  	v18 =	vor.u32 v60, v0;
	v11 =	vor.u32 v37, v2;
	v9 =	vld.idx.msk [tilespmem:v13+s14+$0x0], $0xffff  }
0x2ae: {  	v14 =	vor.u32 v56, v3;
	v15 =	vld.idx.msk [tilespmem:v17+s14+$0x0], $0xffff;
	v17 =	vor.u32 v26, v5  }
0x2af: {  	v20 =	vlaneseq.u32;
	s28 =	simm.s32 $0x3;
	v19 =	vor.u32 v25, v7  }
0x2b0: {  	v4 =	vadd.s32 s28, v20  }
0x2b1: {  	v13 =	vand.u32 $0xF, v4;
	[tilespmem:v8+s17+$0x0] =	vst.idx.msk $0xffff, v6  }
0x2b2: {  	v6 =	vshll.u32 v13, $0x7;
	[tilespmem:v18+s17+$0x0] =	vst.idx.msk $0xffff, v9;
	v8 =	vld.idx.msk [tilespmem:v11+s14+$0x0], $0xffff;
	v11 =	vor.u32 v21, v10  }
0x2b3: {  	v9 =	vor.u32 v20, v6;
	v20 =	vor.u32 v41, v0;
	v14 =	vld.idx.msk [tilespmem:v14+s14+$0x0], $0xffff;
	[tilespmem:v17+s17+$0x0] =	vst.idx.msk $0xffff, v15  }
0x2b4: {  	v17 =	vld.idx.msk [tilespmem:v19+s14+$0x0], $0xffff;
	v19 =	vor.u32 v27, v5  }
0x2b5: {  	v32 =	vld [tilespmem:$0x1FC70];
	_ =	sdelay $0x1  }
0x2b6: {  	[tilespmem:v11+s17+$0x0] =	vst.idx.msk $0xffff, v8  }
0x2b7: {  	v18 =	vor.u32 v36, v2;
	[tilespmem:v20+s17+$0x0] =	vst.idx.msk $0xffff, v14  }
0x2b8: {  	v15 =	vor.u32 v33, v3;
	[tilespmem:v19+s17+$0x0] =	vst.idx.msk $0xffff, v17  }
0x2b9: {  	v59 =	vmov v21;
	v21 =	vor.u32 v32, v7;
	v29 =	vld [tilespmem:$0x1FD50];
	_ =	sdelay $0x1  }
0x2ba: {  	v9 =	vld.idx.msk [tilespmem:v9+s14+$0x0], $0xffff;
	v8 =	vor.u32 v38, v13  }
0x2bb: {  	v11 =	vld.idx.msk [tilespmem:v18+s14+$0x0], $0xffff;
	v18 =	vor.u32 v48, v10  }
0x2bc: {  	v22 =	vor.u32 v28, v0;
	v15 =	vld.idx.msk [tilespmem:v15+s14+$0x0], $0xffff  }
0x2bd: {  	v14 =	vor.u32 v39, v6;
	v19 =	vld.idx.msk [tilespmem:v21+s14+$0x0], $0xffff;
	v21 =	vor.u32 v29, v5;
	_ =	sdelay $0x1  }
0x2be: {  	[tilespmem:v8+s17+$0x0] =	vst.idx.msk $0xffff, v9  }
0x2bf: {  	[tilespmem:v18+s17+$0x0] =	vst.idx.msk $0xffff, v11  }
0x2c0: {  	v20 =	vor.u32 v51, v2;
	[tilespmem:v22+s17+$0x0] =	vst.idx.msk $0xffff, v15  }
0x2c1: {  	v17 =	vor.u32 v61, v3;
	v8 =	vld.idx.msk [tilespmem:v14+s14+$0x0], $0xffff;
	[tilespmem:v21+s17+$0x0] =	vst.idx.msk $0xffff, v19  }
0x2c2: {  	v23 =	vor.u32 v42, v7;
	v9 =	vor.u32 v43, v13;
	v22 =	vld [tilespmem:$0x1FC90];
	_ =	sdelay $0x2  }
0x2c3: {  	v11 =	vld.idx.msk [tilespmem:v20+s14+$0x0], $0xffff;
	v14 =	vor.u32 v52, v10  }
0x2c4: {  	v18 =	vor.u32 v57, v0;
	v17 =	vld.idx.msk [tilespmem:v17+s14+$0x0], $0xffff  }
0x2c5: {  	v21 =	vld.idx.msk [tilespmem:v23+s14+$0x0], $0xffff;
	[tilespmem:v9+s17+$0x0] =	vst.idx.msk $0xffff, v8;
	v22 =	vor.u32 v22, v12  }
0x2c6: {  	v62 =	vld [tilespmem:$0x1FCA0];
	_ =	sdelay $0x1  }
0x2c7: {  	v15 =	vor.u32 v63, v6;
	[tilespmem:v14+s17+$0x0] =	vst.idx.msk $0xffff, v11  }
0x2c8: {  	v20 =	vor.u32 v53, v2;
	[tilespmem:v18+s17+$0x0] =	vst.idx.msk $0xffff, v17  }
0x2c9: {  	v19 =	vor.u32 v49, v3;
	[tilespmem:v22+s17+$0x0] =	vst.idx.msk $0xffff, v21  }
0x2ca: {  	v8 =	vor.u32 v62, v7;
	v22 =	vld [tilespmem:$0x1FCB0];
	_ =	sdelay $0x1  }
0x2cb: {  	v34 =	vmov v35;
	v9 =	vld.idx.msk [tilespmem:v15+s14+$0x0], $0xffff;
	v11 =	vor.u32 v50, v13  }
0x2cc: {  	v17 =	vor.u32 v34, v10;
	v14 =	vld.idx.msk [tilespmem:v20+s14+$0x0], $0xffff  }
0x2cd: {  	v20 =	vor.u32 v44, v0;
	v18 =	vld.idx.msk [tilespmem:v19+s14+$0x0], $0xffff  }
0x2ce: {  	v8 =	vld.idx.msk [tilespmem:v8+s14+$0x0], $0xffff;
	v22 =	vor.u32 v22, v12  }
0x2cf: {  	v30 =	vmov v56;
	v56 =	vld [tilespmem:$0x1FCC0]  }
0x2d0: {  	[tilespmem:v11+s17+$0x0] =	vst.idx.msk $0xffff, v9  }
0x2d1: {  	[tilespmem:v17+s17+$0x0] =	vst.idx.msk $0xffff, v14  }
0x2d2: {  	v15 =	vor.u32 v46, v6;
	[tilespmem:v20+s17+$0x0] =	vst.idx.msk $0xffff, v18  }
0x2d3: {  	v19 =	vor.u32 v54, v2;
	[tilespmem:v22+s17+$0x0] =	vst.idx.msk $0xffff, v8  }
0x2d4: {  	v23 =	vor.u32 v56, v7;
	v58 =	vld [tilespmem:$0x1FD70]  }
0x2d5: {  	v35 =	vmov v41;
	v41 =	vmov v63;
	v21 =	vor.u32 v31, v3;
	v63 =	vld [tilespmem:$0x1FD80];
	_ =	sdelay $0x1  }
0x2d6: {  	v11 =	vor.u32 v47, v13;
	v9 =	vld.idx.msk [tilespmem:v15+s14+$0x0], $0xffff  }
0x2d7: {  	v18 =	vor.u32 v60, v1;
	v15 =	vld.idx.msk [tilespmem:v19+s14+$0x0], $0xffff  }
0x2d8: {  	v23 =	vld.idx.msk [tilespmem:v23+s14+$0x0], $0xffff;
	v24 =	vor.u32 v58, v12  }
0x2d9: {  	v19 =	vld.idx.msk [tilespmem:v21+s14+$0x0], $0xffff;
	v21 =	vor.u32 v26, v0;
	v22 =	vor.u32 v25, v3;
	v25 =	vor.u32 v63, v7;
	_ =	sdelay $0x1  }
0x2da: {  	[tilespmem:v11+s17+$0x0] =	vst.idx.msk $0xffff, v9  }
0x2db: {  	v17 =	vor.u32 v37, v6;
	[tilespmem:v18+s17+$0x0] =	vst.idx.msk $0xffff, v15  }
0x2dc: {  	v20 =	vor.u32 v30, v2;
	[tilespmem:v24+s17+$0x0] =	vst.idx.msk $0xffff, v23  }
0x2dd: {  	s29 =	simm.s32 $0x4;
	v30 =	vlaneseq.u32;
	[tilespmem:v21+s17+$0x0] =	vst.idx.msk $0xffff, v19;
	v24 =	vld.idx.msk [tilespmem:v25+s14+$0x0], $0xffff  }
0x2de: {  	v8 =	vadd.s32 s29, v30;
	v25 =	vld [tilespmem:$0x1FCD0]  }
0x2df: {  	v14 =	vand.u32 $0xF, v8  }
0x2e0: {  	v9 =	vshll.u32 v14, $0x7;
	v11 =	vld.idx.msk [tilespmem:v17+s14+$0x0], $0xffff;
	v17 =	vor.u32 v59, v13  }
0x2e1: {  	v18 =	vld.idx.msk [tilespmem:v20+s14+$0x0], $0xffff;
	v20 =	vor.u32 v35, v1;
	v15 =	vor.u32 v30, v9  }
0x2e2: {  	v40 =	vmov v26;
	v26 =	vor.u32 v27, v0;
	v19 =	vor.u32 v36, v6;
	v21 =	vld.idx.msk [tilespmem:v22+s14+$0x0], $0xffff  }
0x2e3: {  	v22 =	vor.u32 v33, v2;
	v25 =	vor.u32 v25, v12  }
0x2e4: {  	v55 =	vmov v54;
	v54 =	vld [tilespmem:$0x1FD90]  }
0x2e5: {  	v23 =	vor.u32 v32, v3;
	[tilespmem:v17+s17+$0x0] =	vst.idx.msk $0xffff, v11  }
0x2e6: {  	v15 =	vld.idx.msk [tilespmem:v15+s14+$0x0], $0xffff;
	[tilespmem:v20+s17+$0x0] =	vst.idx.msk $0xffff, v18  }
0x2e7: {  	v11 =	vor.u32 v38, v14;
	[tilespmem:v26+s17+$0x0] =	vst.idx.msk $0xffff, v21;
	v17 =	vld.idx.msk [tilespmem:v19+s14+$0x0], $0xffff  }
0x2e8: {  	v19 =	vor.u32 v48, v13;
	v20 =	vld.idx.msk [tilespmem:v22+s14+$0x0], $0xffff;
	[tilespmem:v25+s17+$0x0] =	vst.idx.msk $0xffff, v24  }
0x2e9: {  	v33 =	vmov v27;
	v22 =	vor.u32 v28, v1;
	v27 =	vor.u32 v54, v7;
	v59 =	vld [tilespmem:$0x1FDA0]  }
0x2ea: {  	v28 =	vor.u32 v29, v0;
	v23 =	vld.idx.msk [tilespmem:v23+s14+$0x0], $0xffff;
	_ =	sdelay $0x1  }
0x2eb: {  	v18 =	vor.u32 v39, v9;
	[tilespmem:v11+s17+$0x0] =	vst.idx.msk $0xffff, v15  }
0x2ec: {  	v21 =	vor.u32 v51, v6;
	v26 =	vor.u32 v61, v2;
	v61 =	vld [tilespmem:$0x1FDB0];
	[tilespmem:v19+s17+$0x0] =	vst.idx.msk $0xffff, v17  }
0x2ed: {  	v25 =	vld.idx.msk [tilespmem:v27+s14+$0x0], $0xffff;
	[tilespmem:v22+s17+$0x0] =	vst.idx.msk $0xffff, v20;
	v27 =	vor.u32 v59, v12  }
0x2ee: {  	[tilespmem:v28+s17+$0x0] =	vst.idx.msk $0xffff, v23  }
0x2ef: {  	v24 =	vor.u32 v42, v3;
	v22 =	vor.u32 v57, v1;
	v57 =	vld [tilespmem:$0x1FC90]  }
0x2f0: {  	v15 =	vld.idx.msk [tilespmem:v18+s14+$0x0], $0xffff  }
0x2f1: {  	v17 =	vor.u32 v43, v14;
	v18 =	vld.idx.msk [tilespmem:v21+s14+$0x0], $0xffff  }
0x2f2: {  	v19 =	vor.u32 v52, v13;
	v21 =	vld.idx.msk [tilespmem:v26+s14+$0x0], $0xffff;
	v11 =	vor.u32 v61, v7;
	[tilespmem:v27+s17+$0x0] =	vst.idx.msk $0xffff, v25  }
0x2f3: {  	v30 =	vld [tilespmem:$0x1FCE0]  }
0x2f4: {  	v24 =	vld.idx.msk [tilespmem:v24+s14+$0x0], $0xffff;
	v26 =	vor.u32 v57, v16;
	_ =	sdelay $0x1  }
0x2f5: {  	v20 =	vor.u32 v41, v9;
	[tilespmem:v17+s17+$0x0] =	vst.idx.msk $0xffff, v15  }
0x2f6: {  	v23 =	vor.u32 v53, v6;
	v28 =	vor.u32 v49, v2;
	v11 =	vld.idx.msk [tilespmem:v11+s14+$0x0], $0xffff;
	[tilespmem:v19+s17+$0x0] =	vst.idx.msk $0xffff, v18  }
0x2f7: {  	v25 =	vor.u32 v62, v3;
	v62 =	vld [tilespmem:$0x1FDC0];
	[tilespmem:v22+s17+$0x0] =	vst.idx.msk $0xffff, v21;
	v27 =	vor.u32 v30, v12  }
0x2f8: {  	[tilespmem:v26+s17+$0x0] =	vst.idx.msk $0xffff, v24  }
0x2f9: {  	v21 =	vor.u32 v34, v13;
	v34 =	vld [tilespmem:$0x1FCB0]  }
0x2fa: {  	v18 =	vor.u32 v50, v14;
	v17 =	vld.idx.msk [tilespmem:v20+s14+$0x0], $0xffff  }
0x2fb: {  	v19 =	vld.idx.msk [tilespmem:v23+s14+$0x0], $0xffff  }
0x2fc: {  	v22 =	vld.idx.msk [tilespmem:v28+s14+$0x0], $0xffff;
	[tilespmem:v27+s17+$0x0] =	vst.idx.msk $0xffff, v11  }
0x2fd: {  	v35 =	vmov v42;
	v24 =	vor.u32 v44, v1;
	v15 =	vor.u32 v62, v7;
	v42 =	vld [tilespmem:$0x1FE20]  }
0x2fe: {  	v20 =	vor.u32 v46, v9;
	v25 =	vld.idx.msk [tilespmem:v25+s14+$0x0], $0xffff;
	v28 =	vor.u32 v34, v16  }
0x2ff: {  	[tilespmem:v18+s17+$0x0] =	vst.idx.msk $0xffff, v17  }
0x300: {  	v23 =	vor.u32 v55, v6;
	v32 =	vld [tilespmem:$0x1FEC0]  }
0x301: {  	v26 =	vor.u32 v31, v2;
	[tilespmem:v21+s17+$0x0] =	vst.idx.msk $0xffff, v19  }
0x302: {  	v11 =	vor.u32 v56, v3;
	v15 =	vld.idx.msk [tilespmem:v15+s14+$0x0], $0xffff;
	[tilespmem:v24+s17+$0x0] =	vst.idx.msk $0xffff, v22;
	v27 =	vor.u32 v42, v12  }
0x303: {  	v18 =	vld.idx.msk [tilespmem:v20+s14+$0x0], $0xffff;
	[tilespmem:v28+s17+$0x0] =	vst.idx.msk $0xffff, v25  }
0x304: {  	v24 =	vld [tilespmem:$0x1FF40]  }
0x305: {  	v19 =	vor.u32 v47, v14;
	v20 =	vld.idx.msk [tilespmem:v23+s14+$0x0], $0xffff;
	v17 =	vor.u32 v32, v7  }
0x306: {  	v23 =	vld.idx.msk [tilespmem:v26+s14+$0x0], $0xffff  }
0x307: {  	v21 =	vor.u32 v37, v9;
	v22 =	vor.u32 v60, v4;
	v26 =	vld.idx.msk [tilespmem:v11+s14+$0x0], $0xffff;
	[tilespmem:v27+s17+$0x0] =	vst.idx.msk $0xffff, v15  }
0x308: {  	v36 =	vld [tilespmem:$0x1FEA0]  }
0x309: {  	v25 =	vor.u32 v40, v1;
	v24 =	vor.u32 v24, v6;
	v11 =	vld [tilespmem:$0x1FD30]  }
0x30a: {  	v28 =	vld.idx.msk [tilespmem:v17+s14+$0x0], $0xffff;
	[tilespmem:v19+s17+$0x0] =	vst.idx.msk $0xffff, v18  }
0x30b: {  	v55 =	vmov v40;
	v27 =	vor.u32 v58, v16;
	v40 =	vld [tilespmem:$0x1FCF0]  }
0x30c: {  	v19 =	vld.idx.msk [tilespmem:v21+s14+$0x0], $0xffff;
	[tilespmem:v22+s17+$0x0] =	vst.idx.msk $0xffff, v20  }
0x30d: {  	v29 =	vor.u32 v63, v3;
	v50 =	vmov v30;
	v21 =	vld [tilespmem:$0x1FF30];
	v30 =	vor.u32 v36, v12  }
0x30e: {  	v22 =	vld.idx.msk [tilespmem:v24+s14+$0x0], $0xffff;
	[tilespmem:v25+s17+$0x0] =	vst.idx.msk $0xffff, v23  }
0x30f: {  	v23 =	vld [tilespmem:$0x1FC50]  }
0x310: {  	v24 =	vld [tilespmem:$0x1FFE0];
	[tilespmem:v27+s17+$0x0] =	vst.idx.msk $0xffff, v26  }
0x311: {  	v25 =	vld [tilespmem:$0x1FD20]  }
0x312: {  	v15 =	vor.u32 v11, v2;
	v27 =	vld.idx.msk [tilespmem:v29+s14+$0x0], $0xffff;
	[tilespmem:v30+s17+$0x0] =	vst.idx.msk $0xffff, v28  }
0x313: {  	v29 =	vld [tilespmem:$0x1FCD0];
	_ =	sdelay $0x1  }
0x314: {  	s30 =	simm.s32 $0x5;
	v45 =	vmov v31;
	v31 =	vlaneseq.u32;
	v21 =	vor.u32 v21, v14  }
0x315: {  	v11 =	vadd.s32 s30, v31;
	v24 =	vor.u32 v24, v4  }
0x316: {  	v26 =	vor.u32 v33, v1;
	v17 =	vand.u32 $0xF, v11;
	v18 =	vor.u32 v40, v7;
	v15 =	vld.idx.msk [tilespmem:v15+s14+$0x0], $0xffff  }
0x317: {  	v12 =	vshll.u32 v17, $0x7;
	v28 =	vld [tilespmem:$0x1FC70];
	v29 =	vor.u32 v29, v16  }
0x318: {  	v20 =	vor.u32 v31, v12;
	v31 =	vld [tilespmem:$0x1FD00]  }
0x319: {  	[tilespmem:v21+s17+$0x0] =	vst.idx.msk $0xffff, v19  }
0x31a: {  	v23 =	vor.u32 v23, v9;
	v19 =	vld [tilespmem:$0x1FF50];
	[tilespmem:v24+s17+$0x0] =	vst.idx.msk $0xffff, v22  }
0x31b: {  	v25 =	vor.u32 v25, v6;
	v18 =	vld.idx.msk [tilespmem:v18+s14+$0x0], $0xffff;
	[tilespmem:v26+s17+$0x0] =	vst.idx.msk $0xffff, v15  }
0x31c: {  	v28 =	vor.u32 v28, v2;
	v26 =	vld [tilespmem:$0x1FDD0];
	[tilespmem:v29+s17+$0x0] =	vst.idx.msk $0xffff, v27  }
0x31d: {  	v31 =	vor.u32 v31, v5;
	v29 =	vld [tilespmem:$0x1FD50]  }
0x31e: {  	v21 =	vor.u32 v38, v17;
	v20 =	vld.idx.msk [tilespmem:v20+s14+$0x0], $0xffff  }
0x31f: {  	v23 =	vld.idx.msk [tilespmem:v23+s14+$0x0], $0xffff  }
0x320: {  	v30 =	vor.u32 v54, v3;
	v24 =	vor.u32 v48, v14;
	v25 =	vld.idx.msk [tilespmem:v25+s14+$0x0], $0xffff  }
0x321: {  	v54 =	vmov v26;
	v26 =	vor.u32 v26, v4;
	v28 =	vld.idx.msk [tilespmem:v28+s14+$0x0], $0xffff  }
0x322: {  	v27 =	vld [tilespmem:$0x1FDF0];
	[tilespmem:v31+s17+$0x0] =	vst.idx.msk $0xffff, v18;
	v29 =	vor.u32 v29, v1  }
0x323: {  	[tilespmem:v21+s17+$0x0] =	vst.idx.msk $0xffff, v20  }
0x324: {  	v19 =	vor.u32 v19, v7;
	v21 =	vld [tilespmem:$0x1FEE0]  }
0x325: {  	v22 =	vor.u32 v39, v12;
	v30 =	vld.idx.msk [tilespmem:v30+s14+$0x0], $0xffff;
	[tilespmem:v24+s17+$0x0] =	vst.idx.msk $0xffff, v23  }
0x326: {  	v41 =	vmov v60;
	v60 =	vmov v63;
	v15 =	vor.u32 v51, v9;
	v23 =	vld [tilespmem:$0x1FF00];
	[tilespmem:v26+s17+$0x0] =	vst.idx.msk $0xffff, v25  }
0x327: {  	v18 =	vor.u32 v35, v2;
	v63 =	vmov v27;
	v27 =	vor.u32 v27, v6;
	v35 =	vld [tilespmem:$0x1FF70];
	[tilespmem:v29+s17+$0x0] =	vst.idx.msk $0xffff, v28  }
0x328: {  	v31 =	vor.u32 v59, v16;
	v28 =	vld [tilespmem:$0x1FE10]  }
0x329: {  	v20 =	vor.u32 v61, v3;
	v19 =	vld.idx.msk [tilespmem:v19+s14+$0x0], $0xffff;
	v21 =	vor.u32 v21, v5  }
0x32a: {  	v22 =	vld.idx.msk [tilespmem:v22+s14+$0x0], $0xffff;
	v24 =	vor.u32 v43, v17  }
0x32b: {  	v15 =	vld.idx.msk [tilespmem:v15+s14+$0x0], $0xffff;
	v25 =	vor.u32 v52, v14  }
0x32c: {  	v27 =	vld.idx.msk [tilespmem:v27+s14+$0x0], $0xffff  }
0x32d: {  	v18 =	vld.idx.msk [tilespmem:v18+s14+$0x0], $0xffff;
	[tilespmem:v31+s17+$0x0] =	vst.idx.msk $0xffff, v30;
	v44 =	vmov v28;
	v28 =	vor.u32 v28, v4  }
0x32e: {  	[tilespmem:v21+s17+$0x0] =	vst.idx.msk $0xffff, v19;
	v20 =	vld.idx.msk [tilespmem:v20+s14+$0x0], $0xffff  }
0x32f: {  	v30 =	vor.u32 v57, v10;
	v31 =	vor.u32 v49, v6;
	v21 =	vld [tilespmem:$0x1FCA0];
	[tilespmem:v24+s17+$0x0] =	vst.idx.msk $0xffff, v22  }
0x330: {  	v22 =	vld [tilespmem:$0x1FF10];
	[tilespmem:v25+s17+$0x0] =	vst.idx.msk $0xffff, v15  }
0x331: {  	v23 =	vor.u32 v23, v7;
	v25 =	vld [tilespmem:$0x1FD10]  }
0x332: {  	v26 =	vor.u32 v35, v12;
	v58 =	vld [tilespmem:$0x1FF80];
	[tilespmem:v28+s17+$0x0] =	vst.idx.msk $0xffff, v27  }
0x333: {  	v59 =	vmov v49;
	v49 =	vld [tilespmem:$0x1FFC0]  }
0x334: {  	v29 =	vor.u32 v53, v9;
	[tilespmem:v30+s17+$0x0] =	vst.idx.msk $0xffff, v18;
	v18 =	vld.idx.msk [tilespmem:v31+s14+$0x0], $0xffff  }
0x335: {  	v19 =	vor.u32 v50, v16;
	v31 =	vld [tilespmem:$0x1FEB0]  }
0x336: {  	v23 =	vld.idx.msk [tilespmem:v23+s14+$0x0], $0xffff;
	v21 =	vor.u32 v21, v2;
	v22 =	vor.u32 v22, v5  }
0x337: {  	v24 =	vor.u32 v62, v3;
	v15 =	vld.idx.msk [tilespmem:v26+s14+$0x0], $0xffff;
	v26 =	vor.u32 v58, v17;
	_ =	sdelay $0x1  }
0x338: {  	v27 =	vld.idx.msk [tilespmem:v29+s14+$0x0], $0xffff;
	v29 =	vor.u32 v49, v14  }
0x339: {  	v50 =	vld [tilespmem:$0x1FFD0];
	[tilespmem:v19+s17+$0x0] =	vst.idx.msk $0xffff, v20;
	v31 =	vor.u32 v31, v4  }
0x33a: {  	v25 =	vor.u32 v25, v7;
	v19 =	vld.idx.msk [tilespmem:v21+s14+$0x0], $0xffff;
	v21 =	vor.u32 v34, v10;
	[tilespmem:v22+s17+$0x0] =	vst.idx.msk $0xffff, v23  }
0x33b: {  	v22 =	vld.idx.msk [tilespmem:v24+s14+$0x0], $0xffff;
	v24 =	vor.u32 v42, v16;
	[tilespmem:v26+s17+$0x0] =	vst.idx.msk $0xffff, v15  }
0x33c: {  	v26 =	vld [tilespmem:$0x1FEF0]  }
0x33d: {  	v28 =	vor.u32 v46, v12;
	[tilespmem:v29+s17+$0x0] =	vst.idx.msk $0xffff, v27  }
0x33e: {  	v30 =	vor.u32 v50, v9;
	v27 =	vld [tilespmem:$0x1FF20];
	[tilespmem:v31+s17+$0x0] =	vst.idx.msk $0xffff, v18  }
0x33f: {  	v20 =	vor.u32 v45, v6;
	v25 =	vld.idx.msk [tilespmem:v25+s14+$0x0], $0xffff;
	[tilespmem:v21+s17+$0x0] =	vst.idx.msk $0xffff, v19  }
0x340: {  	v23 =	vor.u32 v56, v2;
	v42 =	vld [tilespmem:$0x1FF40];
	[tilespmem:v24+s17+$0x0] =	vst.idx.msk $0xffff, v22  }
0x341: {  	v26 =	vor.u32 v26, v5;
	v18 =	vld [tilespmem:$0x1FD30]  }
0x342: {  	v15 =	vor.u32 v32, v3;
	v28 =	vld.idx.msk [tilespmem:v28+s14+$0x0], $0xffff;
	v29 =	vor.u32 v47, v17  }
0x343: {  	v30 =	vld.idx.msk [tilespmem:v30+s14+$0x0], $0xffff  }
0x344: {  	v20 =	vld.idx.msk [tilespmem:v20+s14+$0x0], $0xffff  }
0x345: {  	v33 =	vor.u32 v55, v4;
	v32 =	vor.u32 v41, v8;
	v23 =	vld.idx.msk [tilespmem:v23+s14+$0x0], $0xffff  }
0x346: {  	v56 =	vmov v55;
	v55 =	vmov v18;
	v22 =	vor.u32 v18, v6;
	v18 =	vld [tilespmem:$0x1FD70];
	[tilespmem:v26+s17+$0x0] =	vst.idx.msk $0xffff, v25  }
0x347: {  	v34 =	vld.idx.msk [tilespmem:v15+s14+$0x0], $0xffff;
	[tilespmem:v29+s17+$0x0] =	vst.idx.msk $0xffff, v28  }
0x348: {  	v28 =	vld [tilespmem:$0x1FC50]  }
0x349: {  	v26 =	vor.u32 v36, v16;
	v16 =	vmov v43;
	v29 =	vld [tilespmem:$0x1FFE0]  }
0x34a: {  	v43 =	vmov v49;
	v49 =	vmov v16;
	v16 =	vld [tilespmem:$0x1FE40];
	[tilespmem:v32+s17+$0x0] =	vst.idx.msk $0xffff, v30  }
0x34b: {  	v31 =	vor.u32 v37, v12;
	v19 =	vld [tilespmem:$0x1FE50];
	[tilespmem:v33+s17+$0x0] =	vst.idx.msk $0xffff, v20;
	v24 =	vor.u32 v18, v10  }
0x34c: {  	v20 =	vld [tilespmem:$0x1FF30];
	_ =	sdelay $0x2  }
0x34d: {  	v27 =	vor.u32 v27, v7;
	[tilespmem:v26+s17+$0x0] =	vst.idx.msk $0xffff, v34  }
0x34e: {  	v30 =	vld.idx.msk [tilespmem:v31+s14+$0x0], $0xffff;
	[tilespmem:v24+s17+$0x0] =	vst.idx.msk $0xffff, v23  }
0x34f: {  	v21 =	vor.u32 v42, v9;
	v57 =	vmovc v42;
	v42 =	vmov v20;
	v31 =	vor.u32 v20, v17;
	v20 =	vld [tilespmem:$0x1FD20]  }
0x350: {  	s31 =	simm.s32 $0x6;
	v61 =	vlaneseq.u32  }
0x351: {  	v62 =	vmovc v37;
	v15 =	vadd.s32 s31, v61;
	v25 =	vor.u32 v60, v2;
	v60 =	vmov v35  }
0x352: {  	v36 =	vor.u32 v40, v3;
	v40 =	vmovc v46;
	v35 =	vld.idx.msk [tilespmem:v27+s14+$0x0], $0xffff;
	v18 =	vand.u32 $0xF, v15;
	v37 =	vor.u32 v16, v5  }
0x353: {  	v46 =	vmovc v50;
	v50 =	vmovc v47;
	v16 =	vshll.u32 v18, $0x7;
	v32 =	vor.u32 v28, v12;
	v28 =	vor.u32 v29, v8  }
0x354: {  	v47 =	vmovc v41;
	v33 =	vor.u32 v61, v16;
	v61 =	vmovc v29;
	v41 =	vmov v20;
	v29 =	vor.u32 v20, v9;
	v20 =	vld [tilespmem:$0x1FC60];
	_ =	sdelay $0x2  }
0x355: {  	v23 =	vld.idx.msk [tilespmem:v22+s14+$0x0], $0xffff;
	[tilespmem:v37+s17+$0x0] =	vst.idx.msk $0xffff, v35  }
0x356: {  	v22 =	vld [tilespmem:$0x1FCD0]  }
0x357: {  	v24 =	vor.u32 v20, v4;
	v20 =	vld [tilespmem:$0x1FC70];
	_ =	sdelay $0x2  }
0x358: {  	v27 =	vld.idx.msk [tilespmem:v21+s14+$0x0], $0xffff  }
0x359: {  	v21 =	vld.idx.msk [tilespmem:v25+s14+$0x0], $0xffff  }
0x35a: {  	s24 =	simm.s32 $0x7;
	v19 =	vor.u32 v19, v7;
	v22 =	vor.u32 v22, v10;
	v26 =	vor.u32 v20, v6;
	v20 =	vld.idx.msk [tilespmem:v36+s14+$0x0], $0xffff  }
.LBB2_5:
0x35b: {  	v25 =	vld [tilespmem:$0x1FD90];
	_ =	sdelay $0x4  }
0x35c: {  	v34 =	vor.u32 v25, v2;
	v25 =	vld [tilespmem:$0x1FD00];
	_ =	sdelay $0x3  }
0x35d: {  	v19 =	vld.idx.msk [tilespmem:v19+s14+$0x0], $0xffff  }
0x35e: {  	v35 =	vor.u32 v25, v0;
	v25 =	vmov v14;
	v14 =	vmov v17;
	v17 =	vld.idx.msk [tilespmem:v33+s14+$0x0], $0xffff  }
0x35f: {  	[tilespmem:v31+s17+$0x0] =	vst.idx.msk $0xffff, v30;
	v30 =	vld [tilespmem:$0x1FF50]  }
0x360: {  	v31 =	vld [tilespmem:$0x1FE60];
	_ =	sdelay $0x4  }
0x361: {  	v30 =	vor.u32 v30, v3;
	v31 =	vor.u32 v31, v5  }
0x362: {  	v33 =	vor.u32 v38, v18;
	v32 =	vld.idx.msk [tilespmem:v32+s14+$0x0], $0xffff;
	[tilespmem:v28+s17+$0x0] =	vst.idx.msk $0xffff, v27  }
0x363: {  	v29 =	vld.idx.msk [tilespmem:v29+s14+$0x0], $0xffff;
	[tilespmem:v24+s17+$0x0] =	vst.idx.msk $0xffff, v23  }
0x364: {  	v26 =	vld.idx.msk [tilespmem:v26+s14+$0x0], $0xffff;
	[tilespmem:v22+s17+$0x0] =	vst.idx.msk $0xffff, v21  }
0x365: {  	v34 =	vld.idx.msk [tilespmem:v34+s14+$0x0], $0xffff;
	[tilespmem:v35+s17+$0x0] =	vst.idx.msk $0xffff, v20  }
0x366: {  	v30 =	vld.idx.msk [tilespmem:v30+s14+$0x0], $0xffff;
	[tilespmem:v31+s17+$0x0] =	vst.idx.msk $0xffff, v19  }
0x367: {  	[tilespmem:v33+s17+$0x0] =	vst.idx.msk $0xffff, v17;
	v17 =	vld [tilespmem:$0x1FDB0];
	_ =	sdelay $0x2  }
0x368: {  	v27 =	vld [tilespmem:$0x1FE70];
	_ =	sdelay $0x1  }
0x369: {  	v19 =	vor.u32 v17, v2;
	v17 =	vld [tilespmem:$0x1FEE0];
	_ =	sdelay $0x2  }
0x36a: {  	v27 =	vor.u32 v27, v7  }
0x36b: {  	v28 =	vor.u32 v39, v16  }
0x36c: {  	v36 =	vor.u32 v48, v14;
	v31 =	vor.u32 v17, v0;
	v17 =	vld [tilespmem:$0x1FF00]  }
0x36d: {  	v39 =	vld [tilespmem:$0x1FDA0]  }
0x36e: {  	v22 =	vld [tilespmem:$0x1FD50]  }
0x36f: {  	v27 =	vld.idx.msk [tilespmem:v27+s14+$0x0], $0xffff  }
0x370: {  	v28 =	vld.idx.msk [tilespmem:v28+s14+$0x0], $0xffff  }
0x371: {  	[tilespmem:v36+s17+$0x0] =	vst.idx.msk $0xffff, v32;
	v32 =	vor.u32 v17, v3;
	v17 =	vld [tilespmem:$0x1FE80]  }
0x372: {  	v20 =	vld [tilespmem:$0x1FC80];
	_ =	sdelay $0x2  }
0x373: {  	v23 =	vor.u32 v51, v12;
	v24 =	vor.u32 v54, v8  }
0x374: {  	v21 =	vor.u32 v63, v9;
	v22 =	vor.u32 v22, v4;
	v33 =	vor.u32 v17, v5;
	v17 =	vld [tilespmem:$0x1FE90]  }
0x375: {  	v35 =	vor.u32 v39, v10;
	v20 =	vor.u32 v20, v6;
	_ =	sdelay $0x2  }
0x376: {  	v36 =	vor.u32 v49, v18;
	v23 =	vld.idx.msk [tilespmem:v23+s14+$0x0], $0xffff;
	[tilespmem:v24+s17+$0x0] =	vst.idx.msk $0xffff, v29  }
0x377: {  	v21 =	vld.idx.msk [tilespmem:v21+s14+$0x0], $0xffff;
	[tilespmem:v22+s17+$0x0] =	vst.idx.msk $0xffff, v26;
	v24 =	vor.u32 v17, v7  }
0x378: {  	v29 =	vor.u32 v52, v14;
	v20 =	vld.idx.msk [tilespmem:v20+s14+$0x0], $0xffff;
	[tilespmem:v35+s17+$0x0] =	vst.idx.msk $0xffff, v34  }
0x379: {  	v19 =	vld.idx.msk [tilespmem:v19+s14+$0x0], $0xffff;
	[tilespmem:v31+s17+$0x0] =	vst.idx.msk $0xffff, v30  }
0x37a: {  	v32 =	vld.idx.msk [tilespmem:v32+s14+$0x0], $0xffff;
	[tilespmem:v33+s17+$0x0] =	vst.idx.msk $0xffff, v27  }
0x37b: {  	[tilespmem:v36+s17+$0x0] =	vst.idx.msk $0xffff, v28;
	v28 =	vld [tilespmem:$0x1FF10]  }
0x37c: {  	v24 =	vld.idx.msk [tilespmem:v24+s14+$0x0], $0xffff  }
0x37d: {  	[tilespmem:v29+s17+$0x0] =	vst.idx.msk $0xffff, v23;
	v29 =	vld [tilespmem:$0x1FED0];
	_ =	sdelay $0x2  }
0x37e: {  	v26 =	vld [tilespmem:$0x1FC90]  }
0x37f: {  	v7 =	vmov v3;
	v3 =	vor.u32 v60, v16  }
0x380: {  	v28 =	vor.u32 v28, v0;
	v29 =	vor.u32 v29, v5;
	v5 =	vmov v0;
	v0 =	vld [tilespmem:$0x1FD10];
	_ =	sdelay $0x1  }
0x381: {  	v17 =	vmov v18;
	v18 =	vor.u32 v44, v8  }
0x382: {  	v22 =	vor.u32 v53, v12;
	v26 =	vor.u32 v26, v13;
	v31 =	vld [tilespmem:$0x1FCE0]  }
0x383: {  	v30 =	vor.u32 v59, v9;
	v33 =	vld.idx.msk [tilespmem:v3+s14+$0x0], $0xffff  }
0x384: {  	v3 =	vor.u32 v0, v7;
	v0 =	vmovc v1;
	v1 =	vmovc v4;
	v4 =	vmov v8;
	v8 =	vmov v11;
	v11 =	vld [tilespmem:$0x1FEB0]  }
0x385: {  	v27 =	vld [tilespmem:$0x1FCA0]  }
0x386: {  	v23 =	vld [tilespmem:$0x1FDC0];
	[tilespmem:v18+s17+$0x0] =	vst.idx.msk $0xffff, v21  }
0x387: {  	v21 =	vld.idx.msk [tilespmem:v22+s14+$0x0], $0xffff;
	[tilespmem:v26+s17+$0x0] =	vst.idx.msk $0xffff, v20  }
0x388: {  	v26 =	vld.idx.msk [tilespmem:v30+s14+$0x0], $0xffff  }
0x389: {  	v31 =	vor.u32 v31, v10;
	v30 =	vor.u32 v11, v4;
	v11 =	vld [tilespmem:$0x1FCB0]  }
0x38a: {  	v27 =	vor.u32 v27, v6  }
0x38b: {  	v23 =	vor.u32 v23, v2;
	_ =	sdelay $0x2  }
0x38c: {  	[tilespmem:v31+s17+$0x0] =	vst.idx.msk $0xffff, v19;
	v31 =	vor.u32 v11, v13;
	v11 =	vld [tilespmem:$0x1FCC0]  }
0x38d: {  	v27 =	vld.idx.msk [tilespmem:v27+s14+$0x0], $0xffff;
	[tilespmem:v28+s17+$0x0] =	vst.idx.msk $0xffff, v32  }
0x38e: {  	v23 =	vld.idx.msk [tilespmem:v23+s14+$0x0], $0xffff;
	[tilespmem:v29+s17+$0x0] =	vst.idx.msk $0xffff, v24  }
0x38f: {  	v32 =	vld.idx.msk [tilespmem:v3+s14+$0x0], $0xffff  }
0x390: {  	v3 =	vmov v2;
	v2 =	vld [tilespmem:$0x1FEC0]  }
0x391: {  	v24 =	vor.u32 v11, v6;
	v11 =	vld [tilespmem:$0x1FE20];
	_ =	sdelay $0x4  }
0x392: {  	v18 =	vor.u32 v58, v17;
	v29 =	vor.u32 v11, v10;
	v11 =	vmovc v15;
	v15 =	vor.u32 v2, v3;
	v2 =	vld [tilespmem:$0x1FEF0];
	_ =	sdelay $0x3  }
0x393: {  	v20 =	vor.u32 v40, v16  }
0x394: {  	v22 =	vor.u32 v43, v14;
	[tilespmem:v18+s17+$0x0] =	vst.idx.msk $0xffff, v33;
	v18 =	vor.u32 v2, v5;
	v2 =	vmov v6;
	v6 =	vld [tilespmem:$0x1FF20];
	_ =	sdelay $0x1  }
0x395: {  	v19 =	vor.u32 v46, v12  }
0x396: {  	v28 =	vor.u32 v45, v9  }
0x397: {  	v20 =	vld.idx.msk [tilespmem:v20+s14+$0x0], $0xffff  }
0x398: {  	[tilespmem:v22+s17+$0x0] =	vst.idx.msk $0xffff, v21;
	v21 =	vor.u32 v6, v7;
	v6 =	vmovc v9;
	v9 =	vmov v12;
	v12 =	vmov v16;
	v16 =	vld [tilespmem:$0x1FD70];
	_ =	sdelay $0x1  }
0x399: {  	v19 =	vld.idx.msk [tilespmem:v19+s14+$0x0], $0xffff;
	[tilespmem:v30+s17+$0x0] =	vst.idx.msk $0xffff, v26  }
0x39a: {  	v28 =	vld.idx.msk [tilespmem:v28+s14+$0x0], $0xffff;
	[tilespmem:v31+s17+$0x0] =	vst.idx.msk $0xffff, v27  }
0x39b: {  	v24 =	vld.idx.msk [tilespmem:v24+s14+$0x0], $0xffff  }
0x39c: {  	[tilespmem:v29+s17+$0x0] =	vst.idx.msk $0xffff, v23;
	v29 =	vor.u32 v16, v13;
	v16 =	vld [tilespmem:$0x1FD80];
	_ =	sdelay $0x4  }
0x39d: {  	v36 =	vor.u32 v16, v2;
	v16 =	vld [tilespmem:$0x1FEA0]  }
0x39e: {  	v35 =	vld.idx.msk [tilespmem:v15+s14+$0x0], $0xffff;
	[tilespmem:v18+s17+$0x0] =	vst.idx.msk $0xffff, v32  }
0x39f: {  	v38 =	vld.idx.msk [tilespmem:v21+s14+$0x0], $0xffff  }
0x3a0: {  	v22 =	vor.u32 v50, v17;
	v21 =	vld [tilespmem:$0x1FC50]  }
0x3a1: {  	v26 =	vor.u32 v62, v12  }
0x3a2: {  	v33 =	vor.u32 v47, v8;
	v37 =	vor.u32 v16, v10;
	v10 =	vmov v13;
	v13 =	vld [tilespmem:$0x1FCF0]  }
0x3a3: {  	v34 =	vor.u32 v56, v4;
	v27 =	vor.u32 v57, v9  }
0x3a4: {  	v23 =	vor.u32 v55, v6  }
0x3a5: {  	[tilespmem:v22+s17+$0x0] =	vst.idx.msk $0xffff, v20;
	v32 =	vor.u32 v21, v12;
	v21 =	vld [tilespmem:$0x1FC60]  }
0x3a6: {  	v30 =	vld.idx.msk [tilespmem:v26+s14+$0x0], $0xffff  }
0x3a7: {  	[tilespmem:v33+s17+$0x0] =	vst.idx.msk $0xffff, v19;
	v20 =	vor.u32 v13, v3;
	v13 =	vld [tilespmem:$0x1FE40]  }
0x3a8: {  	v27 =	vld.idx.msk [tilespmem:v27+s14+$0x0], $0xffff;
	[tilespmem:v34+s17+$0x0] =	vst.idx.msk $0xffff, v28  }
0x3a9: {  	v23 =	vld.idx.msk [tilespmem:v23+s14+$0x0], $0xffff;
	[tilespmem:v29+s17+$0x0] =	vst.idx.msk $0xffff, v24  }
0x3aa: {  	v24 =	vor.u32 v21, v4;
	v21 =	vld.idx.msk [tilespmem:v36+s14+$0x0], $0xffff  }
0x3ab: {  	v36 =	vld [tilespmem:$0x1FCD0]  }
0x3ac: {  	[tilespmem:v37+s17+$0x0] =	vst.idx.msk $0xffff, v35;
	v35 =	vld [tilespmem:$0x1FC70];
	v39 =	vor.u32 v13, v5  }
0x3ad: {  	p2 =	sne.s32 s24, $0xF;
	v31 =	vlaneseq.u32;
	v13 =	vld [tilespmem:$0x1FE50]  }
.Ltmp3:
0x3ae: {  	v15 =	vadd.s32 s24, v31;
	(pc) =	sbr.rel @p2 .LBB2_5-.Ltmp3, $4  }
0x3af: {  	v18 =	vand.u32 $0xF, v15  }
0x3b0: {  	v28 =	vor.u32 v61, v8;
	v29 =	vor.u32 v41, v9;
	v16 =	vshll.u32 v18, $0x7;
	v20 =	vld.idx.msk [tilespmem:v20+s14+$0x0], $0xffff  }
0x3b1: {  	v33 =	vor.u32 v31, v16;
	v31 =	vor.u32 v42, v17;
	[tilespmem:v39+s17+$0x0] =	vst.idx.msk $0xffff, v38;
	v39 =	vld [tilespmem:$0x1FD60]  }
0x3b2: {  	s24 =	sadd.s32 $0x1, s24;
	v22 =	vor.u32 v36, v10;
	v26 =	vor.u32 v35, v6;
	v19 =	vor.u32 v13, v7;
	v13 =	vmovc v25;
	v38 =	vld [tilespmem:$0x1FD40]  }
0x3b3: {  	_ =	sdelay $0x3  }
0x3b4: {  	v25 =	vld.idx.msk [tilespmem:v33+s14+$0x0], $0xffff;
	v37 =	vor.u32 v38, v18  }
0x3b5: {  	v34 =	vor.u32 v39, v16;
	_ =	sdelay $0x3  }
0x3b6: {  	[tilespmem:v37+s17+$0x0] =	vst.idx.msk $0xffff, v25  }
0x3b7: {  	v37 =	vor.u32 v49, v18;
	v25 =	vld.idx.msk [tilespmem:v34+s14+$0x0], $0xffff  }
0x3b8: {  	v49 =	vor.u32 v60, v16;
	_ =	sdelay $0x3  }
0x3b9: {  	[tilespmem:v37+s17+$0x0] =	vst.idx.msk $0xffff, v25  }
0x3ba: {  	v60 =	vor.u32 v58, v18;
	v25 =	vld.idx.msk [tilespmem:v49+s14+$0x0], $0xffff  }
0x3bb: {  	v37 =	vor.u32 v40, v16;
	_ =	sdelay $0x3  }
0x3bc: {  	[tilespmem:v60+s17+$0x0] =	vst.idx.msk $0xffff, v25  }
0x3bd: {  	v40 =	vor.u32 v50, v18;
	v25 =	vld.idx.msk [tilespmem:v37+s14+$0x0], $0xffff;
	_ =	sdelay $0x3  }
0x3be: {  	v49 =	vor.u32 v62, v16  }
0x3bf: {  	[tilespmem:v40+s17+$0x0] =	vst.idx.msk $0xffff, v25  }
0x3c0: {  	v58 =	vld [tilespmem:$0x1FC50];
	_ =	sdelay $0x2  }
0x3c1: {  	v50 =	vor.u32 v42, v18;
	v25 =	vld.idx.msk [tilespmem:v49+s14+$0x0], $0xffff;
	_ =	sdelay $0x1  }
0x3c2: {  	v34 =	vor.u32 v58, v16  }
0x3c3: {  	[tilespmem:v31+s17+$0x0] =	vst.idx.msk $0xffff, v30  }
0x3c4: {  	v31 =	vor.u32 v48, v17;
	v30 =	vld.idx.msk [tilespmem:v32+s14+$0x0], $0xffff  }
0x3c5: {  	[tilespmem:v50+s17+$0x0] =	vst.idx.msk $0xffff, v25;
	v25 =	vor.u32 v51, v12;
	_ =	sdelay $0x1  }
0x3c6: {  	v62 =	vor.u32 v48, v18;
	v60 =	vld.idx.msk [tilespmem:v34+s14+$0x0], $0xffff  }
0x3c7: {  	v37 =	vor.u32 v51, v16  }
0x3c8: {  	[tilespmem:v31+s17+$0x0] =	vst.idx.msk $0xffff, v30  }
0x3c9: {  	v30 =	vor.u32 v52, v17;
	v25 =	vld.idx.msk [tilespmem:v25+s14+$0x0], $0xffff  }
0x3ca: {  	v31 =	vor.u32 v53, v12  }
0x3cb: {  	[tilespmem:v62+s17+$0x0] =	vst.idx.msk $0xffff, v60  }
0x3cc: {  	v40 =	vor.u32 v52, v18;
	v32 =	vld.idx.msk [tilespmem:v37+s14+$0x0], $0xffff  }
0x3cd: {  	v42 =	vor.u32 v53, v16  }
0x3ce: {  	[tilespmem:v30+s17+$0x0] =	vst.idx.msk $0xffff, v25  }
0x3cf: {  	v30 =	vor.u32 v43, v17;
	v25 =	vld.idx.msk [tilespmem:v31+s14+$0x0], $0xffff  }
0x3d0: {  	v31 =	vor.u32 v46, v12  }
0x3d1: {  	[tilespmem:v40+s17+$0x0] =	vst.idx.msk $0xffff, v32  }
0x3d2: {  	v43 =	vor.u32 v43, v18;
	v32 =	vld.idx.msk [tilespmem:v42+s14+$0x0], $0xffff  }
0x3d3: {  	v49 =	vor.u32 v46, v16  }
0x3d4: {  	[tilespmem:v30+s17+$0x0] =	vst.idx.msk $0xffff, v25  }
0x3d5: {  	v30 =	vor.u32 v47, v11;
	v25 =	vld.idx.msk [tilespmem:v31+s14+$0x0], $0xffff  }
0x3d6: {  	v31 =	vor.u32 v57, v12  }
0x3d7: {  	[tilespmem:v43+s17+$0x0] =	vst.idx.msk $0xffff, v32  }
0x3d8: {  	v50 =	vor.u32 v47, v15;
	v32 =	vld.idx.msk [tilespmem:v49+s14+$0x0], $0xffff  }
0x3d9: {  	v58 =	vor.u32 v57, v16  }
0x3da: {  	[tilespmem:v30+s17+$0x0] =	vst.idx.msk $0xffff, v25  }
0x3db: {  	v30 =	vor.u32 v61, v11;
	v25 =	vld.idx.msk [tilespmem:v31+s14+$0x0], $0xffff;
	_ =	sdelay $0x1  }
0x3dc: {  	[tilespmem:v50+s17+$0x0] =	vst.idx.msk $0xffff, v32  }
0x3dd: {  	[tilespmem:v28+s17+$0x0] =	vst.idx.msk $0xffff, v27;
	v60 =	vor.u32 v61, v15;
	v31 =	vor.u32 v41, v12;
	v32 =	vld.idx.msk [tilespmem:v58+s14+$0x0], $0xffff  }
0x3de: {  	v28 =	vor.u32 v54, v8;
	v27 =	vld.idx.msk [tilespmem:v29+s14+$0x0], $0xffff;
	v61 =	vor.u32 v41, v16  }
0x3df: {  	[tilespmem:v30+s17+$0x0] =	vst.idx.msk $0xffff, v25;
	v25 =	vor.u32 v63, v9;
	_ =	sdelay $0x2  }
0x3e0: {  	v30 =	vor.u32 v54, v11;
	v29 =	vld.idx.msk [tilespmem:v31+s14+$0x0], $0xffff;
	[tilespmem:v60+s17+$0x0] =	vst.idx.msk $0xffff, v32  }
0x3e1: {  	[tilespmem:v28+s17+$0x0] =	vst.idx.msk $0xffff, v27;
	v62 =	vor.u32 v54, v15;
	v32 =	vld.idx.msk [tilespmem:v61+s14+$0x0], $0xffff  }
0x3e2: {  	v27 =	vor.u32 v44, v8;
	v37 =	vor.u32 v63, v16;
	v25 =	vld.idx.msk [tilespmem:v25+s14+$0x0], $0xffff;
	_ =	sdelay $0x2  }
0x3e3: {  	v31 =	vor.u32 v63, v12;
	[tilespmem:v30+s17+$0x0] =	vst.idx.msk $0xffff, v29  }
0x3e4: {  	[tilespmem:v62+s17+$0x0] =	vst.idx.msk $0xffff, v32  }
0x3e5: {  	[tilespmem:v27+s17+$0x0] =	vst.idx.msk $0xffff, v25;
	v32 =	vld.idx.msk [tilespmem:v37+s14+$0x0], $0xffff  }
0x3e6: {  	v28 =	vor.u32 v59, v9;
	v37 =	vld [tilespmem:$0x1FEB0];
	_ =	sdelay $0x1  }
0x3e7: {  	v30 =	vor.u32 v44, v11;
	v29 =	vld.idx.msk [tilespmem:v31+s14+$0x0], $0xffff  }
0x3e8: {  	v40 =	vor.u32 v44, v15;
	v31 =	vor.u32 v59, v12  }
0x3e9: {  	v41 =	vor.u32 v59, v16  }
0x3ea: {  	v25 =	vld.idx.msk [tilespmem:v28+s14+$0x0], $0xffff;
	v27 =	vor.u32 v37, v8  }
0x3eb: {  	v28 =	vor.u32 v45, v9  }
0x3ec: {  	[tilespmem:v30+s17+$0x0] =	vst.idx.msk $0xffff, v29  }
0x3ed: {  	v29 =	vld.idx.msk [tilespmem:v31+s14+$0x0], $0xffff;
	v30 =	vor.u32 v37, v11;
	[tilespmem:v40+s17+$0x0] =	vst.idx.msk $0xffff, v32  }
0x3ee: {  	v31 =	vor.u32 v45, v12;
	v42 =	vor.u32 v37, v15;
	v32 =	vld.idx.msk [tilespmem:v41+s14+$0x0], $0xffff  }
0x3ef: {  	v43 =	vor.u32 v45, v16;
	[tilespmem:v27+s17+$0x0] =	vst.idx.msk $0xffff, v25  }
0x3f0: {  	v27 =	vor.u32 v56, v8;
	v25 =	vld.idx.msk [tilespmem:v28+s14+$0x0], $0xffff;
	_ =	sdelay $0x1  }
0x3f1: {  	[tilespmem:v30+s17+$0x0] =	vst.idx.msk $0xffff, v29  }
0x3f2: {  	v30 =	vor.u32 v56, v11;
	v29 =	vld.idx.msk [tilespmem:v31+s14+$0x0], $0xffff;
	[tilespmem:v42+s17+$0x0] =	vst.idx.msk $0xffff, v32  }
0x3f3: {  	v44 =	vor.u32 v56, v15;
	v32 =	vld.idx.msk [tilespmem:v43+s14+$0x0], $0xffff  }
0x3f4: {  	v28 =	vor.u32 v55, v9;
	[tilespmem:v27+s17+$0x0] =	vst.idx.msk $0xffff, v25  }
0x3f5: {  	v46 =	vld [tilespmem:$0x1FC60];
	_ =	sdelay $0x1  }
0x3f6: {  	[tilespmem:v30+s17+$0x0] =	vst.idx.msk $0xffff, v29  }
0x3f7: {  	v31 =	vor.u32 v55, v12;
	[tilespmem:v44+s17+$0x0] =	vst.idx.msk $0xffff, v32  }
0x3f8: {  	v45 =	vor.u32 v55, v16;
	v25 =	vld.idx.msk [tilespmem:v28+s14+$0x0], $0xffff;
	[tilespmem:v24+s17+$0x0] =	vst.idx.msk $0xffff, v23  }
0x3f9: {  	v50 =	vld [tilespmem:$0x1FD50];
	v27 =	vor.u32 v46, v8;
	_ =	sdelay $0x2  }
0x3fa: {  	v29 =	vld.idx.msk [tilespmem:v31+s14+$0x0], $0xffff;
	v30 =	vor.u32 v46, v11  }
0x3fb: {  	v32 =	vld.idx.msk [tilespmem:v45+s14+$0x0], $0xffff;
	v47 =	vor.u32 v46, v15  }
0x3fc: {  	v28 =	vor.u32 v35, v9;
	v23 =	vld.idx.msk [tilespmem:v26+s14+$0x0], $0xffff;
	v24 =	vor.u32 v50, v4;
	[tilespmem:v27+s17+$0x0] =	vst.idx.msk $0xffff, v25  }
0x3fd: {  	v54 =	vld [tilespmem:$0x1FC80];
	_ =	sdelay $0x1  }
0x3fe: {  	[tilespmem:v30+s17+$0x0] =	vst.idx.msk $0xffff, v29  }
0x3ff: {  	v31 =	vor.u32 v35, v12;
	[tilespmem:v47+s17+$0x0] =	vst.idx.msk $0xffff, v32  }
0x400: {  	v49 =	vor.u32 v35, v16;
	v26 =	vld.idx.msk [tilespmem:v28+s14+$0x0], $0xffff;
	[tilespmem:v24+s17+$0x0] =	vst.idx.msk $0xffff, v23  }
0x401: {  	v27 =	vor.u32 v50, v8;
	v58 =	vld [tilespmem:$0x1FC90];
	v25 =	vor.u32 v54, v6;
	_ =	sdelay $0x2  }
0x402: {  	v30 =	vor.u32 v50, v11;
	v29 =	vld.idx.msk [tilespmem:v31+s14+$0x0], $0xffff  }
0x403: {  	v55 =	vor.u32 v50, v15;
	v32 =	vld.idx.msk [tilespmem:v49+s14+$0x0], $0xffff  }
0x404: {  	v28 =	vor.u32 v54, v9;
	[tilespmem:v27+s17+$0x0] =	vst.idx.msk $0xffff, v26;
	v24 =	vor.u32 v58, v13;
	v23 =	vld.idx.msk [tilespmem:v25+s14+$0x0], $0xffff  }
0x405: {  	v59 =	vld [tilespmem:$0x1FCA0];
	_ =	sdelay $0x1  }
0x406: {  	[tilespmem:v30+s17+$0x0] =	vst.idx.msk $0xffff, v29  }
0x407: {  	v31 =	vor.u32 v54, v12;
	[tilespmem:v55+s17+$0x0] =	vst.idx.msk $0xffff, v32  }
0x408: {  	v56 =	vor.u32 v54, v16;
	v26 =	vld.idx.msk [tilespmem:v28+s14+$0x0], $0xffff;
	[tilespmem:v24+s17+$0x0] =	vst.idx.msk $0xffff, v23  }
0x409: {  	v27 =	vor.u32 v58, v14;
	v25 =	vor.u32 v59, v6;
	v62 =	vld [tilespmem:$0x1FCB0];
	_ =	sdelay $0x2  }
0x40a: {  	v30 =	vor.u32 v58, v17;
	v29 =	vld.idx.msk [tilespmem:v31+s14+$0x0], $0xffff  }
0x40b: {  	v60 =	vor.u32 v58, v18;
	v32 =	vld.idx.msk [tilespmem:v56+s14+$0x0], $0xffff;
	v28 =	vor.u32 v59, v9  }
0x40c: {  	v23 =	vld.idx.msk [tilespmem:v25+s14+$0x0], $0xffff;
	[tilespmem:v27+s17+$0x0] =	vst.idx.msk $0xffff, v26;
	v24 =	vor.u32 v62, v13  }
0x40d: {  	v63 =	vld [tilespmem:$0x1FCC0];
	_ =	sdelay $0x1  }
0x40e: {  	v31 =	vor.u32 v59, v12;
	[tilespmem:v30+s17+$0x0] =	vst.idx.msk $0xffff, v29  }
0x40f: {  	v61 =	vor.u32 v59, v16;
	v26 =	vld.idx.msk [tilespmem:v28+s14+$0x0], $0xffff;
	[tilespmem:v60+s17+$0x0] =	vst.idx.msk $0xffff, v32;
	v27 =	vor.u32 v62, v14  }
0x410: {  	[tilespmem:v24+s17+$0x0] =	vst.idx.msk $0xffff, v23  }
0x411: {  	v25 =	vor.u32 v63, v6;
	v50 =	vld [tilespmem:$0x1FD70];
	_ =	sdelay $0x1  }
0x412: {  	v29 =	vld.idx.msk [tilespmem:v31+s14+$0x0], $0xffff;
	v30 =	vor.u32 v62, v17;
	v28 =	vor.u32 v63, v9  }
0x413: {  	v32 =	vld.idx.msk [tilespmem:v61+s14+$0x0], $0xffff;
	v40 =	vor.u32 v62, v18;
	v31 =	vor.u32 v63, v12;
	[tilespmem:v27+s17+$0x0] =	vst.idx.msk $0xffff, v26  }
0x414: {  	v41 =	vor.u32 v63, v16;
	v42 =	vld [tilespmem:$0x1FD80]  }
0x415: {  	v23 =	vld.idx.msk [tilespmem:v25+s14+$0x0], $0xffff;
	v24 =	vor.u32 v50, v13;
	_ =	sdelay $0x1  }
0x416: {  	v26 =	vld.idx.msk [tilespmem:v28+s14+$0x0], $0xffff;
	[tilespmem:v30+s17+$0x0] =	vst.idx.msk $0xffff, v29;
	v27 =	vor.u32 v50, v14  }
0x417: {  	[tilespmem:v40+s17+$0x0] =	vst.idx.msk $0xffff, v32;
	v29 =	vld.idx.msk [tilespmem:v31+s14+$0x0], $0xffff;
	v30 =	vor.u32 v50, v17  }
0x418: {  	v32 =	vld.idx.msk [tilespmem:v41+s14+$0x0], $0xffff;
	v43 =	vor.u32 v50, v18;
	v25 =	vor.u32 v42, v6  }
0x419: {  	[tilespmem:v24+s17+$0x0] =	vst.idx.msk $0xffff, v23  }
0x41a: {  	v54 =	vld [tilespmem:$0x1FD90]  }
0x41b: {  	v28 =	vor.u32 v42, v9;
	[tilespmem:v27+s17+$0x0] =	vst.idx.msk $0xffff, v26  }
0x41c: {  	v31 =	vor.u32 v42, v12;
	[tilespmem:v30+s17+$0x0] =	vst.idx.msk $0xffff, v29  }
0x41d: {  	v49 =	vor.u32 v42, v16;
	v24 =	vld.idx.msk [tilespmem:v25+s14+$0x0], $0xffff;
	v25 =	vor.u32 v36, v13;
	[tilespmem:v43+s17+$0x0] =	vst.idx.msk $0xffff, v32  }
0x41e: {  	[tilespmem:v22+s17+$0x0] =	vst.idx.msk $0xffff, v21  }
0x41f: {  	v58 =	vld [tilespmem:$0x1FDA0];
	v23 =	vor.u32 v54, v2  }
0x420: {  	v27 =	vld.idx.msk [tilespmem:v28+s14+$0x0], $0xffff;
	v26 =	vor.u32 v54, v6  }
0x421: {  	v28 =	vor.u32 v36, v14;
	v30 =	vld.idx.msk [tilespmem:v31+s14+$0x0], $0xffff  }
0x422: {  	v31 =	vor.u32 v36, v17;
	v33 =	vld.idx.msk [tilespmem:v49+s14+$0x0], $0xffff;
	[tilespmem:v25+s17+$0x0] =	vst.idx.msk $0xffff, v24  }
0x423: {  	v56 =	vor.u32 v36, v18;
	v59 =	vld [tilespmem:$0x1FDB0]  }
0x424: {  	v29 =	vor.u32 v54, v9;
	v22 =	vld.idx.msk [tilespmem:v23+s14+$0x0], $0xffff;
	v23 =	vor.u32 v58, v10  }
0x425: {  	v25 =	vld.idx.msk [tilespmem:v26+s14+$0x0], $0xffff;
	v26 =	vor.u32 v58, v13  }
0x426: {  	[tilespmem:v28+s17+$0x0] =	vst.idx.msk $0xffff, v27  }
0x427: {  	[tilespmem:v31+s17+$0x0] =	vst.idx.msk $0xffff, v30  }
0x428: {  	v55 =	vor.u32 v54, v12;
	[tilespmem:v56+s17+$0x0] =	vst.idx.msk $0xffff, v33  }
0x429: {  	v21 =	vor.u32 v54, v16;
	v28 =	vld.idx.msk [tilespmem:v29+s14+$0x0], $0xffff;
	[tilespmem:v23+s17+$0x0] =	vst.idx.msk $0xffff, v22  }
0x42a: {  	v29 =	vor.u32 v58, v14;
	v24 =	vor.u32 v59, v2;
	v37 =	vld [tilespmem:$0x1FD00];
	[tilespmem:v26+s17+$0x0] =	vst.idx.msk $0xffff, v25  }
0x42b: {  	v63 =	vld [tilespmem:$0x1FCE0]  }
0x42c: {  	v27 =	vor.u32 v59, v6  }
0x42d: {  	v60 =	vor.u32 v58, v17;
	v31 =	vld.idx.msk [tilespmem:v55+s14+$0x0], $0xffff  }
0x42e: {  	v62 =	vor.u32 v58, v18;
	v21 =	vld.idx.msk [tilespmem:v21+s14+$0x0], $0xffff  }
0x42f: {  	v24 =	vld.idx.msk [tilespmem:v24+s14+$0x0], $0xffff;
	[tilespmem:v29+s17+$0x0] =	vst.idx.msk $0xffff, v28;
	v22 =	vor.u32 v37, v0  }
0x430: {  	v30 =	vor.u32 v59, v9;
	v36 =	vld [tilespmem:$0x1FDC0];
	v25 =	vor.u32 v63, v10  }
0x431: {  	v27 =	vld.idx.msk [tilespmem:v27+s14+$0x0], $0xffff;
	v28 =	vor.u32 v63, v13  }
0x432: {  	[tilespmem:v60+s17+$0x0] =	vst.idx.msk $0xffff, v31  }
0x433: {  	v61 =	vor.u32 v59, v12;
	[tilespmem:v62+s17+$0x0] =	vst.idx.msk $0xffff, v21  }
0x434: {  	v19 =	vld.idx.msk [tilespmem:v19+s14+$0x0], $0xffff;
	v23 =	vor.u32 v59, v16;
	[tilespmem:v22+s17+$0x0] =	vst.idx.msk $0xffff, v20  }
0x435: {  	v30 =	vld.idx.msk [tilespmem:v30+s14+$0x0], $0xffff;
	v26 =	vor.u32 v36, v2;
	[tilespmem:v25+s17+$0x0] =	vst.idx.msk $0xffff, v24  }
0x436: {  	v31 =	vor.u32 v63, v14;
	v47 =	vld [tilespmem:$0x1FE60];
	[tilespmem:v28+s17+$0x0] =	vst.idx.msk $0xffff, v27  }
0x437: {  	v45 =	vld [tilespmem:$0x1FE20]  }
0x438: {  	v32 =	vld.idx.msk [tilespmem:v61+s14+$0x0], $0xffff;
	v29 =	vor.u32 v36, v6  }
0x439: {  	v49 =	vor.u32 v63, v17;
	v22 =	vld.idx.msk [tilespmem:v23+s14+$0x0], $0xffff  }
0x43a: {  	v23 =	vor.u32 v63, v18;
	v26 =	vld.idx.msk [tilespmem:v26+s14+$0x0], $0xffff  }
0x43b: {  	v21 =	vor.u32 v36, v9;
	v34 =	vld [tilespmem:$0x1FF50];
	[tilespmem:v31+s17+$0x0] =	vst.idx.msk $0xffff, v30;
	v24 =	vor.u32 v47, v5  }
0x43c: {  	v20 =	vor.u32 v36, v12;
	v54 =	vld [tilespmem:$0x1FEC0];
	v28 =	vor.u32 v45, v10  }
0x43d: {  	v29 =	vld.idx.msk [tilespmem:v29+s14+$0x0], $0xffff;
	v31 =	vor.u32 v45, v13  }
0x43e: {  	[tilespmem:v49+s17+$0x0] =	vst.idx.msk $0xffff, v32  }
0x43f: {  	v25 =	vor.u32 v36, v16;
	[tilespmem:v23+s17+$0x0] =	vst.idx.msk $0xffff, v22  }
0x440: {  	v21 =	vld.idx.msk [tilespmem:v21+s14+$0x0], $0xffff;
	v27 =	vor.u32 v34, v3;
	[tilespmem:v24+s17+$0x0] =	vst.idx.msk $0xffff, v19  }
0x441: {  	v20 =	vld.idx.msk [tilespmem:v20+s14+$0x0], $0xffff;
	v30 =	vor.u32 v54, v2;
	[tilespmem:v28+s17+$0x0] =	vst.idx.msk $0xffff, v26  }
0x442: {  	v56 =	vor.u32 v45, v14;
	v58 =	vld [tilespmem:$0x1FEE0];
	[tilespmem:v31+s17+$0x0] =	vst.idx.msk $0xffff, v29  }
0x443: {  	v61 =	vld [tilespmem:$0x1FEA0]  }
0x444: {  	v24 =	vld.idx.msk [tilespmem:v25+s14+$0x0], $0xffff  }
0x445: {  	v23 =	vor.u32 v45, v17;
	v27 =	vld.idx.msk [tilespmem:v27+s14+$0x0], $0xffff  }
0x446: {  	v25 =	vor.u32 v45, v18;
	v30 =	vld.idx.msk [tilespmem:v30+s14+$0x0], $0xffff  }
0x447: {  	v55 =	vor.u32 v54, v6;
	v59 =	vld [tilespmem:$0x1FE70];
	[tilespmem:v56+s17+$0x0] =	vst.idx.msk $0xffff, v21;
	v26 =	vor.u32 v58, v0  }
0x448: {  	v22 =	vor.u32 v54, v9;
	v33 =	vld [tilespmem:$0x1FCF0];
	v62 =	vor.u32 v61, v10;
	_ =	sdelay $0x1  }
0x449: {  	v19 =	vor.u32 v54, v12;
	[tilespmem:v23+s17+$0x0] =	vst.idx.msk $0xffff, v20  }
0x44a: {  	v28 =	vor.u32 v54, v16;
	[tilespmem:v25+s17+$0x0] =	vst.idx.msk $0xffff, v24  }
0x44b: {  	v31 =	vld.idx.msk [tilespmem:v55+s14+$0x0], $0xffff;
	v29 =	vor.u32 v59, v7;
	[tilespmem:v26+s17+$0x0] =	vst.idx.msk $0xffff, v27  }
0x44c: {  	v22 =	vld.idx.msk [tilespmem:v22+s14+$0x0], $0xffff;
	v13 =	vor.u32 v61, v13;
	v21 =	vor.u32 v33, v2;
	[tilespmem:v62+s17+$0x0] =	vst.idx.msk $0xffff, v30  }
0x44d: {  	v63 =	vld [tilespmem:$0x1FE80]  }
0x44e: {  	v19 =	vld.idx.msk [tilespmem:v19+s14+$0x0], $0xffff;
	v14 =	vor.u32 v61, v14  }
0x44f: {  	v25 =	vld.idx.msk [tilespmem:v28+s14+$0x0], $0xffff;
	v17 =	vor.u32 v61, v17  }
0x450: {  	v18 =	vor.u32 v61, v18;
	v26 =	vld.idx.msk [tilespmem:v29+s14+$0x0], $0xffff  }
0x451: {  	v28 =	vor.u32 v37, v1;
	v20 =	vor.u32 v33, v6;
	[tilespmem:v13+s17+$0x0] =	vst.idx.msk $0xffff, v31;
	v21 =	vld.idx.msk [tilespmem:v21+s14+$0x0], $0xffff  }
0x452: {  	v23 =	vor.u32 v33, v9;
	v36 =	vld [tilespmem:$0x1FF00];
	v42 =	vor.u32 v63, v5  }
0x453: {  	[tilespmem:v14+s17+$0x0] =	vst.idx.msk $0xffff, v22  }
0x454: {  	v24 =	vor.u32 v33, v12;
	[tilespmem:v17+s17+$0x0] =	vst.idx.msk $0xffff, v19  }
0x455: {  	v14 =	vor.u32 v34, v2;
	[tilespmem:v18+s17+$0x0] =	vst.idx.msk $0xffff, v25  }
0x456: {  	v27 =	vor.u32 v33, v16;
	v20 =	vld.idx.msk [tilespmem:v20+s14+$0x0], $0xffff;
	[tilespmem:v28+s17+$0x0] =	vst.idx.msk $0xffff, v21  }
0x457: {  	v22 =	vor.u32 v37, v4;
	v19 =	vld.idx.msk [tilespmem:v23+s14+$0x0], $0xffff;
	v13 =	vor.u32 v36, v3;
	[tilespmem:v42+s17+$0x0] =	vst.idx.msk $0xffff, v26  }
0x458: {  	v30 =	vld [tilespmem:$0x1FF10]  }
0x459: {  	v23 =	vor.u32 v37, v8;
	v24 =	vld.idx.msk [tilespmem:v24+s14+$0x0], $0xffff  }
0x45a: {  	v25 =	vor.u32 v37, v11;
	v14 =	vld.idx.msk [tilespmem:v14+s14+$0x0], $0xffff  }
0x45b: {  	v26 =	vld.idx.msk [tilespmem:v27+s14+$0x0], $0xffff;
	v27 =	vor.u32 v37, v15  }
0x45c: {  	v17 =	vor.u32 v34, v6;
	v13 =	vld.idx.msk [tilespmem:v13+s14+$0x0], $0xffff;
	[tilespmem:v22+s17+$0x0] =	vst.idx.msk $0xffff, v20;
	v20 =	vor.u32 v58, v1  }
0x45d: {  	v18 =	vor.u32 v34, v9;
	v31 =	vld [tilespmem:$0x1FE90];
	v21 =	vor.u32 v30, v0  }
0x45e: {  	[tilespmem:v23+s17+$0x0] =	vst.idx.msk $0xffff, v19  }
0x45f: {  	v44 =	vor.u32 v34, v12;
	[tilespmem:v25+s17+$0x0] =	vst.idx.msk $0xffff, v24  }
0x460: {  	v19 =	vor.u32 v36, v2;
	[tilespmem:v27+s17+$0x0] =	vst.idx.msk $0xffff, v26  }
0x461: {  	v28 =	vor.u32 v34, v16;
	v17 =	vld.idx.msk [tilespmem:v17+s14+$0x0], $0xffff;
	[tilespmem:v20+s17+$0x0] =	vst.idx.msk $0xffff, v14  }
0x462: {  	v22 =	vor.u32 v58, v4;
	v18 =	vld.idx.msk [tilespmem:v18+s14+$0x0], $0xffff;
	v7 =	vor.u32 v31, v7;
	[tilespmem:v21+s17+$0x0] =	vst.idx.msk $0xffff, v13  }
0x463: {  	v49 =	vld [tilespmem:$0x1FED0]  }
0x464: {  	v24 =	vor.u32 v58, v8;
	v10 =	vld.idx.msk [tilespmem:v44+s14+$0x0], $0xffff  }
0x465: {  	v26 =	vor.u32 v58, v11;
	v19 =	vld.idx.msk [tilespmem:v19+s14+$0x0], $0xffff  }
0x466: {  	v20 =	vor.u32 v30, v1;
	v21 =	vld.idx.msk [tilespmem:v28+s14+$0x0], $0xffff  }
0x467: {  	v27 =	vor.u32 v58, v15;
	v7 =	vld.idx.msk [tilespmem:v7+s14+$0x0], $0xffff;
	[tilespmem:v22+s17+$0x0] =	vst.idx.msk $0xffff, v17  }
0x468: {  	v23 =	vor.u32 v36, v6;
	v28 =	vld [tilespmem:$0x1FD10];
	v5 =	vor.u32 v49, v5  }
0x469: {  	[tilespmem:v24+s17+$0x0] =	vst.idx.msk $0xffff, v18  }
0x46a: {  	v25 =	vor.u32 v36, v9;
	[tilespmem:v26+s17+$0x0] =	vst.idx.msk $0xffff, v10  }
0x46b: {  	v13 =	vor.u32 v36, v12;
	[tilespmem:v20+s17+$0x0] =	vst.idx.msk $0xffff, v19  }
0x46c: {  	v14 =	vor.u32 v36, v16;
	[tilespmem:v27+s17+$0x0] =	vst.idx.msk $0xffff, v21  }
0x46d: {  	v22 =	vld.idx.msk [tilespmem:v23+s14+$0x0], $0xffff;
	v17 =	vor.u32 v28, v3;
	[tilespmem:v5+s17+$0x0] =	vst.idx.msk $0xffff, v7  }
0x46e: {  	v23 =	vor.u32 v30, v4;
	v18 =	vor.u32 v28, v2;
	v55 =	vld [tilespmem:$0x1FEF0]  }
0x46f: {  	v24 =	vld.idx.msk [tilespmem:v25+s14+$0x0], $0xffff  }
0x470: {  	v25 =	vor.u32 v30, v8;
	v13 =	vld.idx.msk [tilespmem:v13+s14+$0x0], $0xffff;
	v54 =	vor.u32 v28, v6  }
0x471: {  	v26 =	vor.u32 v30, v11;
	v7 =	vld.idx.msk [tilespmem:v14+s14+$0x0], $0xffff  }
0x472: {  	v14 =	vor.u32 v30, v15;
	v17 =	vld.idx.msk [tilespmem:v17+s14+$0x0], $0xffff  }
0x473: {  	v21 =	vor.u32 v28, v9;
	[tilespmem:v23+s17+$0x0] =	vst.idx.msk $0xffff, v22;
	v18 =	vld.idx.msk [tilespmem:v18+s14+$0x0], $0xffff;
	v19 =	vor.u32 v55, v0  }
0x474: {  	v20 =	vor.u32 v28, v16;
	v5 =	vor.u32 v28, v12;
	v28 =	vld [tilespmem:$0x1FF20];
	v23 =	vor.u32 v55, v1  }
0x475: {  	[tilespmem:v25+s17+$0x0] =	vst.idx.msk $0xffff, v24;
	v10 =	vld.idx.msk [tilespmem:v54+s14+$0x0], $0xffff;
	v25 =	vor.u32 v55, v4  }
0x476: {  	[tilespmem:v26+s17+$0x0] =	vst.idx.msk $0xffff, v13  }
0x477: {  	[tilespmem:v14+s17+$0x0] =	vst.idx.msk $0xffff, v7  }
0x478: {  	[tilespmem:v19+s17+$0x0] =	vst.idx.msk $0xffff, v17  }
0x479: {  	[tilespmem:v23+s17+$0x0] =	vst.idx.msk $0xffff, v18  }
0x47a: {  	v22 =	vor.u32 v28, v3;
	v27 =	vld [tilespmem:$0x1FE40];
	[tilespmem:v25+s17+$0x0] =	vst.idx.msk $0xffff, v10  }
0x47b: {  	v24 =	vor.u32 v28, v2;
	v29 =	vld [tilespmem:$0x1FE50]  }
0x47c: {  	v21 =	vld.idx.msk [tilespmem:v21+s14+$0x0], $0xffff;
	v26 =	vor.u32 v55, v8;
	v13 =	vor.u32 v28, v6  }
0x47d: {  	v5 =	vld.idx.msk [tilespmem:v5+s14+$0x0], $0xffff;
	v14 =	vor.u32 v55, v11;
	v7 =	vor.u32 v28, v9  }
0x47e: {  	v17 =	vor.u32 v28, v12;
	v19 =	vld.idx.msk [tilespmem:v20+s14+$0x0], $0xffff;
	v20 =	vor.u32 v55, v15  }
0x47f: {  	v23 =	vor.u32 v28, v16;
	v22 =	vld.idx.msk [tilespmem:v22+s14+$0x0], $0xffff;
	v18 =	vor.u32 v27, v0  }
0x480: {  	v24 =	vld.idx.msk [tilespmem:v24+s14+$0x0], $0xffff;
	v25 =	vor.u32 v27, v1;
	v56 =	vor.u32 v29, v3  }
0x481: {  	[tilespmem:v26+s17+$0x0] =	vst.idx.msk $0xffff, v21;
	v13 =	vld.idx.msk [tilespmem:v13+s14+$0x0], $0xffff;
	v26 =	vor.u32 v27, v4;
	v21 =	vor.u32 v29, v2  }
0x482: {  	[tilespmem:v14+s17+$0x0] =	vst.idx.msk $0xffff, v5;
	v7 =	vld.idx.msk [tilespmem:v7+s14+$0x0], $0xffff;
	v14 =	vor.u32 v27, v8;
	v5 =	vor.u32 v29, v6  }
0x483: {  	[tilespmem:v20+s17+$0x0] =	vst.idx.msk $0xffff, v19;
	v17 =	vld.idx.msk [tilespmem:v17+s14+$0x0], $0xffff;
	v20 =	vor.u32 v27, v11;
	v19 =	vor.u32 v29, v9  }
0x484: {  	[tilespmem:v18+s17+$0x0] =	vst.idx.msk $0xffff, v22;
	v18 =	vor.u32 v29, v12;
	v22 =	vld.idx.msk [tilespmem:v23+s14+$0x0], $0xffff;
	v23 =	vor.u32 v27, v15  }
0x485: {  	[tilespmem:v25+s17+$0x0] =	vst.idx.msk $0xffff, v24;
	v24 =	vor.u32 v47, v0;
	v25 =	vor.u32 v29, v16;
	v10 =	vld.idx.msk [tilespmem:v56+s14+$0x0], $0xffff  }
0x486: {  	[tilespmem:v26+s17+$0x0] =	vst.idx.msk $0xffff, v13;
	v13 =	vor.u32 v59, v3;
	v26 =	vor.u32 v47, v1;
	v21 =	vld.idx.msk [tilespmem:v21+s14+$0x0], $0xffff  }
0x487: {  	[tilespmem:v14+s17+$0x0] =	vst.idx.msk $0xffff, v7;
	v7 =	vor.u32 v59, v2;
	v14 =	vor.u32 v47, v4;
	v5 =	vld.idx.msk [tilespmem:v5+s14+$0x0], $0xffff  }
0x488: {  	[tilespmem:v20+s17+$0x0] =	vst.idx.msk $0xffff, v17;
	v17 =	vor.u32 v59, v6;
	v20 =	vor.u32 v47, v8;
	v19 =	vld.idx.msk [tilespmem:v19+s14+$0x0], $0xffff  }
0x489: {  	[tilespmem:v23+s17+$0x0] =	vst.idx.msk $0xffff, v22;
	v22 =	vor.u32 v59, v9;
	v18 =	vld.idx.msk [tilespmem:v18+s14+$0x0], $0xffff;
	v23 =	vor.u32 v47, v11  }
0x48a: {  	v58 =	vor.u32 v59, v12;
	[tilespmem:v24+s17+$0x0] =	vst.idx.msk $0xffff, v10;
	v24 =	vld.idx.msk [tilespmem:v25+s14+$0x0], $0xffff;
	v25 =	vor.u32 v47, v15  }
0x48b: {  	[tilespmem:v26+s17+$0x0] =	vst.idx.msk $0xffff, v21;
	v21 =	vor.u32 v63, v0;
	v26 =	vor.u32 v59, v16;
	v13 =	vld.idx.msk [tilespmem:v13+s14+$0x0], $0xffff  }
0x48c: {  	v3 =	vor.u32 v31, v3;
	[tilespmem:v14+s17+$0x0] =	vst.idx.msk $0xffff, v5;
	v5 =	vld.idx.msk [tilespmem:v7+s14+$0x0], $0xffff;
	v7 =	vor.u32 v63, v1  }
0x48d: {  	v2 =	vor.u32 v31, v2;
	[tilespmem:v20+s17+$0x0] =	vst.idx.msk $0xffff, v19;
	v14 =	vld.idx.msk [tilespmem:v17+s14+$0x0], $0xffff;
	v17 =	vor.u32 v63, v4  }
0x48e: {  	v6 =	vor.u32 v31, v6;
	v19 =	vor.u32 v63, v8;
	[tilespmem:v23+s17+$0x0] =	vst.idx.msk $0xffff, v18;
	v18 =	vld.idx.msk [tilespmem:v22+s14+$0x0], $0xffff  }
0x48f: {  	v59 =	vor.u32 v31, v9;
	v20 =	vor.u32 v63, v11;
	[tilespmem:v25+s17+$0x0] =	vst.idx.msk $0xffff, v24;
	v10 =	vld.idx.msk [tilespmem:v58+s14+$0x0], $0xffff  }
0x490: {  	v12 =	vor.u32 v31, v12;
	[tilespmem:v21+s17+$0x0] =	vst.idx.msk $0xffff, v13;
	v13 =	vld.idx.msk [tilespmem:v26+s14+$0x0], $0xffff;
	v21 =	vor.u32 v63, v15  }
0x491: {  	v0 =	vor.u32 v49, v0;
	[tilespmem:v7+s17+$0x0] =	vst.idx.msk $0xffff, v5;
	v5 =	vor.u32 v31, v16;
	v3 =	vld.idx.msk [tilespmem:v3+s14+$0x0], $0xffff  }
0x492: {  	v1 =	vor.u32 v49, v1;
	[tilespmem:v17+s17+$0x0] =	vst.idx.msk $0xffff, v14;
	v2 =	vld.idx.msk [tilespmem:v2+s14+$0x0], $0xffff  }
0x493: {  	v4 =	vor.u32 v49, v4;
	v6 =	vld.idx.msk [tilespmem:v6+s14+$0x0], $0xffff;
	[tilespmem:v19+s17+$0x0] =	vst.idx.msk $0xffff, v18  }
0x494: {  	v60 =	vor.u32 v49, v8;
	[tilespmem:v20+s17+$0x0] =	vst.idx.msk $0xffff, v10;
	v7 =	vld.idx.msk [tilespmem:v59+s14+$0x0], $0xffff  }
0x495: {  	v63 =	vor.u32 v49, v11;
	[tilespmem:v21+s17+$0x0] =	vst.idx.msk $0xffff, v13;
	v62 =	vld.idx.msk [tilespmem:v12+s14+$0x0], $0xffff  }
0x496: {  	[tilespmem:v0+s17+$0x0] =	vst.idx.msk $0xffff, v3;
	v0 =	vld.idx.msk [tilespmem:v5+s14+$0x0], $0xffff;
	v3 =	vor.u32 v49, v15  }
0x497: {  	[tilespmem:v1+s17+$0x0] =	vst.idx.msk $0xffff, v2  }
0x498: {  	[tilespmem:v4+s17+$0x0] =	vst.idx.msk $0xffff, v6  }
0x499: {  	[tilespmem:v60+s17+$0x0] =	vst.idx.msk $0xffff, v7  }
0x49a: {  	[tilespmem:v63+s17+$0x0] =	vst.idx.msk $0xffff, v62  }
0x49b: {  	[tilespmem:v3+s17+$0x0] =	vst.idx.msk $0xffff, v0  }
0x49c: {  	v43 =	vld [tilespmem:$0x1FF60]  }
0x49d: {  	v5 =	vld [tilespmem:$0x1FF70]  }
0x49e: {  	v3 =	vld [tilespmem:$0x1FF80]  }
0x49f: {  	v46 =	vld [tilespmem:$0x1FF90]  }
0x4a0: {  	v47 =	vld [tilespmem:$0x1FFA0]  }
0x4a1: {  	v37 =	vld [tilespmem:$0x1FFB0]  }
0x4a2: {  	v13 =	vld [tilespmem:$0x1FF30]  }
0x4a3: {  	v54 =	vld [tilespmem:$0x1FFC0]  }
0x4a4: {  	v55 =	vld [tilespmem:$0x1FFD0]  }
0x4a5: {  	v56 =	vld [tilespmem:$0x1FFF0]  }
0x4a6: {  	v23 =	vld [tilespmem:$0x1FFE0]  }
0x4a7: {  	v14 =	vld [tilespmem:$0x1FD20]  }
0x4a8: {  	v26 =	vld [tilespmem:$0x1FDD0]  }
0x4a9: {  	s22 =	sadd.s32 $0x1, s22;
	v17 =	vld [tilespmem:$0x1FDF0]  }
0x4aa: {  	p2 =	sne.s32 s22, $0x7A;
	v18 =	vld [tilespmem:$0x1FE10]  }
.Ltmp4:
0x4ab: {  	v19 =	vld [tilespmem:$0x1FDE0];
	(pc) =	sbr.rel @p2 .LBB2_2-.Ltmp4, $4  }
0x4ac: {  	v20 =	vld [tilespmem:$0x1FE30]  }
0x4ad: {  	s23 =	sshll.u32 s23, $0xF;
	v22 =	vld [tilespmem:$0x1FE00]  }
0x4ae: {  	s23 =	sadd.s32 s23, s5;
	v21 =	vld [tilespmem:$0x1FD30]  }
0x4af: {  	v15 =	vmov v50;
	[hbm4b:s23+s3] =	stream.linear.scatter [tilespmem:s17], [sflag:$0x4], $0x2000, $0x38;
	v58 =	vld [tilespmem:$0x1FD50]  }
0x4b0: {  	_ =	swait.ge [sflag:s18], $0x2000  }
.Ltmp5:
0x4b1: {  	[sflag:s18] =	ssyncset.done $0x0;
	(pc) =	sbr.rel @p0 .LBB2_11-.Ltmp5, $4  }
0x4b2: {  	[sflag:s18] =	ssyncadd.s32 $0xFFFFE000  }
0x4b3: {  	_ =	swait.ge [sflag:s19], $0x2000  }
0x4b4: {  	[sflag:s19] =	ssyncset.done $0x0  }
0x4b5: {  	v11 =	vld [tilespmem:$0x1FEB0];
	[sflag:s19] =	ssyncadd.s32 $0xFFFFE000  }
0x4b6: {  	s22 =	simm.s32 $0x0;
	v8 =	vlaneseq.u32  }
0x4b7: {  	v4 =	vadd.s32 s22, v8  }
0x4b8: {  	v12 =	vand.u32 $0xF, v4  }
0x4b9: {  	v7 =	vshll.u32 v12, $0x7  }
0x4ba: {  	v0 =	vor.u32 v8, v7  }
0x4bb: {  	[tilespmem:s22], [sflag:$0x5] =	stream.strided.gather [hbm4b:s7+s11], $0x2000, s12, s11, $0x38;
	[tilespmem:$0x8000] =	vst v63  }
0x4bc: {  	_ =	swait.ge [sflag:s20], $0x2000  }
0x4bd: {  	[sflag:s20] =	ssyncset.done $0x0  }
0x4be: {  	[sflag:s20] =	ssyncadd.s32 $0xFFFFE000  }
0x4bf: {  	v1 =	vor.u32 v38, v12;
	v0 =	vld.idx.msk [tilespmem:v0+s3+$0x0], $0xffff  }
0x4c0: {  	v2 =	vor.u32 v39, v7;
	_ =	sdelay $0x3  }
0x4c1: {  	[tilespmem:v1+s15+$0x0] =	vst.idx.msk $0xffff, v0  }
0x4c2: {  	v1 =	vor.u32 v43, v12;
	v0 =	vld.idx.msk [tilespmem:v2+s3+$0x0], $0xffff  }
0x4c3: {  	v2 =	vor.u32 v5, v7;
	_ =	sdelay $0x3  }
0x4c4: {  	[tilespmem:v1+s15+$0x0] =	vst.idx.msk $0xffff, v0  }
0x4c5: {  	v1 =	vor.u32 v3, v12;
	v0 =	vld.idx.msk [tilespmem:v2+s3+$0x0], $0xffff  }
0x4c6: {  	v2 =	vor.u32 v46, v7;
	_ =	sdelay $0x3  }
0x4c7: {  	[tilespmem:v1+s15+$0x0] =	vst.idx.msk $0xffff, v0  }
0x4c8: {  	v1 =	vld.idx.msk [tilespmem:v2+s3+$0x0], $0xffff;
	v2 =	vor.u32 v47, v12;
	_ =	sdelay $0x4  }
0x4c9: {  	v32 =	vmov v5;
	v5 =	vor.u32 v37, v7;
	[tilespmem:v2+s15+$0x0] =	vst.idx.msk $0xffff, v1  }
0x4ca: {  	s25 =	simm.s32 $0x1;
	v62 =	vld [tilespmem:$0x1FC50]  }
0x4cb: {  	v0 =	vadd.s32 s25, v8  }
0x4cc: {  	v16 =	vand.u32 $0xF, v0  }
0x4cd: {  	v40 =	vmov v3;
	v3 =	vshll.u32 v16, $0x7  }
0x4ce: {  	v1 =	vor.u32 v8, v3;
	v2 =	vld.idx.msk [tilespmem:v5+s3+$0x0], $0xffff;
	v5 =	vor.u32 v13, v12  }
0x4cf: {  	v6 =	vor.u32 v62, v7;
	_ =	sdelay $0x3  }
0x4d0: {  	v8 =	vor.u32 v38, v16;
	v1 =	vld.idx.msk [tilespmem:v1+s3+$0x0], $0xffff;
	[tilespmem:v5+s15+$0x0] =	vst.idx.msk $0xffff, v2  }
0x4d1: {  	v2 =	vor.u32 v39, v3;
	v5 =	vld.idx.msk [tilespmem:v6+s3+$0x0], $0xffff;
	v6 =	vor.u32 v48, v12  }
0x4d2: {  	v9 =	vor.u32 v51, v7;
	_ =	sdelay $0x2  }
0x4d3: {  	[tilespmem:v8+s15+$0x0] =	vst.idx.msk $0xffff, v1  }
0x4d4: {  	v1 =	vld.idx.msk [tilespmem:v2+s3+$0x0], $0xffff;
	v2 =	vor.u32 v43, v16;
	[tilespmem:v6+s15+$0x0] =	vst.idx.msk $0xffff, v5  }
0x4d5: {  	v8 =	vor.u32 v52, v12;
	v5 =	vor.u32 v32, v3;
	v6 =	vld.idx.msk [tilespmem:v9+s3+$0x0], $0xffff  }
0x4d6: {  	v9 =	vor.u32 v53, v7;
	_ =	sdelay $0x2  }
0x4d7: {  	[tilespmem:v2+s15+$0x0] =	vst.idx.msk $0xffff, v1  }
0x4d8: {  	v2 =	vor.u32 v40, v16;
	v1 =	vld.idx.msk [tilespmem:v5+s3+$0x0], $0xffff;
	[tilespmem:v8+s15+$0x0] =	vst.idx.msk $0xffff, v6  }
0x4d9: {  	v5 =	vor.u32 v46, v3;
	v8 =	vor.u32 v54, v12;
	v6 =	vld.idx.msk [tilespmem:v9+s3+$0x0], $0xffff  }
0x4da: {  	v9 =	vor.u32 v55, v7;
	_ =	sdelay $0x2  }
0x4db: {  	[tilespmem:v2+s15+$0x0] =	vst.idx.msk $0xffff, v1  }
0x4dc: {  	v2 =	vld.idx.msk [tilespmem:v5+s3+$0x0], $0xffff;
	v5 =	vor.u32 v47, v16;
	[tilespmem:v8+s15+$0x0] =	vst.idx.msk $0xffff, v6  }
0x4dd: {  	v6 =	vor.u32 v37, v3;
	v8 =	vld.idx.msk [tilespmem:v9+s3+$0x0], $0xffff;
	v9 =	vor.u32 v56, v4  }
0x4de: {  	v24 =	vmovc v13;
	s26 =	simm.s32 $0x2;
	v41 =	vmov v11;
	v11 =	vor.u32 v57, v7;
	v13 =	vlaneseq.u32  }
0x4df: {  	v1 =	vadd.s32 s26, v13  }
0x4e0: {  	v10 =	vand.u32 $0xF, v1  }
0x4e1: {  	[tilespmem:v5+s15+$0x0] =	vst.idx.msk $0xffff, v2;
	v2 =	vshll.u32 v10, $0x7  }
0x4e2: {  	v5 =	vld.idx.msk [tilespmem:v6+s3+$0x0], $0xffff;
	v6 =	vor.u32 v13, v2;
	v13 =	vor.u32 v24, v16;
	[tilespmem:v9+s15+$0x0] =	vst.idx.msk $0xffff, v8  }
0x4e3: {  	v8 =	vor.u32 v62, v3;
	v9 =	vld.idx.msk [tilespmem:v11+s3+$0x0], $0xffff;
	v11 =	vor.u32 v23, v4  }
0x4e4: {  	v49 =	vmov v14;
	v14 =	vor.u32 v14, v7;
	_ =	sdelay $0x2  }
0x4e5: {  	v35 =	vmov v15;
	v6 =	vld.idx.msk [tilespmem:v6+s3+$0x0], $0xffff;
	[tilespmem:v13+s15+$0x0] =	vst.idx.msk $0xffff, v5;
	v5 =	vor.u32 v38, v10  }
0x4e6: {  	v15 =	vor.u32 v48, v16;
	v13 =	vor.u32 v39, v2;
	v8 =	vld.idx.msk [tilespmem:v8+s3+$0x0], $0xffff;
	[tilespmem:v11+s15+$0x0] =	vst.idx.msk $0xffff, v9  }
0x4e7: {  	v9 =	vor.u32 v51, v3;
	v11 =	vld.idx.msk [tilespmem:v14+s3+$0x0], $0xffff;
	v14 =	vor.u32 v26, v4  }
0x4e8: {  	v28 =	vmov v17;
	v17 =	vor.u32 v17, v7;
	_ =	sdelay $0x1  }
0x4e9: {  	[tilespmem:v5+s15+$0x0] =	vst.idx.msk $0xffff, v6  }
0x4ea: {  	v6 =	vor.u32 v43, v10;
	v5 =	vld.idx.msk [tilespmem:v13+s3+$0x0], $0xffff;
	[tilespmem:v15+s15+$0x0] =	vst.idx.msk $0xffff, v8  }
0x4eb: {  	v13 =	vor.u32 v32, v2;
	v8 =	vld.idx.msk [tilespmem:v9+s3+$0x0], $0xffff;
	v9 =	vor.u32 v52, v16;
	[tilespmem:v14+s15+$0x0] =	vst.idx.msk $0xffff, v11  }
0x4ec: {  	v15 =	vor.u32 v18, v4;
	v11 =	vor.u32 v53, v3;
	v14 =	vld.idx.msk [tilespmem:v17+s3+$0x0], $0xffff  }
0x4ed: {  	v17 =	vor.u32 v19, v7;
	_ =	sdelay $0x1  }
0x4ee: {  	[tilespmem:v6+s15+$0x0] =	vst.idx.msk $0xffff, v5  }
0x4ef: {  	v6 =	vor.u32 v40, v10;
	[tilespmem:v9+s15+$0x0] =	vst.idx.msk $0xffff, v8;
	v5 =	vld.idx.msk [tilespmem:v13+s3+$0x0], $0xffff  }
0x4f0: {  	v9 =	vor.u32 v46, v2;
	v8 =	vld.idx.msk [tilespmem:v11+s3+$0x0], $0xffff;
	v11 =	vor.u32 v54, v16;
	[tilespmem:v15+s15+$0x0] =	vst.idx.msk $0xffff, v14  }
0x4f1: {  	v13 =	vor.u32 v55, v3;
	v15 =	vor.u32 v41, v4;
	v14 =	vld.idx.msk [tilespmem:v17+s3+$0x0], $0xffff  }
0x4f2: {  	v17 =	vor.u32 v20, v7;
	_ =	sdelay $0x1  }
0x4f3: {  	[tilespmem:v6+s15+$0x0] =	vst.idx.msk $0xffff, v5  }
0x4f4: {  	v6 =	vld.idx.msk [tilespmem:v9+s3+$0x0], $0xffff;
	[tilespmem:v11+s15+$0x0] =	vst.idx.msk $0xffff, v8;
	v8 =	vor.u32 v47, v10  }
0x4f5: {  	v25 =	vmov v18;
	v18 =	vor.u32 v56, v0;
	v9 =	vld.idx.msk [tilespmem:v13+s3+$0x0], $0xffff;
	[tilespmem:v15+s15+$0x0] =	vst.idx.msk $0xffff, v14  }
0x4f6: {  	v15 =	vld.idx.msk [tilespmem:v17+s3+$0x0], $0xffff;
	v17 =	vor.u32 v22, v4;
	_ =	sdelay $0x2  }
0x4f7: {  	v11 =	vor.u32 v37, v2;
	[tilespmem:v8+s15+$0x0] =	vst.idx.msk $0xffff, v6  }
0x4f8: {  	v14 =	vor.u32 v57, v3;
	[tilespmem:v18+s15+$0x0] =	vst.idx.msk $0xffff, v9  }
0x4f9: {  	v31 =	vmov v26;
	v26 =	vmov v19;
	v19 =	vor.u32 v21, v7;
	[tilespmem:v17+s15+$0x0] =	vst.idx.msk $0xffff, v15  }
0x4fa: {  	v59 =	vld [tilespmem:$0x1FC60];
	_ =	sdelay $0x1  }
0x4fb: {  	v8 =	vld.idx.msk [tilespmem:v11+s3+$0x0], $0xffff  }
0x4fc: {  	v11 =	vor.u32 v24, v10;
	v14 =	vld.idx.msk [tilespmem:v14+s3+$0x0], $0xffff  }
0x4fd: {  	s28 =	simm.s32 $0x3;
	v50 =	vmovc v22;
	v27 =	vmov v20;
	v20 =	vor.u32 v23, v0;
	v22 =	vlaneseq.u32;
	v17 =	vld.idx.msk [tilespmem:v19+s3+$0x0], $0xffff  }
0x4fe: {  	v42 =	vmov v21;
	v5 =	vadd.s32 s28, v22;
	v21 =	vld [tilespmem:$0x1FC70];
	v19 =	vor.u32 v59, v4  }
0x4ff: {  	v13 =	vand.u32 $0xF, v5  }
0x500: {  	v6 =	vshll.u32 v13, $0x7  }
0x501: {  	v9 =	vor.u32 v22, v6;
	[tilespmem:v11+s15+$0x0] =	vst.idx.msk $0xffff, v8  }
0x502: {  	v18 =	vor.u32 v62, v2;
	[tilespmem:v20+s15+$0x0] =	vst.idx.msk $0xffff, v14  }
0x503: {  	v44 =	vmov v28;
	v21 =	vor.u32 v21, v7;
	[tilespmem:v19+s15+$0x0] =	vst.idx.msk $0xffff, v17  }
0x504: {  	v45 =	vmov v44;
	v15 =	vor.u32 v49, v3;
	v17 =	vor.u32 v44, v3;
	v44 =	vld [tilespmem:$0x1FC80];
	_ =	sdelay $0x1  }
0x505: {  	v8 =	vor.u32 v38, v13;
	v9 =	vld.idx.msk [tilespmem:v9+s3+$0x0], $0xffff  }
0x506: {  	v11 =	vld.idx.msk [tilespmem:v18+s3+$0x0], $0xffff;
	v18 =	vor.u32 v48, v10  }
0x507: {  	v14 =	vor.u32 v39, v6;
	v19 =	vld.idx.msk [tilespmem:v21+s3+$0x0], $0xffff;
	v21 =	vor.u32 v58, v4  }
0x508: {  	v63 =	vmovc v41;
	v41 =	vmov v24;
	v22 =	vor.u32 v31, v0;
	v15 =	vld.idx.msk [tilespmem:v15+s3+$0x0], $0xffff;
	v24 =	vor.u32 v44, v7;
	_ =	sdelay $0x1  }
0x509: {  	[tilespmem:v8+s15+$0x0] =	vst.idx.msk $0xffff, v9  }
0x50a: {  	[tilespmem:v18+s15+$0x0] =	vst.idx.msk $0xffff, v11  }
0x50b: {  	v20 =	vor.u32 v51, v2;
	v8 =	vld.idx.msk [tilespmem:v14+s3+$0x0], $0xffff;
	[tilespmem:v21+s15+$0x0] =	vst.idx.msk $0xffff, v19  }
0x50c: {  	v9 =	vor.u32 v43, v13;
	[tilespmem:v22+s15+$0x0] =	vst.idx.msk $0xffff, v15;
	v21 =	vld.idx.msk [tilespmem:v24+s3+$0x0], $0xffff  }
0x50d: {  	v24 =	vld [tilespmem:$0x1FC90];
	_ =	sdelay $0x2  }
0x50e: {  	v11 =	vld.idx.msk [tilespmem:v20+s3+$0x0], $0xffff;
	v14 =	vor.u32 v52, v10  }
0x50f: {  	v18 =	vor.u32 v25, v0;
	v17 =	vld.idx.msk [tilespmem:v17+s3+$0x0], $0xffff;
	[tilespmem:v9+s15+$0x0] =	vst.idx.msk $0xffff, v8  }
0x510: {  	v19 =	vor.u32 v26, v3;
	v26 =	vld [tilespmem:$0x1FCA0];
	v22 =	vor.u32 v24, v12  }
0x511: {  	v28 =	vmov v32  }
0x512: {  	v15 =	vor.u32 v28, v6  }
0x513: {  	v20 =	vor.u32 v53, v2;
	[tilespmem:v14+s15+$0x0] =	vst.idx.msk $0xffff, v11  }
0x514: {  	[tilespmem:v18+s15+$0x0] =	vst.idx.msk $0xffff, v17  }
0x515: {  	v8 =	vor.u32 v26, v7;
	[tilespmem:v22+s15+$0x0] =	vst.idx.msk $0xffff, v21  }
0x516: {  	v34 =	vld [tilespmem:$0x1FCB0]  }
0x517: {  	v9 =	vld.idx.msk [tilespmem:v15+s3+$0x0], $0xffff  }
0x518: {  	v11 =	vor.u32 v40, v13;
	v14 =	vld.idx.msk [tilespmem:v20+s3+$0x0], $0xffff  }
0x519: {  	v17 =	vor.u32 v54, v10;
	v18 =	vld.idx.msk [tilespmem:v19+s3+$0x0], $0xffff  }
0x51a: {  	v20 =	vor.u32 v63, v0;
	v8 =	vld.idx.msk [tilespmem:v8+s3+$0x0], $0xffff  }
0x51b: {  	v60 =	vld [tilespmem:$0x1FCC0];
	v22 =	vor.u32 v34, v12;
	_ =	sdelay $0x1  }
0x51c: {  	[tilespmem:v11+s15+$0x0] =	vst.idx.msk $0xffff, v9  }
0x51d: {  	v15 =	vor.u32 v46, v6;
	[tilespmem:v17+s15+$0x0] =	vst.idx.msk $0xffff, v14  }
0x51e: {  	v19 =	vor.u32 v55, v2;
	[tilespmem:v20+s15+$0x0] =	vst.idx.msk $0xffff, v18  }
0x51f: {  	v32 =	vmov v24;
	v31 =	vor.u32 v60, v7;
	[tilespmem:v22+s15+$0x0] =	vst.idx.msk $0xffff, v8  }
0x520: {  	v24 =	vor.u32 v35, v12;
	v21 =	vor.u32 v27, v3;
	v22 =	vor.u32 v42, v3;
	v42 =	vmovc v35;
	v35 =	vld [tilespmem:$0x1FD80];
	_ =	sdelay $0x1  }
0x521: {  	v11 =	vor.u32 v47, v13;
	v9 =	vld.idx.msk [tilespmem:v15+s3+$0x0], $0xffff  }
0x522: {  	v18 =	vor.u32 v56, v1;
	v15 =	vld.idx.msk [tilespmem:v19+s3+$0x0], $0xffff  }
0x523: {  	v17 =	vor.u32 v37, v6;
	v31 =	vld.idx.msk [tilespmem:v31+s3+$0x0], $0xffff  }
0x524: {  	v19 =	vld.idx.msk [tilespmem:v21+s3+$0x0], $0xffff;
	v21 =	vor.u32 v50, v0;
	v25 =	vor.u32 v35, v7;
	_ =	sdelay $0x1  }
0x525: {  	v20 =	vor.u32 v57, v2;
	[tilespmem:v11+s15+$0x0] =	vst.idx.msk $0xffff, v9  }
0x526: {  	[tilespmem:v18+s15+$0x0] =	vst.idx.msk $0xffff, v15  }
0x527: {  	v11 =	vld.idx.msk [tilespmem:v17+s3+$0x0], $0xffff;
	[tilespmem:v24+s15+$0x0] =	vst.idx.msk $0xffff, v31  }
0x528: {  	[tilespmem:v21+s15+$0x0] =	vst.idx.msk $0xffff, v19;
	v24 =	vld.idx.msk [tilespmem:v25+s3+$0x0], $0xffff  }
0x529: {  	s29 =	simm.s32 $0x4;
	v27 =	vlaneseq.u32;
	v17 =	vor.u32 v41, v13;
	v25 =	vld [tilespmem:$0x1FCD0]  }
0x52a: {  	v8 =	vadd.s32 s29, v27;
	v18 =	vld.idx.msk [tilespmem:v20+s3+$0x0], $0xffff;
	v20 =	vor.u32 v23, v1  }
0x52b: {  	v33 =	vmov v26;
	v26 =	vor.u32 v59, v0;
	v14 =	vand.u32 $0xF, v8;
	v21 =	vld.idx.msk [tilespmem:v22+s3+$0x0], $0xffff  }
0x52c: {  	v9 =	vshll.u32 v14, $0x7  }
0x52d: {  	v15 =	vor.u32 v27, v9;
	v27 =	vld [tilespmem:$0x1FC70]  }
0x52e: {  	v31 =	vld [tilespmem:$0x1FD90];
	[tilespmem:v17+s15+$0x0] =	vst.idx.msk $0xffff, v11;
	v25 =	vor.u32 v25, v12  }
0x52f: {  	[tilespmem:v20+s15+$0x0] =	vst.idx.msk $0xffff, v18  }
0x530: {  	v19 =	vor.u32 v62, v6;
	[tilespmem:v26+s15+$0x0] =	vst.idx.msk $0xffff, v21  }
0x531: {  	v22 =	vor.u32 v49, v2;
	v49 =	vld [tilespmem:$0x1FDD0]  }
0x532: {  	v41 =	vmov v23;
	v23 =	vor.u32 v27, v3  }
0x533: {  	v15 =	vld.idx.msk [tilespmem:v15+s3+$0x0], $0xffff;
	v11 =	vor.u32 v38, v14;
	v29 =	vor.u32 v31, v7;
	[tilespmem:v25+s15+$0x0] =	vst.idx.msk $0xffff, v24  }
0x534: {  	v63 =	vld [tilespmem:$0x1FDA0]  }
0x535: {  	v18 =	vor.u32 v39, v9;
	v17 =	vld.idx.msk [tilespmem:v19+s3+$0x0], $0xffff;
	v19 =	vor.u32 v48, v13  }
0x536: {  	v21 =	vor.u32 v51, v6;
	v20 =	vld.idx.msk [tilespmem:v22+s3+$0x0], $0xffff;
	v22 =	vor.u32 v49, v1  }
0x537: {  	v28 =	vor.u32 v58, v0;
	v23 =	vld.idx.msk [tilespmem:v23+s3+$0x0], $0xffff  }
0x538: {  	v25 =	vld.idx.msk [tilespmem:v29+s3+$0x0], $0xffff;
	[tilespmem:v11+s15+$0x0] =	vst.idx.msk $0xffff, v15  }
0x539: {  	v26 =	vor.u32 v45, v2;
	v45 =	vld [tilespmem:$0x1FDB0];
	v29 =	vor.u32 v63, v12  }
0x53a: {  	v15 =	vld.idx.msk [tilespmem:v18+s3+$0x0], $0xffff;
	[tilespmem:v19+s15+$0x0] =	vst.idx.msk $0xffff, v17  }
0x53b: {  	[tilespmem:v22+s15+$0x0] =	vst.idx.msk $0xffff, v20;
	v18 =	vld.idx.msk [tilespmem:v21+s3+$0x0], $0xffff  }
0x53c: {  	v24 =	vor.u32 v44, v3;
	v20 =	vld [tilespmem:$0x1FF70];
	[tilespmem:v28+s15+$0x0] =	vst.idx.msk $0xffff, v23  }
0x53d: {  	v22 =	vld [tilespmem:$0x1FE10]  }
0x53e: {  	v17 =	vor.u32 v43, v14;
	v28 =	vld [tilespmem:$0x1FDE0];
	[tilespmem:v29+s15+$0x0] =	vst.idx.msk $0xffff, v25  }
0x53f: {  	v19 =	vor.u32 v52, v13;
	v11 =	vor.u32 v45, v7;
	v25 =	vor.u32 v33, v3;
	v33 =	vld [tilespmem:$0x1FCE0]  }
0x540: {  	v21 =	vld.idx.msk [tilespmem:v26+s3+$0x0], $0xffff  }
0x541: {  	v26 =	vor.u32 v32, v16;
	v24 =	vld.idx.msk [tilespmem:v24+s3+$0x0], $0xffff;
	v20 =	vor.u32 v20, v9  }
0x542: {  	v22 =	vor.u32 v22, v1  }
0x543: {  	[tilespmem:v17+s15+$0x0] =	vst.idx.msk $0xffff, v15  }
0x544: {  	v11 =	vld.idx.msk [tilespmem:v11+s3+$0x0], $0xffff;
	[tilespmem:v19+s15+$0x0] =	vst.idx.msk $0xffff, v18;
	v29 =	vor.u32 v33, v12  }
0x545: {  	v15 =	vld [tilespmem:$0x1FDC0]  }
0x546: {  	v23 =	vor.u32 v53, v6;
	v18 =	vor.u32 v40, v14;
	v17 =	vld.idx.msk [tilespmem:v20+s3+$0x0], $0xffff;
	[tilespmem:v26+s15+$0x0] =	vst.idx.msk $0xffff, v24  }
0x547: {  	[tilespmem:v22+s15+$0x0] =	vst.idx.msk $0xffff, v21  }
0x548: {  	v28 =	vor.u32 v28, v2;
	v24 =	vld [tilespmem:$0x1FEB0]  }
0x549: {  	v26 =	vld [tilespmem:$0x1FE30];
	[tilespmem:v29+s15+$0x0] =	vst.idx.msk $0xffff, v11  }
0x54a: {  	v15 =	vor.u32 v15, v7;
	v29 =	vld [tilespmem:$0x1FE20]  }
0x54b: {  	v19 =	vld.idx.msk [tilespmem:v23+s3+$0x0], $0xffff;
	[tilespmem:v18+s15+$0x0] =	vst.idx.msk $0xffff, v17  }
0x54c: {  	v20 =	vor.u32 v46, v9;
	v21 =	vor.u32 v54, v13;
	v17 =	vld [tilespmem:$0x1FEC0]  }
0x54d: {  	v23 =	vor.u32 v55, v6;
	v22 =	vld.idx.msk [tilespmem:v28+s3+$0x0], $0xffff;
	v24 =	vor.u32 v24, v1  }
0x54e: {  	v28 =	vor.u32 v34, v16;
	v25 =	vld.idx.msk [tilespmem:v25+s3+$0x0], $0xffff;
	v26 =	vor.u32 v26, v2  }
0x54f: {  	v11 =	vor.u32 v60, v3;
	v15 =	vld.idx.msk [tilespmem:v15+s3+$0x0], $0xffff;
	v29 =	vor.u32 v29, v12;
	_ =	sdelay $0x1  }
0x550: {  	v18 =	vld.idx.msk [tilespmem:v20+s3+$0x0], $0xffff;
	[tilespmem:v21+s15+$0x0] =	vst.idx.msk $0xffff, v19;
	v17 =	vor.u32 v17, v7  }
0x551: {  	v19 =	vor.u32 v47, v14;
	v20 =	vld.idx.msk [tilespmem:v23+s3+$0x0], $0xffff;
	[tilespmem:v24+s15+$0x0] =	vst.idx.msk $0xffff, v22  }
0x552: {  	[tilespmem:v28+s15+$0x0] =	vst.idx.msk $0xffff, v25;
	v22 =	vor.u32 v56, v5;
	v23 =	vld.idx.msk [tilespmem:v26+s3+$0x0], $0xffff  }
0x553: {  	v25 =	vor.u32 v50, v1;
	v26 =	vld.idx.msk [tilespmem:v11+s3+$0x0], $0xffff;
	[tilespmem:v29+s15+$0x0] =	vst.idx.msk $0xffff, v15  }
0x554: {  	v34 =	vor.u32 v42, v16;
	v11 =	vld [tilespmem:$0x1FD30]  }
0x555: {  	v32 =	vmov v30;
	v30 =	vor.u32 v61, v12;
	v28 =	vld.idx.msk [tilespmem:v17+s3+$0x0], $0xffff  }
0x556: {  	[tilespmem:v19+s15+$0x0] =	vst.idx.msk $0xffff, v18  }
0x557: {  	v42 =	vld [tilespmem:$0x1FCF0];
	[tilespmem:v22+s15+$0x0] =	vst.idx.msk $0xffff, v20  }
0x558: {  	v21 =	vor.u32 v37, v9;
	v40 =	vld [tilespmem:$0x1FF30];
	[tilespmem:v25+s15+$0x0] =	vst.idx.msk $0xffff, v23  }
0x559: {  	s30 =	simm.s32 $0x5;
	v62 =	vlaneseq.u32;
	v24 =	vor.u32 v57, v6;
	v23 =	vld [tilespmem:$0x1FC50];
	[tilespmem:v34+s15+$0x0] =	vst.idx.msk $0xffff, v26  }
0x55a: {  	v25 =	vld [tilespmem:$0x1FD20];
	v15 =	vor.u32 v11, v2;
	v11 =	vadd.s32 s30, v62;
	[tilespmem:v30+s15+$0x0] =	vst.idx.msk $0xffff, v28  }
0x55b: {  	v29 =	vor.u32 v35, v3;
	v28 =	vor.u32 v27, v2;
	v17 =	vand.u32 $0xF, v11;
	v27 =	vld [tilespmem:$0x1FCD0]  }
0x55c: {  	v30 =	vor.u32 v31, v3;
	v18 =	vor.u32 v42, v7;
	v31 =	vld [tilespmem:$0x1FD00];
	v12 =	vshll.u32 v17, $0x7  }
0x55d: {  	v19 =	vld.idx.msk [tilespmem:v21+s3+$0x0], $0xffff;
	v21 =	vor.u32 v40, v14;
	v20 =	vor.u32 v62, v12  }
0x55e: {  	v22 =	vld.idx.msk [tilespmem:v24+s3+$0x0], $0xffff;
	v24 =	vor.u32 v41, v5  }
0x55f: {  	v26 =	vor.u32 v59, v1;
	v23 =	vor.u32 v23, v9;
	v15 =	vld.idx.msk [tilespmem:v15+s3+$0x0], $0xffff  }
0x560: {  	v34 =	vld.idx.msk [tilespmem:v29+s3+$0x0], $0xffff;
	v25 =	vor.u32 v25, v6;
	v29 =	vor.u32 v27, v16  }
0x561: {  	v18 =	vld.idx.msk [tilespmem:v18+s3+$0x0], $0xffff;
	v31 =	vor.u32 v31, v4  }
0x562: {  	[tilespmem:v21+s15+$0x0] =	vst.idx.msk $0xffff, v19;
	v21 =	vor.u32 v38, v17;
	v20 =	vld.idx.msk [tilespmem:v20+s3+$0x0], $0xffff  }
0x563: {  	v19 =	vld [tilespmem:$0x1FF50];
	[tilespmem:v24+s15+$0x0] =	vst.idx.msk $0xffff, v22  }
0x564: {  	v23 =	vld.idx.msk [tilespmem:v23+s3+$0x0], $0xffff;
	[tilespmem:v26+s15+$0x0] =	vst.idx.msk $0xffff, v15  }
0x565: {  	v22 =	vor.u32 v39, v12;
	v24 =	vor.u32 v48, v14;
	v25 =	vld.idx.msk [tilespmem:v25+s3+$0x0], $0xffff;
	[tilespmem:v29+s15+$0x0] =	vst.idx.msk $0xffff, v34  }
0x566: {  	v35 =	vmov v61;
	v15 =	vor.u32 v51, v9;
	v26 =	vor.u32 v49, v5;
	v61 =	vld [tilespmem:$0x1FDF0];
	[tilespmem:v31+s15+$0x0] =	vst.idx.msk $0xffff, v18  }
0x567: {  	v28 =	vld.idx.msk [tilespmem:v28+s3+$0x0], $0xffff;
	[tilespmem:v21+s15+$0x0] =	vst.idx.msk $0xffff, v20  }
0x568: {  	v29 =	vor.u32 v58, v1;
	v19 =	vor.u32 v19, v7;
	v21 =	vld [tilespmem:$0x1FEE0]  }
0x569: {  	v30 =	vld.idx.msk [tilespmem:v30+s3+$0x0], $0xffff;
	v31 =	vor.u32 v63, v16  }
0x56a: {  	v22 =	vld.idx.msk [tilespmem:v22+s3+$0x0], $0xffff;
	[tilespmem:v24+s15+$0x0] =	vst.idx.msk $0xffff, v23  }
0x56b: {  	v15 =	vld.idx.msk [tilespmem:v15+s3+$0x0], $0xffff;
	[tilespmem:v26+s15+$0x0] =	vst.idx.msk $0xffff, v25  }
0x56c: {  	v18 =	vor.u32 v44, v2;
	v58 =	vld [tilespmem:$0x1FF70]  }
0x56d: {  	v20 =	vor.u32 v45, v3;
	[tilespmem:v29+s15+$0x0] =	vst.idx.msk $0xffff, v28;
	v19 =	vld.idx.msk [tilespmem:v19+s3+$0x0], $0xffff;
	v21 =	vor.u32 v21, v4  }
0x56e: {  	v28 =	vld [tilespmem:$0x1FE10];
	[tilespmem:v31+s15+$0x0] =	vst.idx.msk $0xffff, v30  }
0x56f: {  	v24 =	vor.u32 v43, v17;
	v27 =	vor.u32 v61, v6;
	v30 =	vld [tilespmem:$0x1FC90]  }
0x570: {  	v31 =	vld [tilespmem:$0x1FDE0]  }
0x571: {  	v23 =	vor.u32 v36, v7;
	v18 =	vld.idx.msk [tilespmem:v18+s3+$0x0], $0xffff  }
0x572: {  	v25 =	vor.u32 v52, v14;
	v20 =	vld.idx.msk [tilespmem:v20+s3+$0x0], $0xffff;
	v26 =	vor.u32 v58, v12;
	[tilespmem:v21+s15+$0x0] =	vst.idx.msk $0xffff, v19  }
0x573: {  	v21 =	vld [tilespmem:$0x1FCA0]  }
0x574: {  	v27 =	vld.idx.msk [tilespmem:v27+s3+$0x0], $0xffff;
	v28 =	vor.u32 v28, v5;
	[tilespmem:v24+s15+$0x0] =	vst.idx.msk $0xffff, v22  }
0x575: {  	v30 =	vor.u32 v30, v10;
	v31 =	vor.u32 v31, v6;
	v24 =	vld [tilespmem:$0x1FDC0]  }
0x576: {  	v19 =	vor.u32 v33, v16;
	v23 =	vld.idx.msk [tilespmem:v23+s3+$0x0], $0xffff  }
0x577: {  	[tilespmem:v25+s15+$0x0] =	vst.idx.msk $0xffff, v15;
	v15 =	vld.idx.msk [tilespmem:v26+s3+$0x0], $0xffff  }
0x578: {  	v25 =	vld [tilespmem:$0x1FD10];
	v21 =	vor.u32 v21, v2  }
0x579: {  	v44 =	vld [tilespmem:$0x1FF80];
	[tilespmem:v28+s15+$0x0] =	vst.idx.msk $0xffff, v27  }
0x57a: {  	v22 =	vor.u32 v32, v4;
	[tilespmem:v30+s15+$0x0] =	vst.idx.msk $0xffff, v18;
	v18 =	vld.idx.msk [tilespmem:v31+s3+$0x0], $0xffff;
	v24 =	vor.u32 v24, v3  }
0x57b: {  	v31 =	vld [tilespmem:$0x1FEB0];
	[tilespmem:v19+s15+$0x0] =	vst.idx.msk $0xffff, v20  }
0x57c: {  	v45 =	vld [tilespmem:$0x1FE30]  }
0x57d: {  	v29 =	vor.u32 v53, v9;
	v19 =	vld.idx.msk [tilespmem:v21+s3+$0x0], $0xffff  }
0x57e: {  	v21 =	vld [tilespmem:$0x1FCB0]  }
0x57f: {  	[tilespmem:v22+s15+$0x0] =	vst.idx.msk $0xffff, v23;
	v22 =	vld.idx.msk [tilespmem:v24+s3+$0x0], $0xffff  }
0x580: {  	v26 =	vor.u32 v44, v17;
	v24 =	vld [tilespmem:$0x1FE20];
	_ =	sdelay $0x1  }
0x581: {  	v27 =	vld.idx.msk [tilespmem:v29+s3+$0x0], $0xffff;
	v29 =	vor.u32 v54, v14  }
0x582: {  	v31 =	vor.u32 v31, v5  }
0x583: {  	v21 =	vor.u32 v21, v10  }
0x584: {  	[tilespmem:v26+s15+$0x0] =	vst.idx.msk $0xffff, v15;
	v24 =	vor.u32 v24, v16  }
0x585: {  	v15 =	vld [tilespmem:$0x1FEC0]  }
0x586: {  	v26 =	vld [tilespmem:$0x1FEF0];
	[tilespmem:v29+s15+$0x0] =	vst.idx.msk $0xffff, v27  }
0x587: {  	v27 =	vld [tilespmem:$0x1FF20];
	[tilespmem:v31+s15+$0x0] =	vst.idx.msk $0xffff, v18  }
0x588: {  	[tilespmem:v21+s15+$0x0] =	vst.idx.msk $0xffff, v19  }
0x589: {  	[tilespmem:v24+s15+$0x0] =	vst.idx.msk $0xffff, v22  }
0x58a: {  	v18 =	vld [tilespmem:$0x1FD30]  }
0x58b: {  	v25 =	vor.u32 v25, v7  }
0x58c: {  	v28 =	vor.u32 v46, v12  }
0x58d: {  	v30 =	vor.u32 v55, v9  }
0x58e: {  	v20 =	vor.u32 v45, v6  }
0x58f: {  	v23 =	vor.u32 v60, v2;
	v60 =	vmov v18;
	v22 =	vor.u32 v18, v6;
	v18 =	vld [tilespmem:$0x1FD70]  }
0x590: {  	v25 =	vld.idx.msk [tilespmem:v25+s3+$0x0], $0xffff;
	v26 =	vor.u32 v26, v4  }
0x591: {  	v36 =	vld.idx.msk [tilespmem:v28+s3+$0x0], $0xffff;
	v29 =	vor.u32 v47, v17  }
0x592: {  	v49 =	vor.u32 v56, v8;
	v30 =	vld.idx.msk [tilespmem:v30+s3+$0x0], $0xffff  }
0x593: {  	v59 =	vmov v50;
	v50 =	vor.u32 v50, v5;
	v20 =	vld.idx.msk [tilespmem:v20+s3+$0x0], $0xffff  }
0x594: {  	v15 =	vor.u32 v15, v3;
	v23 =	vld.idx.msk [tilespmem:v23+s3+$0x0], $0xffff;
	v24 =	vor.u32 v18, v10  }
0x595: {  	[tilespmem:v26+s15+$0x0] =	vst.idx.msk $0xffff, v25  }
0x596: {  	v18 =	vld [tilespmem:$0x1FD80];
	[tilespmem:v29+s15+$0x0] =	vst.idx.msk $0xffff, v36  }
0x597: {  	v26 =	vor.u32 v35, v16;
	v16 =	vld [tilespmem:$0x1FE40];
	[tilespmem:v49+s15+$0x0] =	vst.idx.msk $0xffff, v30  }
0x598: {  	v19 =	vld [tilespmem:$0x1FE50];
	[tilespmem:v50+s15+$0x0] =	vst.idx.msk $0xffff, v20  }
0x599: {  	v34 =	vld.idx.msk [tilespmem:v15+s3+$0x0], $0xffff;
	[tilespmem:v24+s15+$0x0] =	vst.idx.msk $0xffff, v23  }
0x59a: {  	v20 =	vld [tilespmem:$0x1FC50];
	_ =	sdelay $0x2  }
0x59b: {  	v27 =	vor.u32 v27, v7  }
0x59c: {  	v36 =	vor.u32 v42, v3;
	v42 =	vld [tilespmem:$0x1FFE0];
	[tilespmem:v26+s15+$0x0] =	vst.idx.msk $0xffff, v34  }
0x59d: {  	v50 =	vmov v20;
	v32 =	vor.u32 v20, v12;
	v20 =	vld [tilespmem:$0x1FD20];
	_ =	sdelay $0x2  }
0x59e: {  	v63 =	vmov v37;
	v31 =	vor.u32 v37, v12;
	v35 =	vld.idx.msk [tilespmem:v27+s3+$0x0], $0xffff;
	v37 =	vor.u32 v16, v4;
	_ =	sdelay $0x1  }
0x59f: {  	v41 =	vmov v20;
	v29 =	vor.u32 v20, v9;
	v20 =	vld [tilespmem:$0x1FC60];
	_ =	sdelay $0x2  }
0x5a0: {  	v21 =	vor.u32 v57, v9;
	v23 =	vld.idx.msk [tilespmem:v22+s3+$0x0], $0xffff;
	[tilespmem:v37+s15+$0x0] =	vst.idx.msk $0xffff, v35  }
0x5a1: {  	v25 =	vor.u32 v18, v2;
	v22 =	vld [tilespmem:$0x1FCD0]  }
0x5a2: {  	s31 =	simm.s32 $0x6;
	v28 =	vmovc v40;
	v40 =	vlaneseq.u32;
	v62 =	vmov v20;
	v24 =	vor.u32 v20, v5;
	v20 =	vld [tilespmem:$0x1FC70]  }
0x5a3: {  	v15 =	vadd.s32 s31, v40  }
0x5a4: {  	v30 =	vld.idx.msk [tilespmem:v31+s3+$0x0], $0xffff;
	v18 =	vand.u32 $0xF, v15  }
0x5a5: {  	v49 =	vmov v28;
	v27 =	vld.idx.msk [tilespmem:v21+s3+$0x0], $0xffff;
	v16 =	vshll.u32 v18, $0x7  }
0x5a6: {  	v31 =	vor.u32 v28, v17;
	v19 =	vor.u32 v19, v7;
	v33 =	vor.u32 v40, v16;
	v21 =	vld.idx.msk [tilespmem:v25+s3+$0x0], $0xffff  }
0x5a7: {  	s22 =	simm.s32 $0x7;
	v28 =	vor.u32 v42, v8;
	v22 =	vor.u32 v22, v10;
	v26 =	vor.u32 v20, v6;
	v20 =	vld.idx.msk [tilespmem:v36+s3+$0x0], $0xffff  }
.LBB2_9:
0x5a8: {  	v25 =	vld [tilespmem:$0x1FD90];
	_ =	sdelay $0x4  }
0x5a9: {  	v34 =	vor.u32 v25, v2;
	v25 =	vld [tilespmem:$0x1FD00];
	_ =	sdelay $0x3  }
0x5aa: {  	v19 =	vld.idx.msk [tilespmem:v19+s3+$0x0], $0xffff  }
0x5ab: {  	v35 =	vor.u32 v25, v0;
	v25 =	vmov v14;
	v14 =	vmov v17;
	v17 =	vld.idx.msk [tilespmem:v33+s3+$0x0], $0xffff  }
0x5ac: {  	[tilespmem:v31+s15+$0x0] =	vst.idx.msk $0xffff, v30;
	v30 =	vld [tilespmem:$0x1FF50]  }
0x5ad: {  	v31 =	vld [tilespmem:$0x1FE60];
	_ =	sdelay $0x4  }
0x5ae: {  	v30 =	vor.u32 v30, v3;
	v31 =	vor.u32 v31, v4  }
0x5af: {  	v33 =	vor.u32 v38, v18;
	v32 =	vld.idx.msk [tilespmem:v32+s3+$0x0], $0xffff;
	[tilespmem:v28+s15+$0x0] =	vst.idx.msk $0xffff, v27  }
0x5b0: {  	v29 =	vld.idx.msk [tilespmem:v29+s3+$0x0], $0xffff;
	[tilespmem:v24+s15+$0x0] =	vst.idx.msk $0xffff, v23  }
0x5b1: {  	v26 =	vld.idx.msk [tilespmem:v26+s3+$0x0], $0xffff;
	[tilespmem:v22+s15+$0x0] =	vst.idx.msk $0xffff, v21  }
0x5b2: {  	v34 =	vld.idx.msk [tilespmem:v34+s3+$0x0], $0xffff;
	[tilespmem:v35+s15+$0x0] =	vst.idx.msk $0xffff, v20  }
0x5b3: {  	v30 =	vld.idx.msk [tilespmem:v30+s3+$0x0], $0xffff;
	[tilespmem:v31+s15+$0x0] =	vst.idx.msk $0xffff, v19  }
0x5b4: {  	[tilespmem:v33+s15+$0x0] =	vst.idx.msk $0xffff, v17;
	v17 =	vld [tilespmem:$0x1FDB0];
	_ =	sdelay $0x2  }
0x5b5: {  	v27 =	vld [tilespmem:$0x1FE70];
	_ =	sdelay $0x1  }
0x5b6: {  	v19 =	vor.u32 v17, v2;
	v17 =	vld [tilespmem:$0x1FEE0];
	_ =	sdelay $0x2  }
0x5b7: {  	v27 =	vor.u32 v27, v7  }
0x5b8: {  	v28 =	vor.u32 v39, v16;
	v39 =	vld [tilespmem:$0x1FDA0]  }
0x5b9: {  	v36 =	vor.u32 v48, v14;
	v31 =	vor.u32 v17, v0;
	v17 =	vld [tilespmem:$0x1FF00]  }
0x5ba: {  	v24 =	vld [tilespmem:$0x1FDD0]  }
0x5bb: {  	v22 =	vld [tilespmem:$0x1FD50]  }
0x5bc: {  	v27 =	vld.idx.msk [tilespmem:v27+s3+$0x0], $0xffff  }
0x5bd: {  	v28 =	vld.idx.msk [tilespmem:v28+s3+$0x0], $0xffff  }
0x5be: {  	[tilespmem:v36+s15+$0x0] =	vst.idx.msk $0xffff, v32;
	v32 =	vor.u32 v17, v3;
	v17 =	vld [tilespmem:$0x1FE80]  }
0x5bf: {  	v20 =	vld [tilespmem:$0x1FC80];
	_ =	sdelay $0x2  }
0x5c0: {  	v23 =	vor.u32 v51, v12;
	v24 =	vor.u32 v24, v8  }
0x5c1: {  	v21 =	vor.u32 v61, v9;
	v22 =	vor.u32 v22, v5;
	v33 =	vor.u32 v17, v4;
	v17 =	vld [tilespmem:$0x1FE90]  }
0x5c2: {  	v35 =	vor.u32 v39, v10;
	v20 =	vor.u32 v20, v6;
	_ =	sdelay $0x2  }
0x5c3: {  	v36 =	vor.u32 v43, v18;
	v23 =	vld.idx.msk [tilespmem:v23+s3+$0x0], $0xffff;
	[tilespmem:v24+s15+$0x0] =	vst.idx.msk $0xffff, v29  }
0x5c4: {  	v21 =	vld.idx.msk [tilespmem:v21+s3+$0x0], $0xffff;
	[tilespmem:v22+s15+$0x0] =	vst.idx.msk $0xffff, v26;
	v24 =	vor.u32 v17, v7  }
0x5c5: {  	v29 =	vor.u32 v52, v14;
	v20 =	vld.idx.msk [tilespmem:v20+s3+$0x0], $0xffff;
	[tilespmem:v35+s15+$0x0] =	vst.idx.msk $0xffff, v34  }
0x5c6: {  	v19 =	vld.idx.msk [tilespmem:v19+s3+$0x0], $0xffff;
	[tilespmem:v31+s15+$0x0] =	vst.idx.msk $0xffff, v30  }
0x5c7: {  	v32 =	vld.idx.msk [tilespmem:v32+s3+$0x0], $0xffff;
	[tilespmem:v33+s15+$0x0] =	vst.idx.msk $0xffff, v27  }
0x5c8: {  	[tilespmem:v36+s15+$0x0] =	vst.idx.msk $0xffff, v28;
	v28 =	vld [tilespmem:$0x1FF10]  }
0x5c9: {  	v24 =	vld.idx.msk [tilespmem:v24+s3+$0x0], $0xffff  }
0x5ca: {  	[tilespmem:v29+s15+$0x0] =	vst.idx.msk $0xffff, v23;
	v29 =	vld [tilespmem:$0x1FED0];
	_ =	sdelay $0x1  }
0x5cb: {  	v17 =	vmov v18;
	v18 =	vld [tilespmem:$0x1FE10]  }
0x5cc: {  	v26 =	vld [tilespmem:$0x1FC90]  }
0x5cd: {  	v30 =	vld [tilespmem:$0x1FDE0];
	v7 =	vmov v3;
	v3 =	vor.u32 v58, v16  }
0x5ce: {  	v28 =	vor.u32 v28, v0;
	v29 =	vor.u32 v29, v4;
	v4 =	vmov v0;
	v0 =	vld [tilespmem:$0x1FD10];
	_ =	sdelay $0x1  }
0x5cf: {  	v18 =	vor.u32 v18, v8  }
0x5d0: {  	v22 =	vor.u32 v53, v12;
	v26 =	vor.u32 v26, v13;
	v31 =	vld [tilespmem:$0x1FCE0]  }
0x5d1: {  	v30 =	vor.u32 v30, v9;
	v33 =	vld.idx.msk [tilespmem:v3+s3+$0x0], $0xffff  }
0x5d2: {  	v3 =	vor.u32 v0, v7;
	v0 =	vmovc v1;
	v1 =	vmovc v5;
	v5 =	vmov v8;
	v8 =	vmov v11;
	v11 =	vld [tilespmem:$0x1FEB0]  }
0x5d3: {  	v27 =	vld [tilespmem:$0x1FCA0]  }
0x5d4: {  	v23 =	vld [tilespmem:$0x1FDC0];
	[tilespmem:v18+s15+$0x0] =	vst.idx.msk $0xffff, v21  }
0x5d5: {  	v21 =	vld.idx.msk [tilespmem:v22+s3+$0x0], $0xffff;
	[tilespmem:v26+s15+$0x0] =	vst.idx.msk $0xffff, v20  }
0x5d6: {  	v26 =	vld.idx.msk [tilespmem:v30+s3+$0x0], $0xffff  }
0x5d7: {  	v31 =	vor.u32 v31, v10;
	v30 =	vor.u32 v11, v5;
	v11 =	vld [tilespmem:$0x1FCB0]  }
0x5d8: {  	v27 =	vor.u32 v27, v6  }
0x5d9: {  	v23 =	vor.u32 v23, v2;
	_ =	sdelay $0x2  }
0x5da: {  	[tilespmem:v31+s15+$0x0] =	vst.idx.msk $0xffff, v19;
	v31 =	vor.u32 v11, v13;
	v11 =	vld [tilespmem:$0x1FCC0]  }
0x5db: {  	v27 =	vld.idx.msk [tilespmem:v27+s3+$0x0], $0xffff;
	[tilespmem:v28+s15+$0x0] =	vst.idx.msk $0xffff, v32  }
0x5dc: {  	v23 =	vld.idx.msk [tilespmem:v23+s3+$0x0], $0xffff;
	[tilespmem:v29+s15+$0x0] =	vst.idx.msk $0xffff, v24  }
0x5dd: {  	v32 =	vld.idx.msk [tilespmem:v3+s3+$0x0], $0xffff  }
0x5de: {  	v3 =	vmov v2;
	v2 =	vld [tilespmem:$0x1FEC0]  }
0x5df: {  	v24 =	vor.u32 v11, v6;
	v11 =	vld [tilespmem:$0x1FE20];
	_ =	sdelay $0x4  }
0x5e0: {  	v18 =	vor.u32 v44, v17;
	v29 =	vor.u32 v11, v10;
	v11 =	vmovc v15;
	v15 =	vor.u32 v2, v3;
	v2 =	vld [tilespmem:$0x1FEF0];
	_ =	sdelay $0x3  }
0x5e1: {  	v20 =	vor.u32 v46, v16  }
0x5e2: {  	v22 =	vor.u32 v54, v14;
	[tilespmem:v18+s15+$0x0] =	vst.idx.msk $0xffff, v33;
	v18 =	vor.u32 v2, v4;
	v2 =	vmov v6;
	v6 =	vld [tilespmem:$0x1FF20];
	_ =	sdelay $0x1  }
0x5e3: {  	v19 =	vor.u32 v55, v12  }
0x5e4: {  	v28 =	vor.u32 v45, v9  }
0x5e5: {  	v20 =	vld.idx.msk [tilespmem:v20+s3+$0x0], $0xffff  }
0x5e6: {  	[tilespmem:v22+s15+$0x0] =	vst.idx.msk $0xffff, v21;
	v21 =	vor.u32 v6, v7;
	v6 =	vmovc v9;
	v9 =	vmov v12;
	v12 =	vmov v16;
	v16 =	vld [tilespmem:$0x1FD70];
	_ =	sdelay $0x1  }
0x5e7: {  	v19 =	vld.idx.msk [tilespmem:v19+s3+$0x0], $0xffff;
	[tilespmem:v30+s15+$0x0] =	vst.idx.msk $0xffff, v26  }
0x5e8: {  	v28 =	vld.idx.msk [tilespmem:v28+s3+$0x0], $0xffff;
	[tilespmem:v31+s15+$0x0] =	vst.idx.msk $0xffff, v27  }
0x5e9: {  	v24 =	vld.idx.msk [tilespmem:v24+s3+$0x0], $0xffff  }
0x5ea: {  	[tilespmem:v29+s15+$0x0] =	vst.idx.msk $0xffff, v23;
	v29 =	vor.u32 v16, v13;
	v16 =	vld [tilespmem:$0x1FD80];
	_ =	sdelay $0x4  }
0x5eb: {  	v36 =	vor.u32 v16, v2;
	v16 =	vld [tilespmem:$0x1FEA0];
	_ =	sdelay $0x2  }
0x5ec: {  	v22 =	vor.u32 v47, v17  }
0x5ed: {  	v26 =	vor.u32 v63, v12  }
0x5ee: {  	v33 =	vor.u32 v56, v8;
	v37 =	vor.u32 v16, v10;
	v10 =	vmov v13;
	v13 =	vld [tilespmem:$0x1FCF0]  }
0x5ef: {  	v34 =	vor.u32 v59, v5;
	v27 =	vor.u32 v57, v9  }
0x5f0: {  	v35 =	vld.idx.msk [tilespmem:v15+s3+$0x0], $0xffff;
	[tilespmem:v18+s15+$0x0] =	vst.idx.msk $0xffff, v32;
	v23 =	vor.u32 v60, v6  }
0x5f1: {  	v38 =	vld.idx.msk [tilespmem:v21+s3+$0x0], $0xffff;
	[tilespmem:v22+s15+$0x0] =	vst.idx.msk $0xffff, v20  }
0x5f2: {  	v30 =	vld.idx.msk [tilespmem:v26+s3+$0x0], $0xffff  }
0x5f3: {  	[tilespmem:v33+s15+$0x0] =	vst.idx.msk $0xffff, v19;
	v20 =	vor.u32 v13, v3;
	v13 =	vld [tilespmem:$0x1FE40]  }
0x5f4: {  	v27 =	vld.idx.msk [tilespmem:v27+s3+$0x0], $0xffff;
	[tilespmem:v34+s15+$0x0] =	vst.idx.msk $0xffff, v28  }
0x5f5: {  	v23 =	vld.idx.msk [tilespmem:v23+s3+$0x0], $0xffff;
	[tilespmem:v29+s15+$0x0] =	vst.idx.msk $0xffff, v24  }
0x5f6: {  	v21 =	vld.idx.msk [tilespmem:v36+s3+$0x0], $0xffff  }
0x5f7: {  	v36 =	vld [tilespmem:$0x1FCD0]  }
0x5f8: {  	[tilespmem:v37+s15+$0x0] =	vst.idx.msk $0xffff, v35;
	v35 =	vld [tilespmem:$0x1FC70];
	v39 =	vor.u32 v13, v4  }
0x5f9: {  	p2 =	sne.s32 s22, $0xF;
	v13 =	vld [tilespmem:$0x1FE50]  }
.Ltmp6:
0x5fa: {  	v15 =	vadd.s32 s22, v40;
	(pc) =	sbr.rel @p2 .LBB2_9-.Ltmp6, $4  }
0x5fb: {  	v31 =	vor.u32 v49, v17;
	v18 =	vand.u32 $0xF, v15;
	v32 =	vor.u32 v50, v12  }
0x5fc: {  	v28 =	vor.u32 v42, v8;
	v29 =	vor.u32 v41, v9;
	v16 =	vshll.u32 v18, $0x7;
	v20 =	vld.idx.msk [tilespmem:v20+s3+$0x0], $0xffff  }
0x5fd: {  	v24 =	vor.u32 v62, v5;
	v33 =	vor.u32 v40, v16;
	[tilespmem:v39+s15+$0x0] =	vst.idx.msk $0xffff, v38;
	v39 =	vld [tilespmem:$0x1FD60]  }
0x5fe: {  	s22 =	sadd.s32 $0x1, s22;
	v22 =	vor.u32 v36, v10;
	v26 =	vor.u32 v35, v6;
	v19 =	vor.u32 v13, v7;
	v13 =	vmovc v25;
	v38 =	vld [tilespmem:$0x1FD40]  }
0x5ff: {  	_ =	sdelay $0x3  }
0x600: {  	v25 =	vld.idx.msk [tilespmem:v33+s3+$0x0], $0xffff;
	v37 =	vor.u32 v38, v18  }
0x601: {  	v34 =	vor.u32 v39, v16;
	_ =	sdelay $0x3  }
0x602: {  	[tilespmem:v37+s15+$0x0] =	vst.idx.msk $0xffff, v25  }
0x603: {  	v40 =	vor.u32 v43, v18;
	v25 =	vld.idx.msk [tilespmem:v34+s3+$0x0], $0xffff  }
0x604: {  	v43 =	vor.u32 v58, v16;
	_ =	sdelay $0x3  }
0x605: {  	[tilespmem:v40+s15+$0x0] =	vst.idx.msk $0xffff, v25  }
0x606: {  	v44 =	vor.u32 v44, v18;
	v25 =	vld.idx.msk [tilespmem:v43+s3+$0x0], $0xffff  }
0x607: {  	v46 =	vor.u32 v46, v16;
	_ =	sdelay $0x3  }
0x608: {  	[tilespmem:v44+s15+$0x0] =	vst.idx.msk $0xffff, v25  }
0x609: {  	v58 =	vor.u32 v47, v18;
	v25 =	vld.idx.msk [tilespmem:v46+s3+$0x0], $0xffff  }
0x60a: {  	v37 =	vmov v63;
	v63 =	vor.u32 v63, v16;
	_ =	sdelay $0x3  }
0x60b: {  	[tilespmem:v58+s15+$0x0] =	vst.idx.msk $0xffff, v25  }
0x60c: {  	v40 =	vor.u32 v49, v18;
	v25 =	vld.idx.msk [tilespmem:v63+s3+$0x0], $0xffff  }
0x60d: {  	v43 =	vor.u32 v50, v16;
	_ =	sdelay $0x2  }
0x60e: {  	[tilespmem:v31+s15+$0x0] =	vst.idx.msk $0xffff, v30  }
0x60f: {  	v31 =	vor.u32 v48, v17;
	v30 =	vld.idx.msk [tilespmem:v32+s3+$0x0], $0xffff;
	[tilespmem:v40+s15+$0x0] =	vst.idx.msk $0xffff, v25  }
0x610: {  	v46 =	vor.u32 v48, v18;
	v25 =	vor.u32 v51, v12;
	v44 =	vld.idx.msk [tilespmem:v43+s3+$0x0], $0xffff  }
0x611: {  	v49 =	vor.u32 v51, v16;
	_ =	sdelay $0x2  }
0x612: {  	[tilespmem:v31+s15+$0x0] =	vst.idx.msk $0xffff, v30  }
0x613: {  	v30 =	vor.u32 v52, v17;
	v25 =	vld.idx.msk [tilespmem:v25+s3+$0x0], $0xffff;
	[tilespmem:v46+s15+$0x0] =	vst.idx.msk $0xffff, v44  }
0x614: {  	v31 =	vor.u32 v53, v12;
	v50 =	vor.u32 v52, v18;
	v32 =	vld.idx.msk [tilespmem:v49+s3+$0x0], $0xffff  }
0x615: {  	v58 =	vor.u32 v53, v16;
	_ =	sdelay $0x2  }
0x616: {  	[tilespmem:v30+s15+$0x0] =	vst.idx.msk $0xffff, v25  }
0x617: {  	v30 =	vor.u32 v54, v17;
	v25 =	vld.idx.msk [tilespmem:v31+s3+$0x0], $0xffff;
	[tilespmem:v50+s15+$0x0] =	vst.idx.msk $0xffff, v32  }
0x618: {  	v63 =	vor.u32 v54, v18;
	v31 =	vor.u32 v55, v12;
	v32 =	vld.idx.msk [tilespmem:v58+s3+$0x0], $0xffff  }
0x619: {  	v40 =	vor.u32 v55, v16;
	_ =	sdelay $0x2  }
0x61a: {  	[tilespmem:v30+s15+$0x0] =	vst.idx.msk $0xffff, v25  }
0x61b: {  	v30 =	vor.u32 v56, v11;
	v25 =	vld.idx.msk [tilespmem:v31+s3+$0x0], $0xffff;
	[tilespmem:v63+s15+$0x0] =	vst.idx.msk $0xffff, v32  }
0x61c: {  	v43 =	vor.u32 v56, v15;
	v32 =	vld.idx.msk [tilespmem:v40+s3+$0x0], $0xffff;
	_ =	sdelay $0x2  }
0x61d: {  	[tilespmem:v28+s15+$0x0] =	vst.idx.msk $0xffff, v27  }
0x61e: {  	v31 =	vor.u32 v57, v12;
	[tilespmem:v30+s15+$0x0] =	vst.idx.msk $0xffff, v25  }
0x61f: {  	v44 =	vor.u32 v57, v16;
	[tilespmem:v43+s15+$0x0] =	vst.idx.msk $0xffff, v32  }
0x620: {  	v40 =	vld [tilespmem:$0x1FDD0];
	_ =	sdelay $0x2  }
0x621: {  	v30 =	vor.u32 v42, v11;
	v25 =	vld.idx.msk [tilespmem:v31+s3+$0x0], $0xffff  }
0x622: {  	v46 =	vor.u32 v42, v15;
	v32 =	vld.idx.msk [tilespmem:v44+s3+$0x0], $0xffff  }
0x623: {  	v27 =	vld.idx.msk [tilespmem:v29+s3+$0x0], $0xffff;
	v31 =	vor.u32 v41, v12;
	v28 =	vor.u32 v40, v8;
	_ =	sdelay $0x2  }
0x624: {  	[tilespmem:v30+s15+$0x0] =	vst.idx.msk $0xffff, v25  }
0x625: {  	[tilespmem:v46+s15+$0x0] =	vst.idx.msk $0xffff, v32  }
0x626: {  	v49 =	vor.u32 v41, v16;
	v58 =	vor.u32 v61, v16;
	v29 =	vld.idx.msk [tilespmem:v31+s3+$0x0], $0xffff;
	[tilespmem:v28+s15+$0x0] =	vst.idx.msk $0xffff, v27  }
0x627: {  	v25 =	vor.u32 v61, v9;
	v31 =	vor.u32 v61, v12;
	v30 =	vor.u32 v40, v11;
	v61 =	vld [tilespmem:$0x1FE10];
	_ =	sdelay $0x3  }
0x628: {  	v50 =	vor.u32 v40, v15;
	v32 =	vld.idx.msk [tilespmem:v49+s3+$0x0], $0xffff  }
0x629: {  	v25 =	vld.idx.msk [tilespmem:v25+s3+$0x0], $0xffff;
	[tilespmem:v30+s15+$0x0] =	vst.idx.msk $0xffff, v29;
	v27 =	vor.u32 v61, v8  }
0x62a: {  	v63 =	vld [tilespmem:$0x1FDE0];
	_ =	sdelay $0x2  }
0x62b: {  	[tilespmem:v50+s15+$0x0] =	vst.idx.msk $0xffff, v32  }
0x62c: {  	v29 =	vld.idx.msk [tilespmem:v31+s3+$0x0], $0xffff;
	[tilespmem:v27+s15+$0x0] =	vst.idx.msk $0xffff, v25  }
0x62d: {  	v30 =	vor.u32 v61, v11;
	v28 =	vor.u32 v63, v9;
	v49 =	vld [tilespmem:$0x1FEB0]  }
0x62e: {  	v32 =	vld.idx.msk [tilespmem:v58+s3+$0x0], $0xffff;
	v44 =	vor.u32 v61, v15;
	v31 =	vor.u32 v63, v12  }
0x62f: {  	v46 =	vor.u32 v63, v16;
	_ =	sdelay $0x2  }
0x630: {  	v25 =	vld.idx.msk [tilespmem:v28+s3+$0x0], $0xffff;
	[tilespmem:v30+s15+$0x0] =	vst.idx.msk $0xffff, v29;
	v27 =	vor.u32 v49, v8  }
0x631: {  	v28 =	vor.u32 v45, v9;
	[tilespmem:v44+s15+$0x0] =	vst.idx.msk $0xffff, v32;
	v29 =	vld.idx.msk [tilespmem:v31+s3+$0x0], $0xffff;
	v30 =	vor.u32 v49, v11  }
0x632: {  	v31 =	vor.u32 v45, v12;
	v32 =	vld.idx.msk [tilespmem:v46+s3+$0x0], $0xffff;
	v50 =	vor.u32 v49, v15  }
0x633: {  	v58 =	vor.u32 v45, v16;
	_ =	sdelay $0x1  }
0x634: {  	[tilespmem:v27+s15+$0x0] =	vst.idx.msk $0xffff, v25  }
0x635: {  	v27 =	vor.u32 v59, v8;
	[tilespmem:v30+s15+$0x0] =	vst.idx.msk $0xffff, v29;
	v25 =	vld.idx.msk [tilespmem:v28+s3+$0x0], $0xffff  }
0x636: {  	v30 =	vor.u32 v59, v11;
	[tilespmem:v50+s15+$0x0] =	vst.idx.msk $0xffff, v32;
	v29 =	vld.idx.msk [tilespmem:v31+s3+$0x0], $0xffff  }
0x637: {  	v59 =	vor.u32 v59, v15;
	v28 =	vor.u32 v60, v9;
	v32 =	vld.idx.msk [tilespmem:v58+s3+$0x0], $0xffff;
	_ =	sdelay $0x1  }
0x638: {  	[tilespmem:v24+s15+$0x0] =	vst.idx.msk $0xffff, v23  }
0x639: {  	[tilespmem:v27+s15+$0x0] =	vst.idx.msk $0xffff, v25  }
0x63a: {  	v31 =	vor.u32 v60, v12;
	[tilespmem:v30+s15+$0x0] =	vst.idx.msk $0xffff, v29  }
0x63b: {  	v60 =	vor.u32 v60, v16;
	[tilespmem:v59+s15+$0x0] =	vst.idx.msk $0xffff, v32;
	v25 =	vld.idx.msk [tilespmem:v28+s3+$0x0], $0xffff  }
0x63c: {  	v27 =	vor.u32 v62, v8;
	v63 =	vld [tilespmem:$0x1FD50];
	_ =	sdelay $0x2  }
0x63d: {  	v30 =	vor.u32 v62, v11;
	v29 =	vld.idx.msk [tilespmem:v31+s3+$0x0], $0xffff  }
0x63e: {  	v61 =	vor.u32 v62, v15;
	v32 =	vld.idx.msk [tilespmem:v60+s3+$0x0], $0xffff  }
0x63f: {  	v23 =	vld.idx.msk [tilespmem:v26+s3+$0x0], $0xffff;
	v28 =	vor.u32 v35, v9;
	v24 =	vor.u32 v63, v5;
	[tilespmem:v27+s15+$0x0] =	vst.idx.msk $0xffff, v25  }
0x640: {  	v43 =	vld [tilespmem:$0x1FC80];
	_ =	sdelay $0x1  }
0x641: {  	[tilespmem:v30+s15+$0x0] =	vst.idx.msk $0xffff, v29  }
0x642: {  	v31 =	vor.u32 v35, v12;
	[tilespmem:v61+s15+$0x0] =	vst.idx.msk $0xffff, v32  }
0x643: {  	v62 =	vor.u32 v35, v16;
	v26 =	vld.idx.msk [tilespmem:v28+s3+$0x0], $0xffff;
	[tilespmem:v24+s15+$0x0] =	vst.idx.msk $0xffff, v23  }
0x644: {  	v27 =	vor.u32 v63, v8;
	v25 =	vor.u32 v43, v6;
	v46 =	vld [tilespmem:$0x1FC90];
	_ =	sdelay $0x2  }
0x645: {  	v30 =	vor.u32 v63, v11;
	v29 =	vld.idx.msk [tilespmem:v31+s3+$0x0], $0xffff  }
0x646: {  	v44 =	vor.u32 v63, v15;
	v32 =	vld.idx.msk [tilespmem:v62+s3+$0x0], $0xffff  }
0x647: {  	v28 =	vor.u32 v43, v9;
	[tilespmem:v27+s15+$0x0] =	vst.idx.msk $0xffff, v26;
	v23 =	vld.idx.msk [tilespmem:v25+s3+$0x0], $0xffff;
	v24 =	vor.u32 v46, v13  }
0x648: {  	v49 =	vld [tilespmem:$0x1FCA0];
	_ =	sdelay $0x1  }
0x649: {  	[tilespmem:v30+s15+$0x0] =	vst.idx.msk $0xffff, v29  }
0x64a: {  	v31 =	vor.u32 v43, v12;
	[tilespmem:v44+s15+$0x0] =	vst.idx.msk $0xffff, v32  }
0x64b: {  	v45 =	vor.u32 v43, v16;
	v26 =	vld.idx.msk [tilespmem:v28+s3+$0x0], $0xffff;
	[tilespmem:v24+s15+$0x0] =	vst.idx.msk $0xffff, v23  }
0x64c: {  	v27 =	vor.u32 v46, v14;
	v25 =	vor.u32 v49, v6;
	v59 =	vld [tilespmem:$0x1FCB0];
	_ =	sdelay $0x2  }
0x64d: {  	v29 =	vld.idx.msk [tilespmem:v31+s3+$0x0], $0xffff;
	v30 =	vor.u32 v46, v17  }
0x64e: {  	v32 =	vld.idx.msk [tilespmem:v45+s3+$0x0], $0xffff;
	v50 =	vor.u32 v46, v18;
	v28 =	vor.u32 v49, v9  }
0x64f: {  	v23 =	vld.idx.msk [tilespmem:v25+s3+$0x0], $0xffff;
	[tilespmem:v27+s15+$0x0] =	vst.idx.msk $0xffff, v26;
	v24 =	vor.u32 v59, v13  }
0x650: {  	v60 =	vld [tilespmem:$0x1FCC0];
	_ =	sdelay $0x1  }
0x651: {  	v31 =	vor.u32 v49, v12;
	[tilespmem:v30+s15+$0x0] =	vst.idx.msk $0xffff, v29  }
0x652: {  	v58 =	vor.u32 v49, v16;
	v26 =	vld.idx.msk [tilespmem:v28+s3+$0x0], $0xffff;
	[tilespmem:v50+s15+$0x0] =	vst.idx.msk $0xffff, v32;
	v27 =	vor.u32 v59, v14  }
0x653: {  	[tilespmem:v24+s15+$0x0] =	vst.idx.msk $0xffff, v23  }
0x654: {  	v25 =	vor.u32 v60, v6;
	v50 =	vld [tilespmem:$0x1FD70];
	_ =	sdelay $0x1  }
0x655: {  	v29 =	vld.idx.msk [tilespmem:v31+s3+$0x0], $0xffff;
	v30 =	vor.u32 v59, v17;
	v28 =	vor.u32 v60, v9  }
0x656: {  	v32 =	vld.idx.msk [tilespmem:v58+s3+$0x0], $0xffff;
	v61 =	vor.u32 v59, v18;
	v31 =	vor.u32 v60, v12;
	[tilespmem:v27+s15+$0x0] =	vst.idx.msk $0xffff, v26  }
0x657: {  	v62 =	vor.u32 v60, v16;
	v63 =	vld [tilespmem:$0x1FD80]  }
0x658: {  	v23 =	vld.idx.msk [tilespmem:v25+s3+$0x0], $0xffff;
	v24 =	vor.u32 v50, v13;
	_ =	sdelay $0x1  }
0x659: {  	v26 =	vld.idx.msk [tilespmem:v28+s3+$0x0], $0xffff;
	[tilespmem:v30+s15+$0x0] =	vst.idx.msk $0xffff, v29;
	v27 =	vor.u32 v50, v14  }
0x65a: {  	[tilespmem:v61+s15+$0x0] =	vst.idx.msk $0xffff, v32;
	v29 =	vld.idx.msk [tilespmem:v31+s3+$0x0], $0xffff;
	v30 =	vor.u32 v50, v17  }
0x65b: {  	v32 =	vld.idx.msk [tilespmem:v62+s3+$0x0], $0xffff;
	v41 =	vor.u32 v50, v18;
	v25 =	vor.u32 v63, v6  }
0x65c: {  	[tilespmem:v24+s15+$0x0] =	vst.idx.msk $0xffff, v23  }
0x65d: {  	v58 =	vld [tilespmem:$0x1FD90]  }
0x65e: {  	v28 =	vor.u32 v63, v9;
	[tilespmem:v27+s15+$0x0] =	vst.idx.msk $0xffff, v26  }
0x65f: {  	v31 =	vor.u32 v63, v12;
	[tilespmem:v30+s15+$0x0] =	vst.idx.msk $0xffff, v29  }
0x660: {  	v49 =	vor.u32 v63, v16;
	v24 =	vld.idx.msk [tilespmem:v25+s3+$0x0], $0xffff;
	v25 =	vor.u32 v36, v13;
	[tilespmem:v41+s15+$0x0] =	vst.idx.msk $0xffff, v32  }
0x661: {  	[tilespmem:v22+s15+$0x0] =	vst.idx.msk $0xffff, v21  }
0x662: {  	v61 =	vld [tilespmem:$0x1FDA0];
	v23 =	vor.u32 v58, v2  }
0x663: {  	v27 =	vld.idx.msk [tilespmem:v28+s3+$0x0], $0xffff;
	v26 =	vor.u32 v58, v6  }
0x664: {  	v28 =	vor.u32 v36, v14;
	v30 =	vld.idx.msk [tilespmem:v31+s3+$0x0], $0xffff  }
0x665: {  	v31 =	vor.u32 v36, v17;
	v33 =	vld.idx.msk [tilespmem:v49+s3+$0x0], $0xffff;
	[tilespmem:v25+s15+$0x0] =	vst.idx.msk $0xffff, v24  }
0x666: {  	v60 =	vor.u32 v36, v18;
	v62 =	vld [tilespmem:$0x1FDB0]  }
0x667: {  	v29 =	vor.u32 v58, v9;
	v22 =	vld.idx.msk [tilespmem:v23+s3+$0x0], $0xffff;
	v23 =	vor.u32 v61, v10  }
0x668: {  	v25 =	vld.idx.msk [tilespmem:v26+s3+$0x0], $0xffff;
	v26 =	vor.u32 v61, v13  }
0x669: {  	[tilespmem:v28+s15+$0x0] =	vst.idx.msk $0xffff, v27  }
0x66a: {  	[tilespmem:v31+s15+$0x0] =	vst.idx.msk $0xffff, v30  }
0x66b: {  	v59 =	vor.u32 v58, v12;
	[tilespmem:v60+s15+$0x0] =	vst.idx.msk $0xffff, v33  }
0x66c: {  	v21 =	vor.u32 v58, v16;
	v28 =	vld.idx.msk [tilespmem:v29+s3+$0x0], $0xffff;
	[tilespmem:v23+s15+$0x0] =	vst.idx.msk $0xffff, v22  }
0x66d: {  	v29 =	vor.u32 v61, v14;
	v24 =	vor.u32 v62, v2;
	v43 =	vld [tilespmem:$0x1FD00];
	[tilespmem:v26+s15+$0x0] =	vst.idx.msk $0xffff, v25  }
0x66e: {  	v46 =	vld [tilespmem:$0x1FCE0]  }
0x66f: {  	v27 =	vor.u32 v62, v6  }
0x670: {  	v63 =	vor.u32 v61, v17;
	v31 =	vld.idx.msk [tilespmem:v59+s3+$0x0], $0xffff  }
0x671: {  	v45 =	vor.u32 v61, v18;
	v21 =	vld.idx.msk [tilespmem:v21+s3+$0x0], $0xffff  }
0x672: {  	v30 =	vor.u32 v62, v9;
	v24 =	vld.idx.msk [tilespmem:v24+s3+$0x0], $0xffff;
	[tilespmem:v29+s15+$0x0] =	vst.idx.msk $0xffff, v28;
	v22 =	vor.u32 v43, v0  }
0x673: {  	v23 =	vor.u32 v62, v16;
	v49 =	vld [tilespmem:$0x1FDC0];
	v25 =	vor.u32 v46, v10  }
0x674: {  	v27 =	vld.idx.msk [tilespmem:v27+s3+$0x0], $0xffff;
	v28 =	vor.u32 v46, v13  }
0x675: {  	[tilespmem:v63+s15+$0x0] =	vst.idx.msk $0xffff, v31  }
0x676: {  	[tilespmem:v45+s15+$0x0] =	vst.idx.msk $0xffff, v21  }
0x677: {  	v36 =	vor.u32 v62, v12;
	v30 =	vld.idx.msk [tilespmem:v30+s3+$0x0], $0xffff;
	[tilespmem:v22+s15+$0x0] =	vst.idx.msk $0xffff, v20  }
0x678: {  	v31 =	vor.u32 v46, v14;
	v26 =	vor.u32 v49, v2;
	v22 =	vld.idx.msk [tilespmem:v23+s3+$0x0], $0xffff;
	[tilespmem:v25+s15+$0x0] =	vst.idx.msk $0xffff, v24  }
0x679: {  	v58 =	vor.u32 v46, v17;
	v23 =	vor.u32 v46, v18;
	v46 =	vld [tilespmem:$0x1FE60];
	[tilespmem:v28+s15+$0x0] =	vst.idx.msk $0xffff, v27  }
0x67a: {  	v45 =	vld [tilespmem:$0x1FE20]  }
0x67b: {  	v19 =	vld.idx.msk [tilespmem:v19+s3+$0x0], $0xffff;
	v29 =	vor.u32 v49, v6  }
0x67c: {  	v32 =	vld.idx.msk [tilespmem:v36+s3+$0x0], $0xffff  }
0x67d: {  	v26 =	vld.idx.msk [tilespmem:v26+s3+$0x0], $0xffff  }
0x67e: {  	v21 =	vor.u32 v49, v9;
	v59 =	vld [tilespmem:$0x1FF50];
	[tilespmem:v31+s15+$0x0] =	vst.idx.msk $0xffff, v30;
	v24 =	vor.u32 v46, v4  }
0x67f: {  	v20 =	vor.u32 v49, v12;
	v36 =	vld [tilespmem:$0x1FEC0];
	v28 =	vor.u32 v45, v10  }
0x680: {  	v29 =	vld.idx.msk [tilespmem:v29+s3+$0x0], $0xffff;
	v31 =	vor.u32 v45, v13  }
0x681: {  	[tilespmem:v58+s15+$0x0] =	vst.idx.msk $0xffff, v32  }
0x682: {  	v25 =	vor.u32 v49, v16;
	[tilespmem:v23+s15+$0x0] =	vst.idx.msk $0xffff, v22  }
0x683: {  	v21 =	vld.idx.msk [tilespmem:v21+s3+$0x0], $0xffff;
	v27 =	vor.u32 v59, v3;
	[tilespmem:v24+s15+$0x0] =	vst.idx.msk $0xffff, v19  }
0x684: {  	v20 =	vld.idx.msk [tilespmem:v20+s3+$0x0], $0xffff;
	v30 =	vor.u32 v36, v2;
	[tilespmem:v28+s15+$0x0] =	vst.idx.msk $0xffff, v26  }
0x685: {  	v41 =	vor.u32 v45, v14;
	v42 =	vld [tilespmem:$0x1FEE0];
	[tilespmem:v31+s15+$0x0] =	vst.idx.msk $0xffff, v29  }
0x686: {  	v44 =	vld [tilespmem:$0x1FEA0]  }
0x687: {  	v24 =	vld.idx.msk [tilespmem:v25+s3+$0x0], $0xffff  }
0x688: {  	v23 =	vor.u32 v45, v17;
	v27 =	vld.idx.msk [tilespmem:v27+s3+$0x0], $0xffff  }
0x689: {  	v25 =	vor.u32 v45, v18;
	v30 =	vld.idx.msk [tilespmem:v30+s3+$0x0], $0xffff  }
0x68a: {  	v40 =	vor.u32 v36, v6;
	v34 =	vld [tilespmem:$0x1FE70];
	[tilespmem:v41+s15+$0x0] =	vst.idx.msk $0xffff, v21;
	v26 =	vor.u32 v42, v0  }
0x68b: {  	v22 =	vor.u32 v36, v9;
	v58 =	vld [tilespmem:$0x1FCF0];
	v10 =	vor.u32 v44, v10;
	_ =	sdelay $0x1  }
0x68c: {  	v19 =	vor.u32 v36, v12;
	[tilespmem:v23+s15+$0x0] =	vst.idx.msk $0xffff, v20  }
0x68d: {  	v28 =	vor.u32 v36, v16;
	[tilespmem:v25+s15+$0x0] =	vst.idx.msk $0xffff, v24  }
0x68e: {  	v31 =	vld.idx.msk [tilespmem:v40+s3+$0x0], $0xffff;
	v29 =	vor.u32 v34, v7;
	[tilespmem:v26+s15+$0x0] =	vst.idx.msk $0xffff, v27  }
0x68f: {  	v22 =	vld.idx.msk [tilespmem:v22+s3+$0x0], $0xffff;
	v13 =	vor.u32 v44, v13;
	v21 =	vor.u32 v58, v2;
	[tilespmem:v10+s15+$0x0] =	vst.idx.msk $0xffff, v30  }
0x690: {  	v33 =	vld [tilespmem:$0x1FE80]  }
0x691: {  	v19 =	vld.idx.msk [tilespmem:v19+s3+$0x0], $0xffff;
	v14 =	vor.u32 v44, v14  }
0x692: {  	v25 =	vld.idx.msk [tilespmem:v28+s3+$0x0], $0xffff;
	v17 =	vor.u32 v44, v17  }
0x693: {  	v18 =	vor.u32 v44, v18;
	v26 =	vld.idx.msk [tilespmem:v29+s3+$0x0], $0xffff  }
0x694: {  	v28 =	vor.u32 v43, v1;
	v20 =	vor.u32 v58, v6;
	[tilespmem:v13+s15+$0x0] =	vst.idx.msk $0xffff, v31;
	v21 =	vld.idx.msk [tilespmem:v21+s3+$0x0], $0xffff  }
0x695: {  	v23 =	vor.u32 v58, v9;
	v36 =	vld [tilespmem:$0x1FF00];
	v10 =	vor.u32 v33, v4  }
0x696: {  	[tilespmem:v14+s15+$0x0] =	vst.idx.msk $0xffff, v22  }
0x697: {  	v24 =	vor.u32 v58, v12;
	[tilespmem:v17+s15+$0x0] =	vst.idx.msk $0xffff, v19  }
0x698: {  	v14 =	vor.u32 v59, v2;
	[tilespmem:v18+s15+$0x0] =	vst.idx.msk $0xffff, v25  }
0x699: {  	v27 =	vor.u32 v58, v16;
	v20 =	vld.idx.msk [tilespmem:v20+s3+$0x0], $0xffff;
	[tilespmem:v28+s15+$0x0] =	vst.idx.msk $0xffff, v21  }
0x69a: {  	v22 =	vor.u32 v43, v5;
	v19 =	vld.idx.msk [tilespmem:v23+s3+$0x0], $0xffff;
	v13 =	vor.u32 v36, v3;
	[tilespmem:v10+s15+$0x0] =	vst.idx.msk $0xffff, v26  }
0x69b: {  	v30 =	vld [tilespmem:$0x1FF10]  }
0x69c: {  	v23 =	vor.u32 v43, v8;
	v24 =	vld.idx.msk [tilespmem:v24+s3+$0x0], $0xffff  }
0x69d: {  	v25 =	vor.u32 v43, v11;
	v14 =	vld.idx.msk [tilespmem:v14+s3+$0x0], $0xffff  }
0x69e: {  	v26 =	vld.idx.msk [tilespmem:v27+s3+$0x0], $0xffff;
	v27 =	vor.u32 v43, v15  }
0x69f: {  	v17 =	vor.u32 v59, v6;
	v13 =	vld.idx.msk [tilespmem:v13+s3+$0x0], $0xffff;
	[tilespmem:v22+s15+$0x0] =	vst.idx.msk $0xffff, v20;
	v20 =	vor.u32 v42, v1  }
0x6a0: {  	v18 =	vor.u32 v59, v9;
	v31 =	vld [tilespmem:$0x1FE90];
	v21 =	vor.u32 v30, v0  }
0x6a1: {  	[tilespmem:v23+s15+$0x0] =	vst.idx.msk $0xffff, v19  }
0x6a2: {  	v10 =	vor.u32 v59, v12;
	[tilespmem:v25+s15+$0x0] =	vst.idx.msk $0xffff, v24  }
0x6a3: {  	v19 =	vor.u32 v36, v2;
	[tilespmem:v27+s15+$0x0] =	vst.idx.msk $0xffff, v26  }
0x6a4: {  	v28 =	vor.u32 v59, v16;
	v17 =	vld.idx.msk [tilespmem:v17+s3+$0x0], $0xffff;
	[tilespmem:v20+s15+$0x0] =	vst.idx.msk $0xffff, v14  }
0x6a5: {  	v22 =	vor.u32 v42, v5;
	v18 =	vld.idx.msk [tilespmem:v18+s3+$0x0], $0xffff;
	v7 =	vor.u32 v31, v7;
	[tilespmem:v21+s15+$0x0] =	vst.idx.msk $0xffff, v13  }
0x6a6: {  	v59 =	vld [tilespmem:$0x1FED0]  }
0x6a7: {  	v24 =	vor.u32 v42, v8;
	v10 =	vld.idx.msk [tilespmem:v10+s3+$0x0], $0xffff  }
0x6a8: {  	v26 =	vor.u32 v42, v11;
	v19 =	vld.idx.msk [tilespmem:v19+s3+$0x0], $0xffff  }
0x6a9: {  	v20 =	vor.u32 v30, v1;
	v21 =	vld.idx.msk [tilespmem:v28+s3+$0x0], $0xffff  }
0x6aa: {  	v27 =	vor.u32 v42, v15;
	v7 =	vld.idx.msk [tilespmem:v7+s3+$0x0], $0xffff;
	[tilespmem:v22+s15+$0x0] =	vst.idx.msk $0xffff, v17  }
0x6ab: {  	v23 =	vor.u32 v36, v6;
	v28 =	vld [tilespmem:$0x1FD10];
	v4 =	vor.u32 v59, v4  }
0x6ac: {  	[tilespmem:v24+s15+$0x0] =	vst.idx.msk $0xffff, v18  }
0x6ad: {  	v25 =	vor.u32 v36, v9;
	[tilespmem:v26+s15+$0x0] =	vst.idx.msk $0xffff, v10  }
0x6ae: {  	v13 =	vor.u32 v36, v12;
	[tilespmem:v20+s15+$0x0] =	vst.idx.msk $0xffff, v19  }
0x6af: {  	v14 =	vor.u32 v36, v16;
	[tilespmem:v27+s15+$0x0] =	vst.idx.msk $0xffff, v21  }
0x6b0: {  	v22 =	vld.idx.msk [tilespmem:v23+s3+$0x0], $0xffff;
	v17 =	vor.u32 v28, v3;
	[tilespmem:v4+s15+$0x0] =	vst.idx.msk $0xffff, v7  }
0x6b1: {  	v23 =	vor.u32 v30, v5;
	v18 =	vor.u32 v28, v2;
	v63 =	vld [tilespmem:$0x1FEF0]  }
0x6b2: {  	v24 =	vld.idx.msk [tilespmem:v25+s3+$0x0], $0xffff  }
0x6b3: {  	v25 =	vor.u32 v30, v8;
	v13 =	vld.idx.msk [tilespmem:v13+s3+$0x0], $0xffff;
	v10 =	vor.u32 v28, v6  }
0x6b4: {  	v26 =	vor.u32 v30, v11;
	v7 =	vld.idx.msk [tilespmem:v14+s3+$0x0], $0xffff  }
0x6b5: {  	v14 =	vor.u32 v30, v15;
	v17 =	vld.idx.msk [tilespmem:v17+s3+$0x0], $0xffff  }
0x6b6: {  	v21 =	vor.u32 v28, v9;
	[tilespmem:v23+s15+$0x0] =	vst.idx.msk $0xffff, v22;
	v18 =	vld.idx.msk [tilespmem:v18+s3+$0x0], $0xffff;
	v19 =	vor.u32 v63, v0  }
0x6b7: {  	v20 =	vor.u32 v28, v16;
	v4 =	vor.u32 v28, v12;
	v28 =	vld [tilespmem:$0x1FF20];
	v23 =	vor.u32 v63, v1  }
0x6b8: {  	[tilespmem:v25+s15+$0x0] =	vst.idx.msk $0xffff, v24;
	v10 =	vld.idx.msk [tilespmem:v10+s3+$0x0], $0xffff;
	v25 =	vor.u32 v63, v5  }
0x6b9: {  	[tilespmem:v26+s15+$0x0] =	vst.idx.msk $0xffff, v13  }
0x6ba: {  	[tilespmem:v14+s15+$0x0] =	vst.idx.msk $0xffff, v7  }
0x6bb: {  	[tilespmem:v19+s15+$0x0] =	vst.idx.msk $0xffff, v17  }
0x6bc: {  	[tilespmem:v23+s15+$0x0] =	vst.idx.msk $0xffff, v18  }
0x6bd: {  	v22 =	vor.u32 v28, v3;
	v27 =	vld [tilespmem:$0x1FE40];
	[tilespmem:v25+s15+$0x0] =	vst.idx.msk $0xffff, v10  }
0x6be: {  	v24 =	vor.u32 v28, v2;
	v29 =	vld [tilespmem:$0x1FE50]  }
0x6bf: {  	v21 =	vld.idx.msk [tilespmem:v21+s3+$0x0], $0xffff;
	v26 =	vor.u32 v63, v8;
	v13 =	vor.u32 v28, v6  }
0x6c0: {  	v4 =	vld.idx.msk [tilespmem:v4+s3+$0x0], $0xffff;
	v14 =	vor.u32 v63, v11;
	v7 =	vor.u32 v28, v9  }
0x6c1: {  	v17 =	vor.u32 v28, v12;
	v19 =	vld.idx.msk [tilespmem:v20+s3+$0x0], $0xffff;
	v20 =	vor.u32 v63, v15  }
0x6c2: {  	v23 =	vor.u32 v28, v16;
	v22 =	vld.idx.msk [tilespmem:v22+s3+$0x0], $0xffff;
	v18 =	vor.u32 v27, v0  }
0x6c3: {  	v24 =	vld.idx.msk [tilespmem:v24+s3+$0x0], $0xffff;
	v25 =	vor.u32 v27, v1;
	v10 =	vor.u32 v29, v3  }
0x6c4: {  	[tilespmem:v26+s15+$0x0] =	vst.idx.msk $0xffff, v21;
	v13 =	vld.idx.msk [tilespmem:v13+s3+$0x0], $0xffff;
	v26 =	vor.u32 v27, v5;
	v21 =	vor.u32 v29, v2  }
0x6c5: {  	[tilespmem:v14+s15+$0x0] =	vst.idx.msk $0xffff, v4;
	v7 =	vld.idx.msk [tilespmem:v7+s3+$0x0], $0xffff;
	v14 =	vor.u32 v27, v8;
	v4 =	vor.u32 v29, v6  }
0x6c6: {  	[tilespmem:v20+s15+$0x0] =	vst.idx.msk $0xffff, v19;
	v17 =	vld.idx.msk [tilespmem:v17+s3+$0x0], $0xffff;
	v20 =	vor.u32 v27, v11;
	v19 =	vor.u32 v29, v9  }
0x6c7: {  	[tilespmem:v18+s15+$0x0] =	vst.idx.msk $0xffff, v22;
	v18 =	vor.u32 v29, v12;
	v22 =	vld.idx.msk [tilespmem:v23+s3+$0x0], $0xffff;
	v23 =	vor.u32 v27, v15  }
0x6c8: {  	[tilespmem:v25+s15+$0x0] =	vst.idx.msk $0xffff, v24;
	v24 =	vor.u32 v46, v0;
	v25 =	vor.u32 v29, v16;
	v10 =	vld.idx.msk [tilespmem:v10+s3+$0x0], $0xffff  }
0x6c9: {  	[tilespmem:v26+s15+$0x0] =	vst.idx.msk $0xffff, v13;
	v13 =	vor.u32 v34, v3;
	v26 =	vor.u32 v46, v1;
	v21 =	vld.idx.msk [tilespmem:v21+s3+$0x0], $0xffff  }
0x6ca: {  	[tilespmem:v14+s15+$0x0] =	vst.idx.msk $0xffff, v7;
	v7 =	vor.u32 v34, v2;
	v14 =	vor.u32 v46, v5;
	v4 =	vld.idx.msk [tilespmem:v4+s3+$0x0], $0xffff  }
0x6cb: {  	[tilespmem:v20+s15+$0x0] =	vst.idx.msk $0xffff, v17;
	v17 =	vor.u32 v34, v6;
	v20 =	vor.u32 v46, v8;
	v19 =	vld.idx.msk [tilespmem:v19+s3+$0x0], $0xffff  }
0x6cc: {  	[tilespmem:v23+s15+$0x0] =	vst.idx.msk $0xffff, v22;
	v22 =	vor.u32 v34, v9;
	v18 =	vld.idx.msk [tilespmem:v18+s3+$0x0], $0xffff;
	v23 =	vor.u32 v46, v11  }
0x6cd: {  	[tilespmem:v24+s15+$0x0] =	vst.idx.msk $0xffff, v10;
	v10 =	vor.u32 v34, v12;
	v24 =	vld.idx.msk [tilespmem:v25+s3+$0x0], $0xffff;
	v25 =	vor.u32 v46, v15  }
0x6ce: {  	[tilespmem:v26+s15+$0x0] =	vst.idx.msk $0xffff, v21;
	v21 =	vor.u32 v33, v0;
	v26 =	vor.u32 v34, v16;
	v13 =	vld.idx.msk [tilespmem:v13+s3+$0x0], $0xffff  }
0x6cf: {  	v3 =	vor.u32 v31, v3;
	[tilespmem:v14+s15+$0x0] =	vst.idx.msk $0xffff, v4;
	v4 =	vld.idx.msk [tilespmem:v7+s3+$0x0], $0xffff;
	v7 =	vor.u32 v33, v1  }
0x6d0: {  	v2 =	vor.u32 v31, v2;
	[tilespmem:v20+s15+$0x0] =	vst.idx.msk $0xffff, v19;
	v14 =	vld.idx.msk [tilespmem:v17+s3+$0x0], $0xffff;
	v17 =	vor.u32 v33, v5  }
0x6d1: {  	v6 =	vor.u32 v31, v6;
	v19 =	vor.u32 v33, v8;
	[tilespmem:v23+s15+$0x0] =	vst.idx.msk $0xffff, v18;
	v18 =	vld.idx.msk [tilespmem:v22+s3+$0x0], $0xffff  }
0x6d2: {  	v9 =	vor.u32 v31, v9;
	v20 =	vor.u32 v33, v11;
	[tilespmem:v25+s15+$0x0] =	vst.idx.msk $0xffff, v24;
	v10 =	vld.idx.msk [tilespmem:v10+s3+$0x0], $0xffff  }
0x6d3: {  	v12 =	vor.u32 v31, v12;
	[tilespmem:v21+s15+$0x0] =	vst.idx.msk $0xffff, v13;
	v13 =	vld.idx.msk [tilespmem:v26+s3+$0x0], $0xffff;
	v21 =	vor.u32 v33, v15  }
0x6d4: {  	v0 =	vor.u32 v59, v0;
	[tilespmem:v7+s15+$0x0] =	vst.idx.msk $0xffff, v4;
	v4 =	vor.u32 v31, v16;
	v3 =	vld.idx.msk [tilespmem:v3+s3+$0x0], $0xffff  }
0x6d5: {  	v1 =	vor.u32 v59, v1;
	[tilespmem:v17+s15+$0x0] =	vst.idx.msk $0xffff, v14;
	v2 =	vld.idx.msk [tilespmem:v2+s3+$0x0], $0xffff  }
0x6d6: {  	v5 =	vor.u32 v59, v5;
	v6 =	vld.idx.msk [tilespmem:v6+s3+$0x0], $0xffff;
	[tilespmem:v19+s15+$0x0] =	vst.idx.msk $0xffff, v18  }
0x6d7: {  	v8 =	vor.u32 v59, v8;
	[tilespmem:v20+s15+$0x0] =	vst.idx.msk $0xffff, v10;
	v7 =	vld.idx.msk [tilespmem:v9+s3+$0x0], $0xffff  }
0x6d8: {  	v10 =	vor.u32 v59, v11;
	[tilespmem:v21+s15+$0x0] =	vst.idx.msk $0xffff, v13;
	v9 =	vld.idx.msk [tilespmem:v12+s3+$0x0], $0xffff  }
0x6d9: {  	[tilespmem:v0+s15+$0x0] =	vst.idx.msk $0xffff, v3;
	v0 =	vld.idx.msk [tilespmem:v4+s3+$0x0], $0xffff;
	v3 =	vor.u32 v59, v15  }
0x6da: {  	[tilespmem:v1+s15+$0x0] =	vst.idx.msk $0xffff, v2  }
0x6db: {  	[tilespmem:v5+s15+$0x0] =	vst.idx.msk $0xffff, v6  }
0x6dc: {  	[tilespmem:v8+s15+$0x0] =	vst.idx.msk $0xffff, v7  }
0x6dd: {  	[tilespmem:v10+s15+$0x0] =	vst.idx.msk $0xffff, v9  }
0x6de: {  	[tilespmem:v3+s15+$0x0] =	vst.idx.msk $0xffff, v0  }
0x6df: {  	[hbm4b:s8+s3] =	stream.linear.scatter [tilespmem:s15], [sflag:$0x5], $0x2000, $0x38;
	[tilespmem:$0x8000] =	vst v63  }
0x6e0: {  	_ =	swait.ge [sflag:s20], $0x2000  }
0x6e1: {  	v43 =	vld [tilespmem:$0x1FF60]  }
0x6e2: {  	v5 =	vld [tilespmem:$0x1FF70]  }
0x6e3: {  	v3 =	vld [tilespmem:$0x1FF80]  }
0x6e4: {  	v46 =	vld [tilespmem:$0x1FF90]  }
0x6e5: {  	v13 =	vld [tilespmem:$0x1FF30]  }
0x6e6: {  	v11 =	vld [tilespmem:$0x1FEB0]  }
0x6e7: {  	v20 =	vld [tilespmem:$0x1FE30]  }
0x6e8: {  	v22 =	vld [tilespmem:$0x1FE00]  }
0x6e9: {  	v58 =	vld [tilespmem:$0x1FD50]  }
0x6ea: {  	v14 =	vld [tilespmem:$0x1FD20]  }
0x6eb: {  	v23 =	vld [tilespmem:$0x1FFE0]  }
0x6ec: {  	v26 =	vld [tilespmem:$0x1FDD0]  }
0x6ed: {  	v17 =	vld [tilespmem:$0x1FDF0]  }
0x6ee: {  	v19 =	vld [tilespmem:$0x1FDE0]  }
0x6ef: {  	[sflag:s20] =	ssyncset.done $0x0;
	v18 =	vld [tilespmem:$0x1FE10]  }
0x6f0: {  	v15 =	vmov v50;
	v21 =	vld [tilespmem:$0x1FD30];
	[sflag:s20] =	ssyncadd.s32 $0xFFFFE000  }
.LBB2_11:
.Ltmp7:
0x6f1: {  	(pc) =	sbr.rel @p1 .LBB2_15-.Ltmp7, $1  }
0x6f2: {  	_ =	sdelay $0x3  }
0x6f3: {  	s22 =	simm.s32 $0x0;
	v0 =	vlaneseq.u32  }
0x6f4: {  	v4 =	vadd.s32 s22, v0  }
0x6f5: {  	v12 =	vand.u32 $0xF, v4  }
0x6f6: {  	v7 =	vshll.u32 v12, $0x7  }
0x6f7: {  	v0 =	vor.u32 v0, v7  }
0x6f8: {  	[tilespmem:s14], [sflag:$0x5] =	stream.linear.gather [hbm4b:s0+s22], $0x2000, $0x38;
	[tilespmem:$0x8000] =	vst v63  }
0x6f9: {  	_ =	swait.ge [sflag:s20], $0x2000  }
0x6fa: {  	[sflag:s20] =	ssyncset.done $0x0  }
0x6fb: {  	[sflag:s20] =	ssyncadd.s32 $0xFFFFE000  }
0x6fc: {  	v1 =	vor.u32 v38, v12;
	v0 =	vld.idx.msk [tilespmem:v0+s14+$0x0], $0xffff  }
0x6fd: {  	v2 =	vor.u32 v39, v7;
	_ =	sdelay $0x3  }
0x6fe: {  	[tilespmem:v1+s17+$0x0] =	vst.idx.msk $0xffff, v0  }
0x6ff: {  	v1 =	vor.u32 v43, v12;
	v0 =	vld.idx.msk [tilespmem:v2+s14+$0x0], $0xffff  }
0x700: {  	v2 =	vor.u32 v5, v7;
	_ =	sdelay $0x3  }
0x701: {  	[tilespmem:v1+s17+$0x0] =	vst.idx.msk $0xffff, v0  }
0x702: {  	v1 =	vor.u32 v3, v12;
	v0 =	vld.idx.msk [tilespmem:v2+s14+$0x0], $0xffff  }
0x703: {  	v2 =	vor.u32 v46, v7;
	_ =	sdelay $0x3  }
0x704: {  	[tilespmem:v1+s17+$0x0] =	vst.idx.msk $0xffff, v0  }
0x705: {  	v1 =	vld.idx.msk [tilespmem:v2+s14+$0x0], $0xffff;
	v2 =	vor.u32 v47, v12;
	_ =	sdelay $0x4  }
0x706: {  	v32 =	vmov v5;
	v5 =	vor.u32 v37, v7;
	[tilespmem:v2+s17+$0x0] =	vst.idx.msk $0xffff, v1  }
0x707: {  	v24 =	vlaneseq.u32;
	s25 =	simm.s32 $0x1;
	v16 =	vld [tilespmem:$0x1FC50]  }
0x708: {  	v0 =	vadd.s32 s25, v24  }
0x709: {  	v61 =	vand.u32 $0xF, v0  }
0x70a: {  	v27 =	vmov v3;
	v3 =	vshll.u32 v61, $0x7  }
0x70b: {  	v1 =	vor.u32 v24, v3;
	v2 =	vld.idx.msk [tilespmem:v5+s14+$0x0], $0xffff;
	v5 =	vor.u32 v13, v12  }
0x70c: {  	v6 =	vor.u32 v16, v7;
	_ =	sdelay $0x3  }
0x70d: {  	v8 =	vor.u32 v38, v61;
	v1 =	vld.idx.msk [tilespmem:v1+s14+$0x0], $0xffff;
	[tilespmem:v5+s17+$0x0] =	vst.idx.msk $0xffff, v2  }
0x70e: {  	v2 =	vor.u32 v39, v3;
	v5 =	vld.idx.msk [tilespmem:v6+s14+$0x0], $0xffff;
	v6 =	vor.u32 v48, v12  }
0x70f: {  	v9 =	vor.u32 v51, v7;
	_ =	sdelay $0x2  }
0x710: {  	[tilespmem:v8+s17+$0x0] =	vst.idx.msk $0xffff, v1  }
0x711: {  	v1 =	vld.idx.msk [tilespmem:v2+s14+$0x0], $0xffff;
	v2 =	vor.u32 v43, v61;
	[tilespmem:v6+s17+$0x0] =	vst.idx.msk $0xffff, v5  }
0x712: {  	v8 =	vor.u32 v52, v12;
	v5 =	vor.u32 v32, v3;
	v6 =	vld.idx.msk [tilespmem:v9+s14+$0x0], $0xffff  }
0x713: {  	v9 =	vor.u32 v53, v7;
	_ =	sdelay $0x2  }
0x714: {  	[tilespmem:v2+s17+$0x0] =	vst.idx.msk $0xffff, v1  }
0x715: {  	v2 =	vor.u32 v27, v61;
	v1 =	vld.idx.msk [tilespmem:v5+s14+$0x0], $0xffff;
	[tilespmem:v8+s17+$0x0] =	vst.idx.msk $0xffff, v6  }
0x716: {  	v5 =	vor.u32 v46, v3;
	v8 =	vor.u32 v54, v12;
	v6 =	vld.idx.msk [tilespmem:v9+s14+$0x0], $0xffff  }
0x717: {  	v9 =	vor.u32 v55, v7;
	_ =	sdelay $0x2  }
0x718: {  	[tilespmem:v2+s17+$0x0] =	vst.idx.msk $0xffff, v1  }
0x719: {  	v2 =	vld.idx.msk [tilespmem:v5+s14+$0x0], $0xffff;
	v5 =	vor.u32 v47, v61;
	[tilespmem:v8+s17+$0x0] =	vst.idx.msk $0xffff, v6  }
0x71a: {  	v6 =	vor.u32 v37, v3;
	v8 =	vld.idx.msk [tilespmem:v9+s14+$0x0], $0xffff;
	v9 =	vor.u32 v56, v4  }
0x71b: {  	s26 =	simm.s32 $0x2;
	v34 =	vmovc v11;
	v11 =	vor.u32 v57, v7;
	v24 =	vmov v13;
	v13 =	vlaneseq.u32  }
0x71c: {  	v1 =	vadd.s32 s26, v13  }
0x71d: {  	v10 =	vand.u32 $0xF, v1  }
0x71e: {  	[tilespmem:v5+s17+$0x0] =	vst.idx.msk $0xffff, v2;
	v2 =	vshll.u32 v10, $0x7  }
0x71f: {  	v5 =	vld.idx.msk [tilespmem:v6+s14+$0x0], $0xffff;
	v6 =	vor.u32 v13, v2;
	v13 =	vor.u32 v24, v61;
	[tilespmem:v9+s17+$0x0] =	vst.idx.msk $0xffff, v8  }
0x720: {  	v8 =	vor.u32 v16, v3;
	v9 =	vld.idx.msk [tilespmem:v11+s14+$0x0], $0xffff;
	v11 =	vor.u32 v23, v4  }
0x721: {  	v40 =	vmov v14;
	v14 =	vor.u32 v14, v7;
	_ =	sdelay $0x2  }
0x722: {  	v50 =	vmov v15;
	v6 =	vld.idx.msk [tilespmem:v6+s14+$0x0], $0xffff;
	[tilespmem:v13+s17+$0x0] =	vst.idx.msk $0xffff, v5;
	v5 =	vor.u32 v38, v10  }
0x723: {  	v15 =	vor.u32 v48, v61;
	v13 =	vor.u32 v39, v2;
	v8 =	vld.idx.msk [tilespmem:v8+s14+$0x0], $0xffff;
	[tilespmem:v11+s17+$0x0] =	vst.idx.msk $0xffff, v9  }
0x724: {  	v9 =	vor.u32 v51, v3;
	v11 =	vld.idx.msk [tilespmem:v14+s14+$0x0], $0xffff;
	v14 =	vor.u32 v26, v4  }
0x725: {  	v28 =	vmov v17;
	v17 =	vor.u32 v17, v7;
	_ =	sdelay $0x1  }
0x726: {  	[tilespmem:v5+s17+$0x0] =	vst.idx.msk $0xffff, v6  }
0x727: {  	v6 =	vor.u32 v43, v10;
	v5 =	vld.idx.msk [tilespmem:v13+s14+$0x0], $0xffff;
	[tilespmem:v15+s17+$0x0] =	vst.idx.msk $0xffff, v8  }
0x728: {  	v13 =	vor.u32 v32, v2;
	v8 =	vld.idx.msk [tilespmem:v9+s14+$0x0], $0xffff;
	v9 =	vor.u32 v52, v61;
	[tilespmem:v14+s17+$0x0] =	vst.idx.msk $0xffff, v11  }
0x729: {  	v15 =	vor.u32 v18, v4;
	v11 =	vor.u32 v53, v3;
	v14 =	vld.idx.msk [tilespmem:v17+s14+$0x0], $0xffff  }
0x72a: {  	v17 =	vor.u32 v19, v7;
	_ =	sdelay $0x1  }
0x72b: {  	[tilespmem:v6+s17+$0x0] =	vst.idx.msk $0xffff, v5  }
0x72c: {  	v6 =	vor.u32 v27, v10;
	[tilespmem:v9+s17+$0x0] =	vst.idx.msk $0xffff, v8;
	v5 =	vld.idx.msk [tilespmem:v13+s14+$0x0], $0xffff  }
0x72d: {  	v9 =	vor.u32 v46, v2;
	v8 =	vld.idx.msk [tilespmem:v11+s14+$0x0], $0xffff;
	v11 =	vor.u32 v54, v61;
	[tilespmem:v15+s17+$0x0] =	vst.idx.msk $0xffff, v14  }
0x72e: {  	v13 =	vor.u32 v55, v3;
	v15 =	vor.u32 v34, v4;
	v14 =	vld.idx.msk [tilespmem:v17+s14+$0x0], $0xffff  }
0x72f: {  	v17 =	vor.u32 v20, v7;
	_ =	sdelay $0x1  }
0x730: {  	[tilespmem:v6+s17+$0x0] =	vst.idx.msk $0xffff, v5  }
0x731: {  	v6 =	vld.idx.msk [tilespmem:v9+s14+$0x0], $0xffff;
	[tilespmem:v11+s17+$0x0] =	vst.idx.msk $0xffff, v8;
	v8 =	vor.u32 v47, v10  }
0x732: {  	v25 =	vmov v24;
	v24 =	vmov v18;
	v18 =	vor.u32 v56, v0;
	v9 =	vld.idx.msk [tilespmem:v13+s14+$0x0], $0xffff;
	[tilespmem:v15+s17+$0x0] =	vst.idx.msk $0xffff, v14  }
0x733: {  	v15 =	vld.idx.msk [tilespmem:v17+s14+$0x0], $0xffff;
	v17 =	vor.u32 v22, v4;
	_ =	sdelay $0x2  }
0x734: {  	[tilespmem:v8+s17+$0x0] =	vst.idx.msk $0xffff, v6  }
0x735: {  	v11 =	vor.u32 v37, v2;
	[tilespmem:v18+s17+$0x0] =	vst.idx.msk $0xffff, v9  }
0x736: {  	s28 =	simm.s32 $0x3;
	v49 =	vmov v22;
	v14 =	vor.u32 v57, v3;
	v22 =	vlaneseq.u32;
	[tilespmem:v17+s17+$0x0] =	vst.idx.msk $0xffff, v15  }
0x737: {  	v44 =	vmov v19;
	v19 =	vor.u32 v21, v7;
	v5 =	vadd.s32 s28, v22;
	v62 =	vld [tilespmem:$0x1FC60]  }
0x738: {  	v41 =	vmovc v28;
	v28 =	vmov v16;
	v13 =	vand.u32 $0xF, v5;
	v18 =	vor.u32 v16, v2;
	v16 =	vld [tilespmem:$0x1FC70]  }
0x739: {  	v6 =	vshll.u32 v13, $0x7  }
0x73a: {  	v8 =	vld.idx.msk [tilespmem:v11+s14+$0x0], $0xffff;
	v11 =	vor.u32 v25, v10;
	v9 =	vor.u32 v22, v6  }
0x73b: {  	v25 =	vmov v20;
	v20 =	vor.u32 v23, v0;
	v14 =	vld.idx.msk [tilespmem:v14+s14+$0x0], $0xffff  }
0x73c: {  	v15 =	vor.u32 v40, v3;
	v17 =	vld.idx.msk [tilespmem:v19+s14+$0x0], $0xffff;
	v19 =	vor.u32 v62, v4  }
0x73d: {  	v35 =	vmov v21;
	v21 =	vor.u32 v16, v7;
	_ =	sdelay $0x1  }
0x73e: {  	[tilespmem:v11+s17+$0x0] =	vst.idx.msk $0xffff, v8;
	v8 =	vor.u32 v38, v13;
	v9 =	vld.idx.msk [tilespmem:v9+s14+$0x0], $0xffff  }
0x73f: {  	v11 =	vld.idx.msk [tilespmem:v18+s14+$0x0], $0xffff;
	[tilespmem:v20+s17+$0x0] =	vst.idx.msk $0xffff, v14;
	v18 =	vor.u32 v48, v10  }
0x740: {  	v22 =	vor.u32 v26, v0;
	v15 =	vld.idx.msk [tilespmem:v15+s14+$0x0], $0xffff;
	[tilespmem:v19+s17+$0x0] =	vst.idx.msk $0xffff, v17  }
0x741: {  	v14 =	vor.u32 v39, v6;
	v19 =	vld.idx.msk [tilespmem:v21+s14+$0x0], $0xffff;
	v21 =	vor.u32 v58, v4  }
0x742: {  	v59 =	vmov v23;
	v23 =	vld [tilespmem:$0x1FC80]  }
0x743: {  	[tilespmem:v8+s17+$0x0] =	vst.idx.msk $0xffff, v9  }
0x744: {  	[tilespmem:v18+s17+$0x0] =	vst.idx.msk $0xffff, v11  }
0x745: {  	v20 =	vor.u32 v51, v2;
	[tilespmem:v22+s17+$0x0] =	vst.idx.msk $0xffff, v15  }
0x746: {  	v17 =	vor.u32 v41, v3;
	v8 =	vld.idx.msk [tilespmem:v14+s14+$0x0], $0xffff;
	[tilespmem:v21+s17+$0x0] =	vst.idx.msk $0xffff, v19  }
0x747: {  	v31 =	vmovc v24;
	v9 =	vor.u32 v43, v13;
	v18 =	vor.u32 v24, v0;
	v23 =	vor.u32 v23, v7;
	v24 =	vld [tilespmem:$0x1FC90];
	_ =	sdelay $0x2  }
0x748: {  	v11 =	vld.idx.msk [tilespmem:v20+s14+$0x0], $0xffff;
	v14 =	vor.u32 v52, v10  }
0x749: {  	v42 =	vmov v32;
	v17 =	vld.idx.msk [tilespmem:v17+s14+$0x0], $0xffff  }
0x74a: {  	v15 =	vor.u32 v42, v6;
	[tilespmem:v9+s17+$0x0] =	vst.idx.msk $0xffff, v8;
	v21 =	vld.idx.msk [tilespmem:v23+s14+$0x0], $0xffff;
	v22 =	vor.u32 v24, v12  }
0x74b: {  	v19 =	vor.u32 v44, v3;
	v44 =	vld [tilespmem:$0x1FCA0];
	_ =	sdelay $0x1  }
0x74c: {  	v20 =	vor.u32 v53, v2;
	[tilespmem:v14+s17+$0x0] =	vst.idx.msk $0xffff, v11  }
0x74d: {  	[tilespmem:v18+s17+$0x0] =	vst.idx.msk $0xffff, v17  }
0x74e: {  	v9 =	vld.idx.msk [tilespmem:v15+s14+$0x0], $0xffff;
	[tilespmem:v22+s17+$0x0] =	vst.idx.msk $0xffff, v21  }
0x74f: {  	v63 =	vmov v27;
	v11 =	vor.u32 v27, v13;
	v8 =	vor.u32 v44, v7;
	v27 =	vld [tilespmem:$0x1FCB0]  }
0x750: {  	v23 =	vld [tilespmem:$0x1FCC0]  }
0x751: {  	v32 =	vmov v34;
	v15 =	vor.u32 v46, v6;
	v14 =	vld.idx.msk [tilespmem:v20+s14+$0x0], $0xffff;
	v17 =	vor.u32 v54, v10  }
0x752: {  	v20 =	vor.u32 v32, v0;
	v18 =	vld.idx.msk [tilespmem:v19+s14+$0x0], $0xffff;
	v19 =	vor.u32 v55, v2;
	_ =	sdelay $0x1  }
0x753: {  	v21 =	vor.u32 v25, v3;
	v8 =	vld.idx.msk [tilespmem:v8+s14+$0x0], $0xffff;
	v22 =	vor.u32 v27, v12  }
0x754: {  	[tilespmem:v11+s17+$0x0] =	vst.idx.msk $0xffff, v9;
	v23 =	vor.u32 v23, v7  }
0x755: {  	[tilespmem:v17+s17+$0x0] =	vst.idx.msk $0xffff, v14;
	v11 =	vor.u32 v47, v13;
	v9 =	vld.idx.msk [tilespmem:v15+s14+$0x0], $0xffff  }
0x756: {  	[tilespmem:v20+s17+$0x0] =	vst.idx.msk $0xffff, v18;
	v17 =	vor.u32 v37, v6;
	v18 =	vor.u32 v56, v1;
	v15 =	vld.idx.msk [tilespmem:v19+s14+$0x0], $0xffff;
	_ =	sdelay $0x1  }
0x757: {  	v19 =	vld.idx.msk [tilespmem:v21+s14+$0x0], $0xffff;
	v21 =	vor.u32 v49, v0;
	[tilespmem:v22+s17+$0x0] =	vst.idx.msk $0xffff, v8  }
0x758: {  	v60 =	vmov v24;
	v24 =	vor.u32 v50, v12;
	v23 =	vld.idx.msk [tilespmem:v23+s14+$0x0], $0xffff  }
0x759: {  	v22 =	vor.u32 v35, v3;
	v35 =	vld [tilespmem:$0x1FD80];
	[tilespmem:v11+s17+$0x0] =	vst.idx.msk $0xffff, v9  }
0x75a: {  	[tilespmem:v18+s17+$0x0] =	vst.idx.msk $0xffff, v15;
	v11 =	vld.idx.msk [tilespmem:v17+s14+$0x0], $0xffff  }
0x75b: {  	s29 =	simm.s32 $0x4;
	v41 =	vmov v26;
	v26 =	vlaneseq.u32;
	v17 =	vld [tilespmem:$0x1FF30]  }
0x75c: {  	v20 =	vor.u32 v57, v2;
	v8 =	vadd.s32 s29, v26;
	[tilespmem:v21+s17+$0x0] =	vst.idx.msk $0xffff, v19  }
0x75d: {  	v14 =	vand.u32 $0xF, v8;
	[tilespmem:v24+s17+$0x0] =	vst.idx.msk $0xffff, v23  }
0x75e: {  	v9 =	vshll.u32 v14, $0x7;
	v25 =	vor.u32 v35, v7;
	v23 =	vor.u32 v16, v3;
	v16 =	vld [tilespmem:$0x1FCD0]  }
0x75f: {  	v15 =	vor.u32 v26, v9  }
0x760: {  	v17 =	vor.u32 v17, v13  }
0x761: {  	v18 =	vld.idx.msk [tilespmem:v20+s14+$0x0], $0xffff;
	v19 =	vor.u32 v28, v6;
	v20 =	vor.u32 v59, v1  }
0x762: {  	v26 =	vor.u32 v62, v0;
	v21 =	vld.idx.msk [tilespmem:v22+s14+$0x0], $0xffff;
	v22 =	vor.u32 v40, v2  }
0x763: {  	v24 =	vld.idx.msk [tilespmem:v25+s14+$0x0], $0xffff;
	v25 =	vor.u32 v16, v12  }
0x764: {  	v15 =	vld.idx.msk [tilespmem:v15+s14+$0x0], $0xffff  }
0x765: {  	v16 =	vld [tilespmem:$0x1FD90];
	[tilespmem:v17+s17+$0x0] =	vst.idx.msk $0xffff, v11  }
0x766: {  	[tilespmem:v20+s17+$0x0] =	vst.idx.msk $0xffff, v18;
	v17 =	vld.idx.msk [tilespmem:v19+s14+$0x0], $0xffff  }
0x767: {  	[tilespmem:v26+s17+$0x0] =	vst.idx.msk $0xffff, v21;
	v20 =	vld.idx.msk [tilespmem:v22+s14+$0x0], $0xffff  }
0x768: {  	v11 =	vor.u32 v38, v14;
	v26 =	vld [tilespmem:$0x1FDF0];
	[tilespmem:v25+s17+$0x0] =	vst.idx.msk $0xffff, v24  }
0x769: {  	v22 =	vor.u32 v41, v1;
	v41 =	vld [tilespmem:$0x1FC80]  }
0x76a: {  	v19 =	vor.u32 v48, v13;
	v29 =	vor.u32 v16, v7;
	v33 =	vld [tilespmem:$0x1FDA0]  }
0x76b: {  	v18 =	vor.u32 v39, v9  }
0x76c: {  	v28 =	vor.u32 v58, v0;
	v21 =	vor.u32 v51, v6;
	v23 =	vld.idx.msk [tilespmem:v23+s14+$0x0], $0xffff  }
0x76d: {  	[tilespmem:v11+s17+$0x0] =	vst.idx.msk $0xffff, v15  }
0x76e: {  	v26 =	vor.u32 v26, v2;
	v11 =	vld [tilespmem:$0x1FDB0]  }
0x76f: {  	[tilespmem:v19+s17+$0x0] =	vst.idx.msk $0xffff, v17;
	v25 =	vld.idx.msk [tilespmem:v29+s14+$0x0], $0xffff;
	v24 =	vor.u32 v41, v3;
	v29 =	vor.u32 v33, v12  }
0x770: {  	v15 =	vld.idx.msk [tilespmem:v18+s14+$0x0], $0xffff;
	v17 =	vor.u32 v43, v14;
	[tilespmem:v22+s17+$0x0] =	vst.idx.msk $0xffff, v20  }
0x771: {  	v19 =	vor.u32 v52, v13;
	[tilespmem:v28+s17+$0x0] =	vst.idx.msk $0xffff, v23;
	v18 =	vld.idx.msk [tilespmem:v21+s14+$0x0], $0xffff  }
0x772: {  	v28 =	vld [tilespmem:$0x1FDE0]  }
0x773: {  	v21 =	vld.idx.msk [tilespmem:v26+s14+$0x0], $0xffff  }
0x774: {  	v22 =	vor.u32 v31, v1;
	v11 =	vor.u32 v11, v7;
	v24 =	vld.idx.msk [tilespmem:v24+s14+$0x0], $0xffff;
	[tilespmem:v29+s17+$0x0] =	vst.idx.msk $0xffff, v25  }
0x775: {  	v20 =	vor.u32 v42, v9;
	v26 =	vor.u32 v60, v61;
	v32 =	vld [tilespmem:$0x1FCE0];
	[tilespmem:v17+s17+$0x0] =	vst.idx.msk $0xffff, v15  }
0x776: {  	[tilespmem:v19+s17+$0x0] =	vst.idx.msk $0xffff, v18  }
0x777: {  	v23 =	vor.u32 v53, v6;
	v15 =	vld [tilespmem:$0x1FDC0]  }
0x778: {  	v28 =	vor.u32 v28, v2  }
0x779: {  	v25 =	vor.u32 v44, v3;
	v11 =	vld.idx.msk [tilespmem:v11+s14+$0x0], $0xffff;
	[tilespmem:v22+s17+$0x0] =	vst.idx.msk $0xffff, v21  }
0x77a: {  	v17 =	vld.idx.msk [tilespmem:v20+s14+$0x0], $0xffff;
	[tilespmem:v26+s17+$0x0] =	vst.idx.msk $0xffff, v24;
	v29 =	vor.u32 v32, v12  }
0x77b: {  	v24 =	vld [tilespmem:$0x1FEB0]  }
0x77c: {  	v18 =	vor.u32 v63, v14;
	v19 =	vld.idx.msk [tilespmem:v23+s14+$0x0], $0xffff;
	v15 =	vor.u32 v15, v7  }
0x77d: {  	v22 =	vld.idx.msk [tilespmem:v28+s14+$0x0], $0xffff  }
0x77e: {  	v21 =	vor.u32 v54, v13;
	v25 =	vld.idx.msk [tilespmem:v25+s14+$0x0], $0xffff  }
0x77f: {  	v28 =	vor.u32 v27, v61;
	v26 =	vld [tilespmem:$0x1FE30];
	[tilespmem:v29+s17+$0x0] =	vst.idx.msk $0xffff, v11  }
0x780: {  	v24 =	vor.u32 v24, v1;
	v11 =	vld [tilespmem:$0x1FCC0]  }
0x781: {  	v20 =	vor.u32 v46, v9;
	v29 =	vor.u32 v45, v12;
	v15 =	vld.idx.msk [tilespmem:v15+s14+$0x0], $0xffff;
	[tilespmem:v18+s17+$0x0] =	vst.idx.msk $0xffff, v17  }
0x782: {  	v17 =	vld [tilespmem:$0x1FEC0]  }
0x783: {  	v23 =	vor.u32 v55, v6;
	[tilespmem:v21+s17+$0x0] =	vst.idx.msk $0xffff, v19  }
0x784: {  	v26 =	vor.u32 v26, v2;
	[tilespmem:v28+s17+$0x0] =	vst.idx.msk $0xffff, v25  }
0x785: {  	[tilespmem:v24+s17+$0x0] =	vst.idx.msk $0xffff, v22  }
0x786: {  	v18 =	vld.idx.msk [tilespmem:v20+s14+$0x0], $0xffff;
	v11 =	vor.u32 v11, v3;
	[tilespmem:v29+s17+$0x0] =	vst.idx.msk $0xffff, v15  }
0x787: {  	v29 =	vor.u32 v35, v3;
	v17 =	vor.u32 v17, v7;
	v35 =	vld [tilespmem:$0x1FEA0]  }
0x788: {  	v19 =	vor.u32 v47, v14;
	v20 =	vld.idx.msk [tilespmem:v23+s14+$0x0], $0xffff  }
0x789: {  	v22 =	vor.u32 v56, v5;
	v23 =	vld.idx.msk [tilespmem:v26+s14+$0x0], $0xffff  }
0x78a: {  	v25 =	vor.u32 v49, v1;
	v58 =	vld [tilespmem:$0x1FD30]  }
0x78b: {  	v31 =	vor.u32 v50, v61;
	v26 =	vld.idx.msk [tilespmem:v11+s14+$0x0], $0xffff  }
0x78c: {  	v42 =	vmov v30;
	v28 =	vld.idx.msk [tilespmem:v17+s14+$0x0], $0xffff;
	v30 =	vor.u32 v35, v12  }
0x78d: {  	s30 =	simm.s32 $0x5;
	v34 =	vmov v27;
	v27 =	vlaneseq.u32;
	[tilespmem:v19+s17+$0x0] =	vst.idx.msk $0xffff, v18  }
0x78e: {  	v63 =	vmov v36;
	v21 =	vor.u32 v37, v9;
	v36 =	vld [tilespmem:$0x1FCF0];
	[tilespmem:v22+s17+$0x0] =	vst.idx.msk $0xffff, v20;
	v11 =	vadd.s32 s30, v27  }
0x78f: {  	v24 =	vor.u32 v57, v6;
	v50 =	vld [tilespmem:$0x1FF30];
	[tilespmem:v25+s17+$0x0] =	vst.idx.msk $0xffff, v23;
	v17 =	vand.u32 $0xF, v11  }
0x790: {  	v15 =	vor.u32 v58, v2;
	v23 =	vld [tilespmem:$0x1FC50];
	v12 =	vshll.u32 v17, $0x7;
	[tilespmem:v31+s17+$0x0] =	vst.idx.msk $0xffff, v26  }
0x791: {  	v20 =	vor.u32 v27, v12;
	v27 =	vld.idx.msk [tilespmem:v29+s14+$0x0], $0xffff;
	[tilespmem:v30+s17+$0x0] =	vst.idx.msk $0xffff, v28  }
0x792: {  	v29 =	vld [tilespmem:$0x1FCD0]  }
0x793: {  	v19 =	vld.idx.msk [tilespmem:v21+s14+$0x0], $0xffff  }
0x794: {  	v22 =	vld.idx.msk [tilespmem:v24+s14+$0x0], $0xffff;
	v24 =	vor.u32 v59, v5  }
0x795: {  	v18 =	vor.u32 v36, v7;
	v21 =	vor.u32 v50, v14;
	v15 =	vld.idx.msk [tilespmem:v15+s14+$0x0], $0xffff  }
0x796: {  	v26 =	vor.u32 v62, v1;
	v31 =	vld [tilespmem:$0x1FD00]  }
0x797: {  	v60 =	vld [tilespmem:$0x1FF50];
	v29 =	vor.u32 v29, v61;
	_ =	sdelay $0x1  }
0x798: {  	v28 =	vld [tilespmem:$0x1FC70];
	[tilespmem:v24+s17+$0x0] =	vst.idx.msk $0xffff, v22  }
0x799: {  	v18 =	vld.idx.msk [tilespmem:v18+s14+$0x0], $0xffff;
	[tilespmem:v21+s17+$0x0] =	vst.idx.msk $0xffff, v19  }
0x79a: {  	v20 =	vld.idx.msk [tilespmem:v20+s14+$0x0], $0xffff;
	[tilespmem:v26+s17+$0x0] =	vst.idx.msk $0xffff, v15;
	v31 =	vor.u32 v31, v4  }
0x79b: {  	v21 =	vor.u32 v38, v17;
	v19 =	vor.u32 v60, v7;
	v60 =	vld [tilespmem:$0x1FDD0];
	[tilespmem:v29+s17+$0x0] =	vst.idx.msk $0xffff, v27  }
0x79c: {  	v30 =	vor.u32 v16, v3;
	v16 =	vld [tilespmem:$0x1FD50];
	_ =	sdelay $0x1  }
0x79d: {  	v23 =	vor.u32 v23, v9  }
0x79e: {  	v25 =	vor.u32 v40, v6;
	v40 =	vmov v58;
	v58 =	vld [tilespmem:$0x1FDF0];
	[tilespmem:v31+s17+$0x0] =	vst.idx.msk $0xffff, v18  }
0x79f: {  	v28 =	vor.u32 v28, v2;
	[tilespmem:v21+s17+$0x0] =	vst.idx.msk $0xffff, v20  }
0x7a0: {  	v29 =	vor.u32 v16, v1;
	v16 =	vld [tilespmem:$0x1FDB0];
	_ =	sdelay $0x1  }
0x7a1: {  	v24 =	vor.u32 v48, v14;
	v23 =	vld.idx.msk [tilespmem:v23+s14+$0x0], $0xffff  }
0x7a2: {  	v25 =	vld.idx.msk [tilespmem:v25+s14+$0x0], $0xffff;
	v26 =	vor.u32 v60, v5  }
0x7a3: {  	v28 =	vld.idx.msk [tilespmem:v28+s14+$0x0], $0xffff  }
0x7a4: {  	v20 =	vor.u32 v16, v3;
	v16 =	vld [tilespmem:$0x1FEE0];
	_ =	sdelay $0x1  }
0x7a5: {  	[tilespmem:v24+s17+$0x0] =	vst.idx.msk $0xffff, v23  }
0x7a6: {  	v30 =	vld.idx.msk [tilespmem:v30+s14+$0x0], $0xffff;
	[tilespmem:v26+s17+$0x0] =	vst.idx.msk $0xffff, v25  }
0x7a7: {  	v31 =	vor.u32 v33, v61;
	v62 =	vld [tilespmem:$0x1FF70];
	[tilespmem:v29+s17+$0x0] =	vst.idx.msk $0xffff, v28  }
0x7a8: {  	v21 =	vor.u32 v16, v4;
	v16 =	vld [tilespmem:$0x1FE10];
	_ =	sdelay $0x3  }
0x7a9: {  	v22 =	vor.u32 v39, v12;
	[tilespmem:v31+s17+$0x0] =	vst.idx.msk $0xffff, v30  }
0x7aa: {  	v28 =	vor.u32 v16, v5;
	v16 =	vld [tilespmem:$0x1FC90];
	_ =	sdelay $0x2  }
0x7ab: {  	v19 =	vld.idx.msk [tilespmem:v19+s14+$0x0], $0xffff  }
0x7ac: {  	v15 =	vor.u32 v51, v9;
	v22 =	vld.idx.msk [tilespmem:v22+s14+$0x0], $0xffff;
	v24 =	vor.u32 v43, v17  }
0x7ad: {  	v30 =	vor.u32 v16, v10;
	v16 =	vld [tilespmem:$0x1FDE0];
	_ =	sdelay $0x2  }
0x7ae: {  	v27 =	vor.u32 v58, v6;
	[tilespmem:v21+s17+$0x0] =	vst.idx.msk $0xffff, v19  }
0x7af: {  	v18 =	vor.u32 v41, v2;
	v25 =	vor.u32 v52, v14;
	v15 =	vld.idx.msk [tilespmem:v15+s14+$0x0], $0xffff;
	[tilespmem:v24+s17+$0x0] =	vst.idx.msk $0xffff, v22  }
0x7b0: {  	v31 =	vor.u32 v16, v6;
	v16 =	vld [tilespmem:$0x1FDC0];
	_ =	sdelay $0x2  }
0x7b1: {  	v27 =	vld.idx.msk [tilespmem:v27+s14+$0x0], $0xffff  }
0x7b2: {  	v23 =	vor.u32 v63, v7;
	v18 =	vld.idx.msk [tilespmem:v18+s14+$0x0], $0xffff;
	[tilespmem:v25+s17+$0x0] =	vst.idx.msk $0xffff, v15  }
0x7b3: {  	v24 =	vor.u32 v16, v3;
	v16 =	vld [tilespmem:$0x1FD10];
	_ =	sdelay $0x1  }
0x7b4: {  	v26 =	vor.u32 v62, v12;
	v20 =	vld.idx.msk [tilespmem:v20+s14+$0x0], $0xffff  }
0x7b5: {  	v19 =	vor.u32 v32, v61;
	v63 =	vld [tilespmem:$0x1FF80];
	[tilespmem:v28+s17+$0x0] =	vst.idx.msk $0xffff, v27  }
0x7b6: {  	v22 =	vor.u32 v42, v4;
	v23 =	vld.idx.msk [tilespmem:v23+s14+$0x0], $0xffff;
	[tilespmem:v30+s17+$0x0] =	vst.idx.msk $0xffff, v18  }
0x7b7: {  	v25 =	vor.u32 v16, v7;
	v16 =	vld [tilespmem:$0x1FEB0];
	_ =	sdelay $0x1  }
0x7b8: {  	v15 =	vld.idx.msk [tilespmem:v26+s14+$0x0], $0xffff  }
0x7b9: {  	v18 =	vld.idx.msk [tilespmem:v31+s14+$0x0], $0xffff;
	[tilespmem:v19+s17+$0x0] =	vst.idx.msk $0xffff, v20  }
0x7ba: {  	v59 =	vmov v45;
	v29 =	vor.u32 v53, v9;
	v26 =	vor.u32 v63, v17;
	v45 =	vld [tilespmem:$0x1FE30];
	[tilespmem:v22+s17+$0x0] =	vst.idx.msk $0xffff, v23  }
0x7bb: {  	v31 =	vor.u32 v16, v5;
	v16 =	vld [tilespmem:$0x1FCC0]  }
0x7bc: {  	v21 =	vor.u32 v44, v2;
	_ =	sdelay $0x2  }
0x7bd: {  	v27 =	vld.idx.msk [tilespmem:v29+s14+$0x0], $0xffff;
	v29 =	vor.u32 v54, v14;
	[tilespmem:v26+s17+$0x0] =	vst.idx.msk $0xffff, v15  }
0x7be: {  	v23 =	vor.u32 v16, v2;
	v16 =	vld [tilespmem:$0x1FEF0]  }
0x7bf: {  	v19 =	vld.idx.msk [tilespmem:v21+s14+$0x0], $0xffff;
	v21 =	vor.u32 v34, v10;
	_ =	sdelay $0x2  }
0x7c0: {  	v15 =	vld [tilespmem:$0x1FEC0];
	[tilespmem:v29+s17+$0x0] =	vst.idx.msk $0xffff, v27  }
0x7c1: {  	v26 =	vor.u32 v16, v4;
	v16 =	vld [tilespmem:$0x1FF20];
	[tilespmem:v31+s17+$0x0] =	vst.idx.msk $0xffff, v18  }
0x7c2: {  	v28 =	vor.u32 v46, v12;
	v22 =	vld.idx.msk [tilespmem:v24+s14+$0x0], $0xffff;
	v24 =	vor.u32 v59, v61;
	[tilespmem:v21+s17+$0x0] =	vst.idx.msk $0xffff, v19  }
0x7c3: {  	v18 =	vld [tilespmem:$0x1FF40];
	_ =	sdelay $0x1  }
0x7c4: {  	v30 =	vor.u32 v55, v9  }
0x7c5: {  	v25 =	vld.idx.msk [tilespmem:v25+s14+$0x0], $0xffff;
	v20 =	vor.u32 v45, v6  }
0x7c6: {  	v28 =	vld.idx.msk [tilespmem:v28+s14+$0x0], $0xffff;
	[tilespmem:v24+s17+$0x0] =	vst.idx.msk $0xffff, v22  }
0x7c7: {  	v29 =	vor.u32 v47, v17;
	v21 =	vor.u32 v18, v9;
	v18 =	vld [tilespmem:$0x1FD70];
	_ =	sdelay $0x1  }
0x7c8: {  	v30 =	vld.idx.msk [tilespmem:v30+s14+$0x0], $0xffff  }
0x7c9: {  	v20 =	vld.idx.msk [tilespmem:v20+s14+$0x0], $0xffff;
	[tilespmem:v26+s17+$0x0] =	vst.idx.msk $0xffff, v25  }
0x7ca: {  	v27 =	vor.u32 v16, v7;
	v57 =	vld [tilespmem:$0x1FF40]  }
0x7cb: {  	v16 =	vor.u32 v56, v8;
	v24 =	vor.u32 v18, v10;
	v18 =	vld [tilespmem:$0x1FD80];
	[tilespmem:v29+s17+$0x0] =	vst.idx.msk $0xffff, v28  }
0x7cc: {  	v33 =	vor.u32 v49, v5;
	v19 =	vld [tilespmem:$0x1FE40]  }
0x7cd: {  	v23 =	vld.idx.msk [tilespmem:v23+s14+$0x0], $0xffff;
	_ =	sdelay $0x2  }
0x7ce: {  	v41 =	vmov v58;
	v58 =	vmov v63;
	v15 =	vor.u32 v15, v3;
	[tilespmem:v16+s17+$0x0] =	vst.idx.msk $0xffff, v30  }
0x7cf: {  	v63 =	vmov v37;
	v31 =	vor.u32 v37, v12;
	v37 =	vor.u32 v19, v4;
	v19 =	vld [tilespmem:$0x1FE50];
	[tilespmem:v33+s17+$0x0] =	vst.idx.msk $0xffff, v20  }
0x7d0: {  	[tilespmem:v24+s17+$0x0] =	vst.idx.msk $0xffff, v23  }
0x7d1: {  	v20 =	vld [tilespmem:$0x1FC50];
	_ =	sdelay $0x2  }
0x7d2: {  	v34 =	vld.idx.msk [tilespmem:v15+s14+$0x0], $0xffff  }
0x7d3: {  	v32 =	vmov v50;
	v26 =	vor.u32 v35, v61;
	v30 =	vld.idx.msk [tilespmem:v31+s14+$0x0], $0xffff  }
0x7d4: {  	v50 =	vmovc v51;
	v51 =	vmovc v32;
	v31 =	vor.u32 v32, v17;
	v49 =	vmov v20;
	v32 =	vor.u32 v20, v12;
	v20 =	vld [tilespmem:$0x1FFE0];
	_ =	sdelay $0x3  }
0x7d5: {  	[tilespmem:v26+s17+$0x0] =	vst.idx.msk $0xffff, v34  }
0x7d6: {  	v44 =	vmov v20;
	v28 =	vor.u32 v20, v8;
	v20 =	vld [tilespmem:$0x1FD20];
	_ =	sdelay $0x2  }
0x7d7: {  	v22 =	vor.u32 v40, v6;
	v35 =	vld.idx.msk [tilespmem:v27+s14+$0x0], $0xffff;
	_ =	sdelay $0x1  }
0x7d8: {  	v61 =	vmov v20;
	v29 =	vor.u32 v20, v9;
	v20 =	vld [tilespmem:$0x1FC60];
	_ =	sdelay $0x2  }
0x7d9: {  	v23 =	vld.idx.msk [tilespmem:v22+s14+$0x0], $0xffff;
	[tilespmem:v37+s17+$0x0] =	vst.idx.msk $0xffff, v35  }
0x7da: {  	v25 =	vor.u32 v18, v2;
	v22 =	vld [tilespmem:$0x1FCD0]  }
0x7db: {  	s31 =	simm.s32 $0x6;
	v36 =	vor.u32 v36, v3;
	v42 =	vmovc v40;
	v40 =	vlaneseq.u32;
	v59 =	vmovc v20;
	v24 =	vor.u32 v20, v5;
	v20 =	vld [tilespmem:$0x1FC70]  }
0x7dc: {  	v15 =	vadd.s32 s31, v40  }
0x7dd: {  	v18 =	vand.u32 $0xF, v15  }
0x7de: {  	v27 =	vld.idx.msk [tilespmem:v21+s14+$0x0], $0xffff;
	v16 =	vshll.u32 v18, $0x7  }
0x7df: {  	v33 =	vor.u32 v40, v16;
	v21 =	vld.idx.msk [tilespmem:v25+s14+$0x0], $0xffff  }
0x7e0: {  	s22 =	simm.s32 $0x7;
	v19 =	vor.u32 v19, v7;
	v22 =	vor.u32 v22, v10;
	v26 =	vor.u32 v20, v6;
	v20 =	vld.idx.msk [tilespmem:v36+s14+$0x0], $0xffff  }
.LBB2_13:
0x7e1: {  	v25 =	vld [tilespmem:$0x1FD90];
	_ =	sdelay $0x4  }
0x7e2: {  	v34 =	vor.u32 v25, v2;
	v25 =	vld [tilespmem:$0x1FD00];
	_ =	sdelay $0x3  }
0x7e3: {  	v19 =	vld.idx.msk [tilespmem:v19+s14+$0x0], $0xffff  }
0x7e4: {  	v35 =	vor.u32 v25, v0;
	v25 =	vmov v14;
	v14 =	vmov v17;
	v17 =	vld.idx.msk [tilespmem:v33+s14+$0x0], $0xffff  }
0x7e5: {  	[tilespmem:v31+s17+$0x0] =	vst.idx.msk $0xffff, v30;
	v30 =	vld [tilespmem:$0x1FF50]  }
0x7e6: {  	v31 =	vld [tilespmem:$0x1FE60];
	_ =	sdelay $0x4  }
0x7e7: {  	v30 =	vor.u32 v30, v3;
	v31 =	vor.u32 v31, v4  }
0x7e8: {  	v33 =	vor.u32 v38, v18;
	v32 =	vld.idx.msk [tilespmem:v32+s14+$0x0], $0xffff;
	[tilespmem:v28+s17+$0x0] =	vst.idx.msk $0xffff, v27  }
0x7e9: {  	v29 =	vld.idx.msk [tilespmem:v29+s14+$0x0], $0xffff;
	[tilespmem:v24+s17+$0x0] =	vst.idx.msk $0xffff, v23  }
0x7ea: {  	v26 =	vld.idx.msk [tilespmem:v26+s14+$0x0], $0xffff;
	[tilespmem:v22+s17+$0x0] =	vst.idx.msk $0xffff, v21  }
0x7eb: {  	v34 =	vld.idx.msk [tilespmem:v34+s14+$0x0], $0xffff;
	[tilespmem:v35+s17+$0x0] =	vst.idx.msk $0xffff, v20  }
0x7ec: {  	v30 =	vld.idx.msk [tilespmem:v30+s14+$0x0], $0xffff;
	[tilespmem:v31+s17+$0x0] =	vst.idx.msk $0xffff, v19  }
0x7ed: {  	[tilespmem:v33+s17+$0x0] =	vst.idx.msk $0xffff, v17;
	v17 =	vld [tilespmem:$0x1FDB0];
	_ =	sdelay $0x2  }
0x7ee: {  	v27 =	vld [tilespmem:$0x1FE70];
	_ =	sdelay $0x1  }
0x7ef: {  	v19 =	vor.u32 v17, v2;
	v17 =	vld [tilespmem:$0x1FEE0];
	_ =	sdelay $0x2  }
0x7f0: {  	v27 =	vor.u32 v27, v7  }
0x7f1: {  	v28 =	vor.u32 v39, v16  }
0x7f2: {  	v36 =	vor.u32 v48, v14;
	v31 =	vor.u32 v17, v0;
	v17 =	vld [tilespmem:$0x1FF00]  }
0x7f3: {  	v39 =	vld [tilespmem:$0x1FDA0]  }
0x7f4: {  	v22 =	vld [tilespmem:$0x1FD50]  }
0x7f5: {  	v27 =	vld.idx.msk [tilespmem:v27+s14+$0x0], $0xffff  }
0x7f6: {  	v28 =	vld.idx.msk [tilespmem:v28+s14+$0x0], $0xffff  }
0x7f7: {  	[tilespmem:v36+s17+$0x0] =	vst.idx.msk $0xffff, v32;
	v32 =	vor.u32 v17, v3;
	v17 =	vld [tilespmem:$0x1FE80]  }
0x7f8: {  	v20 =	vld [tilespmem:$0x1FC80];
	_ =	sdelay $0x2  }
0x7f9: {  	v23 =	vor.u32 v50, v12;
	v24 =	vor.u32 v60, v8  }
0x7fa: {  	v21 =	vor.u32 v41, v9;
	v22 =	vor.u32 v22, v5;
	v33 =	vor.u32 v17, v4;
	v17 =	vld [tilespmem:$0x1FE90]  }
0x7fb: {  	v35 =	vor.u32 v39, v10;
	v20 =	vor.u32 v20, v6;
	_ =	sdelay $0x2  }
0x7fc: {  	v36 =	vor.u32 v43, v18;
	v23 =	vld.idx.msk [tilespmem:v23+s14+$0x0], $0xffff;
	[tilespmem:v24+s17+$0x0] =	vst.idx.msk $0xffff, v29  }
0x7fd: {  	v21 =	vld.idx.msk [tilespmem:v21+s14+$0x0], $0xffff;
	[tilespmem:v22+s17+$0x0] =	vst.idx.msk $0xffff, v26;
	v24 =	vor.u32 v17, v7  }
0x7fe: {  	v29 =	vor.u32 v52, v14;
	v20 =	vld.idx.msk [tilespmem:v20+s14+$0x0], $0xffff;
	[tilespmem:v35+s17+$0x0] =	vst.idx.msk $0xffff, v34  }
0x7ff: {  	v19 =	vld.idx.msk [tilespmem:v19+s14+$0x0], $0xffff;
	[tilespmem:v31+s17+$0x0] =	vst.idx.msk $0xffff, v30  }
0x800: {  	v32 =	vld.idx.msk [tilespmem:v32+s14+$0x0], $0xffff;
	[tilespmem:v33+s17+$0x0] =	vst.idx.msk $0xffff, v27  }
0x801: {  	[tilespmem:v36+s17+$0x0] =	vst.idx.msk $0xffff, v28;
	v28 =	vld [tilespmem:$0x1FF10]  }
0x802: {  	v24 =	vld.idx.msk [tilespmem:v24+s14+$0x0], $0xffff  }
0x803: {  	[tilespmem:v29+s17+$0x0] =	vst.idx.msk $0xffff, v23;
	v29 =	vld [tilespmem:$0x1FED0];
	_ =	sdelay $0x1  }
0x804: {  	v17 =	vmov v18;
	v18 =	vld [tilespmem:$0x1FE10]  }
0x805: {  	v26 =	vld [tilespmem:$0x1FC90]  }
0x806: {  	v30 =	vld [tilespmem:$0x1FDE0];
	v7 =	vmov v3;
	v3 =	vor.u32 v62, v16  }
0x807: {  	v28 =	vor.u32 v28, v0;
	v29 =	vor.u32 v29, v4;
	v4 =	vmov v0;
	v0 =	vld [tilespmem:$0x1FD10];
	_ =	sdelay $0x1  }
0x808: {  	v18 =	vor.u32 v18, v8  }
0x809: {  	v22 =	vor.u32 v53, v12;
	v26 =	vor.u32 v26, v13;
	v31 =	vld [tilespmem:$0x1FCE0]  }
0x80a: {  	v30 =	vor.u32 v30, v9;
	v33 =	vld.idx.msk [tilespmem:v3+s14+$0x0], $0xffff  }
0x80b: {  	v3 =	vor.u32 v0, v7;
	v0 =	vmovc v1;
	v1 =	vmovc v5;
	v5 =	vmov v8;
	v8 =	vmov v11;
	v11 =	vld [tilespmem:$0x1FEB0]  }
0x80c: {  	v27 =	vld [tilespmem:$0x1FCA0]  }
0x80d: {  	v23 =	vld [tilespmem:$0x1FDC0];
	[tilespmem:v18+s17+$0x0] =	vst.idx.msk $0xffff, v21  }
0x80e: {  	v21 =	vld.idx.msk [tilespmem:v22+s14+$0x0], $0xffff;
	[tilespmem:v26+s17+$0x0] =	vst.idx.msk $0xffff, v20  }
0x80f: {  	v26 =	vld.idx.msk [tilespmem:v30+s14+$0x0], $0xffff  }
0x810: {  	v31 =	vor.u32 v31, v10;
	v30 =	vor.u32 v11, v5;
	v11 =	vld [tilespmem:$0x1FCB0]  }
0x811: {  	v27 =	vor.u32 v27, v6  }
0x812: {  	v23 =	vor.u32 v23, v2;
	_ =	sdelay $0x2  }
0x813: {  	[tilespmem:v31+s17+$0x0] =	vst.idx.msk $0xffff, v19;
	v31 =	vor.u32 v11, v13;
	v11 =	vld [tilespmem:$0x1FCC0]  }
0x814: {  	v27 =	vld.idx.msk [tilespmem:v27+s14+$0x0], $0xffff;
	[tilespmem:v28+s17+$0x0] =	vst.idx.msk $0xffff, v32  }
0x815: {  	v23 =	vld.idx.msk [tilespmem:v23+s14+$0x0], $0xffff;
	[tilespmem:v29+s17+$0x0] =	vst.idx.msk $0xffff, v24  }
0x816: {  	v32 =	vld.idx.msk [tilespmem:v3+s14+$0x0], $0xffff  }
0x817: {  	v3 =	vmov v2;
	v2 =	vld [tilespmem:$0x1FEC0]  }
0x818: {  	v24 =	vor.u32 v11, v6;
	v11 =	vld [tilespmem:$0x1FE20];
	_ =	sdelay $0x4  }
0x819: {  	v18 =	vor.u32 v58, v17;
	v29 =	vor.u32 v11, v10;
	v11 =	vmovc v15;
	v15 =	vor.u32 v2, v3;
	v2 =	vld [tilespmem:$0x1FEF0];
	_ =	sdelay $0x3  }
0x81a: {  	v20 =	vor.u32 v46, v16  }
0x81b: {  	v22 =	vor.u32 v54, v14;
	[tilespmem:v18+s17+$0x0] =	vst.idx.msk $0xffff, v33;
	v18 =	vor.u32 v2, v4;
	v2 =	vmov v6;
	v6 =	vld [tilespmem:$0x1FF20];
	_ =	sdelay $0x3  }
0x81c: {  	v19 =	vor.u32 v55, v12;
	v28 =	vor.u32 v45, v9;
	v20 =	vld.idx.msk [tilespmem:v20+s14+$0x0], $0xffff  }
0x81d: {  	[tilespmem:v22+s17+$0x0] =	vst.idx.msk $0xffff, v21;
	v21 =	vor.u32 v6, v7;
	v6 =	vmovc v9;
	v9 =	vmov v12;
	v12 =	vmov v16;
	v16 =	vld [tilespmem:$0x1FE00];
	_ =	sdelay $0x4  }
0x81e: {  	v34 =	vor.u32 v16, v5;
	v16 =	vld [tilespmem:$0x1FD70];
	_ =	sdelay $0x1  }
0x81f: {  	v19 =	vld.idx.msk [tilespmem:v19+s14+$0x0], $0xffff;
	[tilespmem:v30+s17+$0x0] =	vst.idx.msk $0xffff, v26  }
0x820: {  	v28 =	vld.idx.msk [tilespmem:v28+s14+$0x0], $0xffff;
	[tilespmem:v31+s17+$0x0] =	vst.idx.msk $0xffff, v27  }
0x821: {  	v24 =	vld.idx.msk [tilespmem:v24+s14+$0x0], $0xffff  }
0x822: {  	[tilespmem:v29+s17+$0x0] =	vst.idx.msk $0xffff, v23;
	v29 =	vor.u32 v16, v13;
	v16 =	vld [tilespmem:$0x1FD80];
	_ =	sdelay $0x4  }
0x823: {  	v36 =	vor.u32 v16, v2;
	v16 =	vld [tilespmem:$0x1FEA0];
	_ =	sdelay $0x2  }
0x824: {  	v22 =	vor.u32 v47, v17  }
0x825: {  	v26 =	vor.u32 v63, v12  }
0x826: {  	v33 =	vor.u32 v56, v8;
	v37 =	vor.u32 v16, v10;
	v10 =	vmov v13;
	v13 =	vld [tilespmem:$0x1FCF0]  }
0x827: {  	v27 =	vor.u32 v57, v9  }
0x828: {  	v35 =	vld.idx.msk [tilespmem:v15+s14+$0x0], $0xffff;
	[tilespmem:v18+s17+$0x0] =	vst.idx.msk $0xffff, v32;
	v23 =	vor.u32 v42, v6  }
0x829: {  	v38 =	vld.idx.msk [tilespmem:v21+s14+$0x0], $0xffff;
	[tilespmem:v22+s17+$0x0] =	vst.idx.msk $0xffff, v20  }
0x82a: {  	v30 =	vld.idx.msk [tilespmem:v26+s14+$0x0], $0xffff  }
0x82b: {  	[tilespmem:v33+s17+$0x0] =	vst.idx.msk $0xffff, v19;
	v20 =	vor.u32 v13, v3;
	v13 =	vld [tilespmem:$0x1FE40]  }
0x82c: {  	v27 =	vld.idx.msk [tilespmem:v27+s14+$0x0], $0xffff;
	[tilespmem:v34+s17+$0x0] =	vst.idx.msk $0xffff, v28  }
0x82d: {  	v23 =	vld.idx.msk [tilespmem:v23+s14+$0x0], $0xffff;
	[tilespmem:v29+s17+$0x0] =	vst.idx.msk $0xffff, v24  }
0x82e: {  	v21 =	vld.idx.msk [tilespmem:v36+s14+$0x0], $0xffff  }
0x82f: {  	v36 =	vld [tilespmem:$0x1FCD0]  }
0x830: {  	[tilespmem:v37+s17+$0x0] =	vst.idx.msk $0xffff, v35;
	v35 =	vld [tilespmem:$0x1FC70];
	v39 =	vor.u32 v13, v4  }
0x831: {  	p2 =	sne.s32 s22, $0xF;
	v13 =	vld [tilespmem:$0x1FE50]  }
.Ltmp8:
0x832: {  	v15 =	vadd.s32 s22, v40;
	(pc) =	sbr.rel @p2 .LBB2_13-.Ltmp8, $4  }
0x833: {  	v31 =	vor.u32 v51, v17;
	v18 =	vand.u32 $0xF, v15;
	v32 =	vor.u32 v49, v12  }
0x834: {  	v28 =	vor.u32 v44, v8;
	v29 =	vor.u32 v61, v9;
	v16 =	vshll.u32 v18, $0x7;
	v20 =	vld.idx.msk [tilespmem:v20+s14+$0x0], $0xffff  }
0x835: {  	v24 =	vor.u32 v59, v5;
	v33 =	vor.u32 v40, v16;
	[tilespmem:v39+s17+$0x0] =	vst.idx.msk $0xffff, v38;
	v39 =	vld [tilespmem:$0x1FD60]  }
0x836: {  	s22 =	sadd.s32 $0x1, s22;
	v22 =	vor.u32 v36, v10;
	v26 =	vor.u32 v35, v6;
	v19 =	vor.u32 v13, v7;
	v13 =	vmovc v25;
	v38 =	vld [tilespmem:$0x1FD40]  }
0x837: {  	_ =	sdelay $0x3  }
0x838: {  	v25 =	vld.idx.msk [tilespmem:v33+s14+$0x0], $0xffff;
	v40 =	vor.u32 v38, v18  }
0x839: {  	v34 =	vor.u32 v39, v16;
	_ =	sdelay $0x3  }
0x83a: {  	[tilespmem:v40+s17+$0x0] =	vst.idx.msk $0xffff, v25  }
0x83b: {  	v43 =	vor.u32 v43, v18;
	v25 =	vld.idx.msk [tilespmem:v34+s14+$0x0], $0xffff  }
0x83c: {  	v37 =	vor.u32 v62, v16;
	_ =	sdelay $0x3  }
0x83d: {  	[tilespmem:v43+s17+$0x0] =	vst.idx.msk $0xffff, v25  }
0x83e: {  	v40 =	vor.u32 v58, v18;
	v25 =	vld.idx.msk [tilespmem:v37+s14+$0x0], $0xffff  }
0x83f: {  	v43 =	vor.u32 v46, v16;
	_ =	sdelay $0x3  }
0x840: {  	[tilespmem:v40+s17+$0x0] =	vst.idx.msk $0xffff, v25  }
0x841: {  	v58 =	vor.u32 v47, v18;
	v25 =	vld.idx.msk [tilespmem:v43+s14+$0x0], $0xffff  }
0x842: {  	v62 =	vor.u32 v63, v16;
	_ =	sdelay $0x3  }
0x843: {  	[tilespmem:v58+s17+$0x0] =	vst.idx.msk $0xffff, v25  }
0x844: {  	v37 =	vmov v63;
	v63 =	vor.u32 v51, v18;
	v25 =	vld.idx.msk [tilespmem:v62+s14+$0x0], $0xffff  }
0x845: {  	v40 =	vor.u32 v49, v16;
	_ =	sdelay $0x2  }
0x846: {  	[tilespmem:v31+s17+$0x0] =	vst.idx.msk $0xffff, v30  }
0x847: {  	v30 =	vld.idx.msk [tilespmem:v32+s14+$0x0], $0xffff;
	v43 =	vor.u32 v48, v17;
	[tilespmem:v63+s17+$0x0] =	vst.idx.msk $0xffff, v25  }
0x848: {  	v62 =	vor.u32 v48, v18;
	v25 =	vor.u32 v50, v12;
	v58 =	vld.idx.msk [tilespmem:v40+s14+$0x0], $0xffff  }
0x849: {  	v63 =	vor.u32 v50, v16;
	_ =	sdelay $0x2  }
0x84a: {  	[tilespmem:v43+s17+$0x0] =	vst.idx.msk $0xffff, v30  }
0x84b: {  	v40 =	vor.u32 v52, v17;
	v25 =	vld.idx.msk [tilespmem:v25+s14+$0x0], $0xffff;
	[tilespmem:v62+s17+$0x0] =	vst.idx.msk $0xffff, v58  }
0x84c: {  	v49 =	vor.u32 v52, v18;
	v43 =	vor.u32 v53, v12;
	v32 =	vld.idx.msk [tilespmem:v63+s14+$0x0], $0xffff  }
0x84d: {  	v51 =	vmov v50;
	v50 =	vor.u32 v53, v16;
	_ =	sdelay $0x2  }
0x84e: {  	[tilespmem:v40+s17+$0x0] =	vst.idx.msk $0xffff, v25  }
0x84f: {  	v58 =	vor.u32 v54, v17;
	v25 =	vld.idx.msk [tilespmem:v43+s14+$0x0], $0xffff;
	[tilespmem:v49+s17+$0x0] =	vst.idx.msk $0xffff, v32  }
0x850: {  	v62 =	vor.u32 v55, v12;
	v63 =	vor.u32 v54, v18;
	v32 =	vld.idx.msk [tilespmem:v50+s14+$0x0], $0xffff  }
0x851: {  	v40 =	vor.u32 v55, v16;
	_ =	sdelay $0x2  }
0x852: {  	[tilespmem:v58+s17+$0x0] =	vst.idx.msk $0xffff, v25  }
0x853: {  	v43 =	vor.u32 v56, v11;
	v25 =	vld.idx.msk [tilespmem:v62+s14+$0x0], $0xffff;
	[tilespmem:v63+s17+$0x0] =	vst.idx.msk $0xffff, v32  }
0x854: {  	v49 =	vor.u32 v57, v12;
	v50 =	vor.u32 v56, v15;
	v32 =	vld.idx.msk [tilespmem:v40+s14+$0x0], $0xffff  }
0x855: {  	v57 =	vor.u32 v57, v16;
	_ =	sdelay $0x2  }
0x856: {  	[tilespmem:v43+s17+$0x0] =	vst.idx.msk $0xffff, v25  }
0x857: {  	v58 =	vor.u32 v44, v11;
	v25 =	vld.idx.msk [tilespmem:v49+s14+$0x0], $0xffff;
	[tilespmem:v50+s17+$0x0] =	vst.idx.msk $0xffff, v32  }
0x858: {  	[tilespmem:v28+s17+$0x0] =	vst.idx.msk $0xffff, v27;
	v62 =	vor.u32 v61, v12;
	v63 =	vor.u32 v44, v15;
	v32 =	vld.idx.msk [tilespmem:v57+s14+$0x0], $0xffff  }
0x859: {  	v27 =	vld.idx.msk [tilespmem:v29+s14+$0x0], $0xffff;
	v40 =	vor.u32 v61, v16;
	v43 =	vor.u32 v60, v8;
	_ =	sdelay $0x2  }
0x85a: {  	[tilespmem:v58+s17+$0x0] =	vst.idx.msk $0xffff, v25  }
0x85b: {  	v44 =	vld.idx.msk [tilespmem:v62+s14+$0x0], $0xffff;
	[tilespmem:v63+s17+$0x0] =	vst.idx.msk $0xffff, v32  }
0x85c: {  	[tilespmem:v43+s17+$0x0] =	vst.idx.msk $0xffff, v27;
	v32 =	vld.idx.msk [tilespmem:v40+s14+$0x0], $0xffff  }
0x85d: {  	v49 =	vor.u32 v60, v11;
	v25 =	vor.u32 v41, v9;
	v40 =	vld [tilespmem:$0x1FE10];
	_ =	sdelay $0x3  }
0x85e: {  	v57 =	vor.u32 v60, v15  }
0x85f: {  	v25 =	vld.idx.msk [tilespmem:v25+s14+$0x0], $0xffff;
	[tilespmem:v49+s17+$0x0] =	vst.idx.msk $0xffff, v44;
	v27 =	vor.u32 v40, v8  }
0x860: {  	v60 =	vld [tilespmem:$0x1FDE0];
	_ =	sdelay $0x2  }
0x861: {  	v50 =	vor.u32 v41, v12;
	[tilespmem:v57+s17+$0x0] =	vst.idx.msk $0xffff, v32  }
0x862: {  	v58 =	vor.u32 v41, v16;
	[tilespmem:v27+s17+$0x0] =	vst.idx.msk $0xffff, v25  }
0x863: {  	v61 =	vor.u32 v60, v9;
	v49 =	vld [tilespmem:$0x1FEB0];
	_ =	sdelay $0x2  }
0x864: {  	v29 =	vld.idx.msk [tilespmem:v50+s14+$0x0], $0xffff;
	v62 =	vor.u32 v40, v11  }
0x865: {  	v40 =	vor.u32 v40, v15;
	v32 =	vld.idx.msk [tilespmem:v58+s14+$0x0], $0xffff  }
0x866: {  	v63 =	vor.u32 v60, v12;
	v25 =	vld.idx.msk [tilespmem:v61+s14+$0x0], $0xffff;
	v27 =	vor.u32 v49, v8;
	_ =	sdelay $0x1  }
0x867: {  	v41 =	vor.u32 v60, v16  }
0x868: {  	[tilespmem:v62+s17+$0x0] =	vst.idx.msk $0xffff, v29  }
0x869: {  	[tilespmem:v40+s17+$0x0] =	vst.idx.msk $0xffff, v32  }
0x86a: {  	v29 =	vld.idx.msk [tilespmem:v63+s14+$0x0], $0xffff;
	[tilespmem:v27+s17+$0x0] =	vst.idx.msk $0xffff, v25  }
0x86b: {  	v50 =	vor.u32 v45, v9;
	v57 =	vor.u32 v49, v11;
	v62 =	vld [tilespmem:$0x1FE00]  }
0x86c: {  	v58 =	vor.u32 v45, v12;
	v32 =	vld.idx.msk [tilespmem:v41+s14+$0x0], $0xffff;
	v60 =	vor.u32 v49, v15  }
0x86d: {  	v61 =	vor.u32 v45, v16;
	_ =	sdelay $0x2  }
0x86e: {  	v25 =	vld.idx.msk [tilespmem:v50+s14+$0x0], $0xffff;
	[tilespmem:v57+s17+$0x0] =	vst.idx.msk $0xffff, v29;
	v27 =	vor.u32 v62, v8  }
0x86f: {  	[tilespmem:v60+s17+$0x0] =	vst.idx.msk $0xffff, v32;
	v29 =	vld.idx.msk [tilespmem:v58+s14+$0x0], $0xffff;
	v41 =	vor.u32 v62, v11  }
0x870: {  	v63 =	vor.u32 v42, v9;
	v32 =	vld.idx.msk [tilespmem:v61+s14+$0x0], $0xffff;
	v44 =	vor.u32 v62, v15;
	_ =	sdelay $0x1  }
0x871: {  	[tilespmem:v24+s17+$0x0] =	vst.idx.msk $0xffff, v23  }
0x872: {  	[tilespmem:v27+s17+$0x0] =	vst.idx.msk $0xffff, v25  }
0x873: {  	v43 =	vor.u32 v42, v12;
	[tilespmem:v41+s17+$0x0] =	vst.idx.msk $0xffff, v29  }
0x874: {  	v45 =	vor.u32 v42, v16;
	[tilespmem:v44+s17+$0x0] =	vst.idx.msk $0xffff, v32;
	v25 =	vld.idx.msk [tilespmem:v63+s14+$0x0], $0xffff  }
0x875: {  	v27 =	vor.u32 v59, v8;
	v60 =	vld [tilespmem:$0x1FD50];
	_ =	sdelay $0x2  }
0x876: {  	v50 =	vor.u32 v59, v11;
	v29 =	vld.idx.msk [tilespmem:v43+s14+$0x0], $0xffff  }
0x877: {  	v49 =	vor.u32 v35, v9;
	v58 =	vor.u32 v59, v15;
	v32 =	vld.idx.msk [tilespmem:v45+s14+$0x0], $0xffff  }
0x878: {  	v23 =	vld.idx.msk [tilespmem:v26+s14+$0x0], $0xffff;
	v24 =	vor.u32 v60, v5;
	[tilespmem:v27+s17+$0x0] =	vst.idx.msk $0xffff, v25  }
0x879: {  	v61 =	vld [tilespmem:$0x1FC80];
	_ =	sdelay $0x1  }
0x87a: {  	v57 =	vor.u32 v35, v12;
	[tilespmem:v50+s17+$0x0] =	vst.idx.msk $0xffff, v29  }
0x87b: {  	v59 =	vor.u32 v35, v16;
	v27 =	vor.u32 v60, v8;
	v26 =	vld.idx.msk [tilespmem:v49+s14+$0x0], $0xffff;
	[tilespmem:v58+s17+$0x0] =	vst.idx.msk $0xffff, v32  }
0x87c: {  	[tilespmem:v24+s17+$0x0] =	vst.idx.msk $0xffff, v23  }
0x87d: {  	v25 =	vor.u32 v61, v6;
	v50 =	vld [tilespmem:$0x1FC90];
	_ =	sdelay $0x1  }
0x87e: {  	v29 =	vld.idx.msk [tilespmem:v57+s14+$0x0], $0xffff  }
0x87f: {  	v63 =	vor.u32 v60, v11;
	v32 =	vld.idx.msk [tilespmem:v59+s14+$0x0], $0xffff;
	[tilespmem:v27+s17+$0x0] =	vst.idx.msk $0xffff, v26  }
0x880: {  	v45 =	vor.u32 v60, v15;
	v57 =	vld [tilespmem:$0x1FCA0]  }
0x881: {  	v62 =	vor.u32 v61, v9;
	v23 =	vld.idx.msk [tilespmem:v25+s14+$0x0], $0xffff;
	v24 =	vor.u32 v50, v13;
	_ =	sdelay $0x2  }
0x882: {  	v44 =	vor.u32 v61, v12;
	[tilespmem:v63+s17+$0x0] =	vst.idx.msk $0xffff, v29  }
0x883: {  	v49 =	vor.u32 v61, v16;
	[tilespmem:v45+s17+$0x0] =	vst.idx.msk $0xffff, v32  }
0x884: {  	v26 =	vld.idx.msk [tilespmem:v62+s14+$0x0], $0xffff;
	v27 =	vor.u32 v50, v14;
	v25 =	vor.u32 v57, v6;
	[tilespmem:v24+s17+$0x0] =	vst.idx.msk $0xffff, v23  }
0x885: {  	v63 =	vld [tilespmem:$0x1FCB0];
	_ =	sdelay $0x1  }
0x886: {  	v29 =	vld.idx.msk [tilespmem:v44+s14+$0x0], $0xffff  }
0x887: {  	v59 =	vor.u32 v50, v17;
	v32 =	vld.idx.msk [tilespmem:v49+s14+$0x0], $0xffff  }
0x888: {  	v61 =	vor.u32 v50, v18;
	v58 =	vor.u32 v57, v9;
	v23 =	vld.idx.msk [tilespmem:v25+s14+$0x0], $0xffff;
	[tilespmem:v27+s17+$0x0] =	vst.idx.msk $0xffff, v26  }
0x889: {  	v62 =	vor.u32 v57, v16;
	v42 =	vld [tilespmem:$0x1FCC0];
	v24 =	vor.u32 v63, v13;
	_ =	sdelay $0x2  }
0x88a: {  	v60 =	vor.u32 v57, v12;
	[tilespmem:v59+s17+$0x0] =	vst.idx.msk $0xffff, v29  }
0x88b: {  	v26 =	vld.idx.msk [tilespmem:v58+s14+$0x0], $0xffff;
	[tilespmem:v61+s17+$0x0] =	vst.idx.msk $0xffff, v32  }
0x88c: {  	v32 =	vld.idx.msk [tilespmem:v62+s14+$0x0], $0xffff;
	v27 =	vor.u32 v63, v14;
	v25 =	vor.u32 v42, v6;
	[tilespmem:v24+s17+$0x0] =	vst.idx.msk $0xffff, v23  }
0x88d: {  	v62 =	vld [tilespmem:$0x1FD70];
	_ =	sdelay $0x1  }
0x88e: {  	v29 =	vld.idx.msk [tilespmem:v60+s14+$0x0], $0xffff;
	v44 =	vor.u32 v63, v17;
	v43 =	vor.u32 v42, v9  }
0x88f: {  	v49 =	vor.u32 v63, v18;
	v45 =	vor.u32 v42, v12  }
0x890: {  	v50 =	vor.u32 v42, v16;
	v23 =	vld.idx.msk [tilespmem:v25+s14+$0x0], $0xffff;
	[tilespmem:v27+s17+$0x0] =	vst.idx.msk $0xffff, v26  }
0x891: {  	v57 =	vld [tilespmem:$0x1FD80];
	v24 =	vor.u32 v62, v13;
	_ =	sdelay $0x1  }
0x892: {  	v26 =	vld.idx.msk [tilespmem:v43+s14+$0x0], $0xffff;
	[tilespmem:v44+s17+$0x0] =	vst.idx.msk $0xffff, v29;
	v27 =	vor.u32 v62, v14  }
0x893: {  	[tilespmem:v49+s17+$0x0] =	vst.idx.msk $0xffff, v32;
	v29 =	vld.idx.msk [tilespmem:v45+s14+$0x0], $0xffff;
	v59 =	vor.u32 v62, v17  }
0x894: {  	v32 =	vld.idx.msk [tilespmem:v50+s14+$0x0], $0xffff;
	v61 =	vor.u32 v62, v18  }
0x895: {  	v25 =	vor.u32 v57, v6;
	[tilespmem:v24+s17+$0x0] =	vst.idx.msk $0xffff, v23  }
0x896: {  	v40 =	vld [tilespmem:$0x1FD90]  }
0x897: {  	[tilespmem:v27+s17+$0x0] =	vst.idx.msk $0xffff, v26  }
0x898: {  	v58 =	vor.u32 v57, v9;
	[tilespmem:v59+s17+$0x0] =	vst.idx.msk $0xffff, v29  }
0x899: {  	v60 =	vor.u32 v57, v12;
	[tilespmem:v61+s17+$0x0] =	vst.idx.msk $0xffff, v32  }
0x89a: {  	v63 =	vor.u32 v57, v16;
	v24 =	vld.idx.msk [tilespmem:v25+s14+$0x0], $0xffff;
	[tilespmem:v22+s17+$0x0] =	vst.idx.msk $0xffff, v21  }
0x89b: {  	v25 =	vor.u32 v36, v13;
	v49 =	vld [tilespmem:$0x1FDA0];
	v23 =	vor.u32 v40, v2  }
0x89c: {  	v26 =	vor.u32 v40, v6  }
0x89d: {  	v41 =	vor.u32 v36, v14;
	v27 =	vld.idx.msk [tilespmem:v58+s14+$0x0], $0xffff  }
0x89e: {  	v43 =	vor.u32 v36, v17;
	v30 =	vld.idx.msk [tilespmem:v60+s14+$0x0], $0xffff  }
0x89f: {  	v45 =	vor.u32 v36, v18;
	v33 =	vld.idx.msk [tilespmem:v63+s14+$0x0], $0xffff  }
0x8a0: {  	v42 =	vor.u32 v40, v9;
	[tilespmem:v25+s17+$0x0] =	vst.idx.msk $0xffff, v24;
	v22 =	vld.idx.msk [tilespmem:v23+s14+$0x0], $0xffff;
	v23 =	vor.u32 v49, v10  }
0x8a1: {  	v25 =	vld.idx.msk [tilespmem:v26+s14+$0x0], $0xffff;
	v26 =	vor.u32 v49, v13  }
0x8a2: {  	v50 =	vld [tilespmem:$0x1FDB0];
	[tilespmem:v41+s17+$0x0] =	vst.idx.msk $0xffff, v27  }
0x8a3: {  	[tilespmem:v43+s17+$0x0] =	vst.idx.msk $0xffff, v30  }
0x8a4: {  	v44 =	vor.u32 v40, v12;
	[tilespmem:v45+s17+$0x0] =	vst.idx.msk $0xffff, v33  }
0x8a5: {  	v21 =	vor.u32 v40, v16;
	v28 =	vld.idx.msk [tilespmem:v42+s14+$0x0], $0xffff;
	[tilespmem:v23+s17+$0x0] =	vst.idx.msk $0xffff, v22  }
0x8a6: {  	v43 =	vld [tilespmem:$0x1FD00];
	[tilespmem:v26+s17+$0x0] =	vst.idx.msk $0xffff, v25  }
0x8a7: {  	v24 =	vor.u32 v50, v2;
	v42 =	vld [tilespmem:$0x1FCE0]  }
0x8a8: {  	v58 =	vor.u32 v49, v14;
	v27 =	vor.u32 v50, v6  }
0x8a9: {  	v61 =	vor.u32 v49, v17;
	v31 =	vld.idx.msk [tilespmem:v44+s14+$0x0], $0xffff  }
0x8aa: {  	v36 =	vor.u32 v49, v18;
	v21 =	vld.idx.msk [tilespmem:v21+s14+$0x0], $0xffff;
	v59 =	vor.u32 v50, v9  }
0x8ab: {  	v63 =	vor.u32 v50, v12;
	v22 =	vor.u32 v43, v0  }
0x8ac: {  	v23 =	vor.u32 v50, v16;
	v24 =	vld.idx.msk [tilespmem:v24+s14+$0x0], $0xffff;
	v25 =	vor.u32 v42, v10  }
0x8ad: {  	[tilespmem:v58+s17+$0x0] =	vst.idx.msk $0xffff, v28;
	v27 =	vld.idx.msk [tilespmem:v27+s14+$0x0], $0xffff;
	v50 =	vor.u32 v42, v13  }
0x8ae: {  	v49 =	vld [tilespmem:$0x1FDC0];
	[tilespmem:v61+s17+$0x0] =	vst.idx.msk $0xffff, v31  }
0x8af: {  	v30 =	vld.idx.msk [tilespmem:v59+s14+$0x0], $0xffff;
	[tilespmem:v36+s17+$0x0] =	vst.idx.msk $0xffff, v21;
	v61 =	vor.u32 v42, v14  }
0x8b0: {  	v32 =	vld.idx.msk [tilespmem:v63+s14+$0x0], $0xffff;
	[tilespmem:v22+s17+$0x0] =	vst.idx.msk $0xffff, v20  }
0x8b1: {  	v22 =	vld.idx.msk [tilespmem:v23+s14+$0x0], $0xffff;
	[tilespmem:v25+s17+$0x0] =	vst.idx.msk $0xffff, v24  }
0x8b2: {  	v59 =	vld [tilespmem:$0x1FE60];
	[tilespmem:v50+s17+$0x0] =	vst.idx.msk $0xffff, v27  }
0x8b3: {  	v63 =	vor.u32 v42, v17;
	v26 =	vor.u32 v49, v2;
	v44 =	vld [tilespmem:$0x1FE20]  }
0x8b4: {  	v60 =	vor.u32 v49, v6;
	v23 =	vor.u32 v42, v18;
	v42 =	vld [tilespmem:$0x1FF50];
	[tilespmem:v61+s17+$0x0] =	vst.idx.msk $0xffff, v30  }
0x8b5: {  	v21 =	vor.u32 v49, v9;
	v20 =	vor.u32 v49, v12;
	v25 =	vor.u32 v49, v16;
	v49 =	vld [tilespmem:$0x1FEC0];
	_ =	sdelay $0x1  }
0x8b6: {  	v19 =	vld.idx.msk [tilespmem:v19+s14+$0x0], $0xffff;
	v24 =	vor.u32 v59, v4  }
0x8b7: {  	v26 =	vld.idx.msk [tilespmem:v26+s14+$0x0], $0xffff;
	v45 =	vor.u32 v44, v10;
	_ =	sdelay $0x1  }
0x8b8: {  	v29 =	vld.idx.msk [tilespmem:v60+s14+$0x0], $0xffff;
	[tilespmem:v63+s17+$0x0] =	vst.idx.msk $0xffff, v32;
	v57 =	vor.u32 v44, v13;
	v50 =	vor.u32 v49, v2  }
0x8b9: {  	[tilespmem:v23+s17+$0x0] =	vst.idx.msk $0xffff, v22  }
0x8ba: {  	v21 =	vld.idx.msk [tilespmem:v21+s14+$0x0], $0xffff;
	[tilespmem:v24+s17+$0x0] =	vst.idx.msk $0xffff, v19  }
0x8bb: {  	v27 =	vor.u32 v42, v3;
	v24 =	vld.idx.msk [tilespmem:v25+s14+$0x0], $0xffff;
	[tilespmem:v45+s17+$0x0] =	vst.idx.msk $0xffff, v26  }
0x8bc: {  	v58 =	vor.u32 v44, v14;
	v23 =	vor.u32 v44, v17;
	v25 =	vor.u32 v44, v18;
	v44 =	vld [tilespmem:$0x1FEE0]  }
0x8bd: {  	[tilespmem:v57+s17+$0x0] =	vst.idx.msk $0xffff, v29;
	v30 =	vld.idx.msk [tilespmem:v50+s14+$0x0], $0xffff  }
0x8be: {  	v50 =	vld [tilespmem:$0x1FEA0];
	_ =	sdelay $0x1  }
0x8bf: {  	v20 =	vld.idx.msk [tilespmem:v20+s14+$0x0], $0xffff  }
0x8c0: {  	v27 =	vld.idx.msk [tilespmem:v27+s14+$0x0], $0xffff  }
0x8c1: {  	v32 =	vor.u32 v49, v6;
	v41 =	vld [tilespmem:$0x1FE70];
	[tilespmem:v58+s17+$0x0] =	vst.idx.msk $0xffff, v21;
	v26 =	vor.u32 v44, v0  }
0x8c2: {  	v22 =	vor.u32 v49, v9;
	v33 =	vld [tilespmem:$0x1FCF0];
	v57 =	vor.u32 v50, v10;
	_ =	sdelay $0x1  }
0x8c3: {  	v19 =	vor.u32 v49, v12;
	[tilespmem:v23+s17+$0x0] =	vst.idx.msk $0xffff, v20  }
0x8c4: {  	v45 =	vor.u32 v49, v16;
	[tilespmem:v25+s17+$0x0] =	vst.idx.msk $0xffff, v24  }
0x8c5: {  	v31 =	vld.idx.msk [tilespmem:v32+s14+$0x0], $0xffff;
	v49 =	vor.u32 v41, v7;
	[tilespmem:v26+s17+$0x0] =	vst.idx.msk $0xffff, v27  }
0x8c6: {  	v22 =	vld.idx.msk [tilespmem:v22+s14+$0x0], $0xffff;
	v13 =	vor.u32 v50, v13;
	v21 =	vor.u32 v33, v2;
	[tilespmem:v57+s17+$0x0] =	vst.idx.msk $0xffff, v30  }
0x8c7: {  	v32 =	vld [tilespmem:$0x1FE80]  }
0x8c8: {  	v19 =	vld.idx.msk [tilespmem:v19+s14+$0x0], $0xffff;
	v14 =	vor.u32 v50, v14  }
0x8c9: {  	v25 =	vld.idx.msk [tilespmem:v45+s14+$0x0], $0xffff;
	v17 =	vor.u32 v50, v17  }
0x8ca: {  	v34 =	vor.u32 v43, v1;
	v18 =	vor.u32 v50, v18;
	v26 =	vld.idx.msk [tilespmem:v49+s14+$0x0], $0xffff  }
0x8cb: {  	v20 =	vor.u32 v33, v6;
	v23 =	vor.u32 v33, v9;
	[tilespmem:v13+s17+$0x0] =	vst.idx.msk $0xffff, v31;
	v21 =	vld.idx.msk [tilespmem:v21+s14+$0x0], $0xffff  }
0x8cc: {  	v24 =	vor.u32 v33, v12;
	v27 =	vor.u32 v33, v16;
	v33 =	vld [tilespmem:$0x1FF00];
	v58 =	vor.u32 v32, v4  }
0x8cd: {  	[tilespmem:v14+s17+$0x0] =	vst.idx.msk $0xffff, v22  }
0x8ce: {  	[tilespmem:v17+s17+$0x0] =	vst.idx.msk $0xffff, v19  }
0x8cf: {  	v14 =	vor.u32 v42, v2;
	[tilespmem:v18+s17+$0x0] =	vst.idx.msk $0xffff, v25  }
0x8d0: {  	v20 =	vld.idx.msk [tilespmem:v20+s14+$0x0], $0xffff;
	[tilespmem:v34+s17+$0x0] =	vst.idx.msk $0xffff, v21  }
0x8d1: {  	v22 =	vor.u32 v43, v5;
	v19 =	vld.idx.msk [tilespmem:v23+s14+$0x0], $0xffff;
	v13 =	vor.u32 v33, v3;
	[tilespmem:v58+s17+$0x0] =	vst.idx.msk $0xffff, v26  }
0x8d2: {  	v30 =	vld [tilespmem:$0x1FF10]  }
0x8d3: {  	v23 =	vor.u32 v43, v8;
	v24 =	vld.idx.msk [tilespmem:v24+s14+$0x0], $0xffff  }
0x8d4: {  	v25 =	vor.u32 v43, v11;
	v14 =	vld.idx.msk [tilespmem:v14+s14+$0x0], $0xffff  }
0x8d5: {  	v36 =	vor.u32 v42, v12;
	v26 =	vld.idx.msk [tilespmem:v27+s14+$0x0], $0xffff;
	v27 =	vor.u32 v43, v15  }
0x8d6: {  	v17 =	vor.u32 v42, v6;
	v13 =	vld.idx.msk [tilespmem:v13+s14+$0x0], $0xffff;
	[tilespmem:v22+s17+$0x0] =	vst.idx.msk $0xffff, v20;
	v20 =	vor.u32 v44, v1  }
0x8d7: {  	v40 =	vor.u32 v42, v16;
	v18 =	vor.u32 v42, v9;
	v42 =	vld [tilespmem:$0x1FE90];
	v21 =	vor.u32 v30, v0  }
0x8d8: {  	[tilespmem:v23+s17+$0x0] =	vst.idx.msk $0xffff, v19  }
0x8d9: {  	[tilespmem:v25+s17+$0x0] =	vst.idx.msk $0xffff, v24  }
0x8da: {  	v19 =	vor.u32 v33, v2;
	[tilespmem:v27+s17+$0x0] =	vst.idx.msk $0xffff, v26  }
0x8db: {  	v17 =	vld.idx.msk [tilespmem:v17+s14+$0x0], $0xffff;
	[tilespmem:v20+s17+$0x0] =	vst.idx.msk $0xffff, v14  }
0x8dc: {  	v22 =	vor.u32 v44, v5;
	v18 =	vld.idx.msk [tilespmem:v18+s14+$0x0], $0xffff;
	v7 =	vor.u32 v42, v7;
	[tilespmem:v21+s17+$0x0] =	vst.idx.msk $0xffff, v13  }
0x8dd: {  	v31 =	vld [tilespmem:$0x1FED0]  }
0x8de: {  	v24 =	vor.u32 v44, v8;
	v10 =	vld.idx.msk [tilespmem:v36+s14+$0x0], $0xffff  }
0x8df: {  	v26 =	vor.u32 v44, v11;
	v19 =	vld.idx.msk [tilespmem:v19+s14+$0x0], $0xffff  }
0x8e0: {  	v20 =	vor.u32 v30, v1;
	v21 =	vld.idx.msk [tilespmem:v40+s14+$0x0], $0xffff  }
0x8e1: {  	v27 =	vor.u32 v44, v15;
	v7 =	vld.idx.msk [tilespmem:v7+s14+$0x0], $0xffff;
	[tilespmem:v22+s17+$0x0] =	vst.idx.msk $0xffff, v17  }
0x8e2: {  	v23 =	vor.u32 v33, v6;
	v43 =	vld [tilespmem:$0x1FD10];
	v4 =	vor.u32 v31, v4  }
0x8e3: {  	[tilespmem:v24+s17+$0x0] =	vst.idx.msk $0xffff, v18  }
0x8e4: {  	v25 =	vor.u32 v33, v9;
	[tilespmem:v26+s17+$0x0] =	vst.idx.msk $0xffff, v10  }
0x8e5: {  	v13 =	vor.u32 v33, v12;
	[tilespmem:v20+s17+$0x0] =	vst.idx.msk $0xffff, v19  }
0x8e6: {  	v14 =	vor.u32 v33, v16;
	[tilespmem:v27+s17+$0x0] =	vst.idx.msk $0xffff, v21  }
0x8e7: {  	v22 =	vld.idx.msk [tilespmem:v23+s14+$0x0], $0xffff;
	v17 =	vor.u32 v43, v3;
	[tilespmem:v4+s17+$0x0] =	vst.idx.msk $0xffff, v7  }
0x8e8: {  	v23 =	vor.u32 v30, v5;
	v18 =	vor.u32 v43, v2;
	v27 =	vld [tilespmem:$0x1FEF0]  }
0x8e9: {  	v24 =	vld.idx.msk [tilespmem:v25+s14+$0x0], $0xffff  }
0x8ea: {  	v25 =	vor.u32 v30, v8;
	v13 =	vld.idx.msk [tilespmem:v13+s14+$0x0], $0xffff;
	v44 =	vor.u32 v43, v6  }
0x8eb: {  	v26 =	vor.u32 v30, v11;
	v7 =	vld.idx.msk [tilespmem:v14+s14+$0x0], $0xffff  }
0x8ec: {  	v14 =	vor.u32 v30, v15;
	v17 =	vld.idx.msk [tilespmem:v17+s14+$0x0], $0xffff  }
0x8ed: {  	[tilespmem:v23+s17+$0x0] =	vst.idx.msk $0xffff, v22;
	v18 =	vld.idx.msk [tilespmem:v18+s14+$0x0], $0xffff;
	v19 =	vor.u32 v27, v0  }
0x8ee: {  	v45 =	vld [tilespmem:$0x1FF20];
	v23 =	vor.u32 v27, v1  }
0x8ef: {  	[tilespmem:v25+s17+$0x0] =	vst.idx.msk $0xffff, v24;
	v10 =	vld.idx.msk [tilespmem:v44+s14+$0x0], $0xffff;
	v25 =	vor.u32 v27, v5  }
0x8f0: {  	[tilespmem:v26+s17+$0x0] =	vst.idx.msk $0xffff, v13  }
0x8f1: {  	v21 =	vor.u32 v43, v9;
	[tilespmem:v14+s17+$0x0] =	vst.idx.msk $0xffff, v7  }
0x8f2: {  	v4 =	vor.u32 v43, v12;
	[tilespmem:v19+s17+$0x0] =	vst.idx.msk $0xffff, v17  }
0x8f3: {  	v20 =	vor.u32 v43, v16;
	[tilespmem:v23+s17+$0x0] =	vst.idx.msk $0xffff, v18  }
0x8f4: {  	v22 =	vor.u32 v45, v3;
	v49 =	vld [tilespmem:$0x1FE40];
	[tilespmem:v25+s17+$0x0] =	vst.idx.msk $0xffff, v10  }
0x8f5: {  	v24 =	vor.u32 v45, v2;
	v34 =	vld [tilespmem:$0x1FE50]  }
0x8f6: {  	v21 =	vld.idx.msk [tilespmem:v21+s14+$0x0], $0xffff;
	v26 =	vor.u32 v27, v8;
	v13 =	vor.u32 v45, v6  }
0x8f7: {  	v4 =	vld.idx.msk [tilespmem:v4+s14+$0x0], $0xffff;
	v14 =	vor.u32 v27, v11;
	v7 =	vor.u32 v45, v9  }
0x8f8: {  	v17 =	vor.u32 v45, v12;
	v19 =	vld.idx.msk [tilespmem:v20+s14+$0x0], $0xffff;
	v20 =	vor.u32 v27, v15  }
0x8f9: {  	v23 =	vor.u32 v45, v16;
	v22 =	vld.idx.msk [tilespmem:v22+s14+$0x0], $0xffff;
	v18 =	vor.u32 v49, v0  }
0x8fa: {  	v24 =	vld.idx.msk [tilespmem:v24+s14+$0x0], $0xffff;
	v25 =	vor.u32 v49, v1;
	v57 =	vor.u32 v34, v3  }
0x8fb: {  	[tilespmem:v26+s17+$0x0] =	vst.idx.msk $0xffff, v21;
	v13 =	vld.idx.msk [tilespmem:v13+s14+$0x0], $0xffff;
	v26 =	vor.u32 v49, v5;
	v21 =	vor.u32 v34, v2  }
0x8fc: {  	[tilespmem:v14+s17+$0x0] =	vst.idx.msk $0xffff, v4;
	v7 =	vld.idx.msk [tilespmem:v7+s14+$0x0], $0xffff;
	v14 =	vor.u32 v49, v8;
	v4 =	vor.u32 v34, v6  }
0x8fd: {  	[tilespmem:v20+s17+$0x0] =	vst.idx.msk $0xffff, v19;
	v17 =	vld.idx.msk [tilespmem:v17+s14+$0x0], $0xffff;
	v20 =	vor.u32 v49, v11;
	v19 =	vor.u32 v34, v9  }
0x8fe: {  	[tilespmem:v18+s17+$0x0] =	vst.idx.msk $0xffff, v22;
	v18 =	vor.u32 v34, v12;
	v22 =	vld.idx.msk [tilespmem:v23+s14+$0x0], $0xffff;
	v23 =	vor.u32 v49, v15  }
0x8ff: {  	[tilespmem:v25+s17+$0x0] =	vst.idx.msk $0xffff, v24;
	v24 =	vor.u32 v59, v0;
	v25 =	vor.u32 v34, v16;
	v10 =	vld.idx.msk [tilespmem:v57+s14+$0x0], $0xffff  }
0x900: {  	[tilespmem:v26+s17+$0x0] =	vst.idx.msk $0xffff, v13;
	v13 =	vor.u32 v41, v3;
	v26 =	vor.u32 v59, v1;
	v21 =	vld.idx.msk [tilespmem:v21+s14+$0x0], $0xffff  }
0x901: {  	[tilespmem:v14+s17+$0x0] =	vst.idx.msk $0xffff, v7;
	v7 =	vor.u32 v41, v2;
	v14 =	vor.u32 v59, v5;
	v4 =	vld.idx.msk [tilespmem:v4+s14+$0x0], $0xffff  }
0x902: {  	[tilespmem:v20+s17+$0x0] =	vst.idx.msk $0xffff, v17;
	v17 =	vor.u32 v41, v6;
	v20 =	vor.u32 v59, v8;
	v19 =	vld.idx.msk [tilespmem:v19+s14+$0x0], $0xffff  }
0x903: {  	[tilespmem:v23+s17+$0x0] =	vst.idx.msk $0xffff, v22;
	v22 =	vor.u32 v41, v9;
	v18 =	vld.idx.msk [tilespmem:v18+s14+$0x0], $0xffff;
	v23 =	vor.u32 v59, v11  }
0x904: {  	v58 =	vor.u32 v41, v12;
	[tilespmem:v24+s17+$0x0] =	vst.idx.msk $0xffff, v10;
	v24 =	vld.idx.msk [tilespmem:v25+s14+$0x0], $0xffff;
	v25 =	vor.u32 v59, v15  }
0x905: {  	[tilespmem:v26+s17+$0x0] =	vst.idx.msk $0xffff, v21;
	v21 =	vor.u32 v32, v0;
	v26 =	vor.u32 v41, v16;
	v13 =	vld.idx.msk [tilespmem:v13+s14+$0x0], $0xffff  }
0x906: {  	v3 =	vor.u32 v42, v3;
	[tilespmem:v14+s17+$0x0] =	vst.idx.msk $0xffff, v4;
	v4 =	vld.idx.msk [tilespmem:v7+s14+$0x0], $0xffff;
	v7 =	vor.u32 v32, v1  }
0x907: {  	v2 =	vor.u32 v42, v2;
	[tilespmem:v20+s17+$0x0] =	vst.idx.msk $0xffff, v19;
	v14 =	vld.idx.msk [tilespmem:v17+s14+$0x0], $0xffff;
	v17 =	vor.u32 v32, v5  }
0x908: {  	v6 =	vor.u32 v42, v6;
	v19 =	vor.u32 v32, v8;
	[tilespmem:v23+s17+$0x0] =	vst.idx.msk $0xffff, v18;
	v18 =	vld.idx.msk [tilespmem:v22+s14+$0x0], $0xffff  }
0x909: {  	v59 =	vor.u32 v42, v9;
	v20 =	vor.u32 v32, v11;
	[tilespmem:v25+s17+$0x0] =	vst.idx.msk $0xffff, v24;
	v10 =	vld.idx.msk [tilespmem:v58+s14+$0x0], $0xffff  }
0x90a: {  	v12 =	vor.u32 v42, v12;
	[tilespmem:v21+s17+$0x0] =	vst.idx.msk $0xffff, v13;
	v13 =	vld.idx.msk [tilespmem:v26+s14+$0x0], $0xffff;
	v21 =	vor.u32 v32, v15  }
0x90b: {  	v0 =	vor.u32 v31, v0;
	[tilespmem:v7+s17+$0x0] =	vst.idx.msk $0xffff, v4;
	v4 =	vor.u32 v42, v16;
	v3 =	vld.idx.msk [tilespmem:v3+s14+$0x0], $0xffff  }
0x90c: {  	v1 =	vor.u32 v31, v1;
	[tilespmem:v17+s17+$0x0] =	vst.idx.msk $0xffff, v14;
	v2 =	vld.idx.msk [tilespmem:v2+s14+$0x0], $0xffff  }
0x90d: {  	v5 =	vor.u32 v31, v5;
	v6 =	vld.idx.msk [tilespmem:v6+s14+$0x0], $0xffff;
	[tilespmem:v19+s17+$0x0] =	vst.idx.msk $0xffff, v18  }
0x90e: {  	v60 =	vor.u32 v31, v8;
	[tilespmem:v20+s17+$0x0] =	vst.idx.msk $0xffff, v10;
	v7 =	vld.idx.msk [tilespmem:v59+s14+$0x0], $0xffff  }
0x90f: {  	v63 =	vor.u32 v31, v11;
	[tilespmem:v21+s17+$0x0] =	vst.idx.msk $0xffff, v13;
	v61 =	vld.idx.msk [tilespmem:v12+s14+$0x0], $0xffff  }
0x910: {  	[tilespmem:v0+s17+$0x0] =	vst.idx.msk $0xffff, v3;
	v0 =	vld.idx.msk [tilespmem:v4+s14+$0x0], $0xffff;
	v3 =	vor.u32 v31, v15  }
0x911: {  	[tilespmem:v1+s17+$0x0] =	vst.idx.msk $0xffff, v2  }
0x912: {  	[tilespmem:v5+s17+$0x0] =	vst.idx.msk $0xffff, v6  }
0x913: {  	[tilespmem:v60+s17+$0x0] =	vst.idx.msk $0xffff, v7  }
0x914: {  	[tilespmem:v63+s17+$0x0] =	vst.idx.msk $0xffff, v61  }
0x915: {  	[tilespmem:v3+s17+$0x0] =	vst.idx.msk $0xffff, v0  }
0x916: {  	[hbm4b:s9+s3] =	stream.linear.scatter [tilespmem:s17], [sflag:$0x5], $0x2000, $0x38;
	[tilespmem:$0x8000] =	vst v63  }
0x917: {  	_ =	swait.ge [sflag:s20], $0x2000  }
0x918: {  	v43 =	vld [tilespmem:$0x1FF60]  }
0x919: {  	v5 =	vld [tilespmem:$0x1FF70]  }
0x91a: {  	v3 =	vld [tilespmem:$0x1FF80]  }
0x91b: {  	v13 =	vld [tilespmem:$0x1FF30]  }
0x91c: {  	v20 =	vld [tilespmem:$0x1FE30]  }
0x91d: {  	v22 =	vld [tilespmem:$0x1FE00]  }
0x91e: {  	v58 =	vld [tilespmem:$0x1FD50]  }
0x91f: {  	v57 =	vld [tilespmem:$0x1FF40]  }
0x920: {  	v14 =	vld [tilespmem:$0x1FD20]  }
0x921: {  	v23 =	vld [tilespmem:$0x1FFE0]  }
.Ltmp9:
0x922: {  	v26 =	vld [tilespmem:$0x1FDD0];
	(pc) =	sbr.rel .LBB2_15-.Ltmp9, $4  }
0x923: {  	v17 =	vld [tilespmem:$0x1FDF0]  }
0x924: {  	v19 =	vld [tilespmem:$0x1FDE0]  }
0x925: {  	[sflag:s20] =	ssyncset.done $0x0;
	v18 =	vld [tilespmem:$0x1FE10]  }
0x926: {  	v15 =	vmov v62;
	v21 =	vld [tilespmem:$0x1FD30];
	[sflag:s20] =	ssyncadd.s32 $0xFFFFE000  }
.LBB2_16:
0x927: {  	_ =	sfence.sel $0x180000  }
0x928: {  	[bflag:$0x0] =	sbarrier.arrive $0xFFFF  }
0x929: {  	p0 =	sne.s32 s2, $0x0;
	_ =	strace $0x90000047  }
0x92a: {  	s0 =	sadd.s32 @!p0 $0x100000, s1;
	[bflag:$0x2] =	sbarrier.arrive $0xFFFF  }
0x92b: {  	[sflag:s0] =	ssyncadd.tile.s32 @!p0 $0x1;
	_ =	shalt  }
.Lfunc_end2:
_tile_overlayer_lowered:
.L_overlay_start_2:
0x92c: {  	(tag) =	ssettag $0x2  }
0x92d: {  	s0 =	rddreg [dreg:$0x0];
	s2 =	stileid.u32  }
0x92e: {  	s1 =	rddreg [dreg:$0x1];
	p0 =	sne.s32 s2, $0x0  }
0x92f: {  	s3 =	rddreg [dreg:$0x2];
	[bflag:$0x3] =	sbarrier.arrive $0xFFFF;
	s2 =	simm.s32 @!p0 $0x1C05  }
0x930: {  	[timem:s3], [sflag:s2] =	dma.local @!p0 [hbm:s0], s1  }
0x931: {  	s0 =	simm.s32 @!p0 $0x5  }
0x932: {  	_ =	swait.ge @!p0 [sflag:s0], s1  }
0x933: {  	s1 =	ssub.s32 @!p0 $0x0, s1;
	[sflag:s0] =	ssyncset.done @!p0 $0x0  }
0x934: {  	[sflag:s0] =	ssyncadd.s32 @!p0 s1  }
0x935: {  	[bflag:$0x3] =	sbarrier.arrive $0xFFFF  }
0x936: {  	_ =	shalt  }

</sc_bundles>
